<compile_context>
chip_gen: v7x
topology: tpu7x:2x2x1
jax: 0.10.2.dev20260603
libtpu: 0.0.44.dev20260713+nightly
codegen_flags: <defaults>
</compile_context>

<pallas_src>
import functools

import jax
import jax.numpy as jnp
from jax import lax
from jax.experimental import pallas as pl
from jax.experimental.pallas import tpu as pltpu
from jax.experimental.pallas import tpu_sc as plsc

B = 16384
S = 64
D = 192
NPIECE = 13
TROWS = 2 * NPIECE * S
NC = 2
NS = 16
NW = NC * NS
BPW = B // NW
CB = 2
CR = CB * S
NCHUNK = BPW // CB
RPT = TROWS // NS
BBLK = 128
NBLK = BPW // BBLK
CPB = BBLK // CB


def _sc_body(board_hbm, piece_hbm, pos_hbm, side_hbm,
             x_hbm,
             tab_piece, tab_pos, tab_side, fused_c, fused_sh,
             board_v, idx_v, rows_v,
             sem_g0, sem_g1, sem_s0, sem_s1, sem_b):
    cid = lax.axis_index("c")
    sid = lax.axis_index("s")
    wid = sid * NC + cid

    pltpu.sync_copy(piece_hbm, tab_piece)
    pltpu.sync_copy(pos_hbm, tab_pos)
    pltpu.sync_copy(side_hbm, tab_side)

    def build_row(rl, carry):
        r = sid * RPT + rl
        v = r // S
        sq = r - v * S
        t = v // NPIECE
        p = v - t * NPIECE
        for j in range(D // 16):
            c = j * 16
            fused_c[rl, pl.ds(c, 16)] = (tab_piece[p, pl.ds(c, 16)]
                                         + tab_pos[sq, pl.ds(c, 16)]
                                         + tab_side[t, pl.ds(c, 16)])
        return carry

    lax.fori_loop(0, RPT, build_row, 0)
    pltpu.sync_copy(fused_c, fused_sh.at[pl.ds(sid * RPT, RPT)])
    plsc.subcore_barrier()

    sems_g = (sem_g0, sem_g1)
    sems_s = (sem_s0, sem_s1)
    out_base = wid * (BPW * S)
    lane_iota = lax.iota(jnp.int32, 16)

    def start_board(blk):
        pltpu.async_copy(
            board_hbm.at[pl.ds(wid * BPW + blk * BBLK, BBLK)],
            board_v.at[blk % 2], sem_b)

    def wait_board(blk):
        pltpu.make_async_copy(
            board_hbm.at[pl.ds(wid * BPW + blk * BBLK, BBLK)],
            board_v.at[blk % 2], sem_b).wait()

    def compute_idx(lc, bpar, par):
        for bl in range(CB):
            b = lc * CB + bl
            for q in range(S // 16):
                sq = q * 16
                bd = board_v[bpar, b, pl.ds(sq, 16)]
                idx_v[par, pl.ds(bl * S + sq, 16)] = bd * S + (lane_iota + sq)

    def start_gather(par):
        pltpu.async_copy(fused_sh.at[idx_v.at[par]], rows_v.at[par],
                         sems_g[par])

    def wait_gather(par):
        pltpu.make_async_copy(fused_sh.at[idx_v.at[par]], rows_v.at[par],
                              sems_g[par]).wait()

    def start_scatter(i, par):
        pltpu.async_copy(rows_v.at[par],
                         x_hbm.at[pl.ds(out_base + i * CR, CR)], sems_s[par])

    def wait_scatter(i, par):
        pltpu.make_async_copy(rows_v.at[par],
                              x_hbm.at[pl.ds(out_base + i * CR, CR)],
                              sems_s[par]).wait()

    start_board(0)
    wait_board(0)
    if NBLK > 1:
        start_board(1)

    for blk in range(NBLK):
        bpar = blk % 2
        i0 = blk * CPB
        if blk > 0:
            wait_board(blk)
            if blk + 1 < NBLK:
                start_board(blk + 1)
            compute_idx(0, bpar, 0)
            wait_scatter(i0 - 2, 0)
            start_gather(0)
        else:
            compute_idx(0, 0, 0)
            start_gather(0)

        def step(lc, par):
            i = i0 + lc
            nxt = 1 - par

            @pl.when(lc + 1 < CPB)
            def _advance():
                compute_idx(lc + 1, bpar, nxt)

                @pl.when(i >= 1)
                def _reclaim():
                    wait_scatter(i - 1, nxt)

                start_gather(nxt)

            wait_gather(par)
            start_scatter(i, par)

        def chunk2(g, carry):
            for par in range(2):
                step(g * 2 + par, par)
            return carry

        lax.fori_loop(0, CPB // 2, chunk2, 0)

    wait_scatter(NCHUNK - 2, 0)
    wait_scatter(NCHUNK - 1, 1)


@jax.jit
def _sc_call(board_adj, piece_embed, position_embed, side_embed):
    run = functools.partial(
        pl.kernel,
        mesh=plsc.VectorSubcoreMesh(core_axis_name="c", subcore_axis_name="s"),
        compiler_params=pltpu.CompilerParams(use_tc_tiling_on_sc=False),
        out_type=[
            jax.ShapeDtypeStruct((B * S, D), jnp.float32),
        ],
        scratch_types=[
            pltpu.VMEM((NPIECE, D), jnp.float32),
            pltpu.VMEM((S, D), jnp.float32),
            pltpu.VMEM((2, D), jnp.float32),
            pltpu.VMEM((RPT, D), jnp.float32),
            pltpu.VMEM_SHARED((TROWS, D), jnp.float32),
            pltpu.VMEM((2, BBLK, S), jnp.int32),
            pltpu.VMEM((2, CR), jnp.int32),
            pltpu.VMEM((2, CR, D), jnp.float32),
            pltpu.SemaphoreType.DMA,
            pltpu.SemaphoreType.DMA,
            pltpu.SemaphoreType.DMA,
            pltpu.SemaphoreType.DMA,
            pltpu.SemaphoreType.DMA,
        ],
    )(_sc_body)
    return run(board_adj, piece_embed, position_embed, side_embed)


def kernel(board, side_to_move, piece_embed, position_embed, side_embed):
    board_adj = (board.astype(jnp.int32)
                 + side_to_move.astype(jnp.int32)[:, None] * NPIECE)
    x_flat, = _sc_call(board_adj, piece_embed, position_embed, side_embed)
    return x_flat.reshape(B, S, D)

# --- scband reference (transcript-rebuilt; emitter-appended) ---
"""Pipeline reference for scband-square-embedding-87591563034846 (READ-ONLY COPY).

The authoritative reference and input builder live on the scoring server;
editing this copy changes nothing except your own understanding.
"""

import jax, jax.numpy as jnp
import numpy as np

B = 16384
N_EMBD = 192
N_PIECE_TYPES = 13
N_SQUARES = 64


def setup_inputs(seed: int = 0) -> dict:
    key = jax.random.key(seed)
    k1, k2, k3, k4, k5 = jax.random.split(key, 5)
    board = jax.random.randint(k1, (B, 64), 0, N_PIECE_TYPES, dtype=jnp.int64 if jax.config.read('jax_enable_x64') else jnp.int32)
    side_to_move = jax.random.randint(k2, (B,), 0, 2, dtype=jnp.int64 if jax.config.read('jax_enable_x64') else jnp.int32)
    piece_embed = jax.random.normal(k3, (N_PIECE_TYPES, N_EMBD), dtype=jnp.float32)
    position_embed = jax.random.normal(k4, (N_SQUARES, N_EMBD), dtype=jnp.float32)
    side_embed = jax.random.normal(k5, (2, N_EMBD), dtype=jnp.float32)
    return {
        'board': board,
        'side_to_move': side_to_move,
        'piece_embed': piece_embed,
        'position_embed': position_embed,
        'side_embed': side_embed,
    }


def reference(board, side_to_move, piece_embed, position_embed, side_embed):
    # piece embedding lookup: (B, 64) -> (B, 64, n_embd)
    piece_emb = jnp.take(piece_embed, board, axis=0)
    # position embedding for all 64 squares: (64, n_embd), broadcast over batch
    positions = jnp.arange(64)
    pos_emb = jnp.take(position_embed, positions, axis=0)
    # side-to-move embedding: (B, n_embd) -> (B, 1, n_embd)
    side_emb = jnp.take(side_embed, side_to_move, axis=0)
    side_emb = side_emb[:, None, :]
    x = piece_emb + pos_emb[None, :, :] + side_emb
    return x

if __name__ == "__main__":
    import jax
    _d = setup_inputs()
    print(jax.jit(kernel)(*tuple(_d.values())))

</pallas_src>

<mosaic_0001>
#map = affine_map<(d0, d1) -> (0, 0)>
module attributes {stable_mosaic.version = 14 : i64} {
  func.func @_sc_body(%arg0: i32, %arg1: i32, %arg2: memref<16384x64xi32, #tpu.memory_space<hbm>>, %arg3: memref<13x192xf32, #tpu.memory_space<hbm>>, %arg4: memref<64x192xf32, #tpu.memory_space<hbm>>, %arg5: memref<2x192xf32, #tpu.memory_space<hbm>>, %arg6: memref<1048576x192xf32, #tpu.memory_space<hbm>>, %arg7: memref<13x192xf32, #tpu.memory_space<vmem>>, %arg8: memref<64x192xf32, #tpu.memory_space<vmem>>, %arg9: memref<2x192xf32, #tpu.memory_space<vmem>>, %arg10: memref<104x192xf32, #tpu.memory_space<vmem>>, %arg11: memref<1664x192xf32, #tpu.memory_space<vmem_shared>>, %arg12: memref<2x128x64xi32, #tpu.memory_space<vmem>>, %arg13: memref<2x128xi32, #tpu.memory_space<vmem>>, %arg14: memref<2x128x192xf32, #tpu.memory_space<vmem>>, %arg15: memref<!tpu.dma_semaphore, #tpu.memory_space<semaphore_mem>>, %arg16: memref<!tpu.dma_semaphore, #tpu.memory_space<semaphore_mem>>, %arg17: memref<!tpu.dma_semaphore, #tpu.memory_space<semaphore_mem>>, %arg18: memref<!tpu.dma_semaphore, #tpu.memory_space<semaphore_mem>>, %arg19: memref<!tpu.dma_semaphore, #tpu.memory_space<semaphore_mem>>) attributes {dimension_semantics = [#tpu.dimension_semantics<core_parallel>, #tpu.dimension_semantics<subcore_parallel>], iteration_bounds = array<i64: 2, 16>, scalar_prefetch = 0 : i64, scratch_operands = 13 : i64, tpu.core_type = #tpu.core_type<sc_vector_subcore>, window_params = [{transform_indices = #map}, {transform_indices = #map}, {transform_indices = #map}, {transform_indices = #map}, {transform_indices = #map}]} {
    %mul3A = arith.constant 2 : i32
    %mul3A_0 = arith.muli %arg1, %mul3A : i32
    %add3A = arith.addi %mul3A_0, %arg0 : i32
    "tpu.region"() ({
      %run_scoped3A = tpu.sem_alloc : memref<!tpu.dma_semaphore, #tpu.memory_space<semaphore_mem>>
      tpu.enqueue_dma source(%arg3 : memref<13x192xf32, #tpu.memory_space<hbm>>) target(%arg7 : memref<13x192xf32, #tpu.memory_space<vmem>>) target_semaphore(%run_scoped3A : memref<!tpu.dma_semaphore, #tpu.memory_space<semaphore_mem>>)
      tpu.wait_dma2 semaphore(%run_scoped3A : memref<!tpu.dma_semaphore, #tpu.memory_space<semaphore_mem>>) src(%arg3 : memref<13x192xf32, #tpu.memory_space<hbm>>) dst(%arg7 : memref<13x192xf32, #tpu.memory_space<vmem>>)
      tpu.yield
    }) : () -> ()
    "tpu.region"() ({
      %run_scoped3A = tpu.sem_alloc : memref<!tpu.dma_semaphore, #tpu.memory_space<semaphore_mem>>
      tpu.enqueue_dma source(%arg4 : memref<64x192xf32, #tpu.memory_space<hbm>>) target(%arg8 : memref<64x192xf32, #tpu.memory_space<vmem>>) target_semaphore(%run_scoped3A : memref<!tpu.dma_semaphore, #tpu.memory_space<semaphore_mem>>)
      tpu.wait_dma2 semaphore(%run_scoped3A : memref<!tpu.dma_semaphore, #tpu.memory_space<semaphore_mem>>) src(%arg4 : memref<64x192xf32, #tpu.memory_space<hbm>>) dst(%arg8 : memref<64x192xf32, #tpu.memory_space<vmem>>)
      tpu.yield
    }) : () -> ()
    "tpu.region"() ({
      %run_scoped3A = tpu.sem_alloc : memref<!tpu.dma_semaphore, #tpu.memory_space<semaphore_mem>>
      tpu.enqueue_dma source(%arg5 : memref<2x192xf32, #tpu.memory_space<hbm>>) target(%arg9 : memref<2x192xf32, #tpu.memory_space<vmem>>) target_semaphore(%run_scoped3A : memref<!tpu.dma_semaphore, #tpu.memory_space<semaphore_mem>>)
      tpu.wait_dma2 semaphore(%run_scoped3A : memref<!tpu.dma_semaphore, #tpu.memory_space<semaphore_mem>>) src(%arg5 : memref<2x192xf32, #tpu.memory_space<hbm>>) dst(%arg9 : memref<2x192xf32, #tpu.memory_space<vmem>>)
      tpu.yield
    }) : () -> ()
    %scan3A = arith.constant 0 : i32
    %scan3A_1 = arith.constant 0 : i32
    %scan3A_2 = arith.constant 104 : i32
    %scan3A_3 = arith.addi %scan3A_1, %scan3A_2 : i32
    %scan3A_4 = arith.constant 1 : i32
    scf.for %scan3A_929 = %scan3A_1 to %scan3A_3 step %scan3A_4  : i32 {
      %mul3A_930 = arith.constant 104 : i32
      %mul3A_931 = arith.muli %arg1, %mul3A_930 : i32
      %add3A_932 = arith.addi %mul3A_931, %scan3A_929 : i32
      %jit3A = arith.constant 64 : i32
      %div3A = arith.divsi %add3A_932, %jit3A : i32
      %sign3A = arith.constant 0 : i32
      %sign3A_933 = arith.cmpi sgt, %add3A_932, %sign3A : i32
      %sign3A_934 = arith.extui %sign3A_933 : i1 to i32
      %sign3A_935 = arith.constant 0 : i32
      %sign3A_936 = arith.cmpi slt, %add3A_932, %sign3A_935 : i32
      %sign3A_937 = arith.extui %sign3A_936 : i1 to i32
      %sign3A_938 = arith.subi %sign3A_934, %sign3A_937 : i32
      %sign3A_939 = arith.constant 0 : i32
      %sign3A_940 = arith.cmpi sgt, %jit3A, %sign3A_939 : i32
      %sign3A_941 = arith.extui %sign3A_940 : i1 to i32
      %sign3A_942 = arith.constant 0 : i32
      %sign3A_943 = arith.cmpi slt, %jit3A, %sign3A_942 : i32
      %sign3A_944 = arith.extui %sign3A_943 : i1 to i32
      %sign3A_945 = arith.subi %sign3A_941, %sign3A_944 : i32
      %ne3A = arith.cmpi ne, %sign3A_938, %sign3A_945 : i32
      %rem3A = arith.remsi %add3A_932, %jit3A : i32
      %ne3A_946 = arith.constant 0 : i32
      %ne3A_947 = arith.cmpi ne, %rem3A, %ne3A_946 : i32
      %and3A = arith.andi %ne3A, %ne3A_947 : i1
      %sub3A = arith.constant 1 : i32
      %sub3A_948 = arith.subi %div3A, %sub3A : i32
      %select_n3A = arith.select %and3A, %sub3A_948, %div3A : i32
      %mul3A_949 = arith.constant 64 : i32
      %mul3A_950 = arith.muli %select_n3A, %mul3A_949 : i32
      %sub3A_951 = arith.subi %add3A_932, %mul3A_950 : i32
      %jit3A_952 = arith.constant 13 : i32
      %div3A_953 = arith.divsi %select_n3A, %jit3A_952 : i32
      %sign3A_954 = arith.constant 0 : i32
      %sign3A_955 = arith.cmpi sgt, %select_n3A, %sign3A_954 : i32
      %sign3A_956 = arith.extui %sign3A_955 : i1 to i32
      %sign3A_957 = arith.constant 0 : i32
      %sign3A_958 = arith.cmpi slt, %select_n3A, %sign3A_957 : i32
      %sign3A_959 = arith.extui %sign3A_958 : i1 to i32
      %sign3A_960 = arith.subi %sign3A_956, %sign3A_959 : i32
      %sign3A_961 = arith.constant 0 : i32
      %sign3A_962 = arith.cmpi sgt, %jit3A_952, %sign3A_961 : i32
      %sign3A_963 = arith.extui %sign3A_962 : i1 to i32
      %sign3A_964 = arith.constant 0 : i32
      %sign3A_965 = arith.cmpi slt, %jit3A_952, %sign3A_964 : i32
      %sign3A_966 = arith.extui %sign3A_965 : i1 to i32
      %sign3A_967 = arith.subi %sign3A_963, %sign3A_966 : i32
      %ne3A_968 = arith.cmpi ne, %sign3A_960, %sign3A_967 : i32
      %rem3A_969 = arith.remsi %select_n3A, %jit3A_952 : i32
      %ne3A_970 = arith.constant 0 : i32
      %ne3A_971 = arith.cmpi ne, %rem3A_969, %ne3A_970 : i32
      %and3A_972 = arith.andi %ne3A_968, %ne3A_971 : i1
      %sub3A_973 = arith.constant 1 : i32
      %sub3A_974 = arith.subi %div3A_953, %sub3A_973 : i32
      %select_n3A_975 = arith.select %and3A_972, %sub3A_974, %div3A_953 : i32
      %mul3A_976 = arith.constant 13 : i32
      %mul3A_977 = arith.muli %select_n3A_975, %mul3A_976 : i32
      %sub3A_978 = arith.subi %select_n3A, %mul3A_977 : i32
      %get3A_979 = arith.index_cast %sub3A_978 : i32 to index
      %get3A_980 = arith.constant 0 : index
      %get3A_981 = tpu.vector_load %arg7[%get3A_979, %get3A_980] {strides = array<i32>} : memref<13x192xf32, #tpu.memory_space<vmem>>, vector<1x16xf32>,
      %get3A_982 = vector.shape_cast %get3A_981 : vector<1x16xf32> to vector<16xf32>
      %get3A_983 = arith.index_cast %sub3A_951 : i32 to index
      %get3A_984 = arith.constant 0 : index
      %get3A_985 = tpu.vector_load %arg8[%get3A_983, %get3A_984] {strides = array<i32>} : memref<64x192xf32, #tpu.memory_space<vmem>>, vector<1x16xf32>,
      %get3A_986 = vector.shape_cast %get3A_985 : vector<1x16xf32> to vector<16xf32>
      %add3A_987 = arith.addf %get3A_982, %get3A_986 : vector<16xf32>
      %get3A_988 = arith.index_cast %select_n3A_975 : i32 to index
      %get3A_989 = arith.constant 0 : index
      %get3A_990 = tpu.vector_load %arg9[%get3A_988, %get3A_989] {strides = array<i32>} : memref<2x192xf32, #tpu.memory_space<vmem>>, vector<1x16xf32>,
      %get3A_991 = vector.shape_cast %get3A_990 : vector<1x16xf32> to vector<16xf32>
      %add3A_992 = arith.addf %add3A_987, %get3A_991 : vector<16xf32>
      %swap3A_993 = arith.index_cast %scan3A_929 : i32 to index
      %swap3A_994 = arith.constant 0 : index
      %swap3A_995 = tpu.vector_load %arg10[%swap3A_993, %swap3A_994] {strides = array<i32>} : memref<104x192xf32, #tpu.memory_space<vmem>>, vector<1x16xf32>,
      %swap3A_996 = vector.shape_cast %swap3A_995 : vector<1x16xf32> to vector<16xf32>
      %swap3A_997 = vector.shape_cast %add3A_992 : vector<16xf32> to vector<1x16xf32>
      tpu.vector_store %arg10[%swap3A_993, %swap3A_994], %swap3A_997 {strides = array<i32>} : memref<104x192xf32, #tpu.memory_space<vmem>>, vector<1x16xf32>,
      %get3A_998 = arith.index_cast %sub3A_978 : i32 to index
      %get3A_999 = arith.constant 16 : index
      %get3A_1000 = tpu.vector_load %arg7[%get3A_998, %get3A_999] {strides = array<i32>} : memref<13x192xf32, #tpu.memory_space<vmem>>, vector<1x16xf32>,
      %get3A_1001 = vector.shape_cast %get3A_1000 : vector<1x16xf32> to vector<16xf32>
      %get3A_1002 = arith.index_cast %sub3A_951 : i32 to index
      %get3A_1003 = arith.constant 16 : index
      %get3A_1004 = tpu.vector_load %arg8[%get3A_1002, %get3A_1003] {strides = array<i32>} : memref<64x192xf32, #tpu.memory_space<vmem>>, vector<1x16xf32>,
      %get3A_1005 = vector.shape_cast %get3A_1004 : vector<1x16xf32> to vector<16xf32>
      %add3A_1006 = arith.addf %get3A_1001, %get3A_1005 : vector<16xf32>
      %get3A_1007 = arith.index_cast %select_n3A_975 : i32 to index
      %get3A_1008 = arith.constant 16 : index
      %get3A_1009 = tpu.vector_load %arg9[%get3A_1007, %get3A_1008] {strides = array<i32>} : memref<2x192xf32, #tpu.memory_space<vmem>>, vector<1x16xf32>,
      %get3A_1010 = vector.shape_cast %get3A_1009 : vector<1x16xf32> to vector<16xf32>
      %add3A_1011 = arith.addf %add3A_1006, %get3A_1010 : vector<16xf32>
      %swap3A_1012 = arith.index_cast %scan3A_929 : i32 to index
      %swap3A_1013 = arith.constant 16 : index
      %swap3A_1014 = tpu.vector_load %arg10[%swap3A_1012, %swap3A_1013] {strides = array<i32>} : memref<104x192xf32, #tpu.memory_space<vmem>>, vector<1x16xf32>,
      %swap3A_1015 = vector.shape_cast %swap3A_1014 : vector<1x16xf32> to vector<16xf32>
      %swap3A_1016 = vector.shape_cast %add3A_1011 : vector<16xf32> to vector<1x16xf32>
      tpu.vector_store %arg10[%swap3A_1012, %swap3A_1013], %swap3A_1016 {strides = array<i32>} : memref<104x192xf32, #tpu.memory_space<vmem>>, vector<1x16xf32>,
      %get3A_1017 = arith.index_cast %sub3A_978 : i32 to index
      %get3A_1018 = arith.constant 32 : index
      %get3A_1019 = tpu.vector_load %arg7[%get3A_1017, %get3A_1018] {strides = array<i32>} : memref<13x192xf32, #tpu.memory_space<vmem>>, vector<1x16xf32>,
      %get3A_1020 = vector.shape_cast %get3A_1019 : vector<1x16xf32> to vector<16xf32>
      %get3A_1021 = arith.index_cast %sub3A_951 : i32 to index
      %get3A_1022 = arith.constant 32 : index
      %get3A_1023 = tpu.vector_load %arg8[%get3A_1021, %get3A_1022] {strides = array<i32>} : memref<64x192xf32, #tpu.memory_space<vmem>>, vector<1x16xf32>,
      %get3A_1024 = vector.shape_cast %get3A_1023 : vector<1x16xf32> to vector<16xf32>
      %add3A_1025 = arith.addf %get3A_1020, %get3A_1024 : vector<16xf32>
      %get3A_1026 = arith.index_cast %select_n3A_975 : i32 to index
      %get3A_1027 = arith.constant 32 : index
      %get3A_1028 = tpu.vector_load %arg9[%get3A_1026, %get3A_1027] {strides = array<i32>} : memref<2x192xf32, #tpu.memory_space<vmem>>, vector<1x16xf32>,
      %get3A_1029 = vector.shape_cast %get3A_1028 : vector<1x16xf32> to vector<16xf32>
      %add3A_1030 = arith.addf %add3A_1025, %get3A_1029 : vector<16xf32>
      %swap3A_1031 = arith.index_cast %scan3A_929 : i32 to index
      %swap3A_1032 = arith.constant 32 : index
      %swap3A_1033 = tpu.vector_load %arg10[%swap3A_1031, %swap3A_1032] {strides = array<i32>} : memref<104x192xf32, #tpu.memory_space<vmem>>, vector<1x16xf32>,
      %swap3A_1034 = vector.shape_cast %swap3A_1033 : vector<1x16xf32> to vector<16xf32>
      %swap3A_1035 = vector.shape_cast %add3A_1030 : vector<16xf32> to vector<1x16xf32>
      tpu.vector_store %arg10[%swap3A_1031, %swap3A_1032], %swap3A_1035 {strides = array<i32>} : memref<104x192xf32, #tpu.memory_space<vmem>>, vector<1x16xf32>,
      %get3A_1036 = arith.index_cast %sub3A_978 : i32 to index
      %get3A_1037 = arith.constant 48 : index
      %get3A_1038 = tpu.vector_load %arg7[%get3A_1036, %get3A_1037] {strides = array<i32>} : memref<13x192xf32, #tpu.memory_space<vmem>>, vector<1x16xf32>,
      %get3A_1039 = vector.shape_cast %get3A_1038 : vector<1x16xf32> to vector<16xf32>
      %get3A_1040 = arith.index_cast %sub3A_951 : i32 to index
      %get3A_1041 = arith.constant 48 : index
      %get3A_1042 = tpu.vector_load %arg8[%get3A_1040, %get3A_1041] {strides = array<i32>} : memref<64x192xf32, #tpu.memory_space<vmem>>, vector<1x16xf32>,
      %get3A_1043 = vector.shape_cast %get3A_1042 : vector<1x16xf32> to vector<16xf32>
      %add3A_1044 = arith.addf %get3A_1039, %get3A_1043 : vector<16xf32>
      %get3A_1045 = arith.index_cast %select_n3A_975 : i32 to index
      %get3A_1046 = arith.constant 48 : index
      %get3A_1047 = tpu.vector_load %arg9[%get3A_1045, %get3A_1046] {strides = array<i32>} : memref<2x192xf32, #tpu.memory_space<vmem>>, vector<1x16xf32>,
      %get3A_1048 = vector.shape_cast %get3A_1047 : vector<1x16xf32> to vector<16xf32>
      %add3A_1049 = arith.addf %add3A_1044, %get3A_1048 : vector<16xf32>
      %swap3A_1050 = arith.index_cast %scan3A_929 : i32 to index
      %swap3A_1051 = arith.constant 48 : index
      %swap3A_1052 = tpu.vector_load %arg10[%swap3A_1050, %swap3A_1051] {strides = array<i32>} : memref<104x192xf32, #tpu.memory_space<vmem>>, vector<1x16xf32>,
      %swap3A_1053 = vector.shape_cast %swap3A_1052 : vector<1x16xf32> to vector<16xf32>
      %swap3A_1054 = vector.shape_cast %add3A_1049 : vector<16xf32> to vector<1x16xf32>
      tpu.vector_store %arg10[%swap3A_1050, %swap3A_1051], %swap3A_1054 {strides = array<i32>} : memref<104x192xf32, #tpu.memory_space<vmem>>, vector<1x16xf32>,
      %get3A_1055 = arith.index_cast %sub3A_978 : i32 to index
      %get3A_1056 = arith.constant 64 : index
      %get3A_1057 = tpu.vector_load %arg7[%get3A_1055, %get3A_1056] {strides = array<i32>} : memref<13x192xf32, #tpu.memory_space<vmem>>, vector<1x16xf32>,
      %get3A_1058 = vector.shape_cast %get3A_1057 : vector<1x16xf32> to vector<16xf32>
      %get3A_1059 = arith.index_cast %sub3A_951 : i32 to index
      %get3A_1060 = arith.constant 64 : index
      %get3A_1061 = tpu.vector_load %arg8[%get3A_1059, %get3A_1060] {strides = array<i32>} : memref<64x192xf32, #tpu.memory_space<vmem>>, vector<1x16xf32>,
      %get3A_1062 = vector.shape_cast %get3A_1061 : vector<1x16xf32> to vector<16xf32>
      %add3A_1063 = arith.addf %get3A_1058, %get3A_1062 : vector<16xf32>
      %get3A_1064 = arith.index_cast %select_n3A_975 : i32 to index
      %get3A_1065 = arith.constant 64 : index
      %get3A_1066 = tpu.vector_load %arg9[%get3A_1064, %get3A_1065] {strides = array<i32>} : memref<2x192xf32, #tpu.memory_space<vmem>>, vector<1x16xf32>,
      %get3A_1067 = vector.shape_cast %get3A_1066 : vector<1x16xf32> to vector<16xf32>
      %add3A_1068 = arith.addf %add3A_1063, %get3A_1067 : vector<16xf32>
      %swap3A_1069 = arith.index_cast %scan3A_929 : i32 to index
      %swap3A_1070 = arith.constant 64 : index
      %swap3A_1071 = tpu.vector_load %arg10[%swap3A_1069, %swap3A_1070] {strides = array<i32>} : memref<104x192xf32, #tpu.memory_space<vmem>>, vector<1x16xf32>,
      %swap3A_1072 = vector.shape_cast %swap3A_1071 : vector<1x16xf32> to vector<16xf32>
      %swap3A_1073 = vector.shape_cast %add3A_1068 : vector<16xf32> to vector<1x16xf32>
      tpu.vector_store %arg10[%swap3A_1069, %swap3A_1070], %swap3A_1073 {strides = array<i32>} : memref<104x192xf32, #tpu.memory_space<vmem>>, vector<1x16xf32>,
      %get3A_1074 = arith.index_cast %sub3A_978 : i32 to index
      %get3A_1075 = arith.constant 80 : index
      %get3A_1076 = tpu.vector_load %arg7[%get3A_1074, %get3A_1075] {strides = array<i32>} : memref<13x192xf32, #tpu.memory_space<vmem>>, vector<1x16xf32>,
      %get3A_1077 = vector.shape_cast %get3A_1076 : vector<1x16xf32> to vector<16xf32>
      %get3A_1078 = arith.index_cast %sub3A_951 : i32 to index
      %get3A_1079 = arith.constant 80 : index
      %get3A_1080 = tpu.vector_load %arg8[%get3A_1078, %get3A_1079] {strides = array<i32>} : memref<64x192xf32, #tpu.memory_space<vmem>>, vector<1x16xf32>,
      %get3A_1081 = vector.shape_cast %get3A_1080 : vector<1x16xf32> to vector<16xf32>
      %add3A_1082 = arith.addf %get3A_1077, %get3A_1081 : vector<16xf32>
      %get3A_1083 = arith.index_cast %select_n3A_975 : i32 to index
      %get3A_1084 = arith.constant 80 : index
      %get3A_1085 = tpu.vector_load %arg9[%get3A_1083, %get3A_1084] {strides = array<i32>} : memref<2x192xf32, #tpu.memory_space<vmem>>, vector<1x16xf32>,
      %get3A_1086 = vector.shape_cast %get3A_1085 : vector<1x16xf32> to vector<16xf32>
      %add3A_1087 = arith.addf %add3A_1082, %get3A_1086 : vector<16xf32>
      %swap3A_1088 = arith.index_cast %scan3A_929 : i32 to index
      %swap3A_1089 = arith.constant 80 : index
      %swap3A_1090 = tpu.vector_load %arg10[%swap3A_1088, %swap3A_1089] {strides = array<i32>} : memref<104x192xf32, #tpu.memory_space<vmem>>, vector<1x16xf32>,
      %swap3A_1091 = vector.shape_cast %swap3A_1090 : vector<1x16xf32> to vector<16xf32>
      %swap3A_1092 = vector.shape_cast %add3A_1087 : vector<16xf32> to vector<1x16xf32>
      tpu.vector_store %arg10[%swap3A_1088, %swap3A_1089], %swap3A_1092 {strides = array<i32>} : memref<104x192xf32, #tpu.memory_space<vmem>>, vector<1x16xf32>,
      %get3A_1093 = arith.index_cast %sub3A_978 : i32 to index
      %get3A_1094 = arith.constant 96 : index
      %get3A_1095 = tpu.vector_load %arg7[%get3A_1093, %get3A_1094] {strides = array<i32>} : memref<13x192xf32, #tpu.memory_space<vmem>>, vector<1x16xf32>,
      %get3A_1096 = vector.shape_cast %get3A_1095 : vector<1x16xf32> to vector<16xf32>
      %get3A_1097 = arith.index_cast %sub3A_951 : i32 to index
      %get3A_1098 = arith.constant 96 : index
      %get3A_1099 = tpu.vector_load %arg8[%get3A_1097, %get3A_1098] {strides = array<i32>} : memref<64x192xf32, #tpu.memory_space<vmem>>, vector<1x16xf32>,
      %get3A_1100 = vector.shape_cast %get3A_1099 : vector<1x16xf32> to vector<16xf32>
      %add3A_1101 = arith.addf %get3A_1096, %get3A_1100 : vector<16xf32>
      %get3A_1102 = arith.index_cast %select_n3A_975 : i32 to index
      %get3A_1103 = arith.constant 96 : index
      %get3A_1104 = tpu.vector_load %arg9[%get3A_1102, %get3A_1103] {strides = array<i32>} : memref<2x192xf32, #tpu.memory_space<vmem>>, vector<1x16xf32>,
      %get3A_1105 = vector.shape_cast %get3A_1104 : vector<1x16xf32> to vector<16xf32>
      %add3A_1106 = arith.addf %add3A_1101, %get3A_1105 : vector<16xf32>
      %swap3A_1107 = arith.index_cast %scan3A_929 : i32 to index
      %swap3A_1108 = arith.constant 96 : index
      %swap3A_1109 = tpu.vector_load %arg10[%swap3A_1107, %swap3A_1108] {strides = array<i32>} : memref<104x192xf32, #tpu.memory_space<vmem>>, vector<1x16xf32>,
      %swap3A_1110 = vector.shape_cast %swap3A_1109 : vector<1x16xf32> to vector<16xf32>
      %swap3A_1111 = vector.shape_cast %add3A_1106 : vector<16xf32> to vector<1x16xf32>
      tpu.vector_store %arg10[%swap3A_1107, %swap3A_1108], %swap3A_1111 {strides = array<i32>} : memref<104x192xf32, #tpu.memory_space<vmem>>, vector<1x16xf32>,
      %get3A_1112 = arith.index_cast %sub3A_978 : i32 to index
      %get3A_1113 = arith.constant 112 : index
      %get3A_1114 = tpu.vector_load %arg7[%get3A_1112, %get3A_1113] {strides = array<i32>} : memref<13x192xf32, #tpu.memory_space<vmem>>, vector<1x16xf32>,
      %get3A_1115 = vector.shape_cast %get3A_1114 : vector<1x16xf32> to vector<16xf32>
      %get3A_1116 = arith.index_cast %sub3A_951 : i32 to index
      %get3A_1117 = arith.constant 112 : index
      %get3A_1118 = tpu.vector_load %arg8[%get3A_1116, %get3A_1117] {strides = array<i32>} : memref<64x192xf32, #tpu.memory_space<vmem>>, vector<1x16xf32>,
      %get3A_1119 = vector.shape_cast %get3A_1118 : vector<1x16xf32> to vector<16xf32>
      %add3A_1120 = arith.addf %get3A_1115, %get3A_1119 : vector<16xf32>
      %get3A_1121 = arith.index_cast %select_n3A_975 : i32 to index
      %get3A_1122 = arith.constant 112 : index
      %get3A_1123 = tpu.vector_load %arg9[%get3A_1121, %get3A_1122] {strides = array<i32>} : memref<2x192xf32, #tpu.memory_space<vmem>>, vector<1x16xf32>,
      %get3A_1124 = vector.shape_cast %get3A_1123 : vector<1x16xf32> to vector<16xf32>
      %add3A_1125 = arith.addf %add3A_1120, %get3A_1124 : vector<16xf32>
      %swap3A_1126 = arith.index_cast %scan3A_929 : i32 to index
      %swap3A_1127 = arith.constant 112 : index
      %swap3A_1128 = tpu.vector_load %arg10[%swap3A_1126, %swap3A_1127] {strides = array<i32>} : memref<104x192xf32, #tpu.memory_space<vmem>>, vector<1x16xf32>,
      %swap3A_1129 = vector.shape_cast %swap3A_1128 : vector<1x16xf32> to vector<16xf32>
      %swap3A_1130 = vector.shape_cast %add3A_1125 : vector<16xf32> to vector<1x16xf32>
      tpu.vector_store %arg10[%swap3A_1126, %swap3A_1127], %swap3A_1130 {strides = array<i32>} : memref<104x192xf32, #tpu.memory_space<vmem>>, vector<1x16xf32>,
      %get3A_1131 = arith.index_cast %sub3A_978 : i32 to index
      %get3A_1132 = arith.constant 128 : index
      %get3A_1133 = tpu.vector_load %arg7[%get3A_1131, %get3A_1132] {strides = array<i32>} : memref<13x192xf32, #tpu.memory_space<vmem>>, vector<1x16xf32>,
      %get3A_1134 = vector.shape_cast %get3A_1133 : vector<1x16xf32> to vector<16xf32>
      %get3A_1135 = arith.index_cast %sub3A_951 : i32 to index
      %get3A_1136 = arith.constant 128 : index
      %get3A_1137 = tpu.vector_load %arg8[%get3A_1135, %get3A_1136] {strides = array<i32>} : memref<64x192xf32, #tpu.memory_space<vmem>>, vector<1x16xf32>,
      %get3A_1138 = vector.shape_cast %get3A_1137 : vector<1x16xf32> to vector<16xf32>
      %add3A_1139 = arith.addf %get3A_1134, %get3A_1138 : vector<16xf32>
      %get3A_1140 = arith.index_cast %select_n3A_975 : i32 to index
      %get3A_1141 = arith.constant 128 : index
      %get3A_1142 = tpu.vector_load %arg9[%get3A_1140, %get3A_1141] {strides = array<i32>} : memref<2x192xf32, #tpu.memory_space<vmem>>, vector<1x16xf32>,
      %get3A_1143 = vector.shape_cast %get3A_1142 : vector<1x16xf32> to vector<16xf32>
      %add3A_1144 = arith.addf %add3A_1139, %get3A_1143 : vector<16xf32>
      %swap3A_1145 = arith.index_cast %scan3A_929 : i32 to index
      %swap3A_1146 = arith.constant 128 : index
      %swap3A_1147 = tpu.vector_load %arg10[%swap3A_1145, %swap3A_1146] {strides = array<i32>} : memref<104x192xf32, #tpu.memory_space<vmem>>, vector<1x16xf32>,
      %swap3A_1148 = vector.shape_cast %swap3A_1147 : vector<1x16xf32> to vector<16xf32>
      %swap3A_1149 = vector.shape_cast %add3A_1144 : vector<16xf32> to vector<1x16xf32>
      tpu.vector_store %arg10[%swap3A_1145, %swap3A_1146], %swap3A_1149 {strides = array<i32>} : memref<104x192xf32, #tpu.memory_space<vmem>>, vector<1x16xf32>,
      %get3A_1150 = arith.index_cast %sub3A_978 : i32 to index
      %get3A_1151 = arith.constant 144 : index
      %get3A_1152 = tpu.vector_load %arg7[%get3A_1150, %get3A_1151] {strides = array<i32>} : memref<13x192xf32, #tpu.memory_space<vmem>>, vector<1x16xf32>,
      %get3A_1153 = vector.shape_cast %get3A_1152 : vector<1x16xf32> to vector<16xf32>
      %get3A_1154 = arith.index_cast %sub3A_951 : i32 to index
      %get3A_1155 = arith.constant 144 : index
      %get3A_1156 = tpu.vector_load %arg8[%get3A_1154, %get3A_1155] {strides = array<i32>} : memref<64x192xf32, #tpu.memory_space<vmem>>, vector<1x16xf32>,
      %get3A_1157 = vector.shape_cast %get3A_1156 : vector<1x16xf32> to vector<16xf32>
      %add3A_1158 = arith.addf %get3A_1153, %get3A_1157 : vector<16xf32>
      %get3A_1159 = arith.index_cast %select_n3A_975 : i32 to index
      %get3A_1160 = arith.constant 144 : index
      %get3A_1161 = tpu.vector_load %arg9[%get3A_1159, %get3A_1160] {strides = array<i32>} : memref<2x192xf32, #tpu.memory_space<vmem>>, vector<1x16xf32>,
      %get3A_1162 = vector.shape_cast %get3A_1161 : vector<1x16xf32> to vector<16xf32>
      %add3A_1163 = arith.addf %add3A_1158, %get3A_1162 : vector<16xf32>
      %swap3A_1164 = arith.index_cast %scan3A_929 : i32 to index
      %swap3A_1165 = arith.constant 144 : index
      %swap3A_1166 = tpu.vector_load %arg10[%swap3A_1164, %swap3A_1165] {strides = array<i32>} : memref<104x192xf32, #tpu.memory_space<vmem>>, vector<1x16xf32>,
      %swap3A_1167 = vector.shape_cast %swap3A_1166 : vector<1x16xf32> to vector<16xf32>
      %swap3A_1168 = vector.shape_cast %add3A_1163 : vector<16xf32> to vector<1x16xf32>
      tpu.vector_store %arg10[%swap3A_1164, %swap3A_1165], %swap3A_1168 {strides = array<i32>} : memref<104x192xf32, #tpu.memory_space<vmem>>, vector<1x16xf32>,
      %get3A_1169 = arith.index_cast %sub3A_978 : i32 to index
      %get3A_1170 = arith.constant 160 : index
      %get3A_1171 = tpu.vector_load %arg7[%get3A_1169, %get3A_1170] {strides = array<i32>} : memref<13x192xf32, #tpu.memory_space<vmem>>, vector<1x16xf32>,
      %get3A_1172 = vector.shape_cast %get3A_1171 : vector<1x16xf32> to vector<16xf32>
      %get3A_1173 = arith.index_cast %sub3A_951 : i32 to index
      %get3A_1174 = arith.constant 160 : index
      %get3A_1175 = tpu.vector_load %arg8[%get3A_1173, %get3A_1174] {strides = array<i32>} : memref<64x192xf32, #tpu.memory_space<vmem>>, vector<1x16xf32>,
      %get3A_1176 = vector.shape_cast %get3A_1175 : vector<1x16xf32> to vector<16xf32>
      %add3A_1177 = arith.addf %get3A_1172, %get3A_1176 : vector<16xf32>
      %get3A_1178 = arith.index_cast %select_n3A_975 : i32 to index
      %get3A_1179 = arith.constant 160 : index
      %get3A_1180 = tpu.vector_load %arg9[%get3A_1178, %get3A_1179] {strides = array<i32>} : memref<2x192xf32, #tpu.memory_space<vmem>>, vector<1x16xf32>,
      %get3A_1181 = vector.shape_cast %get3A_1180 : vector<1x16xf32> to vector<16xf32>
      %add3A_1182 = arith.addf %add3A_1177, %get3A_1181 : vector<16xf32>
      %swap3A_1183 = arith.index_cast %scan3A_929 : i32 to index
      %swap3A_1184 = arith.constant 160 : index
      %swap3A_1185 = tpu.vector_load %arg10[%swap3A_1183, %swap3A_1184] {strides = array<i32>} : memref<104x192xf32, #tpu.memory_space<vmem>>, vector<1x16xf32>,
      %swap3A_1186 = vector.shape_cast %swap3A_1185 : vector<1x16xf32> to vector<16xf32>
      %swap3A_1187 = vector.shape_cast %add3A_1182 : vector<16xf32> to vector<1x16xf32>
      tpu.vector_store %arg10[%swap3A_1183, %swap3A_1184], %swap3A_1187 {strides = array<i32>} : memref<104x192xf32, #tpu.memory_space<vmem>>, vector<1x16xf32>,
      %get3A_1188 = arith.index_cast %sub3A_978 : i32 to index
      %get3A_1189 = arith.constant 176 : index
      %get3A_1190 = tpu.vector_load %arg7[%get3A_1188, %get3A_1189] {strides = array<i32>} : memref<13x192xf32, #tpu.memory_space<vmem>>, vector<1x16xf32>,
      %get3A_1191 = vector.shape_cast %get3A_1190 : vector<1x16xf32> to vector<16xf32>
      %get3A_1192 = arith.index_cast %sub3A_951 : i32 to index
      %get3A_1193 = arith.constant 176 : index
      %get3A_1194 = tpu.vector_load %arg8[%get3A_1192, %get3A_1193] {strides = array<i32>} : memref<64x192xf32, #tpu.memory_space<vmem>>, vector<1x16xf32>,
      %get3A_1195 = vector.shape_cast %get3A_1194 : vector<1x16xf32> to vector<16xf32>
      %add3A_1196 = arith.addf %get3A_1191, %get3A_1195 : vector<16xf32>
      %get3A_1197 = arith.index_cast %select_n3A_975 : i32 to index
      %get3A_1198 = arith.constant 176 : index
      %get3A_1199 = tpu.vector_load %arg9[%get3A_1197, %get3A_1198] {strides = array<i32>} : memref<2x192xf32, #tpu.memory_space<vmem>>, vector<1x16xf32>,
      %get3A_1200 = vector.shape_cast %get3A_1199 : vector<1x16xf32> to vector<16xf32>
      %add3A_1201 = arith.addf %add3A_1196, %get3A_1200 : vector<16xf32>
      %swap3A_1202 = arith.index_cast %scan3A_929 : i32 to index
      %swap3A_1203 = arith.constant 176 : index
      %swap3A_1204 = tpu.vector_load %arg10[%swap3A_1202, %swap3A_1203] {strides = array<i32>} : memref<104x192xf32, #tpu.memory_space<vmem>>, vector<1x16xf32>,
      %swap3A_1205 = vector.shape_cast %swap3A_1204 : vector<1x16xf32> to vector<16xf32>
      %swap3A_1206 = vector.shape_cast %add3A_1201 : vector<16xf32> to vector<1x16xf32>
      tpu.vector_store %arg10[%swap3A_1202, %swap3A_1203], %swap3A_1206 {strides = array<i32>} : memref<104x192xf32, #tpu.memory_space<vmem>>, vector<1x16xf32>,
    }
    %scan3A_5 = arith.constant 104 : i32
    %mul3A_6 = arith.constant 104 : i32
    %mul3A_7 = arith.muli %arg1, %mul3A_6 : i32
    "tpu.region"() ({
      %run_scoped3A = tpu.sem_alloc : memref<!tpu.dma_semaphore, #tpu.memory_space<semaphore_mem>>
      %dma_start3A_929 = arith.constant 0 : i32
      %dma_start3A_930 = tpu.memref_slice %arg11[%mul3A_7, %dma_start3A_929] : memref<1664x192xf32, #tpu.memory_space<vmem_shared>> -> memref<104x192xf32, #tpu.memory_space<vmem_shared>>
      %dma_start3A_931 = arith.constant 0 : i32
      %dma_start3A_932 = tpu.memref_slice %arg11[%mul3A_7, %dma_start3A_931] : memref<1664x192xf32, #tpu.memory_space<vmem_shared>> -> memref<104x192xf32, #tpu.memory_space<vmem_shared>>
      tpu.enqueue_dma source(%arg10 : memref<104x192xf32, #tpu.memory_space<vmem>>) target(%dma_start3A_932 : memref<104x192xf32, #tpu.memory_space<vmem_shared>>) target_semaphore(%run_scoped3A : memref<!tpu.dma_semaphore, #tpu.memory_space<semaphore_mem>>)
      %dma_wait3A_933 = arith.constant 0 : i32
      %dma_wait3A_934 = tpu.memref_slice %arg11[%mul3A_7, %dma_wait3A_933] : memref<1664x192xf32, #tpu.memory_space<vmem_shared>> -> memref<104x192xf32, #tpu.memory_space<vmem_shared>>
      %dma_wait3A_935 = arith.constant 0 : i32
      %dma_wait3A_936 = tpu.memref_slice %arg11[%mul3A_7, %dma_wait3A_935] : memref<1664x192xf32, #tpu.memory_space<vmem_shared>> -> memref<104x192xf32, #tpu.memory_space<vmem_shared>>
      tpu.wait_dma2 semaphore(%run_scoped3A : memref<!tpu.dma_semaphore, #tpu.memory_space<semaphore_mem>>) src(%arg10 : memref<104x192xf32, #tpu.memory_space<vmem>>) dst(%dma_wait3A_936 : memref<104x192xf32, #tpu.memory_space<vmem_shared>>)
      tpu.yield
    }) : () -> ()
    %barrier3A = arith.constant 0 : index
    tpu.barrier barrier_id(%barrier3A)
    %mul3A_8 = arith.constant 32768 : i32
    %mul3A_9 = arith.muli %add3A, %mul3A_8 : i32
    %iota3A = tpu.iota {dimensions = array<i32: 0>} : vector<16xi32>
    %mul3A_10 = arith.constant 512 : i32
    %mul3A_11 = arith.muli %add3A, %mul3A_10 : i32
    %add3A_12 = arith.constant 0 : i32
    %add3A_13 = arith.addi %mul3A_11, %add3A_12 : i32
    %dma_start3A = arith.constant 0 : i32
    %dma_start3A_14 = arith.constant 0 : i32
    %dma_start3A_15 = arith.constant 0 : i32
    %dma_start3A_16 = tpu.memref_slice %arg12[%dma_start3A, %dma_start3A_14, %dma_start3A_15] : memref<2x128x64xi32, #tpu.memory_space<vmem>> -> memref<1x128x64xi32, #tpu.memory_space<vmem>>
    %dma_start3A_17 = tpu.memref_squeeze %dma_start3A_16 : memref<1x128x64xi32, #tpu.memory_space<vmem>> -> memref<128x64xi32, #tpu.memory_space<vmem>>
    %dma_start3A_18 = arith.constant 0 : i32
    %dma_start3A_19 = tpu.memref_slice %arg2[%add3A_13, %dma_start3A_18] : memref<16384x64xi32, #tpu.memory_space<hbm>> -> memref<128x64xi32, #tpu.memory_space<hbm>>
    %dma_start3A_20 = arith.constant 0 : i32
    %dma_start3A_21 = arith.constant 0 : i32
    %dma_start3A_22 = tpu.memref_slice %arg12[%dma_start3A, %dma_start3A_20, %dma_start3A_21] : memref<2x128x64xi32, #tpu.memory_space<vmem>> -> memref<1x128x64xi32, #tpu.memory_space<vmem>>
    %dma_start3A_23 = tpu.memref_squeeze %dma_start3A_22 : memref<1x128x64xi32, #tpu.memory_space<vmem>> -> memref<128x64xi32, #tpu.memory_space<vmem>>
    %dma_start3A_24 = arith.constant 0 : i32
    %dma_start3A_25 = tpu.memref_slice %arg2[%add3A_13, %dma_start3A_24] : memref<16384x64xi32, #tpu.memory_space<hbm>> -> memref<128x64xi32, #tpu.memory_space<hbm>>
    tpu.enqueue_dma source(%dma_start3A_25 : memref<128x64xi32, #tpu.memory_space<hbm>>) target(%dma_start3A_23 : memref<128x64xi32, #tpu.memory_space<vmem>>) target_semaphore(%arg19 : memref<!tpu.dma_semaphore, #tpu.memory_space<semaphore_mem>>)
    %mul3A_26 = arith.constant 512 : i32
    %mul3A_27 = arith.muli %add3A, %mul3A_26 : i32
    %add3A_28 = arith.constant 0 : i32
    %add3A_29 = arith.addi %mul3A_27, %add3A_28 : i32
    %dma_wait3A = arith.constant 0 : i32
    %dma_wait3A_30 = arith.constant 0 : i32
    %dma_wait3A_31 = arith.constant 0 : i32
    %dma_wait3A_32 = tpu.memref_slice %arg12[%dma_wait3A, %dma_wait3A_30, %dma_wait3A_31] : memref<2x128x64xi32, #tpu.memory_space<vmem>> -> memref<1x128x64xi32, #tpu.memory_space<vmem>>
    %dma_wait3A_33 = tpu.memref_squeeze %dma_wait3A_32 : memref<1x128x64xi32, #tpu.memory_space<vmem>> -> memref<128x64xi32, #tpu.memory_space<vmem>>
    %dma_wait3A_34 = arith.constant 0 : i32
    %dma_wait3A_35 = tpu.memref_slice %arg2[%add3A_29, %dma_wait3A_34] : memref<16384x64xi32, #tpu.memory_space<hbm>> -> memref<128x64xi32, #tpu.memory_space<hbm>>
    %dma_wait3A_36 = arith.constant 0 : i32
    %dma_wait3A_37 = arith.constant 0 : i32
    %dma_wait3A_38 = tpu.memref_slice %arg12[%dma_wait3A, %dma_wait3A_36, %dma_wait3A_37] : memref<2x128x64xi32, #tpu.memory_space<vmem>> -> memref<1x128x64xi32, #tpu.memory_space<vmem>>
    %dma_wait3A_39 = tpu.memref_squeeze %dma_wait3A_38 : memref<1x128x64xi32, #tpu.memory_space<vmem>> -> memref<128x64xi32, #tpu.memory_space<vmem>>
    %dma_wait3A_40 = arith.constant 0 : i32
    %dma_wait3A_41 = tpu.memref_slice %arg2[%add3A_29, %dma_wait3A_40] : memref<16384x64xi32, #tpu.memory_space<hbm>> -> memref<128x64xi32, #tpu.memory_space<hbm>>
    tpu.wait_dma2 semaphore(%arg19 : memref<!tpu.dma_semaphore, #tpu.memory_space<semaphore_mem>>) src(%dma_wait3A_41 : memref<128x64xi32, #tpu.memory_space<hbm>>) dst(%dma_wait3A_39 : memref<128x64xi32, #tpu.memory_space<vmem>>)
    %mul3A_42 = arith.constant 512 : i32
    %mul3A_43 = arith.muli %add3A, %mul3A_42 : i32
    %add3A_44 = arith.constant 128 : i32
    %add3A_45 = arith.addi %mul3A_43, %add3A_44 : i32
    %dma_start3A_46 = arith.constant 1 : i32
    %dma_start3A_47 = arith.constant 0 : i32
    %dma_start3A_48 = arith.constant 0 : i32
    %dma_start3A_49 = tpu.memref_slice %arg12[%dma_start3A_46, %dma_start3A_47, %dma_start3A_48] : memref<2x128x64xi32, #tpu.memory_space<vmem>> -> memref<1x128x64xi32, #tpu.memory_space<vmem>>
    %dma_start3A_50 = tpu.memref_squeeze %dma_start3A_49 : memref<1x128x64xi32, #tpu.memory_space<vmem>> -> memref<128x64xi32, #tpu.memory_space<vmem>>
    %dma_start3A_51 = arith.constant 0 : i32
    %dma_start3A_52 = tpu.memref_slice %arg2[%add3A_45, %dma_start3A_51] : memref<16384x64xi32, #tpu.memory_space<hbm>> -> memref<128x64xi32, #tpu.memory_space<hbm>>
    %dma_start3A_53 = arith.constant 0 : i32
    %dma_start3A_54 = arith.constant 0 : i32
    %dma_start3A_55 = tpu.memref_slice %arg12[%dma_start3A_46, %dma_start3A_53, %dma_start3A_54] : memref<2x128x64xi32, #tpu.memory_space<vmem>> -> memref<1x128x64xi32, #tpu.memory_space<vmem>>
    %dma_start3A_56 = tpu.memref_squeeze %dma_start3A_55 : memref<1x128x64xi32, #tpu.memory_space<vmem>> -> memref<128x64xi32, #tpu.memory_space<vmem>>
    %dma_start3A_57 = arith.constant 0 : i32
    %dma_start3A_58 = tpu.memref_slice %arg2[%add3A_45, %dma_start3A_57] : memref<16384x64xi32, #tpu.memory_space<hbm>> -> memref<128x64xi32, #tpu.memory_space<hbm>>
    tpu.enqueue_dma source(%dma_start3A_58 : memref<128x64xi32, #tpu.memory_space<hbm>>) target(%dma_start3A_56 : memref<128x64xi32, #tpu.memory_space<vmem>>) target_semaphore(%arg19 : memref<!tpu.dma_semaphore, #tpu.memory_space<semaphore_mem>>)
    %get3A = arith.constant 0 : i32
    %get3A_59 = arith.constant 0 : i32
    %get3A_60 = arith.index_cast %get3A : i32 to index
    %get3A_61 = arith.index_cast %get3A_59 : i32 to index
    %get3A_62 = arith.constant 0 : index
    %get3A_63 = tpu.vector_load %arg12[%get3A_60, %get3A_61, %get3A_62] {strides = array<i32>} : memref<2x128x64xi32, #tpu.memory_space<vmem>>, vector<1x1x16xi32>,
    %get3A_64 = vector.shape_cast %get3A_63 : vector<1x1x16xi32> to vector<16xi32>
    %mul3A_65 = arith.constant 64 : i32
    %mul3A_66 = vector.broadcast %mul3A_65 : i32 to vector<16xi32>
    %mul3A_67 = arith.muli %get3A_64, %mul3A_66 : vector<16xi32>
    %add3A_68 = arith.constant 0 : i32
    %add3A_69 = vector.broadcast %add3A_68 : i32 to vector<16xi32>
    %add3A_70 = arith.addi %iota3A, %add3A_69 : vector<16xi32>
    %add3A_71 = arith.addi %mul3A_67, %add3A_70 : vector<16xi32>
    %swap3A = arith.constant 0 : i32
    %swap3A_72 = arith.index_cast %swap3A : i32 to index
    %swap3A_73 = arith.constant 0 : index
    %swap3A_74 = tpu.vector_load %arg13[%swap3A_72, %swap3A_73] {strides = array<i32>} : memref<2x128xi32, #tpu.memory_space<vmem>>, vector<1x16xi32>,
    %swap3A_75 = vector.shape_cast %swap3A_74 : vector<1x16xi32> to vector<16xi32>
    %swap3A_76 = vector.shape_cast %add3A_71 : vector<16xi32> to vector<1x16xi32>
    tpu.vector_store %arg13[%swap3A_72, %swap3A_73], %swap3A_76 {strides = array<i32>} : memref<2x128xi32, #tpu.memory_space<vmem>>, vector<1x16xi32>,
    %get3A_77 = arith.constant 0 : i32
    %get3A_78 = arith.constant 0 : i32
    %get3A_79 = arith.index_cast %get3A_77 : i32 to index
    %get3A_80 = arith.index_cast %get3A_78 : i32 to index
    %get3A_81 = arith.constant 16 : index
    %get3A_82 = tpu.vector_load %arg12[%get3A_79, %get3A_80, %get3A_81] {strides = array<i32>} : memref<2x128x64xi32, #tpu.memory_space<vmem>>, vector<1x1x16xi32>,
    %get3A_83 = vector.shape_cast %get3A_82 : vector<1x1x16xi32> to vector<16xi32>
    %mul3A_84 = arith.constant 64 : i32
    %mul3A_85 = vector.broadcast %mul3A_84 : i32 to vector<16xi32>
    %mul3A_86 = arith.muli %get3A_83, %mul3A_85 : vector<16xi32>
    %add3A_87 = arith.constant 16 : i32
    %add3A_88 = vector.broadcast %add3A_87 : i32 to vector<16xi32>
    %add3A_89 = arith.addi %iota3A, %add3A_88 : vector<16xi32>
    %add3A_90 = arith.addi %mul3A_86, %add3A_89 : vector<16xi32>
    %swap3A_91 = arith.constant 0 : i32
    %swap3A_92 = arith.index_cast %swap3A_91 : i32 to index
    %swap3A_93 = arith.constant 16 : index
    %swap3A_94 = tpu.vector_load %arg13[%swap3A_92, %swap3A_93] {strides = array<i32>} : memref<2x128xi32, #tpu.memory_space<vmem>>, vector<1x16xi32>,
    %swap3A_95 = vector.shape_cast %swap3A_94 : vector<1x16xi32> to vector<16xi32>
    %swap3A_96 = vector.shape_cast %add3A_90 : vector<16xi32> to vector<1x16xi32>
    tpu.vector_store %arg13[%swap3A_92, %swap3A_93], %swap3A_96 {strides = array<i32>} : memref<2x128xi32, #tpu.memory_space<vmem>>, vector<1x16xi32>,
    %get3A_97 = arith.constant 0 : i32
    %get3A_98 = arith.constant 0 : i32
    %get3A_99 = arith.index_cast %get3A_97 : i32 to index
    %get3A_100 = arith.index_cast %get3A_98 : i32 to index
    %get3A_101 = arith.constant 32 : index
    %get3A_102 = tpu.vector_load %arg12[%get3A_99, %get3A_100, %get3A_101] {strides = array<i32>} : memref<2x128x64xi32, #tpu.memory_space<vmem>>, vector<1x1x16xi32>,
    %get3A_103 = vector.shape_cast %get3A_102 : vector<1x1x16xi32> to vector<16xi32>
    %mul3A_104 = arith.constant 64 : i32
    %mul3A_105 = vector.broadcast %mul3A_104 : i32 to vector<16xi32>
    %mul3A_106 = arith.muli %get3A_103, %mul3A_105 : vector<16xi32>
    %add3A_107 = arith.constant 32 : i32
    %add3A_108 = vector.broadcast %add3A_107 : i32 to vector<16xi32>
    %add3A_109 = arith.addi %iota3A, %add3A_108 : vector<16xi32>
    %add3A_110 = arith.addi %mul3A_106, %add3A_109 : vector<16xi32>
    %swap3A_111 = arith.constant 0 : i32
    %swap3A_112 = arith.index_cast %swap3A_111 : i32 to index
    %swap3A_113 = arith.constant 32 : index
    %swap3A_114 = tpu.vector_load %arg13[%swap3A_112, %swap3A_113] {strides = array<i32>} : memref<2x128xi32, #tpu.memory_space<vmem>>, vector<1x16xi32>,
    %swap3A_115 = vector.shape_cast %swap3A_114 : vector<1x16xi32> to vector<16xi32>
    %swap3A_116 = vector.shape_cast %add3A_110 : vector<16xi32> to vector<1x16xi32>
    tpu.vector_store %arg13[%swap3A_112, %swap3A_113], %swap3A_116 {strides = array<i32>} : memref<2x128xi32, #tpu.memory_space<vmem>>, vector<1x16xi32>,
    %get3A_117 = arith.constant 0 : i32
    %get3A_118 = arith.constant 0 : i32
    %get3A_119 = arith.index_cast %get3A_117 : i32 to index
    %get3A_120 = arith.index_cast %get3A_118 : i32 to index
    %get3A_121 = arith.constant 48 : index
    %get3A_122 = tpu.vector_load %arg12[%get3A_119, %get3A_120, %get3A_121] {strides = array<i32>} : memref<2x128x64xi32, #tpu.memory_space<vmem>>, vector<1x1x16xi32>,
    %get3A_123 = vector.shape_cast %get3A_122 : vector<1x1x16xi32> to vector<16xi32>
    %mul3A_124 = arith.constant 64 : i32
    %mul3A_125 = vector.broadcast %mul3A_124 : i32 to vector<16xi32>
    %mul3A_126 = arith.muli %get3A_123, %mul3A_125 : vector<16xi32>
    %add3A_127 = arith.constant 48 : i32
    %add3A_128 = vector.broadcast %add3A_127 : i32 to vector<16xi32>
    %add3A_129 = arith.addi %iota3A, %add3A_128 : vector<16xi32>
    %add3A_130 = arith.addi %mul3A_126, %add3A_129 : vector<16xi32>
    %swap3A_131 = arith.constant 0 : i32
    %swap3A_132 = arith.index_cast %swap3A_131 : i32 to index
    %swap3A_133 = arith.constant 48 : index
    %swap3A_134 = tpu.vector_load %arg13[%swap3A_132, %swap3A_133] {strides = array<i32>} : memref<2x128xi32, #tpu.memory_space<vmem>>, vector<1x16xi32>,
    %swap3A_135 = vector.shape_cast %swap3A_134 : vector<1x16xi32> to vector<16xi32>
    %swap3A_136 = vector.shape_cast %add3A_130 : vector<16xi32> to vector<1x16xi32>
    tpu.vector_store %arg13[%swap3A_132, %swap3A_133], %swap3A_136 {strides = array<i32>} : memref<2x128xi32, #tpu.memory_space<vmem>>, vector<1x16xi32>,
    %get3A_137 = arith.constant 0 : i32
    %get3A_138 = arith.constant 1 : i32
    %get3A_139 = arith.index_cast %get3A_137 : i32 to index
    %get3A_140 = arith.index_cast %get3A_138 : i32 to index
    %get3A_141 = arith.constant 0 : index
    %get3A_142 = tpu.vector_load %arg12[%get3A_139, %get3A_140, %get3A_141] {strides = array<i32>} : memref<2x128x64xi32, #tpu.memory_space<vmem>>, vector<1x1x16xi32>,
    %get3A_143 = vector.shape_cast %get3A_142 : vector<1x1x16xi32> to vector<16xi32>
    %mul3A_144 = arith.constant 64 : i32
    %mul3A_145 = vector.broadcast %mul3A_144 : i32 to vector<16xi32>
    %mul3A_146 = arith.muli %get3A_143, %mul3A_145 : vector<16xi32>
    %add3A_147 = arith.constant 0 : i32
    %add3A_148 = vector.broadcast %add3A_147 : i32 to vector<16xi32>
    %add3A_149 = arith.addi %iota3A, %add3A_148 : vector<16xi32>
    %add3A_150 = arith.addi %mul3A_146, %add3A_149 : vector<16xi32>
    %swap3A_151 = arith.constant 0 : i32
    %swap3A_152 = arith.index_cast %swap3A_151 : i32 to index
    %swap3A_153 = arith.constant 64 : index
    %swap3A_154 = tpu.vector_load %arg13[%swap3A_152, %swap3A_153] {strides = array<i32>} : memref<2x128xi32, #tpu.memory_space<vmem>>, vector<1x16xi32>,
    %swap3A_155 = vector.shape_cast %swap3A_154 : vector<1x16xi32> to vector<16xi32>
    %swap3A_156 = vector.shape_cast %add3A_150 : vector<16xi32> to vector<1x16xi32>
    tpu.vector_store %arg13[%swap3A_152, %swap3A_153], %swap3A_156 {strides = array<i32>} : memref<2x128xi32, #tpu.memory_space<vmem>>, vector<1x16xi32>,
    %get3A_157 = arith.constant 0 : i32
    %get3A_158 = arith.constant 1 : i32
    %get3A_159 = arith.index_cast %get3A_157 : i32 to index
    %get3A_160 = arith.index_cast %get3A_158 : i32 to index
    %get3A_161 = arith.constant 16 : index
    %get3A_162 = tpu.vector_load %arg12[%get3A_159, %get3A_160, %get3A_161] {strides = array<i32>} : memref<2x128x64xi32, #tpu.memory_space<vmem>>, vector<1x1x16xi32>,
    %get3A_163 = vector.shape_cast %get3A_162 : vector<1x1x16xi32> to vector<16xi32>
    %mul3A_164 = arith.constant 64 : i32
    %mul3A_165 = vector.broadcast %mul3A_164 : i32 to vector<16xi32>
    %mul3A_166 = arith.muli %get3A_163, %mul3A_165 : vector<16xi32>
    %add3A_167 = arith.constant 16 : i32
    %add3A_168 = vector.broadcast %add3A_167 : i32 to vector<16xi32>
    %add3A_169 = arith.addi %iota3A, %add3A_168 : vector<16xi32>
    %add3A_170 = arith.addi %mul3A_166, %add3A_169 : vector<16xi32>
    %swap3A_171 = arith.constant 0 : i32
    %swap3A_172 = arith.index_cast %swap3A_171 : i32 to index
    %swap3A_173 = arith.constant 80 : index
    %swap3A_174 = tpu.vector_load %arg13[%swap3A_172, %swap3A_173] {strides = array<i32>} : memref<2x128xi32, #tpu.memory_space<vmem>>, vector<1x16xi32>,
    %swap3A_175 = vector.shape_cast %swap3A_174 : vector<1x16xi32> to vector<16xi32>
    %swap3A_176 = vector.shape_cast %add3A_170 : vector<16xi32> to vector<1x16xi32>
    tpu.vector_store %arg13[%swap3A_172, %swap3A_173], %swap3A_176 {strides = array<i32>} : memref<2x128xi32, #tpu.memory_space<vmem>>, vector<1x16xi32>,
    %get3A_177 = arith.constant 0 : i32
    %get3A_178 = arith.constant 1 : i32
    %get3A_179 = arith.index_cast %get3A_177 : i32 to index
    %get3A_180 = arith.index_cast %get3A_178 : i32 to index
    %get3A_181 = arith.constant 32 : index
    %get3A_182 = tpu.vector_load %arg12[%get3A_179, %get3A_180, %get3A_181] {strides = array<i32>} : memref<2x128x64xi32, #tpu.memory_space<vmem>>, vector<1x1x16xi32>,
    %get3A_183 = vector.shape_cast %get3A_182 : vector<1x1x16xi32> to vector<16xi32>
    %mul3A_184 = arith.constant 64 : i32
    %mul3A_185 = vector.broadcast %mul3A_184 : i32 to vector<16xi32>
    %mul3A_186 = arith.muli %get3A_183, %mul3A_185 : vector<16xi32>
    %add3A_187 = arith.constant 32 : i32
    %add3A_188 = vector.broadcast %add3A_187 : i32 to vector<16xi32>
    %add3A_189 = arith.addi %iota3A, %add3A_188 : vector<16xi32>
    %add3A_190 = arith.addi %mul3A_186, %add3A_189 : vector<16xi32>
    %swap3A_191 = arith.constant 0 : i32
    %swap3A_192 = arith.index_cast %swap3A_191 : i32 to index
    %swap3A_193 = arith.constant 96 : index
    %swap3A_194 = tpu.vector_load %arg13[%swap3A_192, %swap3A_193] {strides = array<i32>} : memref<2x128xi32, #tpu.memory_space<vmem>>, vector<1x16xi32>,
    %swap3A_195 = vector.shape_cast %swap3A_194 : vector<1x16xi32> to vector<16xi32>
    %swap3A_196 = vector.shape_cast %add3A_190 : vector<16xi32> to vector<1x16xi32>
    tpu.vector_store %arg13[%swap3A_192, %swap3A_193], %swap3A_196 {strides = array<i32>} : memref<2x128xi32, #tpu.memory_space<vmem>>, vector<1x16xi32>,
    %get3A_197 = arith.constant 0 : i32
    %get3A_198 = arith.constant 1 : i32
    %get3A_199 = arith.index_cast %get3A_197 : i32 to index
    %get3A_200 = arith.index_cast %get3A_198 : i32 to index
    %get3A_201 = arith.constant 48 : index
    %get3A_202 = tpu.vector_load %arg12[%get3A_199, %get3A_200, %get3A_201] {strides = array<i32>} : memref<2x128x64xi32, #tpu.memory_space<vmem>>, vector<1x1x16xi32>,
    %get3A_203 = vector.shape_cast %get3A_202 : vector<1x1x16xi32> to vector<16xi32>
    %mul3A_204 = arith.constant 64 : i32
    %mul3A_205 = vector.broadcast %mul3A_204 : i32 to vector<16xi32>
    %mul3A_206 = arith.muli %get3A_203, %mul3A_205 : vector<16xi32>
    %add3A_207 = arith.constant 48 : i32
    %add3A_208 = vector.broadcast %add3A_207 : i32 to vector<16xi32>
    %add3A_209 = arith.addi %iota3A, %add3A_208 : vector<16xi32>
    %add3A_210 = arith.addi %mul3A_206, %add3A_209 : vector<16xi32>
    %swap3A_211 = arith.constant 0 : i32
    %swap3A_212 = arith.index_cast %swap3A_211 : i32 to index
    %swap3A_213 = arith.constant 112 : index
    %swap3A_214 = tpu.vector_load %arg13[%swap3A_212, %swap3A_213] {strides = array<i32>} : memref<2x128xi32, #tpu.memory_space<vmem>>, vector<1x16xi32>,
    %swap3A_215 = vector.shape_cast %swap3A_214 : vector<1x16xi32> to vector<16xi32>
    %swap3A_216 = vector.shape_cast %add3A_210 : vector<16xi32> to vector<1x16xi32>
    tpu.vector_store %arg13[%swap3A_212, %swap3A_213], %swap3A_216 {strides = array<i32>} : memref<2x128xi32, #tpu.memory_space<vmem>>, vector<1x16xi32>,
    %dma_start3A_217 = arith.constant 0 : i32
    %dma_start3A_218 = arith.constant 0 : i32
    %dma_start3A_219 = arith.constant 0 : i32
    %dma_start3A_220 = arith.constant 0 : i32
    %dma_start3A_221 = tpu.memref_slice %arg14[%dma_start3A_218, %dma_start3A_219, %dma_start3A_220] : memref<2x128x192xf32, #tpu.memory_space<vmem>> -> memref<1x128x192xf32, #tpu.memory_space<vmem>>
    %dma_start3A_222 = tpu.memref_squeeze %dma_start3A_221 : memref<1x128x192xf32, #tpu.memory_space<vmem>> -> memref<128x192xf32, #tpu.memory_space<vmem>>
    %dma_start3A_223 = arith.constant 0 : i32
    %dma_start3A_224 = tpu.memref_slice %arg13[%dma_start3A_217, %dma_start3A_223] : memref<2x128xi32, #tpu.memory_space<vmem>> -> memref<1x128xi32, #tpu.memory_space<vmem>>
    %dma_start3A_225 = tpu.memref_squeeze %dma_start3A_224 : memref<1x128xi32, #tpu.memory_space<vmem>> -> memref<128xi32, #tpu.memory_space<vmem>>
    %dma_start3A_226 = arith.constant 0 : i32
    %dma_start3A_227 = arith.constant 0 : i32
    %dma_start3A_228 = tpu.memref_slice %arg11[%dma_start3A_226, %dma_start3A_227] : memref<1664x192xf32, #tpu.memory_space<vmem_shared>> -> memref<1664x192xf32, #tpu.memory_space<vmem_shared>>
    tpu.enqueue_indirect_dma source(%dma_start3A_228 : memref<1664x192xf32, #tpu.memory_space<vmem_shared>>) target(%dma_start3A_222 : memref<128x192xf32, #tpu.memory_space<vmem>>) offsets(%dma_start3A_225 : memref<128xi32, #tpu.memory_space<vmem>>) semaphore(%arg15 : memref<!tpu.dma_semaphore, #tpu.memory_space<semaphore_mem>>)
    %scan3A_229 = arith.constant 0 : i32
    %scan3A_230 = arith.constant 0 : i32
    %scan3A_231 = arith.constant 32 : i32
    %scan3A_232 = arith.addi %scan3A_230, %scan3A_231 : i32
    %scan3A_233 = arith.constant 1 : i32
    scf.for %scan3A_929 = %scan3A_230 to %scan3A_232 step %scan3A_233  : i32 {
      %mul3A_930 = arith.constant 2 : i32
      %mul3A_931 = arith.muli %scan3A_929, %mul3A_930 : i32
      %add3A_932 = arith.constant 0 : i32
      %add3A_933 = arith.addi %mul3A_931, %add3A_932 : i32
      %add3A_934 = arith.constant 0 : i32
      %add3A_935 = arith.addi %add3A_934, %add3A_933 : i32
      %add3A_936 = arith.constant 1 : i32
      %add3A_937 = arith.addi %add3A_933, %add3A_936 : i32
      %lt3A = arith.constant 64 : i32
      %lt3A_938 = arith.cmpi slt, %add3A_937, %lt3A : i32
      %convert_element_type3A = arith.extui %lt3A_938 : i1 to i32
      %cond3A = arith.constant 0 : i32
      %cond3A_939 = arith.cmpi ne, %convert_element_type3A, %cond3A : i32
      scf.if %cond3A_939 {
        %add3A_1009 = arith.constant 1 : i32
        %add3A_1010 = arith.addi %add3A_933, %add3A_1009 : i32
        %mul3A_1011 = arith.constant 2 : i32
        %mul3A_1012 = arith.muli %add3A_1010, %mul3A_1011 : i32
        %add3A_1013 = arith.constant 0 : i32
        %add3A_1014 = arith.addi %mul3A_1012, %add3A_1013 : i32
        %get3A_1015 = arith.constant 0 : i32
        %get3A_1016 = arith.index_cast %get3A_1015 : i32 to index
        %get3A_1017 = arith.index_cast %add3A_1014 : i32 to index
        %get3A_1018 = arith.constant 0 : index
        %get3A_1019 = tpu.vector_load %arg12[%get3A_1016, %get3A_1017, %get3A_1018] {strides = array<i32>} : memref<2x128x64xi32, #tpu.memory_space<vmem>>, vector<1x1x16xi32>,
        %get3A_1020 = vector.shape_cast %get3A_1019 : vector<1x1x16xi32> to vector<16xi32>
        %mul3A_1021 = arith.constant 64 : i32
        %mul3A_1022 = vector.broadcast %mul3A_1021 : i32 to vector<16xi32>
        %mul3A_1023 = arith.muli %get3A_1020, %mul3A_1022 : vector<16xi32>
        %add3A_1024 = arith.constant 0 : i32
        %add3A_1025 = vector.broadcast %add3A_1024 : i32 to vector<16xi32>
        %add3A_1026 = arith.addi %iota3A, %add3A_1025 : vector<16xi32>
        %add3A_1027 = arith.addi %mul3A_1023, %add3A_1026 : vector<16xi32>
        %swap3A_1028 = arith.constant 1 : i32
        %swap3A_1029 = arith.index_cast %swap3A_1028 : i32 to index
        %swap3A_1030 = arith.constant 0 : index
        %swap3A_1031 = tpu.vector_load %arg13[%swap3A_1029, %swap3A_1030] {strides = array<i32>} : memref<2x128xi32, #tpu.memory_space<vmem>>, vector<1x16xi32>,
        %swap3A_1032 = vector.shape_cast %swap3A_1031 : vector<1x16xi32> to vector<16xi32>
        %swap3A_1033 = vector.shape_cast %add3A_1027 : vector<16xi32> to vector<1x16xi32>
        tpu.vector_store %arg13[%swap3A_1029, %swap3A_1030], %swap3A_1033 {strides = array<i32>} : memref<2x128xi32, #tpu.memory_space<vmem>>, vector<1x16xi32>,
        %get3A_1034 = arith.constant 0 : i32
        %get3A_1035 = arith.index_cast %get3A_1034 : i32 to index
        %get3A_1036 = arith.index_cast %add3A_1014 : i32 to index
        %get3A_1037 = arith.constant 16 : index
        %get3A_1038 = tpu.vector_load %arg12[%get3A_1035, %get3A_1036, %get3A_1037] {strides = array<i32>} : memref<2x128x64xi32, #tpu.memory_space<vmem>>, vector<1x1x16xi32>,
        %get3A_1039 = vector.shape_cast %get3A_1038 : vector<1x1x16xi32> to vector<16xi32>
        %mul3A_1040 = arith.constant 64 : i32
        %mul3A_1041 = vector.broadcast %mul3A_1040 : i32 to vector<16xi32>
        %mul3A_1042 = arith.muli %get3A_1039, %mul3A_1041 : vector<16xi32>
        %add3A_1043 = arith.constant 16 : i32
        %add3A_1044 = vector.broadcast %add3A_1043 : i32 to vector<16xi32>
        %add3A_1045 = arith.addi %iota3A, %add3A_1044 : vector<16xi32>
        %add3A_1046 = arith.addi %mul3A_1042, %add3A_1045 : vector<16xi32>
        %swap3A_1047 = arith.constant 1 : i32
        %swap3A_1048 = arith.index_cast %swap3A_1047 : i32 to index
        %swap3A_1049 = arith.constant 16 : index
        %swap3A_1050 = tpu.vector_load %arg13[%swap3A_1048, %swap3A_1049] {strides = array<i32>} : memref<2x128xi32, #tpu.memory_space<vmem>>, vector<1x16xi32>,
        %swap3A_1051 = vector.shape_cast %swap3A_1050 : vector<1x16xi32> to vector<16xi32>
        %swap3A_1052 = vector.shape_cast %add3A_1046 : vector<16xi32> to vector<1x16xi32>
        tpu.vector_store %arg13[%swap3A_1048, %swap3A_1049], %swap3A_1052 {strides = array<i32>} : memref<2x128xi32, #tpu.memory_space<vmem>>, vector<1x16xi32>,
        %get3A_1053 = arith.constant 0 : i32
        %get3A_1054 = arith.index_cast %get3A_1053 : i32 to index
        %get3A_1055 = arith.index_cast %add3A_1014 : i32 to index
        %get3A_1056 = arith.constant 32 : index
        %get3A_1057 = tpu.vector_load %arg12[%get3A_1054, %get3A_1055, %get3A_1056] {strides = array<i32>} : memref<2x128x64xi32, #tpu.memory_space<vmem>>, vector<1x1x16xi32>,
        %get3A_1058 = vector.shape_cast %get3A_1057 : vector<1x1x16xi32> to vector<16xi32>
        %mul3A_1059 = arith.constant 64 : i32
        %mul3A_1060 = vector.broadcast %mul3A_1059 : i32 to vector<16xi32>
        %mul3A_1061 = arith.muli %get3A_1058, %mul3A_1060 : vector<16xi32>
        %add3A_1062 = arith.constant 32 : i32
        %add3A_1063 = vector.broadcast %add3A_1062 : i32 to vector<16xi32>
        %add3A_1064 = arith.addi %iota3A, %add3A_1063 : vector<16xi32>
        %add3A_1065 = arith.addi %mul3A_1061, %add3A_1064 : vector<16xi32>
        %swap3A_1066 = arith.constant 1 : i32
        %swap3A_1067 = arith.index_cast %swap3A_1066 : i32 to index
        %swap3A_1068 = arith.constant 32 : index
        %swap3A_1069 = tpu.vector_load %arg13[%swap3A_1067, %swap3A_1068] {strides = array<i32>} : memref<2x128xi32, #tpu.memory_space<vmem>>, vector<1x16xi32>,
        %swap3A_1070 = vector.shape_cast %swap3A_1069 : vector<1x16xi32> to vector<16xi32>
        %swap3A_1071 = vector.shape_cast %add3A_1065 : vector<16xi32> to vector<1x16xi32>
        tpu.vector_store %arg13[%swap3A_1067, %swap3A_1068], %swap3A_1071 {strides = array<i32>} : memref<2x128xi32, #tpu.memory_space<vmem>>, vector<1x16xi32>,
        %get3A_1072 = arith.constant 0 : i32
        %get3A_1073 = arith.index_cast %get3A_1072 : i32 to index
        %get3A_1074 = arith.index_cast %add3A_1014 : i32 to index
        %get3A_1075 = arith.constant 48 : index
        %get3A_1076 = tpu.vector_load %arg12[%get3A_1073, %get3A_1074, %get3A_1075] {strides = array<i32>} : memref<2x128x64xi32, #tpu.memory_space<vmem>>, vector<1x1x16xi32>,
        %get3A_1077 = vector.shape_cast %get3A_1076 : vector<1x1x16xi32> to vector<16xi32>
        %mul3A_1078 = arith.constant 64 : i32
        %mul3A_1079 = vector.broadcast %mul3A_1078 : i32 to vector<16xi32>
        %mul3A_1080 = arith.muli %get3A_1077, %mul3A_1079 : vector<16xi32>
        %add3A_1081 = arith.constant 48 : i32
        %add3A_1082 = vector.broadcast %add3A_1081 : i32 to vector<16xi32>
        %add3A_1083 = arith.addi %iota3A, %add3A_1082 : vector<16xi32>
        %add3A_1084 = arith.addi %mul3A_1080, %add3A_1083 : vector<16xi32>
        %swap3A_1085 = arith.constant 1 : i32
        %swap3A_1086 = arith.index_cast %swap3A_1085 : i32 to index
        %swap3A_1087 = arith.constant 48 : index
        %swap3A_1088 = tpu.vector_load %arg13[%swap3A_1086, %swap3A_1087] {strides = array<i32>} : memref<2x128xi32, #tpu.memory_space<vmem>>, vector<1x16xi32>,
        %swap3A_1089 = vector.shape_cast %swap3A_1088 : vector<1x16xi32> to vector<16xi32>
        %swap3A_1090 = vector.shape_cast %add3A_1084 : vector<16xi32> to vector<1x16xi32>
        tpu.vector_store %arg13[%swap3A_1086, %swap3A_1087], %swap3A_1090 {strides = array<i32>} : memref<2x128xi32, #tpu.memory_space<vmem>>, vector<1x16xi32>,
        %mul3A_1091 = arith.constant 2 : i32
        %mul3A_1092 = arith.muli %add3A_1010, %mul3A_1091 : i32
        %add3A_1093 = arith.constant 1 : i32
        %add3A_1094 = arith.addi %mul3A_1092, %add3A_1093 : i32
        %get3A_1095 = arith.constant 0 : i32
        %get3A_1096 = arith.index_cast %get3A_1095 : i32 to index
        %get3A_1097 = arith.index_cast %add3A_1094 : i32 to index
        %get3A_1098 = arith.constant 0 : index
        %get3A_1099 = tpu.vector_load %arg12[%get3A_1096, %get3A_1097, %get3A_1098] {strides = array<i32>} : memref<2x128x64xi32, #tpu.memory_space<vmem>>, vector<1x1x16xi32>,
        %get3A_1100 = vector.shape_cast %get3A_1099 : vector<1x1x16xi32> to vector<16xi32>
        %mul3A_1101 = arith.constant 64 : i32
        %mul3A_1102 = vector.broadcast %mul3A_1101 : i32 to vector<16xi32>
        %mul3A_1103 = arith.muli %get3A_1100, %mul3A_1102 : vector<16xi32>
        %add3A_1104 = arith.constant 0 : i32
        %add3A_1105 = vector.broadcast %add3A_1104 : i32 to vector<16xi32>
        %add3A_1106 = arith.addi %iota3A, %add3A_1105 : vector<16xi32>
        %add3A_1107 = arith.addi %mul3A_1103, %add3A_1106 : vector<16xi32>
        %swap3A_1108 = arith.constant 1 : i32
        %swap3A_1109 = arith.index_cast %swap3A_1108 : i32 to index
        %swap3A_1110 = arith.constant 64 : index
        %swap3A_1111 = tpu.vector_load %arg13[%swap3A_1109, %swap3A_1110] {strides = array<i32>} : memref<2x128xi32, #tpu.memory_space<vmem>>, vector<1x16xi32>,
        %swap3A_1112 = vector.shape_cast %swap3A_1111 : vector<1x16xi32> to vector<16xi32>
        %swap3A_1113 = vector.shape_cast %add3A_1107 : vector<16xi32> to vector<1x16xi32>
        tpu.vector_store %arg13[%swap3A_1109, %swap3A_1110], %swap3A_1113 {strides = array<i32>} : memref<2x128xi32, #tpu.memory_space<vmem>>, vector<1x16xi32>,
        %get3A_1114 = arith.constant 0 : i32
        %get3A_1115 = arith.index_cast %get3A_1114 : i32 to index
        %get3A_1116 = arith.index_cast %add3A_1094 : i32 to index
        %get3A_1117 = arith.constant 16 : index
        %get3A_1118 = tpu.vector_load %arg12[%get3A_1115, %get3A_1116, %get3A_1117] {strides = array<i32>} : memref<2x128x64xi32, #tpu.memory_space<vmem>>, vector<1x1x16xi32>,
        %get3A_1119 = vector.shape_cast %get3A_1118 : vector<1x1x16xi32> to vector<16xi32>
        %mul3A_1120 = arith.constant 64 : i32
        %mul3A_1121 = vector.broadcast %mul3A_1120 : i32 to vector<16xi32>
        %mul3A_1122 = arith.muli %get3A_1119, %mul3A_1121 : vector<16xi32>
        %add3A_1123 = arith.constant 16 : i32
        %add3A_1124 = vector.broadcast %add3A_1123 : i32 to vector<16xi32>
        %add3A_1125 = arith.addi %iota3A, %add3A_1124 : vector<16xi32>
        %add3A_1126 = arith.addi %mul3A_1122, %add3A_1125 : vector<16xi32>
        %swap3A_1127 = arith.constant 1 : i32
        %swap3A_1128 = arith.index_cast %swap3A_1127 : i32 to index
        %swap3A_1129 = arith.constant 80 : index
        %swap3A_1130 = tpu.vector_load %arg13[%swap3A_1128, %swap3A_1129] {strides = array<i32>} : memref<2x128xi32, #tpu.memory_space<vmem>>, vector<1x16xi32>,
        %swap3A_1131 = vector.shape_cast %swap3A_1130 : vector<1x16xi32> to vector<16xi32>
        %swap3A_1132 = vector.shape_cast %add3A_1126 : vector<16xi32> to vector<1x16xi32>
        tpu.vector_store %arg13[%swap3A_1128, %swap3A_1129], %swap3A_1132 {strides = array<i32>} : memref<2x128xi32, #tpu.memory_space<vmem>>, vector<1x16xi32>,
        %get3A_1133 = arith.constant 0 : i32
        %get3A_1134 = arith.index_cast %get3A_1133 : i32 to index
        %get3A_1135 = arith.index_cast %add3A_1094 : i32 to index
        %get3A_1136 = arith.constant 32 : index
        %get3A_1137 = tpu.vector_load %arg12[%get3A_1134, %get3A_1135, %get3A_1136] {strides = array<i32>} : memref<2x128x64xi32, #tpu.memory_space<vmem>>, vector<1x1x16xi32>,
        %get3A_1138 = vector.shape_cast %get3A_1137 : vector<1x1x16xi32> to vector<16xi32>
        %mul3A_1139 = arith.constant 64 : i32
        %mul3A_1140 = vector.broadcast %mul3A_1139 : i32 to vector<16xi32>
        %mul3A_1141 = arith.muli %get3A_1138, %mul3A_1140 : vector<16xi32>
        %add3A_1142 = arith.constant 32 : i32
        %add3A_1143 = vector.broadcast %add3A_1142 : i32 to vector<16xi32>
        %add3A_1144 = arith.addi %iota3A, %add3A_1143 : vector<16xi32>
        %add3A_1145 = arith.addi %mul3A_1141, %add3A_1144 : vector<16xi32>
        %swap3A_1146 = arith.constant 1 : i32
        %swap3A_1147 = arith.index_cast %swap3A_1146 : i32 to index
        %swap3A_1148 = arith.constant 96 : index
        %swap3A_1149 = tpu.vector_load %arg13[%swap3A_1147, %swap3A_1148] {strides = array<i32>} : memref<2x128xi32, #tpu.memory_space<vmem>>, vector<1x16xi32>,
        %swap3A_1150 = vector.shape_cast %swap3A_1149 : vector<1x16xi32> to vector<16xi32>
        %swap3A_1151 = vector.shape_cast %add3A_1145 : vector<16xi32> to vector<1x16xi32>
        tpu.vector_store %arg13[%swap3A_1147, %swap3A_1148], %swap3A_1151 {strides = array<i32>} : memref<2x128xi32, #tpu.memory_space<vmem>>, vector<1x16xi32>,
        %get3A_1152 = arith.constant 0 : i32
        %get3A_1153 = arith.index_cast %get3A_1152 : i32 to index
        %get3A_1154 = arith.index_cast %add3A_1094 : i32 to index
        %get3A_1155 = arith.constant 48 : index
        %get3A_1156 = tpu.vector_load %arg12[%get3A_1153, %get3A_1154, %get3A_1155] {strides = array<i32>} : memref<2x128x64xi32, #tpu.memory_space<vmem>>, vector<1x1x16xi32>,
        %get3A_1157 = vector.shape_cast %get3A_1156 : vector<1x1x16xi32> to vector<16xi32>
        %mul3A_1158 = arith.constant 64 : i32
        %mul3A_1159 = vector.broadcast %mul3A_1158 : i32 to vector<16xi32>
        %mul3A_1160 = arith.muli %get3A_1157, %mul3A_1159 : vector<16xi32>
        %add3A_1161 = arith.constant 48 : i32
        %add3A_1162 = vector.broadcast %add3A_1161 : i32 to vector<16xi32>
        %add3A_1163 = arith.addi %iota3A, %add3A_1162 : vector<16xi32>
        %add3A_1164 = arith.addi %mul3A_1160, %add3A_1163 : vector<16xi32>
        %swap3A_1165 = arith.constant 1 : i32
        %swap3A_1166 = arith.index_cast %swap3A_1165 : i32 to index
        %swap3A_1167 = arith.constant 112 : index
        %swap3A_1168 = tpu.vector_load %arg13[%swap3A_1166, %swap3A_1167] {strides = array<i32>} : memref<2x128xi32, #tpu.memory_space<vmem>>, vector<1x16xi32>,
        %swap3A_1169 = vector.shape_cast %swap3A_1168 : vector<1x16xi32> to vector<16xi32>
        %swap3A_1170 = vector.shape_cast %add3A_1164 : vector<16xi32> to vector<1x16xi32>
        tpu.vector_store %arg13[%swap3A_1166, %swap3A_1167], %swap3A_1170 {strides = array<i32>} : memref<2x128xi32, #tpu.memory_space<vmem>>, vector<1x16xi32>,
        %ge3A = arith.constant 1 : i32
        %ge3A_1171 = arith.cmpi sge, %add3A_935, %ge3A : i32
        %convert_element_type3A_1172 = arith.extui %ge3A_1171 : i1 to i32
        %cond3A_1173 = arith.constant 0 : i32
        %cond3A_1174 = arith.cmpi ne, %convert_element_type3A_1172, %cond3A_1173 : i32
        scf.if %cond3A_1174 {
          %sub3A = arith.constant 1 : i32
          %sub3A_1187 = arith.subi %add3A_935, %sub3A : i32
          %mul3A_1188 = arith.constant 128 : i32
          %mul3A_1189 = arith.muli %sub3A_1187, %mul3A_1188 : i32
          %add3A_1190 = arith.addi %mul3A_9, %mul3A_1189 : i32
          %dma_wait3A_1191 = arith.constant 1 : i32
          %dma_wait3A_1192 = arith.constant 0 : i32
          %dma_wait3A_1193 = arith.constant 0 : i32
          %dma_wait3A_1194 = tpu.memref_slice %arg14[%dma_wait3A_1191, %dma_wait3A_1192, %dma_wait3A_1193] : memref<2x128x192xf32, #tpu.memory_space<vmem>> -> memref<1x128x192xf32, #tpu.memory_space<vmem>>
          %dma_wait3A_1195 = tpu.memref_squeeze %dma_wait3A_1194 : memref<1x128x192xf32, #tpu.memory_space<vmem>> -> memref<128x192xf32, #tpu.memory_space<vmem>>
          %dma_wait3A_1196 = arith.constant 0 : i32
          %dma_wait3A_1197 = tpu.memref_slice %arg6[%add3A_1190, %dma_wait3A_1196] : memref<1048576x192xf32, #tpu.memory_space<hbm>> -> memref<128x192xf32, #tpu.memory_space<hbm>>
          %dma_wait3A_1198 = arith.constant 0 : i32
          %dma_wait3A_1199 = tpu.memref_slice %arg6[%add3A_1190, %dma_wait3A_1198] : memref<1048576x192xf32, #tpu.memory_space<hbm>> -> memref<128x192xf32, #tpu.memory_space<hbm>>
          %dma_wait3A_1200 = arith.constant 0 : i32
          %dma_wait3A_1201 = arith.constant 0 : i32
          %dma_wait3A_1202 = tpu.memref_slice %arg14[%dma_wait3A_1191, %dma_wait3A_1200, %dma_wait3A_1201] : memref<2x128x192xf32, #tpu.memory_space<vmem>> -> memref<1x128x192xf32, #tpu.memory_space<vmem>>
          %dma_wait3A_1203 = tpu.memref_squeeze %dma_wait3A_1202 : memref<1x128x192xf32, #tpu.memory_space<vmem>> -> memref<128x192xf32, #tpu.memory_space<vmem>>
          tpu.wait_dma2 semaphore(%arg18 : memref<!tpu.dma_semaphore, #tpu.memory_space<semaphore_mem>>) src(%dma_wait3A_1203 : memref<128x192xf32, #tpu.memory_space<vmem>>) dst(%dma_wait3A_1199 : memref<128x192xf32, #tpu.memory_space<hbm>>)
        } else {
        }
        %dma_start3A_1175 = arith.constant 1 : i32
        %dma_start3A_1176 = arith.constant 1 : i32
        %dma_start3A_1177 = arith.constant 0 : i32
        %dma_start3A_1178 = arith.constant 0 : i32
        %dma_start3A_1179 = tpu.memref_slice %arg14[%dma_start3A_1176, %dma_start3A_1177, %dma_start3A_1178] : memref<2x128x192xf32, #tpu.memory_space<vmem>> -> memref<1x128x192xf32, #tpu.memory_space<vmem>>
        %dma_start3A_1180 = tpu.memref_squeeze %dma_start3A_1179 : memref<1x128x192xf32, #tpu.memory_space<vmem>> -> memref<128x192xf32, #tpu.memory_space<vmem>>
        %dma_start3A_1181 = arith.constant 0 : i32
        %dma_start3A_1182 = tpu.memref_slice %arg13[%dma_start3A_1175, %dma_start3A_1181] : memref<2x128xi32, #tpu.memory_space<vmem>> -> memref<1x128xi32, #tpu.memory_space<vmem>>
        %dma_start3A_1183 = tpu.memref_squeeze %dma_start3A_1182 : memref<1x128xi32, #tpu.memory_space<vmem>> -> memref<128xi32, #tpu.memory_space<vmem>>
        %dma_start3A_1184 = arith.constant 0 : i32
        %dma_start3A_1185 = arith.constant 0 : i32
        %dma_start3A_1186 = tpu.memref_slice %arg11[%dma_start3A_1184, %dma_start3A_1185] : memref<1664x192xf32, #tpu.memory_space<vmem_shared>> -> memref<1664x192xf32, #tpu.memory_space<vmem_shared>>
        tpu.enqueue_indirect_dma source(%dma_start3A_1186 : memref<1664x192xf32, #tpu.memory_space<vmem_shared>>) target(%dma_start3A_1180 : memref<128x192xf32, #tpu.memory_space<vmem>>) offsets(%dma_start3A_1183 : memref<128xi32, #tpu.memory_space<vmem>>) semaphore(%arg16 : memref<!tpu.dma_semaphore, #tpu.memory_space<semaphore_mem>>)
      } else {
      }
      %dma_wait3A_940 = arith.constant 0 : i32
      %dma_wait3A_941 = arith.constant 0 : i32
      %dma_wait3A_942 = arith.constant 0 : i32
      %dma_wait3A_943 = arith.constant 0 : i32
      %dma_wait3A_944 = tpu.memref_slice %arg14[%dma_wait3A_941, %dma_wait3A_942, %dma_wait3A_943] : memref<2x128x192xf32, #tpu.memory_space<vmem>> -> memref<1x128x192xf32, #tpu.memory_space<vmem>>
      %dma_wait3A_945 = tpu.memref_squeeze %dma_wait3A_944 : memref<1x128x192xf32, #tpu.memory_space<vmem>> -> memref<128x192xf32, #tpu.memory_space<vmem>>
      %dma_wait3A_946 = arith.constant 0 : i32
      %dma_wait3A_947 = tpu.memref_slice %arg13[%dma_wait3A_940, %dma_wait3A_946] : memref<2x128xi32, #tpu.memory_space<vmem>> -> memref<1x128xi32, #tpu.memory_space<vmem>>
      %dma_wait3A_948 = tpu.memref_squeeze %dma_wait3A_947 : memref<1x128xi32, #tpu.memory_space<vmem>> -> memref<128xi32, #tpu.memory_space<vmem>>
      %dma_wait3A_949 = arith.constant 0 : i32
      %dma_wait3A_950 = arith.constant 0 : i32
      %dma_wait3A_951 = tpu.memref_slice %arg11[%dma_wait3A_949, %dma_wait3A_950] : memref<1664x192xf32, #tpu.memory_space<vmem_shared>> -> memref<1664x192xf32, #tpu.memory_space<vmem_shared>>
      tpu.wait_indirect_dma semaphore(%arg15 : memref<!tpu.dma_semaphore, #tpu.memory_space<semaphore_mem>>) src(%dma_wait3A_951 : memref<1664x192xf32, #tpu.memory_space<vmem_shared>>) dst(%dma_wait3A_945 : memref<128x192xf32, #tpu.memory_space<vmem>>)
      %mul3A_952 = arith.constant 128 : i32
      %mul3A_953 = arith.muli %add3A_935, %mul3A_952 : i32
      %add3A_954 = arith.addi %mul3A_9, %mul3A_953 : i32
      %dma_start3A_955 = arith.constant 0 : i32
      %dma_start3A_956 = arith.constant 0 : i32
      %dma_start3A_957 = arith.constant 0 : i32
      %dma_start3A_958 = tpu.memref_slice %arg14[%dma_start3A_955, %dma_start3A_956, %dma_start3A_957] : memref<2x128x192xf32, #tpu.memory_space<vmem>> -> memref<1x128x192xf32, #tpu.memory_space<vmem>>
      %dma_start3A_959 = tpu.memref_squeeze %dma_start3A_958 : memref<1x128x192xf32, #tpu.memory_space<vmem>> -> memref<128x192xf32, #tpu.memory_space<vmem>>
      %dma_start3A_960 = arith.constant 0 : i32
      %dma_start3A_961 = tpu.memref_slice %arg6[%add3A_954, %dma_start3A_960] : memref<1048576x192xf32, #tpu.memory_space<hbm>> -> memref<128x192xf32, #tpu.memory_space<hbm>>
      %dma_start3A_962 = arith.constant 0 : i32
      %dma_start3A_963 = tpu.memref_slice %arg6[%add3A_954, %dma_start3A_962] : memref<1048576x192xf32, #tpu.memory_space<hbm>> -> memref<128x192xf32, #tpu.memory_space<hbm>>
      %dma_start3A_964 = arith.constant 0 : i32
      %dma_start3A_965 = arith.constant 0 : i32
      %dma_start3A_966 = tpu.memref_slice %arg14[%dma_start3A_955, %dma_start3A_964, %dma_start3A_965] : memref<2x128x192xf32, #tpu.memory_space<vmem>> -> memref<1x128x192xf32, #tpu.memory_space<vmem>>
      %dma_start3A_967 = tpu.memref_squeeze %dma_start3A_966 : memref<1x128x192xf32, #tpu.memory_space<vmem>> -> memref<128x192xf32, #tpu.memory_space<vmem>>
      tpu.enqueue_dma source(%dma_start3A_967 : memref<128x192xf32, #tpu.memory_space<vmem>>) target(%dma_start3A_963 : memref<128x192xf32, #tpu.memory_space<hbm>>) target_semaphore(%arg17 : memref<!tpu.dma_semaphore, #tpu.memory_space<semaphore_mem>>)
      %mul3A_968 = arith.constant 2 : i32
      %mul3A_969 = arith.muli %scan3A_929, %mul3A_968 : i32
      %add3A_970 = arith.constant 1 : i32
      %add3A_971 = arith.addi %mul3A_969, %add3A_970 : i32
      %add3A_972 = arith.constant 0 : i32
      %add3A_973 = arith.addi %add3A_972, %add3A_971 : i32
      %add3A_974 = arith.constant 1 : i32
      %add3A_975 = arith.addi %add3A_971, %add3A_974 : i32
      %lt3A_976 = arith.constant 64 : i32
      %lt3A_977 = arith.cmpi slt, %add3A_975, %lt3A_976 : i32
      %convert_element_type3A_978 = arith.extui %lt3A_977 : i1 to i32
      %cond3A_979 = arith.constant 0 : i32
      %cond3A_980 = arith.cmpi ne, %convert_element_type3A_978, %cond3A_979 : i32
      scf.if %cond3A_980 {
        %add3A_1009 = arith.constant 1 : i32
        %add3A_1010 = arith.addi %add3A_971, %add3A_1009 : i32
        %mul3A_1011 = arith.constant 2 : i32
        %mul3A_1012 = arith.muli %add3A_1010, %mul3A_1011 : i32
        %add3A_1013 = arith.constant 0 : i32
        %add3A_1014 = arith.addi %mul3A_1012, %add3A_1013 : i32
        %get3A_1015 = arith.constant 0 : i32
        %get3A_1016 = arith.index_cast %get3A_1015 : i32 to index
        %get3A_1017 = arith.index_cast %add3A_1014 : i32 to index
        %get3A_1018 = arith.constant 0 : index
        %get3A_1019 = tpu.vector_load %arg12[%get3A_1016, %get3A_1017, %get3A_1018] {strides = array<i32>} : memref<2x128x64xi32, #tpu.memory_space<vmem>>, vector<1x1x16xi32>,
        %get3A_1020 = vector.shape_cast %get3A_1019 : vector<1x1x16xi32> to vector<16xi32>
        %mul3A_1021 = arith.constant 64 : i32
        %mul3A_1022 = vector.broadcast %mul3A_1021 : i32 to vector<16xi32>
        %mul3A_1023 = arith.muli %get3A_1020, %mul3A_1022 : vector<16xi32>
        %add3A_1024 = arith.constant 0 : i32
        %add3A_1025 = vector.broadcast %add3A_1024 : i32 to vector<16xi32>
        %add3A_1026 = arith.addi %iota3A, %add3A_1025 : vector<16xi32>
        %add3A_1027 = arith.addi %mul3A_1023, %add3A_1026 : vector<16xi32>
        %swap3A_1028 = arith.constant 0 : i32
        %swap3A_1029 = arith.index_cast %swap3A_1028 : i32 to index
        %swap3A_1030 = arith.constant 0 : index
        %swap3A_1031 = tpu.vector_load %arg13[%swap3A_1029, %swap3A_1030] {strides = array<i32>} : memref<2x128xi32, #tpu.memory_space<vmem>>, vector<1x16xi32>,
        %swap3A_1032 = vector.shape_cast %swap3A_1031 : vector<1x16xi32> to vector<16xi32>
        %swap3A_1033 = vector.shape_cast %add3A_1027 : vector<16xi32> to vector<1x16xi32>
        tpu.vector_store %arg13[%swap3A_1029, %swap3A_1030], %swap3A_1033 {strides = array<i32>} : memref<2x128xi32, #tpu.memory_space<vmem>>, vector<1x16xi32>,
        %get3A_1034 = arith.constant 0 : i32
        %get3A_1035 = arith.index_cast %get3A_1034 : i32 to index
        %get3A_1036 = arith.index_cast %add3A_1014 : i32 to index
        %get3A_1037 = arith.constant 16 : index
        %get3A_1038 = tpu.vector_load %arg12[%get3A_1035, %get3A_1036, %get3A_1037] {strides = array<i32>} : memref<2x128x64xi32, #tpu.memory_space<vmem>>, vector<1x1x16xi32>,
        %get3A_1039 = vector.shape_cast %get3A_1038 : vector<1x1x16xi32> to vector<16xi32>
        %mul3A_1040 = arith.constant 64 : i32
        %mul3A_1041 = vector.broadcast %mul3A_1040 : i32 to vector<16xi32>
        %mul3A_1042 = arith.muli %get3A_1039, %mul3A_1041 : vector<16xi32>
        %add3A_1043 = arith.constant 16 : i32
        %add3A_1044 = vector.broadcast %add3A_1043 : i32 to vector<16xi32>
        %add3A_1045 = arith.addi %iota3A, %add3A_1044 : vector<16xi32>
        %add3A_1046 = arith.addi %mul3A_1042, %add3A_1045 : vector<16xi32>
        %swap3A_1047 = arith.constant 0 : i32
        %swap3A_1048 = arith.index_cast %swap3A_1047 : i32 to index
        %swap3A_1049 = arith.constant 16 : index
        %swap3A_1050 = tpu.vector_load %arg13[%swap3A_1048, %swap3A_1049] {strides = array<i32>} : memref<2x128xi32, #tpu.memory_space<vmem>>, vector<1x16xi32>,
        %swap3A_1051 = vector.shape_cast %swap3A_1050 : vector<1x16xi32> to vector<16xi32>
        %swap3A_1052 = vector.shape_cast %add3A_1046 : vector<16xi32> to vector<1x16xi32>
        tpu.vector_store %arg13[%swap3A_1048, %swap3A_1049], %swap3A_1052 {strides = array<i32>} : memref<2x128xi32, #tpu.memory_space<vmem>>, vector<1x16xi32>,
        %get3A_1053 = arith.constant 0 : i32
        %get3A_1054 = arith.index_cast %get3A_1053 : i32 to index
        %get3A_1055 = arith.index_cast %add3A_1014 : i32 to index
        %get3A_1056 = arith.constant 32 : index
        %get3A_1057 = tpu.vector_load %arg12[%get3A_1054, %get3A_1055, %get3A_1056] {strides = array<i32>} : memref<2x128x64xi32, #tpu.memory_space<vmem>>, vector<1x1x16xi32>,
        %get3A_1058 = vector.shape_cast %get3A_1057 : vector<1x1x16xi32> to vector<16xi32>
        %mul3A_1059 = arith.constant 64 : i32
        %mul3A_1060 = vector.broadcast %mul3A_1059 : i32 to vector<16xi32>
        %mul3A_1061 = arith.muli %get3A_1058, %mul3A_1060 : vector<16xi32>
        %add3A_1062 = arith.constant 32 : i32
        %add3A_1063 = vector.broadcast %add3A_1062 : i32 to vector<16xi32>
        %add3A_1064 = arith.addi %iota3A, %add3A_1063 : vector<16xi32>
        %add3A_1065 = arith.addi %mul3A_1061, %add3A_1064 : vector<16xi32>
        %swap3A_1066 = arith.constant 0 : i32
        %swap3A_1067 = arith.index_cast %swap3A_1066 : i32 to index
        %swap3A_1068 = arith.constant 32 : index
        %swap3A_1069 = tpu.vector_load %arg13[%swap3A_1067, %swap3A_1068] {strides = array<i32>} : memref<2x128xi32, #tpu.memory_space<vmem>>, vector<1x16xi32>,
        %swap3A_1070 = vector.shape_cast %swap3A_1069 : vector<1x16xi32> to vector<16xi32>
        %swap3A_1071 = vector.shape_cast %add3A_1065 : vector<16xi32> to vector<1x16xi32>
        tpu.vector_store %arg13[%swap3A_1067, %swap3A_1068], %swap3A_1071 {strides = array<i32>} : memref<2x128xi32, #tpu.memory_space<vmem>>, vector<1x16xi32>,
        %get3A_1072 = arith.constant 0 : i32
        %get3A_1073 = arith.index_cast %get3A_1072 : i32 to index
        %get3A_1074 = arith.index_cast %add3A_1014 : i32 to index
        %get3A_1075 = arith.constant 48 : index
        %get3A_1076 = tpu.vector_load %arg12[%get3A_1073, %get3A_1074, %get3A_1075] {strides = array<i32>} : memref<2x128x64xi32, #tpu.memory_space<vmem>>, vector<1x1x16xi32>,
        %get3A_1077 = vector.shape_cast %get3A_1076 : vector<1x1x16xi32> to vector<16xi32>
        %mul3A_1078 = arith.constant 64 : i32
        %mul3A_1079 = vector.broadcast %mul3A_1078 : i32 to vector<16xi32>
        %mul3A_1080 = arith.muli %get3A_1077, %mul3A_1079 : vector<16xi32>
        %add3A_1081 = arith.constant 48 : i32
        %add3A_1082 = vector.broadcast %add3A_1081 : i32 to vector<16xi32>
        %add3A_1083 = arith.addi %iota3A, %add3A_1082 : vector<16xi32>
        %add3A_1084 = arith.addi %mul3A_1080, %add3A_1083 : vector<16xi32>
        %swap3A_1085 = arith.constant 0 : i32
        %swap3A_1086 = arith.index_cast %swap3A_1085 : i32 to index
        %swap3A_1087 = arith.constant 48 : index
        %swap3A_1088 = tpu.vector_load %arg13[%swap3A_1086, %swap3A_1087] {strides = array<i32>} : memref<2x128xi32, #tpu.memory_space<vmem>>, vector<1x16xi32>,
        %swap3A_1089 = vector.shape_cast %swap3A_1088 : vector<1x16xi32> to vector<16xi32>
        %swap3A_1090 = vector.shape_cast %add3A_1084 : vector<16xi32> to vector<1x16xi32>
        tpu.vector_store %arg13[%swap3A_1086, %swap3A_1087], %swap3A_1090 {strides = array<i32>} : memref<2x128xi32, #tpu.memory_space<vmem>>, vector<1x16xi32>,
        %mul3A_1091 = arith.constant 2 : i32
        %mul3A_1092 = arith.muli %add3A_1010, %mul3A_1091 : i32
        %add3A_1093 = arith.constant 1 : i32
        %add3A_1094 = arith.addi %mul3A_1092, %add3A_1093 : i32
        %get3A_1095 = arith.constant 0 : i32
        %get3A_1096 = arith.index_cast %get3A_1095 : i32 to index
        %get3A_1097 = arith.index_cast %add3A_1094 : i32 to index
        %get3A_1098 = arith.constant 0 : index
        %get3A_1099 = tpu.vector_load %arg12[%get3A_1096, %get3A_1097, %get3A_1098] {strides = array<i32>} : memref<2x128x64xi32, #tpu.memory_space<vmem>>, vector<1x1x16xi32>,
        %get3A_1100 = vector.shape_cast %get3A_1099 : vector<1x1x16xi32> to vector<16xi32>
        %mul3A_1101 = arith.constant 64 : i32
        %mul3A_1102 = vector.broadcast %mul3A_1101 : i32 to vector<16xi32>
        %mul3A_1103 = arith.muli %get3A_1100, %mul3A_1102 : vector<16xi32>
        %add3A_1104 = arith.constant 0 : i32
        %add3A_1105 = vector.broadcast %add3A_1104 : i32 to vector<16xi32>
        %add3A_1106 = arith.addi %iota3A, %add3A_1105 : vector<16xi32>
        %add3A_1107 = arith.addi %mul3A_1103, %add3A_1106 : vector<16xi32>
        %swap3A_1108 = arith.constant 0 : i32
        %swap3A_1109 = arith.index_cast %swap3A_1108 : i32 to index
        %swap3A_1110 = arith.constant 64 : index
        %swap3A_1111 = tpu.vector_load %arg13[%swap3A_1109, %swap3A_1110] {strides = array<i32>} : memref<2x128xi32, #tpu.memory_space<vmem>>, vector<1x16xi32>,
        %swap3A_1112 = vector.shape_cast %swap3A_1111 : vector<1x16xi32> to vector<16xi32>
        %swap3A_1113 = vector.shape_cast %add3A_1107 : vector<16xi32> to vector<1x16xi32>
        tpu.vector_store %arg13[%swap3A_1109, %swap3A_1110], %swap3A_1113 {strides = array<i32>} : memref<2x128xi32, #tpu.memory_space<vmem>>, vector<1x16xi32>,
        %get3A_1114 = arith.constant 0 : i32
        %get3A_1115 = arith.index_cast %get3A_1114 : i32 to index
        %get3A_1116 = arith.index_cast %add3A_1094 : i32 to index
        %get3A_1117 = arith.constant 16 : index
        %get3A_1118 = tpu.vector_load %arg12[%get3A_1115, %get3A_1116, %get3A_1117] {strides = array<i32>} : memref<2x128x64xi32, #tpu.memory_space<vmem>>, vector<1x1x16xi32>,
        %get3A_1119 = vector.shape_cast %get3A_1118 : vector<1x1x16xi32> to vector<16xi32>
        %mul3A_1120 = arith.constant 64 : i32
        %mul3A_1121 = vector.broadcast %mul3A_1120 : i32 to vector<16xi32>
        %mul3A_1122 = arith.muli %get3A_1119, %mul3A_1121 : vector<16xi32>
        %add3A_1123 = arith.constant 16 : i32
        %add3A_1124 = vector.broadcast %add3A_1123 : i32 to vector<16xi32>
        %add3A_1125 = arith.addi %iota3A, %add3A_1124 : vector<16xi32>
        %add3A_1126 = arith.addi %mul3A_1122, %add3A_1125 : vector<16xi32>
        %swap3A_1127 = arith.constant 0 : i32
        %swap3A_1128 = arith.index_cast %swap3A_1127 : i32 to index
        %swap3A_1129 = arith.constant 80 : index
        %swap3A_1130 = tpu.vector_load %arg13[%swap3A_1128, %swap3A_1129] {strides = array<i32>} : memref<2x128xi32, #tpu.memory_space<vmem>>, vector<1x16xi32>,
        %swap3A_1131 = vector.shape_cast %swap3A_1130 : vector<1x16xi32> to vector<16xi32>
        %swap3A_1132 = vector.shape_cast %add3A_1126 : vector<16xi32> to vector<1x16xi32>
        tpu.vector_store %arg13[%swap3A_1128, %swap3A_1129], %swap3A_1132 {strides = array<i32>} : memref<2x128xi32, #tpu.memory_space<vmem>>, vector<1x16xi32>,
        %get3A_1133 = arith.constant 0 : i32
        %get3A_1134 = arith.index_cast %get3A_1133 : i32 to index
        %get3A_1135 = arith.index_cast %add3A_1094 : i32 to index
        %get3A_1136 = arith.constant 32 : index
        %get3A_1137 = tpu.vector_load %arg12[%get3A_1134, %get3A_1135, %get3A_1136] {strides = array<i32>} : memref<2x128x64xi32, #tpu.memory_space<vmem>>, vector<1x1x16xi32>,
        %get3A_1138 = vector.shape_cast %get3A_1137 : vector<1x1x16xi32> to vector<16xi32>
        %mul3A_1139 = arith.constant 64 : i32
        %mul3A_1140 = vector.broadcast %mul3A_1139 : i32 to vector<16xi32>
        %mul3A_1141 = arith.muli %get3A_1138, %mul3A_1140 : vector<16xi32>
        %add3A_1142 = arith.constant 32 : i32
        %add3A_1143 = vector.broadcast %add3A_1142 : i32 to vector<16xi32>
        %add3A_1144 = arith.addi %iota3A, %add3A_1143 : vector<16xi32>
        %add3A_1145 = arith.addi %mul3A_1141, %add3A_1144 : vector<16xi32>
        %swap3A_1146 = arith.constant 0 : i32
        %swap3A_1147 = arith.index_cast %swap3A_1146 : i32 to index
        %swap3A_1148 = arith.constant 96 : index
        %swap3A_1149 = tpu.vector_load %arg13[%swap3A_1147, %swap3A_1148] {strides = array<i32>} : memref<2x128xi32, #tpu.memory_space<vmem>>, vector<1x16xi32>,
        %swap3A_1150 = vector.shape_cast %swap3A_1149 : vector<1x16xi32> to vector<16xi32>
        %swap3A_1151 = vector.shape_cast %add3A_1145 : vector<16xi32> to vector<1x16xi32>
        tpu.vector_store %arg13[%swap3A_1147, %swap3A_1148], %swap3A_1151 {strides = array<i32>} : memref<2x128xi32, #tpu.memory_space<vmem>>, vector<1x16xi32>,
        %get3A_1152 = arith.constant 0 : i32
        %get3A_1153 = arith.index_cast %get3A_1152 : i32 to index
        %get3A_1154 = arith.index_cast %add3A_1094 : i32 to index
        %get3A_1155 = arith.constant 48 : index
        %get3A_1156 = tpu.vector_load %arg12[%get3A_1153, %get3A_1154, %get3A_1155] {strides = array<i32>} : memref<2x128x64xi32, #tpu.memory_space<vmem>>, vector<1x1x16xi32>,
        %get3A_1157 = vector.shape_cast %get3A_1156 : vector<1x1x16xi32> to vector<16xi32>
        %mul3A_1158 = arith.constant 64 : i32
        %mul3A_1159 = vector.broadcast %mul3A_1158 : i32 to vector<16xi32>
        %mul3A_1160 = arith.muli %get3A_1157, %mul3A_1159 : vector<16xi32>
        %add3A_1161 = arith.constant 48 : i32
        %add3A_1162 = vector.broadcast %add3A_1161 : i32 to vector<16xi32>
        %add3A_1163 = arith.addi %iota3A, %add3A_1162 : vector<16xi32>
        %add3A_1164 = arith.addi %mul3A_1160, %add3A_1163 : vector<16xi32>
        %swap3A_1165 = arith.constant 0 : i32
        %swap3A_1166 = arith.index_cast %swap3A_1165 : i32 to index
        %swap3A_1167 = arith.constant 112 : index
        %swap3A_1168 = tpu.vector_load %arg13[%swap3A_1166, %swap3A_1167] {strides = array<i32>} : memref<2x128xi32, #tpu.memory_space<vmem>>, vector<1x16xi32>,
        %swap3A_1169 = vector.shape_cast %swap3A_1168 : vector<1x16xi32> to vector<16xi32>
        %swap3A_1170 = vector.shape_cast %add3A_1164 : vector<16xi32> to vector<1x16xi32>
        tpu.vector_store %arg13[%swap3A_1166, %swap3A_1167], %swap3A_1170 {strides = array<i32>} : memref<2x128xi32, #tpu.memory_space<vmem>>, vector<1x16xi32>,
        %ge3A = arith.constant 1 : i32
        %ge3A_1171 = arith.cmpi sge, %add3A_973, %ge3A : i32
        %convert_element_type3A_1172 = arith.extui %ge3A_1171 : i1 to i32
        %cond3A_1173 = arith.constant 0 : i32
        %cond3A_1174 = arith.cmpi ne, %convert_element_type3A_1172, %cond3A_1173 : i32
        scf.if %cond3A_1174 {
          %sub3A = arith.constant 1 : i32
          %sub3A_1187 = arith.subi %add3A_973, %sub3A : i32
          %mul3A_1188 = arith.constant 128 : i32
          %mul3A_1189 = arith.muli %sub3A_1187, %mul3A_1188 : i32
          %add3A_1190 = arith.addi %mul3A_9, %mul3A_1189 : i32
          %dma_wait3A_1191 = arith.constant 0 : i32
          %dma_wait3A_1192 = arith.constant 0 : i32
          %dma_wait3A_1193 = arith.constant 0 : i32
          %dma_wait3A_1194 = tpu.memref_slice %arg14[%dma_wait3A_1191, %dma_wait3A_1192, %dma_wait3A_1193] : memref<2x128x192xf32, #tpu.memory_space<vmem>> -> memref<1x128x192xf32, #tpu.memory_space<vmem>>
          %dma_wait3A_1195 = tpu.memref_squeeze %dma_wait3A_1194 : memref<1x128x192xf32, #tpu.memory_space<vmem>> -> memref<128x192xf32, #tpu.memory_space<vmem>>
          %dma_wait3A_1196 = arith.constant 0 : i32
          %dma_wait3A_1197 = tpu.memref_slice %arg6[%add3A_1190, %dma_wait3A_1196] : memref<1048576x192xf32, #tpu.memory_space<hbm>> -> memref<128x192xf32, #tpu.memory_space<hbm>>
          %dma_wait3A_1198 = arith.constant 0 : i32
          %dma_wait3A_1199 = tpu.memref_slice %arg6[%add3A_1190, %dma_wait3A_1198] : memref<1048576x192xf32, #tpu.memory_space<hbm>> -> memref<128x192xf32, #tpu.memory_space<hbm>>
          %dma_wait3A_1200 = arith.constant 0 : i32
          %dma_wait3A_1201 = arith.constant 0 : i32
          %dma_wait3A_1202 = tpu.memref_slice %arg14[%dma_wait3A_1191, %dma_wait3A_1200, %dma_wait3A_1201] : memref<2x128x192xf32, #tpu.memory_space<vmem>> -> memref<1x128x192xf32, #tpu.memory_space<vmem>>
          %dma_wait3A_1203 = tpu.memref_squeeze %dma_wait3A_1202 : memref<1x128x192xf32, #tpu.memory_space<vmem>> -> memref<128x192xf32, #tpu.memory_space<vmem>>
          tpu.wait_dma2 semaphore(%arg17 : memref<!tpu.dma_semaphore, #tpu.memory_space<semaphore_mem>>) src(%dma_wait3A_1203 : memref<128x192xf32, #tpu.memory_space<vmem>>) dst(%dma_wait3A_1199 : memref<128x192xf32, #tpu.memory_space<hbm>>)
        } else {
        }
        %dma_start3A_1175 = arith.constant 0 : i32
        %dma_start3A_1176 = arith.constant 0 : i32
        %dma_start3A_1177 = arith.constant 0 : i32
        %dma_start3A_1178 = arith.constant 0 : i32
        %dma_start3A_1179 = tpu.memref_slice %arg14[%dma_start3A_1176, %dma_start3A_1177, %dma_start3A_1178] : memref<2x128x192xf32, #tpu.memory_space<vmem>> -> memref<1x128x192xf32, #tpu.memory_space<vmem>>
        %dma_start3A_1180 = tpu.memref_squeeze %dma_start3A_1179 : memref<1x128x192xf32, #tpu.memory_space<vmem>> -> memref<128x192xf32, #tpu.memory_space<vmem>>
        %dma_start3A_1181 = arith.constant 0 : i32
        %dma_start3A_1182 = tpu.memref_slice %arg13[%dma_start3A_1175, %dma_start3A_1181] : memref<2x128xi32, #tpu.memory_space<vmem>> -> memref<1x128xi32, #tpu.memory_space<vmem>>
        %dma_start3A_1183 = tpu.memref_squeeze %dma_start3A_1182 : memref<1x128xi32, #tpu.memory_space<vmem>> -> memref<128xi32, #tpu.memory_space<vmem>>
        %dma_start3A_1184 = arith.constant 0 : i32
        %dma_start3A_1185 = arith.constant 0 : i32
        %dma_start3A_1186 = tpu.memref_slice %arg11[%dma_start3A_1184, %dma_start3A_1185] : memref<1664x192xf32, #tpu.memory_space<vmem_shared>> -> memref<1664x192xf32, #tpu.memory_space<vmem_shared>>
        tpu.enqueue_indirect_dma source(%dma_start3A_1186 : memref<1664x192xf32, #tpu.memory_space<vmem_shared>>) target(%dma_start3A_1180 : memref<128x192xf32, #tpu.memory_space<vmem>>) offsets(%dma_start3A_1183 : memref<128xi32, #tpu.memory_space<vmem>>) semaphore(%arg15 : memref<!tpu.dma_semaphore, #tpu.memory_space<semaphore_mem>>)
      } else {
      }
      %dma_wait3A_981 = arith.constant 1 : i32
      %dma_wait3A_982 = arith.constant 1 : i32
      %dma_wait3A_983 = arith.constant 0 : i32
      %dma_wait3A_984 = arith.constant 0 : i32
      %dma_wait3A_985 = tpu.memref_slice %arg14[%dma_wait3A_982, %dma_wait3A_983, %dma_wait3A_984] : memref<2x128x192xf32, #tpu.memory_space<vmem>> -> memref<1x128x192xf32, #tpu.memory_space<vmem>>
      %dma_wait3A_986 = tpu.memref_squeeze %dma_wait3A_985 : memref<1x128x192xf32, #tpu.memory_space<vmem>> -> memref<128x192xf32, #tpu.memory_space<vmem>>
      %dma_wait3A_987 = arith.constant 0 : i32
      %dma_wait3A_988 = tpu.memref_slice %arg13[%dma_wait3A_981, %dma_wait3A_987] : memref<2x128xi32, #tpu.memory_space<vmem>> -> memref<1x128xi32, #tpu.memory_space<vmem>>
      %dma_wait3A_989 = tpu.memref_squeeze %dma_wait3A_988 : memref<1x128xi32, #tpu.memory_space<vmem>> -> memref<128xi32, #tpu.memory_space<vmem>>
      %dma_wait3A_990 = arith.constant 0 : i32
      %dma_wait3A_991 = arith.constant 0 : i32
      %dma_wait3A_992 = tpu.memref_slice %arg11[%dma_wait3A_990, %dma_wait3A_991] : memref<1664x192xf32, #tpu.memory_space<vmem_shared>> -> memref<1664x192xf32, #tpu.memory_space<vmem_shared>>
      tpu.wait_indirect_dma semaphore(%arg16 : memref<!tpu.dma_semaphore, #tpu.memory_space<semaphore_mem>>) src(%dma_wait3A_992 : memref<1664x192xf32, #tpu.memory_space<vmem_shared>>) dst(%dma_wait3A_986 : memref<128x192xf32, #tpu.memory_space<vmem>>)
      %mul3A_993 = arith.constant 128 : i32
      %mul3A_994 = arith.muli %add3A_973, %mul3A_993 : i32
      %add3A_995 = arith.addi %mul3A_9, %mul3A_994 : i32
      %dma_start3A_996 = arith.constant 1 : i32
      %dma_start3A_997 = arith.constant 0 : i32
      %dma_start3A_998 = arith.constant 0 : i32
      %dma_start3A_999 = tpu.memref_slice %arg14[%dma_start3A_996, %dma_start3A_997, %dma_start3A_998] : memref<2x128x192xf32, #tpu.memory_space<vmem>> -> memref<1x128x192xf32, #tpu.memory_space<vmem>>
      %dma_start3A_1000 = tpu.memref_squeeze %dma_start3A_999 : memref<1x128x192xf32, #tpu.memory_space<vmem>> -> memref<128x192xf32, #tpu.memory_space<vmem>>
      %dma_start3A_1001 = arith.constant 0 : i32
      %dma_start3A_1002 = tpu.memref_slice %arg6[%add3A_995, %dma_start3A_1001] : memref<1048576x192xf32, #tpu.memory_space<hbm>> -> memref<128x192xf32, #tpu.memory_space<hbm>>
      %dma_start3A_1003 = arith.constant 0 : i32
      %dma_start3A_1004 = tpu.memref_slice %arg6[%add3A_995, %dma_start3A_1003] : memref<1048576x192xf32, #tpu.memory_space<hbm>> -> memref<128x192xf32, #tpu.memory_space<hbm>>
      %dma_start3A_1005 = arith.constant 0 : i32
      %dma_start3A_1006 = arith.constant 0 : i32
      %dma_start3A_1007 = tpu.memref_slice %arg14[%dma_start3A_996, %dma_start3A_1005, %dma_start3A_1006] : memref<2x128x192xf32, #tpu.memory_space<vmem>> -> memref<1x128x192xf32, #tpu.memory_space<vmem>>
      %dma_start3A_1008 = tpu.memref_squeeze %dma_start3A_1007 : memref<1x128x192xf32, #tpu.memory_space<vmem>> -> memref<128x192xf32, #tpu.memory_space<vmem>>
      tpu.enqueue_dma source(%dma_start3A_1008 : memref<128x192xf32, #tpu.memory_space<vmem>>) target(%dma_start3A_1004 : memref<128x192xf32, #tpu.memory_space<hbm>>) target_semaphore(%arg18 : memref<!tpu.dma_semaphore, #tpu.memory_space<semaphore_mem>>)
    }
    %scan3A_234 = arith.constant 32 : i32
    %mul3A_235 = arith.constant 512 : i32
    %mul3A_236 = arith.muli %add3A, %mul3A_235 : i32
    %add3A_237 = arith.constant 128 : i32
    %add3A_238 = arith.addi %mul3A_236, %add3A_237 : i32
    %dma_wait3A_239 = arith.constant 1 : i32
    %dma_wait3A_240 = arith.constant 0 : i32
    %dma_wait3A_241 = arith.constant 0 : i32
    %dma_wait3A_242 = tpu.memref_slice %arg12[%dma_wait3A_239, %dma_wait3A_240, %dma_wait3A_241] : memref<2x128x64xi32, #tpu.memory_space<vmem>> -> memref<1x128x64xi32, #tpu.memory_space<vmem>>
    %dma_wait3A_243 = tpu.memref_squeeze %dma_wait3A_242 : memref<1x128x64xi32, #tpu.memory_space<vmem>> -> memref<128x64xi32, #tpu.memory_space<vmem>>
    %dma_wait3A_244 = arith.constant 0 : i32
    %dma_wait3A_245 = tpu.memref_slice %arg2[%add3A_238, %dma_wait3A_244] : memref<16384x64xi32, #tpu.memory_space<hbm>> -> memref<128x64xi32, #tpu.memory_space<hbm>>
    %dma_wait3A_246 = arith.constant 0 : i32
    %dma_wait3A_247 = arith.constant 0 : i32
    %dma_wait3A_248 = tpu.memref_slice %arg12[%dma_wait3A_239, %dma_wait3A_246, %dma_wait3A_247] : memref<2x128x64xi32, #tpu.memory_space<vmem>> -> memref<1x128x64xi32, #tpu.memory_space<vmem>>
    %dma_wait3A_249 = tpu.memref_squeeze %dma_wait3A_248 : memref<1x128x64xi32, #tpu.memory_space<vmem>> -> memref<128x64xi32, #tpu.memory_space<vmem>>
    %dma_wait3A_250 = arith.constant 0 : i32
    %dma_wait3A_251 = tpu.memref_slice %arg2[%add3A_238, %dma_wait3A_250] : memref<16384x64xi32, #tpu.memory_space<hbm>> -> memref<128x64xi32, #tpu.memory_space<hbm>>
    tpu.wait_dma2 semaphore(%arg19 : memref<!tpu.dma_semaphore, #tpu.memory_space<semaphore_mem>>) src(%dma_wait3A_251 : memref<128x64xi32, #tpu.memory_space<hbm>>) dst(%dma_wait3A_249 : memref<128x64xi32, #tpu.memory_space<vmem>>)
    %mul3A_252 = arith.constant 512 : i32
    %mul3A_253 = arith.muli %add3A, %mul3A_252 : i32
    %add3A_254 = arith.constant 256 : i32
    %add3A_255 = arith.addi %mul3A_253, %add3A_254 : i32
    %dma_start3A_256 = arith.constant 0 : i32
    %dma_start3A_257 = arith.constant 0 : i32
    %dma_start3A_258 = arith.constant 0 : i32
    %dma_start3A_259 = tpu.memref_slice %arg12[%dma_start3A_256, %dma_start3A_257, %dma_start3A_258] : memref<2x128x64xi32, #tpu.memory_space<vmem>> -> memref<1x128x64xi32, #tpu.memory_space<vmem>>
    %dma_start3A_260 = tpu.memref_squeeze %dma_start3A_259 : memref<1x128x64xi32, #tpu.memory_space<vmem>> -> memref<128x64xi32, #tpu.memory_space<vmem>>
    %dma_start3A_261 = arith.constant 0 : i32
    %dma_start3A_262 = tpu.memref_slice %arg2[%add3A_255, %dma_start3A_261] : memref<16384x64xi32, #tpu.memory_space<hbm>> -> memref<128x64xi32, #tpu.memory_space<hbm>>
    %dma_start3A_263 = arith.constant 0 : i32
    %dma_start3A_264 = arith.constant 0 : i32
    %dma_start3A_265 = tpu.memref_slice %arg12[%dma_start3A_256, %dma_start3A_263, %dma_start3A_264] : memref<2x128x64xi32, #tpu.memory_space<vmem>> -> memref<1x128x64xi32, #tpu.memory_space<vmem>>
    %dma_start3A_266 = tpu.memref_squeeze %dma_start3A_265 : memref<1x128x64xi32, #tpu.memory_space<vmem>> -> memref<128x64xi32, #tpu.memory_space<vmem>>
    %dma_start3A_267 = arith.constant 0 : i32
    %dma_start3A_268 = tpu.memref_slice %arg2[%add3A_255, %dma_start3A_267] : memref<16384x64xi32, #tpu.memory_space<hbm>> -> memref<128x64xi32, #tpu.memory_space<hbm>>
    tpu.enqueue_dma source(%dma_start3A_268 : memref<128x64xi32, #tpu.memory_space<hbm>>) target(%dma_start3A_266 : memref<128x64xi32, #tpu.memory_space<vmem>>) target_semaphore(%arg19 : memref<!tpu.dma_semaphore, #tpu.memory_space<semaphore_mem>>)
    %get3A_269 = arith.constant 1 : i32
    %get3A_270 = arith.constant 0 : i32
    %get3A_271 = arith.index_cast %get3A_269 : i32 to index
    %get3A_272 = arith.index_cast %get3A_270 : i32 to index
    %get3A_273 = arith.constant 0 : index
    %get3A_274 = tpu.vector_load %arg12[%get3A_271, %get3A_272, %get3A_273] {strides = array<i32>} : memref<2x128x64xi32, #tpu.memory_space<vmem>>, vector<1x1x16xi32>,
    %get3A_275 = vector.shape_cast %get3A_274 : vector<1x1x16xi32> to vector<16xi32>
    %mul3A_276 = arith.constant 64 : i32
    %mul3A_277 = vector.broadcast %mul3A_276 : i32 to vector<16xi32>
    %mul3A_278 = arith.muli %get3A_275, %mul3A_277 : vector<16xi32>
    %add3A_279 = arith.constant 0 : i32
    %add3A_280 = vector.broadcast %add3A_279 : i32 to vector<16xi32>
    %add3A_281 = arith.addi %iota3A, %add3A_280 : vector<16xi32>
    %add3A_282 = arith.addi %mul3A_278, %add3A_281 : vector<16xi32>
    %swap3A_283 = arith.constant 0 : i32
    %swap3A_284 = arith.index_cast %swap3A_283 : i32 to index
    %swap3A_285 = arith.constant 0 : index
    %swap3A_286 = tpu.vector_load %arg13[%swap3A_284, %swap3A_285] {strides = array<i32>} : memref<2x128xi32, #tpu.memory_space<vmem>>, vector<1x16xi32>,
    %swap3A_287 = vector.shape_cast %swap3A_286 : vector<1x16xi32> to vector<16xi32>
    %swap3A_288 = vector.shape_cast %add3A_282 : vector<16xi32> to vector<1x16xi32>
    tpu.vector_store %arg13[%swap3A_284, %swap3A_285], %swap3A_288 {strides = array<i32>} : memref<2x128xi32, #tpu.memory_space<vmem>>, vector<1x16xi32>,
    %get3A_289 = arith.constant 1 : i32
    %get3A_290 = arith.constant 0 : i32
    %get3A_291 = arith.index_cast %get3A_289 : i32 to index
    %get3A_292 = arith.index_cast %get3A_290 : i32 to index
    %get3A_293 = arith.constant 16 : index
    %get3A_294 = tpu.vector_load %arg12[%get3A_291, %get3A_292, %get3A_293] {strides = array<i32>} : memref<2x128x64xi32, #tpu.memory_space<vmem>>, vector<1x1x16xi32>,
    %get3A_295 = vector.shape_cast %get3A_294 : vector<1x1x16xi32> to vector<16xi32>
    %mul3A_296 = arith.constant 64 : i32
    %mul3A_297 = vector.broadcast %mul3A_296 : i32 to vector<16xi32>
    %mul3A_298 = arith.muli %get3A_295, %mul3A_297 : vector<16xi32>
    %add3A_299 = arith.constant 16 : i32
    %add3A_300 = vector.broadcast %add3A_299 : i32 to vector<16xi32>
    %add3A_301 = arith.addi %iota3A, %add3A_300 : vector<16xi32>
    %add3A_302 = arith.addi %mul3A_298, %add3A_301 : vector<16xi32>
    %swap3A_303 = arith.constant 0 : i32
    %swap3A_304 = arith.index_cast %swap3A_303 : i32 to index
    %swap3A_305 = arith.constant 16 : index
    %swap3A_306 = tpu.vector_load %arg13[%swap3A_304, %swap3A_305] {strides = array<i32>} : memref<2x128xi32, #tpu.memory_space<vmem>>, vector<1x16xi32>,
    %swap3A_307 = vector.shape_cast %swap3A_306 : vector<1x16xi32> to vector<16xi32>
    %swap3A_308 = vector.shape_cast %add3A_302 : vector<16xi32> to vector<1x16xi32>
    tpu.vector_store %arg13[%swap3A_304, %swap3A_305], %swap3A_308 {strides = array<i32>} : memref<2x128xi32, #tpu.memory_space<vmem>>, vector<1x16xi32>,
    %get3A_309 = arith.constant 1 : i32
    %get3A_310 = arith.constant 0 : i32
    %get3A_311 = arith.index_cast %get3A_309 : i32 to index
    %get3A_312 = arith.index_cast %get3A_310 : i32 to index
    %get3A_313 = arith.constant 32 : index
    %get3A_314 = tpu.vector_load %arg12[%get3A_311, %get3A_312, %get3A_313] {strides = array<i32>} : memref<2x128x64xi32, #tpu.memory_space<vmem>>, vector<1x1x16xi32>,
    %get3A_315 = vector.shape_cast %get3A_314 : vector<1x1x16xi32> to vector<16xi32>
    %mul3A_316 = arith.constant 64 : i32
    %mul3A_317 = vector.broadcast %mul3A_316 : i32 to vector<16xi32>
    %mul3A_318 = arith.muli %get3A_315, %mul3A_317 : vector<16xi32>
    %add3A_319 = arith.constant 32 : i32
    %add3A_320 = vector.broadcast %add3A_319 : i32 to vector<16xi32>
    %add3A_321 = arith.addi %iota3A, %add3A_320 : vector<16xi32>
    %add3A_322 = arith.addi %mul3A_318, %add3A_321 : vector<16xi32>
    %swap3A_323 = arith.constant 0 : i32
    %swap3A_324 = arith.index_cast %swap3A_323 : i32 to index
    %swap3A_325 = arith.constant 32 : index
    %swap3A_326 = tpu.vector_load %arg13[%swap3A_324, %swap3A_325] {strides = array<i32>} : memref<2x128xi32, #tpu.memory_space<vmem>>, vector<1x16xi32>,
    %swap3A_327 = vector.shape_cast %swap3A_326 : vector<1x16xi32> to vector<16xi32>
    %swap3A_328 = vector.shape_cast %add3A_322 : vector<16xi32> to vector<1x16xi32>
    tpu.vector_store %arg13[%swap3A_324, %swap3A_325], %swap3A_328 {strides = array<i32>} : memref<2x128xi32, #tpu.memory_space<vmem>>, vector<1x16xi32>,
    %get3A_329 = arith.constant 1 : i32
    %get3A_330 = arith.constant 0 : i32
    %get3A_331 = arith.index_cast %get3A_329 : i32 to index
    %get3A_332 = arith.index_cast %get3A_330 : i32 to index
    %get3A_333 = arith.constant 48 : index
    %get3A_334 = tpu.vector_load %arg12[%get3A_331, %get3A_332, %get3A_333] {strides = array<i32>} : memref<2x128x64xi32, #tpu.memory_space<vmem>>, vector<1x1x16xi32>,
    %get3A_335 = vector.shape_cast %get3A_334 : vector<1x1x16xi32> to vector<16xi32>
    %mul3A_336 = arith.constant 64 : i32
    %mul3A_337 = vector.broadcast %mul3A_336 : i32 to vector<16xi32>
    %mul3A_338 = arith.muli %get3A_335, %mul3A_337 : vector<16xi32>
    %add3A_339 = arith.constant 48 : i32
    %add3A_340 = vector.broadcast %add3A_339 : i32 to vector<16xi32>
    %add3A_341 = arith.addi %iota3A, %add3A_340 : vector<16xi32>
    %add3A_342 = arith.addi %mul3A_338, %add3A_341 : vector<16xi32>
    %swap3A_343 = arith.constant 0 : i32
    %swap3A_344 = arith.index_cast %swap3A_343 : i32 to index
    %swap3A_345 = arith.constant 48 : index
    %swap3A_346 = tpu.vector_load %arg13[%swap3A_344, %swap3A_345] {strides = array<i32>} : memref<2x128xi32, #tpu.memory_space<vmem>>, vector<1x16xi32>,
    %swap3A_347 = vector.shape_cast %swap3A_346 : vector<1x16xi32> to vector<16xi32>
    %swap3A_348 = vector.shape_cast %add3A_342 : vector<16xi32> to vector<1x16xi32>
    tpu.vector_store %arg13[%swap3A_344, %swap3A_345], %swap3A_348 {strides = array<i32>} : memref<2x128xi32, #tpu.memory_space<vmem>>, vector<1x16xi32>,
    %get3A_349 = arith.constant 1 : i32
    %get3A_350 = arith.constant 1 : i32
    %get3A_351 = arith.index_cast %get3A_349 : i32 to index
    %get3A_352 = arith.index_cast %get3A_350 : i32 to index
    %get3A_353 = arith.constant 0 : index
    %get3A_354 = tpu.vector_load %arg12[%get3A_351, %get3A_352, %get3A_353] {strides = array<i32>} : memref<2x128x64xi32, #tpu.memory_space<vmem>>, vector<1x1x16xi32>,
    %get3A_355 = vector.shape_cast %get3A_354 : vector<1x1x16xi32> to vector<16xi32>
    %mul3A_356 = arith.constant 64 : i32
    %mul3A_357 = vector.broadcast %mul3A_356 : i32 to vector<16xi32>
    %mul3A_358 = arith.muli %get3A_355, %mul3A_357 : vector<16xi32>
    %add3A_359 = arith.constant 0 : i32
    %add3A_360 = vector.broadcast %add3A_359 : i32 to vector<16xi32>
    %add3A_361 = arith.addi %iota3A, %add3A_360 : vector<16xi32>
    %add3A_362 = arith.addi %mul3A_358, %add3A_361 : vector<16xi32>
    %swap3A_363 = arith.constant 0 : i32
    %swap3A_364 = arith.index_cast %swap3A_363 : i32 to index
    %swap3A_365 = arith.constant 64 : index
    %swap3A_366 = tpu.vector_load %arg13[%swap3A_364, %swap3A_365] {strides = array<i32>} : memref<2x128xi32, #tpu.memory_space<vmem>>, vector<1x16xi32>,
    %swap3A_367 = vector.shape_cast %swap3A_366 : vector<1x16xi32> to vector<16xi32>
    %swap3A_368 = vector.shape_cast %add3A_362 : vector<16xi32> to vector<1x16xi32>
    tpu.vector_store %arg13[%swap3A_364, %swap3A_365], %swap3A_368 {strides = array<i32>} : memref<2x128xi32, #tpu.memory_space<vmem>>, vector<1x16xi32>,
    %get3A_369 = arith.constant 1 : i32
    %get3A_370 = arith.constant 1 : i32
    %get3A_371 = arith.index_cast %get3A_369 : i32 to index
    %get3A_372 = arith.index_cast %get3A_370 : i32 to index
    %get3A_373 = arith.constant 16 : index
    %get3A_374 = tpu.vector_load %arg12[%get3A_371, %get3A_372, %get3A_373] {strides = array<i32>} : memref<2x128x64xi32, #tpu.memory_space<vmem>>, vector<1x1x16xi32>,
    %get3A_375 = vector.shape_cast %get3A_374 : vector<1x1x16xi32> to vector<16xi32>
    %mul3A_376 = arith.constant 64 : i32
    %mul3A_377 = vector.broadcast %mul3A_376 : i32 to vector<16xi32>
    %mul3A_378 = arith.muli %get3A_375, %mul3A_377 : vector<16xi32>
    %add3A_379 = arith.constant 16 : i32
    %add3A_380 = vector.broadcast %add3A_379 : i32 to vector<16xi32>
    %add3A_381 = arith.addi %iota3A, %add3A_380 : vector<16xi32>
    %add3A_382 = arith.addi %mul3A_378, %add3A_381 : vector<16xi32>
    %swap3A_383 = arith.constant 0 : i32
    %swap3A_384 = arith.index_cast %swap3A_383 : i32 to index
    %swap3A_385 = arith.constant 80 : index
    %swap3A_386 = tpu.vector_load %arg13[%swap3A_384, %swap3A_385] {strides = array<i32>} : memref<2x128xi32, #tpu.memory_space<vmem>>, vector<1x16xi32>,
    %swap3A_387 = vector.shape_cast %swap3A_386 : vector<1x16xi32> to vector<16xi32>
    %swap3A_388 = vector.shape_cast %add3A_382 : vector<16xi32> to vector<1x16xi32>
    tpu.vector_store %arg13[%swap3A_384, %swap3A_385], %swap3A_388 {strides = array<i32>} : memref<2x128xi32, #tpu.memory_space<vmem>>, vector<1x16xi32>,
    %get3A_389 = arith.constant 1 : i32
    %get3A_390 = arith.constant 1 : i32
    %get3A_391 = arith.index_cast %get3A_389 : i32 to index
    %get3A_392 = arith.index_cast %get3A_390 : i32 to index
    %get3A_393 = arith.constant 32 : index
    %get3A_394 = tpu.vector_load %arg12[%get3A_391, %get3A_392, %get3A_393] {strides = array<i32>} : memref<2x128x64xi32, #tpu.memory_space<vmem>>, vector<1x1x16xi32>,
    %get3A_395 = vector.shape_cast %get3A_394 : vector<1x1x16xi32> to vector<16xi32>
    %mul3A_396 = arith.constant 64 : i32
    %mul3A_397 = vector.broadcast %mul3A_396 : i32 to vector<16xi32>
    %mul3A_398 = arith.muli %get3A_395, %mul3A_397 : vector<16xi32>
    %add3A_399 = arith.constant 32 : i32
    %add3A_400 = vector.broadcast %add3A_399 : i32 to vector<16xi32>
    %add3A_401 = arith.addi %iota3A, %add3A_400 : vector<16xi32>
    %add3A_402 = arith.addi %mul3A_398, %add3A_401 : vector<16xi32>
    %swap3A_403 = arith.constant 0 : i32
    %swap3A_404 = arith.index_cast %swap3A_403 : i32 to index
    %swap3A_405 = arith.constant 96 : index
    %swap3A_406 = tpu.vector_load %arg13[%swap3A_404, %swap3A_405] {strides = array<i32>} : memref<2x128xi32, #tpu.memory_space<vmem>>, vector<1x16xi32>,
    %swap3A_407 = vector.shape_cast %swap3A_406 : vector<1x16xi32> to vector<16xi32>
    %swap3A_408 = vector.shape_cast %add3A_402 : vector<16xi32> to vector<1x16xi32>
    tpu.vector_store %arg13[%swap3A_404, %swap3A_405], %swap3A_408 {strides = array<i32>} : memref<2x128xi32, #tpu.memory_space<vmem>>, vector<1x16xi32>,
    %get3A_409 = arith.constant 1 : i32
    %get3A_410 = arith.constant 1 : i32
    %get3A_411 = arith.index_cast %get3A_409 : i32 to index
    %get3A_412 = arith.index_cast %get3A_410 : i32 to index
    %get3A_413 = arith.constant 48 : index
    %get3A_414 = tpu.vector_load %arg12[%get3A_411, %get3A_412, %get3A_413] {strides = array<i32>} : memref<2x128x64xi32, #tpu.memory_space<vmem>>, vector<1x1x16xi32>,
    %get3A_415 = vector.shape_cast %get3A_414 : vector<1x1x16xi32> to vector<16xi32>
    %mul3A_416 = arith.constant 64 : i32
    %mul3A_417 = vector.broadcast %mul3A_416 : i32 to vector<16xi32>
    %mul3A_418 = arith.muli %get3A_415, %mul3A_417 : vector<16xi32>
    %add3A_419 = arith.constant 48 : i32
    %add3A_420 = vector.broadcast %add3A_419 : i32 to vector<16xi32>
    %add3A_421 = arith.addi %iota3A, %add3A_420 : vector<16xi32>
    %add3A_422 = arith.addi %mul3A_418, %add3A_421 : vector<16xi32>
    %swap3A_423 = arith.constant 0 : i32
    %swap3A_424 = arith.index_cast %swap3A_423 : i32 to index
    %swap3A_425 = arith.constant 112 : index
    %swap3A_426 = tpu.vector_load %arg13[%swap3A_424, %swap3A_425] {strides = array<i32>} : memref<2x128xi32, #tpu.memory_space<vmem>>, vector<1x16xi32>,
    %swap3A_427 = vector.shape_cast %swap3A_426 : vector<1x16xi32> to vector<16xi32>
    %swap3A_428 = vector.shape_cast %add3A_422 : vector<16xi32> to vector<1x16xi32>
    tpu.vector_store %arg13[%swap3A_424, %swap3A_425], %swap3A_428 {strides = array<i32>} : memref<2x128xi32, #tpu.memory_space<vmem>>, vector<1x16xi32>,
    %add3A_429 = arith.constant 7936 : i32
    %add3A_430 = arith.addi %mul3A_9, %add3A_429 : i32
    %dma_wait3A_431 = arith.constant 0 : i32
    %dma_wait3A_432 = arith.constant 0 : i32
    %dma_wait3A_433 = arith.constant 0 : i32
    %dma_wait3A_434 = tpu.memref_slice %arg14[%dma_wait3A_431, %dma_wait3A_432, %dma_wait3A_433] : memref<2x128x192xf32, #tpu.memory_space<vmem>> -> memref<1x128x192xf32, #tpu.memory_space<vmem>>
    %dma_wait3A_435 = tpu.memref_squeeze %dma_wait3A_434 : memref<1x128x192xf32, #tpu.memory_space<vmem>> -> memref<128x192xf32, #tpu.memory_space<vmem>>
    %dma_wait3A_436 = arith.constant 0 : i32
    %dma_wait3A_437 = tpu.memref_slice %arg6[%add3A_430, %dma_wait3A_436] : memref<1048576x192xf32, #tpu.memory_space<hbm>> -> memref<128x192xf32, #tpu.memory_space<hbm>>
    %dma_wait3A_438 = arith.constant 0 : i32
    %dma_wait3A_439 = tpu.memref_slice %arg6[%add3A_430, %dma_wait3A_438] : memref<1048576x192xf32, #tpu.memory_space<hbm>> -> memref<128x192xf32, #tpu.memory_space<hbm>>
    %dma_wait3A_440 = arith.constant 0 : i32
    %dma_wait3A_441 = arith.constant 0 : i32
    %dma_wait3A_442 = tpu.memref_slice %arg14[%dma_wait3A_431, %dma_wait3A_440, %dma_wait3A_441] : memref<2x128x192xf32, #tpu.memory_space<vmem>> -> memref<1x128x192xf32, #tpu.memory_space<vmem>>
    %dma_wait3A_443 = tpu.memref_squeeze %dma_wait3A_442 : memref<1x128x192xf32, #tpu.memory_space<vmem>> -> memref<128x192xf32, #tpu.memory_space<vmem>>
    tpu.wait_dma2 semaphore(%arg17 : memref<!tpu.dma_semaphore, #tpu.memory_space<semaphore_mem>>) src(%dma_wait3A_443 : memref<128x192xf32, #tpu.memory_space<vmem>>) dst(%dma_wait3A_439 : memref<128x192xf32, #tpu.memory_space<hbm>>)
    %dma_start3A_444 = arith.constant 0 : i32
    %dma_start3A_445 = arith.constant 0 : i32
    %dma_start3A_446 = arith.constant 0 : i32
    %dma_start3A_447 = arith.constant 0 : i32
    %dma_start3A_448 = tpu.memref_slice %arg14[%dma_start3A_445, %dma_start3A_446, %dma_start3A_447] : memref<2x128x192xf32, #tpu.memory_space<vmem>> -> memref<1x128x192xf32, #tpu.memory_space<vmem>>
    %dma_start3A_449 = tpu.memref_squeeze %dma_start3A_448 : memref<1x128x192xf32, #tpu.memory_space<vmem>> -> memref<128x192xf32, #tpu.memory_space<vmem>>
    %dma_start3A_450 = arith.constant 0 : i32
    %dma_start3A_451 = tpu.memref_slice %arg13[%dma_start3A_444, %dma_start3A_450] : memref<2x128xi32, #tpu.memory_space<vmem>> -> memref<1x128xi32, #tpu.memory_space<vmem>>
    %dma_start3A_452 = tpu.memref_squeeze %dma_start3A_451 : memref<1x128xi32, #tpu.memory_space<vmem>> -> memref<128xi32, #tpu.memory_space<vmem>>
    %dma_start3A_453 = arith.constant 0 : i32
    %dma_start3A_454 = arith.constant 0 : i32
    %dma_start3A_455 = tpu.memref_slice %arg11[%dma_start3A_453, %dma_start3A_454] : memref<1664x192xf32, #tpu.memory_space<vmem_shared>> -> memref<1664x192xf32, #tpu.memory_space<vmem_shared>>
    tpu.enqueue_indirect_dma source(%dma_start3A_455 : memref<1664x192xf32, #tpu.memory_space<vmem_shared>>) target(%dma_start3A_449 : memref<128x192xf32, #tpu.memory_space<vmem>>) offsets(%dma_start3A_452 : memref<128xi32, #tpu.memory_space<vmem>>) semaphore(%arg15 : memref<!tpu.dma_semaphore, #tpu.memory_space<semaphore_mem>>)
    %scan3A_456 = arith.constant 0 : i32
    %scan3A_457 = arith.constant 0 : i32
    %scan3A_458 = arith.constant 32 : i32
    %scan3A_459 = arith.addi %scan3A_457, %scan3A_458 : i32
    %scan3A_460 = arith.constant 1 : i32
    scf.for %scan3A_929 = %scan3A_457 to %scan3A_459 step %scan3A_460  : i32 {
      %mul3A_930 = arith.constant 2 : i32
      %mul3A_931 = arith.muli %scan3A_929, %mul3A_930 : i32
      %add3A_932 = arith.constant 0 : i32
      %add3A_933 = arith.addi %mul3A_931, %add3A_932 : i32
      %add3A_934 = arith.constant 64 : i32
      %add3A_935 = arith.addi %add3A_934, %add3A_933 : i32
      %add3A_936 = arith.constant 1 : i32
      %add3A_937 = arith.addi %add3A_933, %add3A_936 : i32
      %lt3A = arith.constant 64 : i32
      %lt3A_938 = arith.cmpi slt, %add3A_937, %lt3A : i32
      %convert_element_type3A = arith.extui %lt3A_938 : i1 to i32
      %cond3A = arith.constant 0 : i32
      %cond3A_939 = arith.cmpi ne, %convert_element_type3A, %cond3A : i32
      scf.if %cond3A_939 {
        %add3A_1009 = arith.constant 1 : i32
        %add3A_1010 = arith.addi %add3A_933, %add3A_1009 : i32
        %mul3A_1011 = arith.constant 2 : i32
        %mul3A_1012 = arith.muli %add3A_1010, %mul3A_1011 : i32
        %add3A_1013 = arith.constant 0 : i32
        %add3A_1014 = arith.addi %mul3A_1012, %add3A_1013 : i32
        %get3A_1015 = arith.constant 1 : i32
        %get3A_1016 = arith.index_cast %get3A_1015 : i32 to index
        %get3A_1017 = arith.index_cast %add3A_1014 : i32 to index
        %get3A_1018 = arith.constant 0 : index
        %get3A_1019 = tpu.vector_load %arg12[%get3A_1016, %get3A_1017, %get3A_1018] {strides = array<i32>} : memref<2x128x64xi32, #tpu.memory_space<vmem>>, vector<1x1x16xi32>,
        %get3A_1020 = vector.shape_cast %get3A_1019 : vector<1x1x16xi32> to vector<16xi32>
        %mul3A_1021 = arith.constant 64 : i32
        %mul3A_1022 = vector.broadcast %mul3A_1021 : i32 to vector<16xi32>
        %mul3A_1023 = arith.muli %get3A_1020, %mul3A_1022 : vector<16xi32>
        %add3A_1024 = arith.constant 0 : i32
        %add3A_1025 = vector.broadcast %add3A_1024 : i32 to vector<16xi32>
        %add3A_1026 = arith.addi %iota3A, %add3A_1025 : vector<16xi32>
        %add3A_1027 = arith.addi %mul3A_1023, %add3A_1026 : vector<16xi32>
        %swap3A_1028 = arith.constant 1 : i32
        %swap3A_1029 = arith.index_cast %swap3A_1028 : i32 to index
        %swap3A_1030 = arith.constant 0 : index
        %swap3A_1031 = tpu.vector_load %arg13[%swap3A_1029, %swap3A_1030] {strides = array<i32>} : memref<2x128xi32, #tpu.memory_space<vmem>>, vector<1x16xi32>,
        %swap3A_1032 = vector.shape_cast %swap3A_1031 : vector<1x16xi32> to vector<16xi32>
        %swap3A_1033 = vector.shape_cast %add3A_1027 : vector<16xi32> to vector<1x16xi32>
        tpu.vector_store %arg13[%swap3A_1029, %swap3A_1030], %swap3A_1033 {strides = array<i32>} : memref<2x128xi32, #tpu.memory_space<vmem>>, vector<1x16xi32>,
        %get3A_1034 = arith.constant 1 : i32
        %get3A_1035 = arith.index_cast %get3A_1034 : i32 to index
        %get3A_1036 = arith.index_cast %add3A_1014 : i32 to index
        %get3A_1037 = arith.constant 16 : index
        %get3A_1038 = tpu.vector_load %arg12[%get3A_1035, %get3A_1036, %get3A_1037] {strides = array<i32>} : memref<2x128x64xi32, #tpu.memory_space<vmem>>, vector<1x1x16xi32>,
        %get3A_1039 = vector.shape_cast %get3A_1038 : vector<1x1x16xi32> to vector<16xi32>
        %mul3A_1040 = arith.constant 64 : i32
        %mul3A_1041 = vector.broadcast %mul3A_1040 : i32 to vector<16xi32>
        %mul3A_1042 = arith.muli %get3A_1039, %mul3A_1041 : vector<16xi32>
        %add3A_1043 = arith.constant 16 : i32
        %add3A_1044 = vector.broadcast %add3A_1043 : i32 to vector<16xi32>
        %add3A_1045 = arith.addi %iota3A, %add3A_1044 : vector<16xi32>
        %add3A_1046 = arith.addi %mul3A_1042, %add3A_1045 : vector<16xi32>
        %swap3A_1047 = arith.constant 1 : i32
        %swap3A_1048 = arith.index_cast %swap3A_1047 : i32 to index
        %swap3A_1049 = arith.constant 16 : index
        %swap3A_1050 = tpu.vector_load %arg13[%swap3A_1048, %swap3A_1049] {strides = array<i32>} : memref<2x128xi32, #tpu.memory_space<vmem>>, vector<1x16xi32>,
        %swap3A_1051 = vector.shape_cast %swap3A_1050 : vector<1x16xi32> to vector<16xi32>
        %swap3A_1052 = vector.shape_cast %add3A_1046 : vector<16xi32> to vector<1x16xi32>
        tpu.vector_store %arg13[%swap3A_1048, %swap3A_1049], %swap3A_1052 {strides = array<i32>} : memref<2x128xi32, #tpu.memory_space<vmem>>, vector<1x16xi32>,
        %get3A_1053 = arith.constant 1 : i32
        %get3A_1054 = arith.index_cast %get3A_1053 : i32 to index
        %get3A_1055 = arith.index_cast %add3A_1014 : i32 to index
        %get3A_1056 = arith.constant 32 : index
        %get3A_1057 = tpu.vector_load %arg12[%get3A_1054, %get3A_1055, %get3A_1056] {strides = array<i32>} : memref<2x128x64xi32, #tpu.memory_space<vmem>>, vector<1x1x16xi32>,
        %get3A_1058 = vector.shape_cast %get3A_1057 : vector<1x1x16xi32> to vector<16xi32>
        %mul3A_1059 = arith.constant 64 : i32
        %mul3A_1060 = vector.broadcast %mul3A_1059 : i32 to vector<16xi32>
        %mul3A_1061 = arith.muli %get3A_1058, %mul3A_1060 : vector<16xi32>
        %add3A_1062 = arith.constant 32 : i32
        %add3A_1063 = vector.broadcast %add3A_1062 : i32 to vector<16xi32>
        %add3A_1064 = arith.addi %iota3A, %add3A_1063 : vector<16xi32>
        %add3A_1065 = arith.addi %mul3A_1061, %add3A_1064 : vector<16xi32>
        %swap3A_1066 = arith.constant 1 : i32
        %swap3A_1067 = arith.index_cast %swap3A_1066 : i32 to index
        %swap3A_1068 = arith.constant 32 : index
        %swap3A_1069 = tpu.vector_load %arg13[%swap3A_1067, %swap3A_1068] {strides = array<i32>} : memref<2x128xi32, #tpu.memory_space<vmem>>, vector<1x16xi32>,
        %swap3A_1070 = vector.shape_cast %swap3A_1069 : vector<1x16xi32> to vector<16xi32>
        %swap3A_1071 = vector.shape_cast %add3A_1065 : vector<16xi32> to vector<1x16xi32>
        tpu.vector_store %arg13[%swap3A_1067, %swap3A_1068], %swap3A_1071 {strides = array<i32>} : memref<2x128xi32, #tpu.memory_space<vmem>>, vector<1x16xi32>,
        %get3A_1072 = arith.constant 1 : i32
        %get3A_1073 = arith.index_cast %get3A_1072 : i32 to index
        %get3A_1074 = arith.index_cast %add3A_1014 : i32 to index
        %get3A_1075 = arith.constant 48 : index
        %get3A_1076 = tpu.vector_load %arg12[%get3A_1073, %get3A_1074, %get3A_1075] {strides = array<i32>} : memref<2x128x64xi32, #tpu.memory_space<vmem>>, vector<1x1x16xi32>,
        %get3A_1077 = vector.shape_cast %get3A_1076 : vector<1x1x16xi32> to vector<16xi32>
        %mul3A_1078 = arith.constant 64 : i32
        %mul3A_1079 = vector.broadcast %mul3A_1078 : i32 to vector<16xi32>
        %mul3A_1080 = arith.muli %get3A_1077, %mul3A_1079 : vector<16xi32>
        %add3A_1081 = arith.constant 48 : i32
        %add3A_1082 = vector.broadcast %add3A_1081 : i32 to vector<16xi32>
        %add3A_1083 = arith.addi %iota3A, %add3A_1082 : vector<16xi32>
        %add3A_1084 = arith.addi %mul3A_1080, %add3A_1083 : vector<16xi32>
        %swap3A_1085 = arith.constant 1 : i32
        %swap3A_1086 = arith.index_cast %swap3A_1085 : i32 to index
        %swap3A_1087 = arith.constant 48 : index
        %swap3A_1088 = tpu.vector_load %arg13[%swap3A_1086, %swap3A_1087] {strides = array<i32>} : memref<2x128xi32, #tpu.memory_space<vmem>>, vector<1x16xi32>,
        %swap3A_1089 = vector.shape_cast %swap3A_1088 : vector<1x16xi32> to vector<16xi32>
        %swap3A_1090 = vector.shape_cast %add3A_1084 : vector<16xi32> to vector<1x16xi32>
        tpu.vector_store %arg13[%swap3A_1086, %swap3A_1087], %swap3A_1090 {strides = array<i32>} : memref<2x128xi32, #tpu.memory_space<vmem>>, vector<1x16xi32>,
        %mul3A_1091 = arith.constant 2 : i32
        %mul3A_1092 = arith.muli %add3A_1010, %mul3A_1091 : i32
        %add3A_1093 = arith.constant 1 : i32
        %add3A_1094 = arith.addi %mul3A_1092, %add3A_1093 : i32
        %get3A_1095 = arith.constant 1 : i32
        %get3A_1096 = arith.index_cast %get3A_1095 : i32 to index
        %get3A_1097 = arith.index_cast %add3A_1094 : i32 to index
        %get3A_1098 = arith.constant 0 : index
        %get3A_1099 = tpu.vector_load %arg12[%get3A_1096, %get3A_1097, %get3A_1098] {strides = array<i32>} : memref<2x128x64xi32, #tpu.memory_space<vmem>>, vector<1x1x16xi32>,
        %get3A_1100 = vector.shape_cast %get3A_1099 : vector<1x1x16xi32> to vector<16xi32>
        %mul3A_1101 = arith.constant 64 : i32
        %mul3A_1102 = vector.broadcast %mul3A_1101 : i32 to vector<16xi32>
        %mul3A_1103 = arith.muli %get3A_1100, %mul3A_1102 : vector<16xi32>
        %add3A_1104 = arith.constant 0 : i32
        %add3A_1105 = vector.broadcast %add3A_1104 : i32 to vector<16xi32>
        %add3A_1106 = arith.addi %iota3A, %add3A_1105 : vector<16xi32>
        %add3A_1107 = arith.addi %mul3A_1103, %add3A_1106 : vector<16xi32>
        %swap3A_1108 = arith.constant 1 : i32
        %swap3A_1109 = arith.index_cast %swap3A_1108 : i32 to index
        %swap3A_1110 = arith.constant 64 : index
        %swap3A_1111 = tpu.vector_load %arg13[%swap3A_1109, %swap3A_1110] {strides = array<i32>} : memref<2x128xi32, #tpu.memory_space<vmem>>, vector<1x16xi32>,
        %swap3A_1112 = vector.shape_cast %swap3A_1111 : vector<1x16xi32> to vector<16xi32>
        %swap3A_1113 = vector.shape_cast %add3A_1107 : vector<16xi32> to vector<1x16xi32>
        tpu.vector_store %arg13[%swap3A_1109, %swap3A_1110], %swap3A_1113 {strides = array<i32>} : memref<2x128xi32, #tpu.memory_space<vmem>>, vector<1x16xi32>,
        %get3A_1114 = arith.constant 1 : i32
        %get3A_1115 = arith.index_cast %get3A_1114 : i32 to index
        %get3A_1116 = arith.index_cast %add3A_1094 : i32 to index
        %get3A_1117 = arith.constant 16 : index
        %get3A_1118 = tpu.vector_load %arg12[%get3A_1115, %get3A_1116, %get3A_1117] {strides = array<i32>} : memref<2x128x64xi32, #tpu.memory_space<vmem>>, vector<1x1x16xi32>,
        %get3A_1119 = vector.shape_cast %get3A_1118 : vector<1x1x16xi32> to vector<16xi32>
        %mul3A_1120 = arith.constant 64 : i32
        %mul3A_1121 = vector.broadcast %mul3A_1120 : i32 to vector<16xi32>
        %mul3A_1122 = arith.muli %get3A_1119, %mul3A_1121 : vector<16xi32>
        %add3A_1123 = arith.constant 16 : i32
        %add3A_1124 = vector.broadcast %add3A_1123 : i32 to vector<16xi32>
        %add3A_1125 = arith.addi %iota3A, %add3A_1124 : vector<16xi32>
        %add3A_1126 = arith.addi %mul3A_1122, %add3A_1125 : vector<16xi32>
        %swap3A_1127 = arith.constant 1 : i32
        %swap3A_1128 = arith.index_cast %swap3A_1127 : i32 to index
        %swap3A_1129 = arith.constant 80 : index
        %swap3A_1130 = tpu.vector_load %arg13[%swap3A_1128, %swap3A_1129] {strides = array<i32>} : memref<2x128xi32, #tpu.memory_space<vmem>>, vector<1x16xi32>,
        %swap3A_1131 = vector.shape_cast %swap3A_1130 : vector<1x16xi32> to vector<16xi32>
        %swap3A_1132 = vector.shape_cast %add3A_1126 : vector<16xi32> to vector<1x16xi32>
        tpu.vector_store %arg13[%swap3A_1128, %swap3A_1129], %swap3A_1132 {strides = array<i32>} : memref<2x128xi32, #tpu.memory_space<vmem>>, vector<1x16xi32>,
        %get3A_1133 = arith.constant 1 : i32
        %get3A_1134 = arith.index_cast %get3A_1133 : i32 to index
        %get3A_1135 = arith.index_cast %add3A_1094 : i32 to index
        %get3A_1136 = arith.constant 32 : index
        %get3A_1137 = tpu.vector_load %arg12[%get3A_1134, %get3A_1135, %get3A_1136] {strides = array<i32>} : memref<2x128x64xi32, #tpu.memory_space<vmem>>, vector<1x1x16xi32>,
        %get3A_1138 = vector.shape_cast %get3A_1137 : vector<1x1x16xi32> to vector<16xi32>
        %mul3A_1139 = arith.constant 64 : i32
        %mul3A_1140 = vector.broadcast %mul3A_1139 : i32 to vector<16xi32>
        %mul3A_1141 = arith.muli %get3A_1138, %mul3A_1140 : vector<16xi32>
        %add3A_1142 = arith.constant 32 : i32
        %add3A_1143 = vector.broadcast %add3A_1142 : i32 to vector<16xi32>
        %add3A_1144 = arith.addi %iota3A, %add3A_1143 : vector<16xi32>
        %add3A_1145 = arith.addi %mul3A_1141, %add3A_1144 : vector<16xi32>
        %swap3A_1146 = arith.constant 1 : i32
        %swap3A_1147 = arith.index_cast %swap3A_1146 : i32 to index
        %swap3A_1148 = arith.constant 96 : index
        %swap3A_1149 = tpu.vector_load %arg13[%swap3A_1147, %swap3A_1148] {strides = array<i32>} : memref<2x128xi32, #tpu.memory_space<vmem>>, vector<1x16xi32>,
        %swap3A_1150 = vector.shape_cast %swap3A_1149 : vector<1x16xi32> to vector<16xi32>
        %swap3A_1151 = vector.shape_cast %add3A_1145 : vector<16xi32> to vector<1x16xi32>
        tpu.vector_store %arg13[%swap3A_1147, %swap3A_1148], %swap3A_1151 {strides = array<i32>} : memref<2x128xi32, #tpu.memory_space<vmem>>, vector<1x16xi32>,
        %get3A_1152 = arith.constant 1 : i32
        %get3A_1153 = arith.index_cast %get3A_1152 : i32 to index
        %get3A_1154 = arith.index_cast %add3A_1094 : i32 to index
        %get3A_1155 = arith.constant 48 : index
        %get3A_1156 = tpu.vector_load %arg12[%get3A_1153, %get3A_1154, %get3A_1155] {strides = array<i32>} : memref<2x128x64xi32, #tpu.memory_space<vmem>>, vector<1x1x16xi32>,
        %get3A_1157 = vector.shape_cast %get3A_1156 : vector<1x1x16xi32> to vector<16xi32>
        %mul3A_1158 = arith.constant 64 : i32
        %mul3A_1159 = vector.broadcast %mul3A_1158 : i32 to vector<16xi32>
        %mul3A_1160 = arith.muli %get3A_1157, %mul3A_1159 : vector<16xi32>
        %add3A_1161 = arith.constant 48 : i32
        %add3A_1162 = vector.broadcast %add3A_1161 : i32 to vector<16xi32>
        %add3A_1163 = arith.addi %iota3A, %add3A_1162 : vector<16xi32>
        %add3A_1164 = arith.addi %mul3A_1160, %add3A_1163 : vector<16xi32>
        %swap3A_1165 = arith.constant 1 : i32
        %swap3A_1166 = arith.index_cast %swap3A_1165 : i32 to index
        %swap3A_1167 = arith.constant 112 : index
        %swap3A_1168 = tpu.vector_load %arg13[%swap3A_1166, %swap3A_1167] {strides = array<i32>} : memref<2x128xi32, #tpu.memory_space<vmem>>, vector<1x16xi32>,
        %swap3A_1169 = vector.shape_cast %swap3A_1168 : vector<1x16xi32> to vector<16xi32>
        %swap3A_1170 = vector.shape_cast %add3A_1164 : vector<16xi32> to vector<1x16xi32>
        tpu.vector_store %arg13[%swap3A_1166, %swap3A_1167], %swap3A_1170 {strides = array<i32>} : memref<2x128xi32, #tpu.memory_space<vmem>>, vector<1x16xi32>,
        %ge3A = arith.constant 1 : i32
        %ge3A_1171 = arith.cmpi sge, %add3A_935, %ge3A : i32
        %convert_element_type3A_1172 = arith.extui %ge3A_1171 : i1 to i32
        %cond3A_1173 = arith.constant 0 : i32
        %cond3A_1174 = arith.cmpi ne, %convert_element_type3A_1172, %cond3A_1173 : i32
        scf.if %cond3A_1174 {
          %sub3A = arith.constant 1 : i32
          %sub3A_1187 = arith.subi %add3A_935, %sub3A : i32
          %mul3A_1188 = arith.constant 128 : i32
          %mul3A_1189 = arith.muli %sub3A_1187, %mul3A_1188 : i32
          %add3A_1190 = arith.addi %mul3A_9, %mul3A_1189 : i32
          %dma_wait3A_1191 = arith.constant 1 : i32
          %dma_wait3A_1192 = arith.constant 0 : i32
          %dma_wait3A_1193 = arith.constant 0 : i32
          %dma_wait3A_1194 = tpu.memref_slice %arg14[%dma_wait3A_1191, %dma_wait3A_1192, %dma_wait3A_1193] : memref<2x128x192xf32, #tpu.memory_space<vmem>> -> memref<1x128x192xf32, #tpu.memory_space<vmem>>
          %dma_wait3A_1195 = tpu.memref_squeeze %dma_wait3A_1194 : memref<1x128x192xf32, #tpu.memory_space<vmem>> -> memref<128x192xf32, #tpu.memory_space<vmem>>
          %dma_wait3A_1196 = arith.constant 0 : i32
          %dma_wait3A_1197 = tpu.memref_slice %arg6[%add3A_1190, %dma_wait3A_1196] : memref<1048576x192xf32, #tpu.memory_space<hbm>> -> memref<128x192xf32, #tpu.memory_space<hbm>>
          %dma_wait3A_1198 = arith.constant 0 : i32
          %dma_wait3A_1199 = tpu.memref_slice %arg6[%add3A_1190, %dma_wait3A_1198] : memref<1048576x192xf32, #tpu.memory_space<hbm>> -> memref<128x192xf32, #tpu.memory_space<hbm>>
          %dma_wait3A_1200 = arith.constant 0 : i32
          %dma_wait3A_1201 = arith.constant 0 : i32
          %dma_wait3A_1202 = tpu.memref_slice %arg14[%dma_wait3A_1191, %dma_wait3A_1200, %dma_wait3A_1201] : memref<2x128x192xf32, #tpu.memory_space<vmem>> -> memref<1x128x192xf32, #tpu.memory_space<vmem>>
          %dma_wait3A_1203 = tpu.memref_squeeze %dma_wait3A_1202 : memref<1x128x192xf32, #tpu.memory_space<vmem>> -> memref<128x192xf32, #tpu.memory_space<vmem>>
          tpu.wait_dma2 semaphore(%arg18 : memref<!tpu.dma_semaphore, #tpu.memory_space<semaphore_mem>>) src(%dma_wait3A_1203 : memref<128x192xf32, #tpu.memory_space<vmem>>) dst(%dma_wait3A_1199 : memref<128x192xf32, #tpu.memory_space<hbm>>)
        } else {
        }
        %dma_start3A_1175 = arith.constant 1 : i32
        %dma_start3A_1176 = arith.constant 1 : i32
        %dma_start3A_1177 = arith.constant 0 : i32
        %dma_start3A_1178 = arith.constant 0 : i32
        %dma_start3A_1179 = tpu.memref_slice %arg14[%dma_start3A_1176, %dma_start3A_1177, %dma_start3A_1178] : memref<2x128x192xf32, #tpu.memory_space<vmem>> -> memref<1x128x192xf32, #tpu.memory_space<vmem>>
        %dma_start3A_1180 = tpu.memref_squeeze %dma_start3A_1179 : memref<1x128x192xf32, #tpu.memory_space<vmem>> -> memref<128x192xf32, #tpu.memory_space<vmem>>
        %dma_start3A_1181 = arith.constant 0 : i32
        %dma_start3A_1182 = tpu.memref_slice %arg13[%dma_start3A_1175, %dma_start3A_1181] : memref<2x128xi32, #tpu.memory_space<vmem>> -> memref<1x128xi32, #tpu.memory_space<vmem>>
        %dma_start3A_1183 = tpu.memref_squeeze %dma_start3A_1182 : memref<1x128xi32, #tpu.memory_space<vmem>> -> memref<128xi32, #tpu.memory_space<vmem>>
        %dma_start3A_1184 = arith.constant 0 : i32
        %dma_start3A_1185 = arith.constant 0 : i32
        %dma_start3A_1186 = tpu.memref_slice %arg11[%dma_start3A_1184, %dma_start3A_1185] : memref<1664x192xf32, #tpu.memory_space<vmem_shared>> -> memref<1664x192xf32, #tpu.memory_space<vmem_shared>>
        tpu.enqueue_indirect_dma source(%dma_start3A_1186 : memref<1664x192xf32, #tpu.memory_space<vmem_shared>>) target(%dma_start3A_1180 : memref<128x192xf32, #tpu.memory_space<vmem>>) offsets(%dma_start3A_1183 : memref<128xi32, #tpu.memory_space<vmem>>) semaphore(%arg16 : memref<!tpu.dma_semaphore, #tpu.memory_space<semaphore_mem>>)
      } else {
      }
      %dma_wait3A_940 = arith.constant 0 : i32
      %dma_wait3A_941 = arith.constant 0 : i32
      %dma_wait3A_942 = arith.constant 0 : i32
      %dma_wait3A_943 = arith.constant 0 : i32
      %dma_wait3A_944 = tpu.memref_slice %arg14[%dma_wait3A_941, %dma_wait3A_942, %dma_wait3A_943] : memref<2x128x192xf32, #tpu.memory_space<vmem>> -> memref<1x128x192xf32, #tpu.memory_space<vmem>>
      %dma_wait3A_945 = tpu.memref_squeeze %dma_wait3A_944 : memref<1x128x192xf32, #tpu.memory_space<vmem>> -> memref<128x192xf32, #tpu.memory_space<vmem>>
      %dma_wait3A_946 = arith.constant 0 : i32
      %dma_wait3A_947 = tpu.memref_slice %arg13[%dma_wait3A_940, %dma_wait3A_946] : memref<2x128xi32, #tpu.memory_space<vmem>> -> memref<1x128xi32, #tpu.memory_space<vmem>>
      %dma_wait3A_948 = tpu.memref_squeeze %dma_wait3A_947 : memref<1x128xi32, #tpu.memory_space<vmem>> -> memref<128xi32, #tpu.memory_space<vmem>>
      %dma_wait3A_949 = arith.constant 0 : i32
      %dma_wait3A_950 = arith.constant 0 : i32
      %dma_wait3A_951 = tpu.memref_slice %arg11[%dma_wait3A_949, %dma_wait3A_950] : memref<1664x192xf32, #tpu.memory_space<vmem_shared>> -> memref<1664x192xf32, #tpu.memory_space<vmem_shared>>
      tpu.wait_indirect_dma semaphore(%arg15 : memref<!tpu.dma_semaphore, #tpu.memory_space<semaphore_mem>>) src(%dma_wait3A_951 : memref<1664x192xf32, #tpu.memory_space<vmem_shared>>) dst(%dma_wait3A_945 : memref<128x192xf32, #tpu.memory_space<vmem>>)
      %mul3A_952 = arith.constant 128 : i32
      %mul3A_953 = arith.muli %add3A_935, %mul3A_952 : i32
      %add3A_954 = arith.addi %mul3A_9, %mul3A_953 : i32
      %dma_start3A_955 = arith.constant 0 : i32
      %dma_start3A_956 = arith.constant 0 : i32
      %dma_start3A_957 = arith.constant 0 : i32
      %dma_start3A_958 = tpu.memref_slice %arg14[%dma_start3A_955, %dma_start3A_956, %dma_start3A_957] : memref<2x128x192xf32, #tpu.memory_space<vmem>> -> memref<1x128x192xf32, #tpu.memory_space<vmem>>
      %dma_start3A_959 = tpu.memref_squeeze %dma_start3A_958 : memref<1x128x192xf32, #tpu.memory_space<vmem>> -> memref<128x192xf32, #tpu.memory_space<vmem>>
      %dma_start3A_960 = arith.constant 0 : i32
      %dma_start3A_961 = tpu.memref_slice %arg6[%add3A_954, %dma_start3A_960] : memref<1048576x192xf32, #tpu.memory_space<hbm>> -> memref<128x192xf32, #tpu.memory_space<hbm>>
      %dma_start3A_962 = arith.constant 0 : i32
      %dma_start3A_963 = tpu.memref_slice %arg6[%add3A_954, %dma_start3A_962] : memref<1048576x192xf32, #tpu.memory_space<hbm>> -> memref<128x192xf32, #tpu.memory_space<hbm>>
      %dma_start3A_964 = arith.constant 0 : i32
      %dma_start3A_965 = arith.constant 0 : i32
      %dma_start3A_966 = tpu.memref_slice %arg14[%dma_start3A_955, %dma_start3A_964, %dma_start3A_965] : memref<2x128x192xf32, #tpu.memory_space<vmem>> -> memref<1x128x192xf32, #tpu.memory_space<vmem>>
      %dma_start3A_967 = tpu.memref_squeeze %dma_start3A_966 : memref<1x128x192xf32, #tpu.memory_space<vmem>> -> memref<128x192xf32, #tpu.memory_space<vmem>>
      tpu.enqueue_dma source(%dma_start3A_967 : memref<128x192xf32, #tpu.memory_space<vmem>>) target(%dma_start3A_963 : memref<128x192xf32, #tpu.memory_space<hbm>>) target_semaphore(%arg17 : memref<!tpu.dma_semaphore, #tpu.memory_space<semaphore_mem>>)
      %mul3A_968 = arith.constant 2 : i32
      %mul3A_969 = arith.muli %scan3A_929, %mul3A_968 : i32
      %add3A_970 = arith.constant 1 : i32
      %add3A_971 = arith.addi %mul3A_969, %add3A_970 : i32
      %add3A_972 = arith.constant 64 : i32
      %add3A_973 = arith.addi %add3A_972, %add3A_971 : i32
      %add3A_974 = arith.constant 1 : i32
      %add3A_975 = arith.addi %add3A_971, %add3A_974 : i32
      %lt3A_976 = arith.constant 64 : i32
      %lt3A_977 = arith.cmpi slt, %add3A_975, %lt3A_976 : i32
      %convert_element_type3A_978 = arith.extui %lt3A_977 : i1 to i32
      %cond3A_979 = arith.constant 0 : i32
      %cond3A_980 = arith.cmpi ne, %convert_element_type3A_978, %cond3A_979 : i32
      scf.if %cond3A_980 {
        %add3A_1009 = arith.constant 1 : i32
        %add3A_1010 = arith.addi %add3A_971, %add3A_1009 : i32
        %mul3A_1011 = arith.constant 2 : i32
        %mul3A_1012 = arith.muli %add3A_1010, %mul3A_1011 : i32
        %add3A_1013 = arith.constant 0 : i32
        %add3A_1014 = arith.addi %mul3A_1012, %add3A_1013 : i32
        %get3A_1015 = arith.constant 1 : i32
        %get3A_1016 = arith.index_cast %get3A_1015 : i32 to index
        %get3A_1017 = arith.index_cast %add3A_1014 : i32 to index
        %get3A_1018 = arith.constant 0 : index
        %get3A_1019 = tpu.vector_load %arg12[%get3A_1016, %get3A_1017, %get3A_1018] {strides = array<i32>} : memref<2x128x64xi32, #tpu.memory_space<vmem>>, vector<1x1x16xi32>,
        %get3A_1020 = vector.shape_cast %get3A_1019 : vector<1x1x16xi32> to vector<16xi32>
        %mul3A_1021 = arith.constant 64 : i32
        %mul3A_1022 = vector.broadcast %mul3A_1021 : i32 to vector<16xi32>
        %mul3A_1023 = arith.muli %get3A_1020, %mul3A_1022 : vector<16xi32>
        %add3A_1024 = arith.constant 0 : i32
        %add3A_1025 = vector.broadcast %add3A_1024 : i32 to vector<16xi32>
        %add3A_1026 = arith.addi %iota3A, %add3A_1025 : vector<16xi32>
        %add3A_1027 = arith.addi %mul3A_1023, %add3A_1026 : vector<16xi32>
        %swap3A_1028 = arith.constant 0 : i32
        %swap3A_1029 = arith.index_cast %swap3A_1028 : i32 to index
        %swap3A_1030 = arith.constant 0 : index
        %swap3A_1031 = tpu.vector_load %arg13[%swap3A_1029, %swap3A_1030] {strides = array<i32>} : memref<2x128xi32, #tpu.memory_space<vmem>>, vector<1x16xi32>,
        %swap3A_1032 = vector.shape_cast %swap3A_1031 : vector<1x16xi32> to vector<16xi32>
        %swap3A_1033 = vector.shape_cast %add3A_1027 : vector<16xi32> to vector<1x16xi32>
        tpu.vector_store %arg13[%swap3A_1029, %swap3A_1030], %swap3A_1033 {strides = array<i32>} : memref<2x128xi32, #tpu.memory_space<vmem>>, vector<1x16xi32>,
        %get3A_1034 = arith.constant 1 : i32
        %get3A_1035 = arith.index_cast %get3A_1034 : i32 to index
        %get3A_1036 = arith.index_cast %add3A_1014 : i32 to index
        %get3A_1037 = arith.constant 16 : index
        %get3A_1038 = tpu.vector_load %arg12[%get3A_1035, %get3A_1036, %get3A_1037] {strides = array<i32>} : memref<2x128x64xi32, #tpu.memory_space<vmem>>, vector<1x1x16xi32>,
        %get3A_1039 = vector.shape_cast %get3A_1038 : vector<1x1x16xi32> to vector<16xi32>
        %mul3A_1040 = arith.constant 64 : i32
        %mul3A_1041 = vector.broadcast %mul3A_1040 : i32 to vector<16xi32>
        %mul3A_1042 = arith.muli %get3A_1039, %mul3A_1041 : vector<16xi32>
        %add3A_1043 = arith.constant 16 : i32
        %add3A_1044 = vector.broadcast %add3A_1043 : i32 to vector<16xi32>
        %add3A_1045 = arith.addi %iota3A, %add3A_1044 : vector<16xi32>
        %add3A_1046 = arith.addi %mul3A_1042, %add3A_1045 : vector<16xi32>
        %swap3A_1047 = arith.constant 0 : i32
        %swap3A_1048 = arith.index_cast %swap3A_1047 : i32 to index
        %swap3A_1049 = arith.constant 16 : index
        %swap3A_1050 = tpu.vector_load %arg13[%swap3A_1048, %swap3A_1049] {strides = array<i32>} : memref<2x128xi32, #tpu.memory_space<vmem>>, vector<1x16xi32>,
        %swap3A_1051 = vector.shape_cast %swap3A_1050 : vector<1x16xi32> to vector<16xi32>
        %swap3A_1052 = vector.shape_cast %add3A_1046 : vector<16xi32> to vector<1x16xi32>
        tpu.vector_store %arg13[%swap3A_1048, %swap3A_1049], %swap3A_1052 {strides = array<i32>} : memref<2x128xi32, #tpu.memory_space<vmem>>, vector<1x16xi32>,
        %get3A_1053 = arith.constant 1 : i32
        %get3A_1054 = arith.index_cast %get3A_1053 : i32 to index
        %get3A_1055 = arith.index_cast %add3A_1014 : i32 to index
        %get3A_1056 = arith.constant 32 : index
        %get3A_1057 = tpu.vector_load %arg12[%get3A_1054, %get3A_1055, %get3A_1056] {strides = array<i32>} : memref<2x128x64xi32, #tpu.memory_space<vmem>>, vector<1x1x16xi32>,
        %get3A_1058 = vector.shape_cast %get3A_1057 : vector<1x1x16xi32> to vector<16xi32>
        %mul3A_1059 = arith.constant 64 : i32
        %mul3A_1060 = vector.broadcast %mul3A_1059 : i32 to vector<16xi32>
        %mul3A_1061 = arith.muli %get3A_1058, %mul3A_1060 : vector<16xi32>
        %add3A_1062 = arith.constant 32 : i32
        %add3A_1063 = vector.broadcast %add3A_1062 : i32 to vector<16xi32>
        %add3A_1064 = arith.addi %iota3A, %add3A_1063 : vector<16xi32>
        %add3A_1065 = arith.addi %mul3A_1061, %add3A_1064 : vector<16xi32>
        %swap3A_1066 = arith.constant 0 : i32
        %swap3A_1067 = arith.index_cast %swap3A_1066 : i32 to index
        %swap3A_1068 = arith.constant 32 : index
        %swap3A_1069 = tpu.vector_load %arg13[%swap3A_1067, %swap3A_1068] {strides = array<i32>} : memref<2x128xi32, #tpu.memory_space<vmem>>, vector<1x16xi32>,
        %swap3A_1070 = vector.shape_cast %swap3A_1069 : vector<1x16xi32> to vector<16xi32>
        %swap3A_1071 = vector.shape_cast %add3A_1065 : vector<16xi32> to vector<1x16xi32>
        tpu.vector_store %arg13[%swap3A_1067, %swap3A_1068], %swap3A_1071 {strides = array<i32>} : memref<2x128xi32, #tpu.memory_space<vmem>>, vector<1x16xi32>,
        %get3A_1072 = arith.constant 1 : i32
        %get3A_1073 = arith.index_cast %get3A_1072 : i32 to index
        %get3A_1074 = arith.index_cast %add3A_1014 : i32 to index
        %get3A_1075 = arith.constant 48 : index
        %get3A_1076 = tpu.vector_load %arg12[%get3A_1073, %get3A_1074, %get3A_1075] {strides = array<i32>} : memref<2x128x64xi32, #tpu.memory_space<vmem>>, vector<1x1x16xi32>,
        %get3A_1077 = vector.shape_cast %get3A_1076 : vector<1x1x16xi32> to vector<16xi32>
        %mul3A_1078 = arith.constant 64 : i32
        %mul3A_1079 = vector.broadcast %mul3A_1078 : i32 to vector<16xi32>
        %mul3A_1080 = arith.muli %get3A_1077, %mul3A_1079 : vector<16xi32>
        %add3A_1081 = arith.constant 48 : i32
        %add3A_1082 = vector.broadcast %add3A_1081 : i32 to vector<16xi32>
        %add3A_1083 = arith.addi %iota3A, %add3A_1082 : vector<16xi32>
        %add3A_1084 = arith.addi %mul3A_1080, %add3A_1083 : vector<16xi32>
        %swap3A_1085 = arith.constant 0 : i32
        %swap3A_1086 = arith.index_cast %swap3A_1085 : i32 to index
        %swap3A_1087 = arith.constant 48 : index
        %swap3A_1088 = tpu.vector_load %arg13[%swap3A_1086, %swap3A_1087] {strides = array<i32>} : memref<2x128xi32, #tpu.memory_space<vmem>>, vector<1x16xi32>,
        %swap3A_1089 = vector.shape_cast %swap3A_1088 : vector<1x16xi32> to vector<16xi32>
        %swap3A_1090 = vector.shape_cast %add3A_1084 : vector<16xi32> to vector<1x16xi32>
        tpu.vector_store %arg13[%swap3A_1086, %swap3A_1087], %swap3A_1090 {strides = array<i32>} : memref<2x128xi32, #tpu.memory_space<vmem>>, vector<1x16xi32>,
        %mul3A_1091 = arith.constant 2 : i32
        %mul3A_1092 = arith.muli %add3A_1010, %mul3A_1091 : i32
        %add3A_1093 = arith.constant 1 : i32
        %add3A_1094 = arith.addi %mul3A_1092, %add3A_1093 : i32
        %get3A_1095 = arith.constant 1 : i32
        %get3A_1096 = arith.index_cast %get3A_1095 : i32 to index
        %get3A_1097 = arith.index_cast %add3A_1094 : i32 to index
        %get3A_1098 = arith.constant 0 : index
        %get3A_1099 = tpu.vector_load %arg12[%get3A_1096, %get3A_1097, %get3A_1098] {strides = array<i32>} : memref<2x128x64xi32, #tpu.memory_space<vmem>>, vector<1x1x16xi32>,
        %get3A_1100 = vector.shape_cast %get3A_1099 : vector<1x1x16xi32> to vector<16xi32>
        %mul3A_1101 = arith.constant 64 : i32
        %mul3A_1102 = vector.broadcast %mul3A_1101 : i32 to vector<16xi32>
        %mul3A_1103 = arith.muli %get3A_1100, %mul3A_1102 : vector<16xi32>
        %add3A_1104 = arith.constant 0 : i32
        %add3A_1105 = vector.broadcast %add3A_1104 : i32 to vector<16xi32>
        %add3A_1106 = arith.addi %iota3A, %add3A_1105 : vector<16xi32>
        %add3A_1107 = arith.addi %mul3A_1103, %add3A_1106 : vector<16xi32>
        %swap3A_1108 = arith.constant 0 : i32
        %swap3A_1109 = arith.index_cast %swap3A_1108 : i32 to index
        %swap3A_1110 = arith.constant 64 : index
        %swap3A_1111 = tpu.vector_load %arg13[%swap3A_1109, %swap3A_1110] {strides = array<i32>} : memref<2x128xi32, #tpu.memory_space<vmem>>, vector<1x16xi32>,
        %swap3A_1112 = vector.shape_cast %swap3A_1111 : vector<1x16xi32> to vector<16xi32>
        %swap3A_1113 = vector.shape_cast %add3A_1107 : vector<16xi32> to vector<1x16xi32>
        tpu.vector_store %arg13[%swap3A_1109, %swap3A_1110], %swap3A_1113 {strides = array<i32>} : memref<2x128xi32, #tpu.memory_space<vmem>>, vector<1x16xi32>,
        %get3A_1114 = arith.constant 1 : i32
        %get3A_1115 = arith.index_cast %get3A_1114 : i32 to index
        %get3A_1116 = arith.index_cast %add3A_1094 : i32 to index
        %get3A_1117 = arith.constant 16 : index
        %get3A_1118 = tpu.vector_load %arg12[%get3A_1115, %get3A_1116, %get3A_1117] {strides = array<i32>} : memref<2x128x64xi32, #tpu.memory_space<vmem>>, vector<1x1x16xi32>,
        %get3A_1119 = vector.shape_cast %get3A_1118 : vector<1x1x16xi32> to vector<16xi32>
        %mul3A_1120 = arith.constant 64 : i32
        %mul3A_1121 = vector.broadcast %mul3A_1120 : i32 to vector<16xi32>
        %mul3A_1122 = arith.muli %get3A_1119, %mul3A_1121 : vector<16xi32>
        %add3A_1123 = arith.constant 16 : i32
        %add3A_1124 = vector.broadcast %add3A_1123 : i32 to vector<16xi32>
        %add3A_1125 = arith.addi %iota3A, %add3A_1124 : vector<16xi32>
        %add3A_1126 = arith.addi %mul3A_1122, %add3A_1125 : vector<16xi32>
        %swap3A_1127 = arith.constant 0 : i32
        %swap3A_1128 = arith.index_cast %swap3A_1127 : i32 to index
        %swap3A_1129 = arith.constant 80 : index
        %swap3A_1130 = tpu.vector_load %arg13[%swap3A_1128, %swap3A_1129] {strides = array<i32>} : memref<2x128xi32, #tpu.memory_space<vmem>>, vector<1x16xi32>,
        %swap3A_1131 = vector.shape_cast %swap3A_1130 : vector<1x16xi32> to vector<16xi32>
        %swap3A_1132 = vector.shape_cast %add3A_1126 : vector<16xi32> to vector<1x16xi32>
        tpu.vector_store %arg13[%swap3A_1128, %swap3A_1129], %swap3A_1132 {strides = array<i32>} : memref<2x128xi32, #tpu.memory_space<vmem>>, vector<1x16xi32>,
        %get3A_1133 = arith.constant 1 : i32
        %get3A_1134 = arith.index_cast %get3A_1133 : i32 to index
        %get3A_1135 = arith.index_cast %add3A_1094 : i32 to index
        %get3A_1136 = arith.constant 32 : index
        %get3A_1137 = tpu.vector_load %arg12[%get3A_1134, %get3A_1135, %get3A_1136] {strides = array<i32>} : memref<2x128x64xi32, #tpu.memory_space<vmem>>, vector<1x1x16xi32>,
        %get3A_1138 = vector.shape_cast %get3A_1137 : vector<1x1x16xi32> to vector<16xi32>
        %mul3A_1139 = arith.constant 64 : i32
        %mul3A_1140 = vector.broadcast %mul3A_1139 : i32 to vector<16xi32>
        %mul3A_1141 = arith.muli %get3A_1138, %mul3A_1140 : vector<16xi32>
        %add3A_1142 = arith.constant 32 : i32
        %add3A_1143 = vector.broadcast %add3A_1142 : i32 to vector<16xi32>
        %add3A_1144 = arith.addi %iota3A, %add3A_1143 : vector<16xi32>
        %add3A_1145 = arith.addi %mul3A_1141, %add3A_1144 : vector<16xi32>
        %swap3A_1146 = arith.constant 0 : i32
        %swap3A_1147 = arith.index_cast %swap3A_1146 : i32 to index
        %swap3A_1148 = arith.constant 96 : index
        %swap3A_1149 = tpu.vector_load %arg13[%swap3A_1147, %swap3A_1148] {strides = array<i32>} : memref<2x128xi32, #tpu.memory_space<vmem>>, vector<1x16xi32>,
        %swap3A_1150 = vector.shape_cast %swap3A_1149 : vector<1x16xi32> to vector<16xi32>
        %swap3A_1151 = vector.shape_cast %add3A_1145 : vector<16xi32> to vector<1x16xi32>
        tpu.vector_store %arg13[%swap3A_1147, %swap3A_1148], %swap3A_1151 {strides = array<i32>} : memref<2x128xi32, #tpu.memory_space<vmem>>, vector<1x16xi32>,
        %get3A_1152 = arith.constant 1 : i32
        %get3A_1153 = arith.index_cast %get3A_1152 : i32 to index
        %get3A_1154 = arith.index_cast %add3A_1094 : i32 to index
        %get3A_1155 = arith.constant 48 : index
        %get3A_1156 = tpu.vector_load %arg12[%get3A_1153, %get3A_1154, %get3A_1155] {strides = array<i32>} : memref<2x128x64xi32, #tpu.memory_space<vmem>>, vector<1x1x16xi32>,
        %get3A_1157 = vector.shape_cast %get3A_1156 : vector<1x1x16xi32> to vector<16xi32>
        %mul3A_1158 = arith.constant 64 : i32
        %mul3A_1159 = vector.broadcast %mul3A_1158 : i32 to vector<16xi32>
        %mul3A_1160 = arith.muli %get3A_1157, %mul3A_1159 : vector<16xi32>
        %add3A_1161 = arith.constant 48 : i32
        %add3A_1162 = vector.broadcast %add3A_1161 : i32 to vector<16xi32>
        %add3A_1163 = arith.addi %iota3A, %add3A_1162 : vector<16xi32>
        %add3A_1164 = arith.addi %mul3A_1160, %add3A_1163 : vector<16xi32>
        %swap3A_1165 = arith.constant 0 : i32
        %swap3A_1166 = arith.index_cast %swap3A_1165 : i32 to index
        %swap3A_1167 = arith.constant 112 : index
        %swap3A_1168 = tpu.vector_load %arg13[%swap3A_1166, %swap3A_1167] {strides = array<i32>} : memref<2x128xi32, #tpu.memory_space<vmem>>, vector<1x16xi32>,
        %swap3A_1169 = vector.shape_cast %swap3A_1168 : vector<1x16xi32> to vector<16xi32>
        %swap3A_1170 = vector.shape_cast %add3A_1164 : vector<16xi32> to vector<1x16xi32>
        tpu.vector_store %arg13[%swap3A_1166, %swap3A_1167], %swap3A_1170 {strides = array<i32>} : memref<2x128xi32, #tpu.memory_space<vmem>>, vector<1x16xi32>,
        %ge3A = arith.constant 1 : i32
        %ge3A_1171 = arith.cmpi sge, %add3A_973, %ge3A : i32
        %convert_element_type3A_1172 = arith.extui %ge3A_1171 : i1 to i32
        %cond3A_1173 = arith.constant 0 : i32
        %cond3A_1174 = arith.cmpi ne, %convert_element_type3A_1172, %cond3A_1173 : i32
        scf.if %cond3A_1174 {
          %sub3A = arith.constant 1 : i32
          %sub3A_1187 = arith.subi %add3A_973, %sub3A : i32
          %mul3A_1188 = arith.constant 128 : i32
          %mul3A_1189 = arith.muli %sub3A_1187, %mul3A_1188 : i32
          %add3A_1190 = arith.addi %mul3A_9, %mul3A_1189 : i32
          %dma_wait3A_1191 = arith.constant 0 : i32
          %dma_wait3A_1192 = arith.constant 0 : i32
          %dma_wait3A_1193 = arith.constant 0 : i32
          %dma_wait3A_1194 = tpu.memref_slice %arg14[%dma_wait3A_1191, %dma_wait3A_1192, %dma_wait3A_1193] : memref<2x128x192xf32, #tpu.memory_space<vmem>> -> memref<1x128x192xf32, #tpu.memory_space<vmem>>
          %dma_wait3A_1195 = tpu.memref_squeeze %dma_wait3A_1194 : memref<1x128x192xf32, #tpu.memory_space<vmem>> -> memref<128x192xf32, #tpu.memory_space<vmem>>
          %dma_wait3A_1196 = arith.constant 0 : i32
          %dma_wait3A_1197 = tpu.memref_slice %arg6[%add3A_1190, %dma_wait3A_1196] : memref<1048576x192xf32, #tpu.memory_space<hbm>> -> memref<128x192xf32, #tpu.memory_space<hbm>>
          %dma_wait3A_1198 = arith.constant 0 : i32
          %dma_wait3A_1199 = tpu.memref_slice %arg6[%add3A_1190, %dma_wait3A_1198] : memref<1048576x192xf32, #tpu.memory_space<hbm>> -> memref<128x192xf32, #tpu.memory_space<hbm>>
          %dma_wait3A_1200 = arith.constant 0 : i32
          %dma_wait3A_1201 = arith.constant 0 : i32
          %dma_wait3A_1202 = tpu.memref_slice %arg14[%dma_wait3A_1191, %dma_wait3A_1200, %dma_wait3A_1201] : memref<2x128x192xf32, #tpu.memory_space<vmem>> -> memref<1x128x192xf32, #tpu.memory_space<vmem>>
          %dma_wait3A_1203 = tpu.memref_squeeze %dma_wait3A_1202 : memref<1x128x192xf32, #tpu.memory_space<vmem>> -> memref<128x192xf32, #tpu.memory_space<vmem>>
          tpu.wait_dma2 semaphore(%arg17 : memref<!tpu.dma_semaphore, #tpu.memory_space<semaphore_mem>>) src(%dma_wait3A_1203 : memref<128x192xf32, #tpu.memory_space<vmem>>) dst(%dma_wait3A_1199 : memref<128x192xf32, #tpu.memory_space<hbm>>)
        } else {
        }
        %dma_start3A_1175 = arith.constant 0 : i32
        %dma_start3A_1176 = arith.constant 0 : i32
        %dma_start3A_1177 = arith.constant 0 : i32
        %dma_start3A_1178 = arith.constant 0 : i32
        %dma_start3A_1179 = tpu.memref_slice %arg14[%dma_start3A_1176, %dma_start3A_1177, %dma_start3A_1178] : memref<2x128x192xf32, #tpu.memory_space<vmem>> -> memref<1x128x192xf32, #tpu.memory_space<vmem>>
        %dma_start3A_1180 = tpu.memref_squeeze %dma_start3A_1179 : memref<1x128x192xf32, #tpu.memory_space<vmem>> -> memref<128x192xf32, #tpu.memory_space<vmem>>
        %dma_start3A_1181 = arith.constant 0 : i32
        %dma_start3A_1182 = tpu.memref_slice %arg13[%dma_start3A_1175, %dma_start3A_1181] : memref<2x128xi32, #tpu.memory_space<vmem>> -> memref<1x128xi32, #tpu.memory_space<vmem>>
        %dma_start3A_1183 = tpu.memref_squeeze %dma_start3A_1182 : memref<1x128xi32, #tpu.memory_space<vmem>> -> memref<128xi32, #tpu.memory_space<vmem>>
        %dma_start3A_1184 = arith.constant 0 : i32
        %dma_start3A_1185 = arith.constant 0 : i32
        %dma_start3A_1186 = tpu.memref_slice %arg11[%dma_start3A_1184, %dma_start3A_1185] : memref<1664x192xf32, #tpu.memory_space<vmem_shared>> -> memref<1664x192xf32, #tpu.memory_space<vmem_shared>>
        tpu.enqueue_indirect_dma source(%dma_start3A_1186 : memref<1664x192xf32, #tpu.memory_space<vmem_shared>>) target(%dma_start3A_1180 : memref<128x192xf32, #tpu.memory_space<vmem>>) offsets(%dma_start3A_1183 : memref<128xi32, #tpu.memory_space<vmem>>) semaphore(%arg15 : memref<!tpu.dma_semaphore, #tpu.memory_space<semaphore_mem>>)
      } else {
      }
      %dma_wait3A_981 = arith.constant 1 : i32
      %dma_wait3A_982 = arith.constant 1 : i32
      %dma_wait3A_983 = arith.constant 0 : i32
      %dma_wait3A_984 = arith.constant 0 : i32
      %dma_wait3A_985 = tpu.memref_slice %arg14[%dma_wait3A_982, %dma_wait3A_983, %dma_wait3A_984] : memref<2x128x192xf32, #tpu.memory_space<vmem>> -> memref<1x128x192xf32, #tpu.memory_space<vmem>>
      %dma_wait3A_986 = tpu.memref_squeeze %dma_wait3A_985 : memref<1x128x192xf32, #tpu.memory_space<vmem>> -> memref<128x192xf32, #tpu.memory_space<vmem>>
      %dma_wait3A_987 = arith.constant 0 : i32
      %dma_wait3A_988 = tpu.memref_slice %arg13[%dma_wait3A_981, %dma_wait3A_987] : memref<2x128xi32, #tpu.memory_space<vmem>> -> memref<1x128xi32, #tpu.memory_space<vmem>>
      %dma_wait3A_989 = tpu.memref_squeeze %dma_wait3A_988 : memref<1x128xi32, #tpu.memory_space<vmem>> -> memref<128xi32, #tpu.memory_space<vmem>>
      %dma_wait3A_990 = arith.constant 0 : i32
      %dma_wait3A_991 = arith.constant 0 : i32
      %dma_wait3A_992 = tpu.memref_slice %arg11[%dma_wait3A_990, %dma_wait3A_991] : memref<1664x192xf32, #tpu.memory_space<vmem_shared>> -> memref<1664x192xf32, #tpu.memory_space<vmem_shared>>
      tpu.wait_indirect_dma semaphore(%arg16 : memref<!tpu.dma_semaphore, #tpu.memory_space<semaphore_mem>>) src(%dma_wait3A_992 : memref<1664x192xf32, #tpu.memory_space<vmem_shared>>) dst(%dma_wait3A_986 : memref<128x192xf32, #tpu.memory_space<vmem>>)
      %mul3A_993 = arith.constant 128 : i32
      %mul3A_994 = arith.muli %add3A_973, %mul3A_993 : i32
      %add3A_995 = arith.addi %mul3A_9, %mul3A_994 : i32
      %dma_start3A_996 = arith.constant 1 : i32
      %dma_start3A_997 = arith.constant 0 : i32
      %dma_start3A_998 = arith.constant 0 : i32
      %dma_start3A_999 = tpu.memref_slice %arg14[%dma_start3A_996, %dma_start3A_997, %dma_start3A_998] : memref<2x128x192xf32, #tpu.memory_space<vmem>> -> memref<1x128x192xf32, #tpu.memory_space<vmem>>
      %dma_start3A_1000 = tpu.memref_squeeze %dma_start3A_999 : memref<1x128x192xf32, #tpu.memory_space<vmem>> -> memref<128x192xf32, #tpu.memory_space<vmem>>
      %dma_start3A_1001 = arith.constant 0 : i32
      %dma_start3A_1002 = tpu.memref_slice %arg6[%add3A_995, %dma_start3A_1001] : memref<1048576x192xf32, #tpu.memory_space<hbm>> -> memref<128x192xf32, #tpu.memory_space<hbm>>
      %dma_start3A_1003 = arith.constant 0 : i32
      %dma_start3A_1004 = tpu.memref_slice %arg6[%add3A_995, %dma_start3A_1003] : memref<1048576x192xf32, #tpu.memory_space<hbm>> -> memref<128x192xf32, #tpu.memory_space<hbm>>
      %dma_start3A_1005 = arith.constant 0 : i32
      %dma_start3A_1006 = arith.constant 0 : i32
      %dma_start3A_1007 = tpu.memref_slice %arg14[%dma_start3A_996, %dma_start3A_1005, %dma_start3A_1006] : memref<2x128x192xf32, #tpu.memory_space<vmem>> -> memref<1x128x192xf32, #tpu.memory_space<vmem>>
      %dma_start3A_1008 = tpu.memref_squeeze %dma_start3A_1007 : memref<1x128x192xf32, #tpu.memory_space<vmem>> -> memref<128x192xf32, #tpu.memory_space<vmem>>
      tpu.enqueue_dma source(%dma_start3A_1008 : memref<128x192xf32, #tpu.memory_space<vmem>>) target(%dma_start3A_1004 : memref<128x192xf32, #tpu.memory_space<hbm>>) target_semaphore(%arg18 : memref<!tpu.dma_semaphore, #tpu.memory_space<semaphore_mem>>)
    }
    %scan3A_461 = arith.constant 32 : i32
    %mul3A_462 = arith.constant 512 : i32
    %mul3A_463 = arith.muli %add3A, %mul3A_462 : i32
    %add3A_464 = arith.constant 256 : i32
    %add3A_465 = arith.addi %mul3A_463, %add3A_464 : i32
    %dma_wait3A_466 = arith.constant 0 : i32
    %dma_wait3A_467 = arith.constant 0 : i32
    %dma_wait3A_468 = arith.constant 0 : i32
    %dma_wait3A_469 = tpu.memref_slice %arg12[%dma_wait3A_466, %dma_wait3A_467, %dma_wait3A_468] : memref<2x128x64xi32, #tpu.memory_space<vmem>> -> memref<1x128x64xi32, #tpu.memory_space<vmem>>
    %dma_wait3A_470 = tpu.memref_squeeze %dma_wait3A_469 : memref<1x128x64xi32, #tpu.memory_space<vmem>> -> memref<128x64xi32, #tpu.memory_space<vmem>>
    %dma_wait3A_471 = arith.constant 0 : i32
    %dma_wait3A_472 = tpu.memref_slice %arg2[%add3A_465, %dma_wait3A_471] : memref<16384x64xi32, #tpu.memory_space<hbm>> -> memref<128x64xi32, #tpu.memory_space<hbm>>
    %dma_wait3A_473 = arith.constant 0 : i32
    %dma_wait3A_474 = arith.constant 0 : i32
    %dma_wait3A_475 = tpu.memref_slice %arg12[%dma_wait3A_466, %dma_wait3A_473, %dma_wait3A_474] : memref<2x128x64xi32, #tpu.memory_space<vmem>> -> memref<1x128x64xi32, #tpu.memory_space<vmem>>
    %dma_wait3A_476 = tpu.memref_squeeze %dma_wait3A_475 : memref<1x128x64xi32, #tpu.memory_space<vmem>> -> memref<128x64xi32, #tpu.memory_space<vmem>>
    %dma_wait3A_477 = arith.constant 0 : i32
    %dma_wait3A_478 = tpu.memref_slice %arg2[%add3A_465, %dma_wait3A_477] : memref<16384x64xi32, #tpu.memory_space<hbm>> -> memref<128x64xi32, #tpu.memory_space<hbm>>
    tpu.wait_dma2 semaphore(%arg19 : memref<!tpu.dma_semaphore, #tpu.memory_space<semaphore_mem>>) src(%dma_wait3A_478 : memref<128x64xi32, #tpu.memory_space<hbm>>) dst(%dma_wait3A_476 : memref<128x64xi32, #tpu.memory_space<vmem>>)
    %mul3A_479 = arith.constant 512 : i32
    %mul3A_480 = arith.muli %add3A, %mul3A_479 : i32
    %add3A_481 = arith.constant 384 : i32
    %add3A_482 = arith.addi %mul3A_480, %add3A_481 : i32
    %dma_start3A_483 = arith.constant 1 : i32
    %dma_start3A_484 = arith.constant 0 : i32
    %dma_start3A_485 = arith.constant 0 : i32
    %dma_start3A_486 = tpu.memref_slice %arg12[%dma_start3A_483, %dma_start3A_484, %dma_start3A_485] : memref<2x128x64xi32, #tpu.memory_space<vmem>> -> memref<1x128x64xi32, #tpu.memory_space<vmem>>
    %dma_start3A_487 = tpu.memref_squeeze %dma_start3A_486 : memref<1x128x64xi32, #tpu.memory_space<vmem>> -> memref<128x64xi32, #tpu.memory_space<vmem>>
    %dma_start3A_488 = arith.constant 0 : i32
    %dma_start3A_489 = tpu.memref_slice %arg2[%add3A_482, %dma_start3A_488] : memref<16384x64xi32, #tpu.memory_space<hbm>> -> memref<128x64xi32, #tpu.memory_space<hbm>>
    %dma_start3A_490 = arith.constant 0 : i32
    %dma_start3A_491 = arith.constant 0 : i32
    %dma_start3A_492 = tpu.memref_slice %arg12[%dma_start3A_483, %dma_start3A_490, %dma_start3A_491] : memref<2x128x64xi32, #tpu.memory_space<vmem>> -> memref<1x128x64xi32, #tpu.memory_space<vmem>>
    %dma_start3A_493 = tpu.memref_squeeze %dma_start3A_492 : memref<1x128x64xi32, #tpu.memory_space<vmem>> -> memref<128x64xi32, #tpu.memory_space<vmem>>
    %dma_start3A_494 = arith.constant 0 : i32
    %dma_start3A_495 = tpu.memref_slice %arg2[%add3A_482, %dma_start3A_494] : memref<16384x64xi32, #tpu.memory_space<hbm>> -> memref<128x64xi32, #tpu.memory_space<hbm>>
    tpu.enqueue_dma source(%dma_start3A_495 : memref<128x64xi32, #tpu.memory_space<hbm>>) target(%dma_start3A_493 : memref<128x64xi32, #tpu.memory_space<vmem>>) target_semaphore(%arg19 : memref<!tpu.dma_semaphore, #tpu.memory_space<semaphore_mem>>)
    %get3A_496 = arith.constant 0 : i32
    %get3A_497 = arith.constant 0 : i32
    %get3A_498 = arith.index_cast %get3A_496 : i32 to index
    %get3A_499 = arith.index_cast %get3A_497 : i32 to index
    %get3A_500 = arith.constant 0 : index
    %get3A_501 = tpu.vector_load %arg12[%get3A_498, %get3A_499, %get3A_500] {strides = array<i32>} : memref<2x128x64xi32, #tpu.memory_space<vmem>>, vector<1x1x16xi32>,
    %get3A_502 = vector.shape_cast %get3A_501 : vector<1x1x16xi32> to vector<16xi32>
    %mul3A_503 = arith.constant 64 : i32
    %mul3A_504 = vector.broadcast %mul3A_503 : i32 to vector<16xi32>
    %mul3A_505 = arith.muli %get3A_502, %mul3A_504 : vector<16xi32>
    %add3A_506 = arith.constant 0 : i32
    %add3A_507 = vector.broadcast %add3A_506 : i32 to vector<16xi32>
    %add3A_508 = arith.addi %iota3A, %add3A_507 : vector<16xi32>
    %add3A_509 = arith.addi %mul3A_505, %add3A_508 : vector<16xi32>
    %swap3A_510 = arith.constant 0 : i32
    %swap3A_511 = arith.index_cast %swap3A_510 : i32 to index
    %swap3A_512 = arith.constant 0 : index
    %swap3A_513 = tpu.vector_load %arg13[%swap3A_511, %swap3A_512] {strides = array<i32>} : memref<2x128xi32, #tpu.memory_space<vmem>>, vector<1x16xi32>,
    %swap3A_514 = vector.shape_cast %swap3A_513 : vector<1x16xi32> to vector<16xi32>
    %swap3A_515 = vector.shape_cast %add3A_509 : vector<16xi32> to vector<1x16xi32>
    tpu.vector_store %arg13[%swap3A_511, %swap3A_512], %swap3A_515 {strides = array<i32>} : memref<2x128xi32, #tpu.memory_space<vmem>>, vector<1x16xi32>,
    %get3A_516 = arith.constant 0 : i32
    %get3A_517 = arith.constant 0 : i32
    %get3A_518 = arith.index_cast %get3A_516 : i32 to index
    %get3A_519 = arith.index_cast %get3A_517 : i32 to index
    %get3A_520 = arith.constant 16 : index
    %get3A_521 = tpu.vector_load %arg12[%get3A_518, %get3A_519, %get3A_520] {strides = array<i32>} : memref<2x128x64xi32, #tpu.memory_space<vmem>>, vector<1x1x16xi32>,
    %get3A_522 = vector.shape_cast %get3A_521 : vector<1x1x16xi32> to vector<16xi32>
    %mul3A_523 = arith.constant 64 : i32
    %mul3A_524 = vector.broadcast %mul3A_523 : i32 to vector<16xi32>
    %mul3A_525 = arith.muli %get3A_522, %mul3A_524 : vector<16xi32>
    %add3A_526 = arith.constant 16 : i32
    %add3A_527 = vector.broadcast %add3A_526 : i32 to vector<16xi32>
    %add3A_528 = arith.addi %iota3A, %add3A_527 : vector<16xi32>
    %add3A_529 = arith.addi %mul3A_525, %add3A_528 : vector<16xi32>
    %swap3A_530 = arith.constant 0 : i32
    %swap3A_531 = arith.index_cast %swap3A_530 : i32 to index
    %swap3A_532 = arith.constant 16 : index
    %swap3A_533 = tpu.vector_load %arg13[%swap3A_531, %swap3A_532] {strides = array<i32>} : memref<2x128xi32, #tpu.memory_space<vmem>>, vector<1x16xi32>,
    %swap3A_534 = vector.shape_cast %swap3A_533 : vector<1x16xi32> to vector<16xi32>
    %swap3A_535 = vector.shape_cast %add3A_529 : vector<16xi32> to vector<1x16xi32>
    tpu.vector_store %arg13[%swap3A_531, %swap3A_532], %swap3A_535 {strides = array<i32>} : memref<2x128xi32, #tpu.memory_space<vmem>>, vector<1x16xi32>,
    %get3A_536 = arith.constant 0 : i32
    %get3A_537 = arith.constant 0 : i32
    %get3A_538 = arith.index_cast %get3A_536 : i32 to index
    %get3A_539 = arith.index_cast %get3A_537 : i32 to index
    %get3A_540 = arith.constant 32 : index
    %get3A_541 = tpu.vector_load %arg12[%get3A_538, %get3A_539, %get3A_540] {strides = array<i32>} : memref<2x128x64xi32, #tpu.memory_space<vmem>>, vector<1x1x16xi32>,
    %get3A_542 = vector.shape_cast %get3A_541 : vector<1x1x16xi32> to vector<16xi32>
    %mul3A_543 = arith.constant 64 : i32
    %mul3A_544 = vector.broadcast %mul3A_543 : i32 to vector<16xi32>
    %mul3A_545 = arith.muli %get3A_542, %mul3A_544 : vector<16xi32>
    %add3A_546 = arith.constant 32 : i32
    %add3A_547 = vector.broadcast %add3A_546 : i32 to vector<16xi32>
    %add3A_548 = arith.addi %iota3A, %add3A_547 : vector<16xi32>
    %add3A_549 = arith.addi %mul3A_545, %add3A_548 : vector<16xi32>
    %swap3A_550 = arith.constant 0 : i32
    %swap3A_551 = arith.index_cast %swap3A_550 : i32 to index
    %swap3A_552 = arith.constant 32 : index
    %swap3A_553 = tpu.vector_load %arg13[%swap3A_551, %swap3A_552] {strides = array<i32>} : memref<2x128xi32, #tpu.memory_space<vmem>>, vector<1x16xi32>,
    %swap3A_554 = vector.shape_cast %swap3A_553 : vector<1x16xi32> to vector<16xi32>
    %swap3A_555 = vector.shape_cast %add3A_549 : vector<16xi32> to vector<1x16xi32>
    tpu.vector_store %arg13[%swap3A_551, %swap3A_552], %swap3A_555 {strides = array<i32>} : memref<2x128xi32, #tpu.memory_space<vmem>>, vector<1x16xi32>,
    %get3A_556 = arith.constant 0 : i32
    %get3A_557 = arith.constant 0 : i32
    %get3A_558 = arith.index_cast %get3A_556 : i32 to index
    %get3A_559 = arith.index_cast %get3A_557 : i32 to index
    %get3A_560 = arith.constant 48 : index
    %get3A_561 = tpu.vector_load %arg12[%get3A_558, %get3A_559, %get3A_560] {strides = array<i32>} : memref<2x128x64xi32, #tpu.memory_space<vmem>>, vector<1x1x16xi32>,
    %get3A_562 = vector.shape_cast %get3A_561 : vector<1x1x16xi32> to vector<16xi32>
    %mul3A_563 = arith.constant 64 : i32
    %mul3A_564 = vector.broadcast %mul3A_563 : i32 to vector<16xi32>
    %mul3A_565 = arith.muli %get3A_562, %mul3A_564 : vector<16xi32>
    %add3A_566 = arith.constant 48 : i32
    %add3A_567 = vector.broadcast %add3A_566 : i32 to vector<16xi32>
    %add3A_568 = arith.addi %iota3A, %add3A_567 : vector<16xi32>
    %add3A_569 = arith.addi %mul3A_565, %add3A_568 : vector<16xi32>
    %swap3A_570 = arith.constant 0 : i32
    %swap3A_571 = arith.index_cast %swap3A_570 : i32 to index
    %swap3A_572 = arith.constant 48 : index
    %swap3A_573 = tpu.vector_load %arg13[%swap3A_571, %swap3A_572] {strides = array<i32>} : memref<2x128xi32, #tpu.memory_space<vmem>>, vector<1x16xi32>,
    %swap3A_574 = vector.shape_cast %swap3A_573 : vector<1x16xi32> to vector<16xi32>
    %swap3A_575 = vector.shape_cast %add3A_569 : vector<16xi32> to vector<1x16xi32>
    tpu.vector_store %arg13[%swap3A_571, %swap3A_572], %swap3A_575 {strides = array<i32>} : memref<2x128xi32, #tpu.memory_space<vmem>>, vector<1x16xi32>,
    %get3A_576 = arith.constant 0 : i32
    %get3A_577 = arith.constant 1 : i32
    %get3A_578 = arith.index_cast %get3A_576 : i32 to index
    %get3A_579 = arith.index_cast %get3A_577 : i32 to index
    %get3A_580 = arith.constant 0 : index
    %get3A_581 = tpu.vector_load %arg12[%get3A_578, %get3A_579, %get3A_580] {strides = array<i32>} : memref<2x128x64xi32, #tpu.memory_space<vmem>>, vector<1x1x16xi32>,
    %get3A_582 = vector.shape_cast %get3A_581 : vector<1x1x16xi32> to vector<16xi32>
    %mul3A_583 = arith.constant 64 : i32
    %mul3A_584 = vector.broadcast %mul3A_583 : i32 to vector<16xi32>
    %mul3A_585 = arith.muli %get3A_582, %mul3A_584 : vector<16xi32>
    %add3A_586 = arith.constant 0 : i32
    %add3A_587 = vector.broadcast %add3A_586 : i32 to vector<16xi32>
    %add3A_588 = arith.addi %iota3A, %add3A_587 : vector<16xi32>
    %add3A_589 = arith.addi %mul3A_585, %add3A_588 : vector<16xi32>
    %swap3A_590 = arith.constant 0 : i32
    %swap3A_591 = arith.index_cast %swap3A_590 : i32 to index
    %swap3A_592 = arith.constant 64 : index
    %swap3A_593 = tpu.vector_load %arg13[%swap3A_591, %swap3A_592] {strides = array<i32>} : memref<2x128xi32, #tpu.memory_space<vmem>>, vector<1x16xi32>,
    %swap3A_594 = vector.shape_cast %swap3A_593 : vector<1x16xi32> to vector<16xi32>
    %swap3A_595 = vector.shape_cast %add3A_589 : vector<16xi32> to vector<1x16xi32>
    tpu.vector_store %arg13[%swap3A_591, %swap3A_592], %swap3A_595 {strides = array<i32>} : memref<2x128xi32, #tpu.memory_space<vmem>>, vector<1x16xi32>,
    %get3A_596 = arith.constant 0 : i32
    %get3A_597 = arith.constant 1 : i32
    %get3A_598 = arith.index_cast %get3A_596 : i32 to index
    %get3A_599 = arith.index_cast %get3A_597 : i32 to index
    %get3A_600 = arith.constant 16 : index
    %get3A_601 = tpu.vector_load %arg12[%get3A_598, %get3A_599, %get3A_600] {strides = array<i32>} : memref<2x128x64xi32, #tpu.memory_space<vmem>>, vector<1x1x16xi32>,
    %get3A_602 = vector.shape_cast %get3A_601 : vector<1x1x16xi32> to vector<16xi32>
    %mul3A_603 = arith.constant 64 : i32
    %mul3A_604 = vector.broadcast %mul3A_603 : i32 to vector<16xi32>
    %mul3A_605 = arith.muli %get3A_602, %mul3A_604 : vector<16xi32>
    %add3A_606 = arith.constant 16 : i32
    %add3A_607 = vector.broadcast %add3A_606 : i32 to vector<16xi32>
    %add3A_608 = arith.addi %iota3A, %add3A_607 : vector<16xi32>
    %add3A_609 = arith.addi %mul3A_605, %add3A_608 : vector<16xi32>
    %swap3A_610 = arith.constant 0 : i32
    %swap3A_611 = arith.index_cast %swap3A_610 : i32 to index
    %swap3A_612 = arith.constant 80 : index
    %swap3A_613 = tpu.vector_load %arg13[%swap3A_611, %swap3A_612] {strides = array<i32>} : memref<2x128xi32, #tpu.memory_space<vmem>>, vector<1x16xi32>,
    %swap3A_614 = vector.shape_cast %swap3A_613 : vector<1x16xi32> to vector<16xi32>
    %swap3A_615 = vector.shape_cast %add3A_609 : vector<16xi32> to vector<1x16xi32>
    tpu.vector_store %arg13[%swap3A_611, %swap3A_612], %swap3A_615 {strides = array<i32>} : memref<2x128xi32, #tpu.memory_space<vmem>>, vector<1x16xi32>,
    %get3A_616 = arith.constant 0 : i32
    %get3A_617 = arith.constant 1 : i32
    %get3A_618 = arith.index_cast %get3A_616 : i32 to index
    %get3A_619 = arith.index_cast %get3A_617 : i32 to index
    %get3A_620 = arith.constant 32 : index
    %get3A_621 = tpu.vector_load %arg12[%get3A_618, %get3A_619, %get3A_620] {strides = array<i32>} : memref<2x128x64xi32, #tpu.memory_space<vmem>>, vector<1x1x16xi32>,
    %get3A_622 = vector.shape_cast %get3A_621 : vector<1x1x16xi32> to vector<16xi32>
    %mul3A_623 = arith.constant 64 : i32
    %mul3A_624 = vector.broadcast %mul3A_623 : i32 to vector<16xi32>
    %mul3A_625 = arith.muli %get3A_622, %mul3A_624 : vector<16xi32>
    %add3A_626 = arith.constant 32 : i32
    %add3A_627 = vector.broadcast %add3A_626 : i32 to vector<16xi32>
    %add3A_628 = arith.addi %iota3A, %add3A_627 : vector<16xi32>
    %add3A_629 = arith.addi %mul3A_625, %add3A_628 : vector<16xi32>
    %swap3A_630 = arith.constant 0 : i32
    %swap3A_631 = arith.index_cast %swap3A_630 : i32 to index
    %swap3A_632 = arith.constant 96 : index
    %swap3A_633 = tpu.vector_load %arg13[%swap3A_631, %swap3A_632] {strides = array<i32>} : memref<2x128xi32, #tpu.memory_space<vmem>>, vector<1x16xi32>,
    %swap3A_634 = vector.shape_cast %swap3A_633 : vector<1x16xi32> to vector<16xi32>
    %swap3A_635 = vector.shape_cast %add3A_629 : vector<16xi32> to vector<1x16xi32>
    tpu.vector_store %arg13[%swap3A_631, %swap3A_632], %swap3A_635 {strides = array<i32>} : memref<2x128xi32, #tpu.memory_space<vmem>>, vector<1x16xi32>,
    %get3A_636 = arith.constant 0 : i32
    %get3A_637 = arith.constant 1 : i32
    %get3A_638 = arith.index_cast %get3A_636 : i32 to index
    %get3A_639 = arith.index_cast %get3A_637 : i32 to index
    %get3A_640 = arith.constant 48 : index
    %get3A_641 = tpu.vector_load %arg12[%get3A_638, %get3A_639, %get3A_640] {strides = array<i32>} : memref<2x128x64xi32, #tpu.memory_space<vmem>>, vector<1x1x16xi32>,
    %get3A_642 = vector.shape_cast %get3A_641 : vector<1x1x16xi32> to vector<16xi32>
    %mul3A_643 = arith.constant 64 : i32
    %mul3A_644 = vector.broadcast %mul3A_643 : i32 to vector<16xi32>
    %mul3A_645 = arith.muli %get3A_642, %mul3A_644 : vector<16xi32>
    %add3A_646 = arith.constant 48 : i32
    %add3A_647 = vector.broadcast %add3A_646 : i32 to vector<16xi32>
    %add3A_648 = arith.addi %iota3A, %add3A_647 : vector<16xi32>
    %add3A_649 = arith.addi %mul3A_645, %add3A_648 : vector<16xi32>
    %swap3A_650 = arith.constant 0 : i32
    %swap3A_651 = arith.index_cast %swap3A_650 : i32 to index
    %swap3A_652 = arith.constant 112 : index
    %swap3A_653 = tpu.vector_load %arg13[%swap3A_651, %swap3A_652] {strides = array<i32>} : memref<2x128xi32, #tpu.memory_space<vmem>>, vector<1x16xi32>,
    %swap3A_654 = vector.shape_cast %swap3A_653 : vector<1x16xi32> to vector<16xi32>
    %swap3A_655 = vector.shape_cast %add3A_649 : vector<16xi32> to vector<1x16xi32>
    tpu.vector_store %arg13[%swap3A_651, %swap3A_652], %swap3A_655 {strides = array<i32>} : memref<2x128xi32, #tpu.memory_space<vmem>>, vector<1x16xi32>,
    %add3A_656 = arith.constant 16128 : i32
    %add3A_657 = arith.addi %mul3A_9, %add3A_656 : i32
    %dma_wait3A_658 = arith.constant 0 : i32
    %dma_wait3A_659 = arith.constant 0 : i32
    %dma_wait3A_660 = arith.constant 0 : i32
    %dma_wait3A_661 = tpu.memref_slice %arg14[%dma_wait3A_658, %dma_wait3A_659, %dma_wait3A_660] : memref<2x128x192xf32, #tpu.memory_space<vmem>> -> memref<1x128x192xf32, #tpu.memory_space<vmem>>
    %dma_wait3A_662 = tpu.memref_squeeze %dma_wait3A_661 : memref<1x128x192xf32, #tpu.memory_space<vmem>> -> memref<128x192xf32, #tpu.memory_space<vmem>>
    %dma_wait3A_663 = arith.constant 0 : i32
    %dma_wait3A_664 = tpu.memref_slice %arg6[%add3A_657, %dma_wait3A_663] : memref<1048576x192xf32, #tpu.memory_space<hbm>> -> memref<128x192xf32, #tpu.memory_space<hbm>>
    %dma_wait3A_665 = arith.constant 0 : i32
    %dma_wait3A_666 = tpu.memref_slice %arg6[%add3A_657, %dma_wait3A_665] : memref<1048576x192xf32, #tpu.memory_space<hbm>> -> memref<128x192xf32, #tpu.memory_space<hbm>>
    %dma_wait3A_667 = arith.constant 0 : i32
    %dma_wait3A_668 = arith.constant 0 : i32
    %dma_wait3A_669 = tpu.memref_slice %arg14[%dma_wait3A_658, %dma_wait3A_667, %dma_wait3A_668] : memref<2x128x192xf32, #tpu.memory_space<vmem>> -> memref<1x128x192xf32, #tpu.memory_space<vmem>>
    %dma_wait3A_670 = tpu.memref_squeeze %dma_wait3A_669 : memref<1x128x192xf32, #tpu.memory_space<vmem>> -> memref<128x192xf32, #tpu.memory_space<vmem>>
    tpu.wait_dma2 semaphore(%arg17 : memref<!tpu.dma_semaphore, #tpu.memory_space<semaphore_mem>>) src(%dma_wait3A_670 : memref<128x192xf32, #tpu.memory_space<vmem>>) dst(%dma_wait3A_666 : memref<128x192xf32, #tpu.memory_space<hbm>>)
    %dma_start3A_671 = arith.constant 0 : i32
    %dma_start3A_672 = arith.constant 0 : i32
    %dma_start3A_673 = arith.constant 0 : i32
    %dma_start3A_674 = arith.constant 0 : i32
    %dma_start3A_675 = tpu.memref_slice %arg14[%dma_start3A_672, %dma_start3A_673, %dma_start3A_674] : memref<2x128x192xf32, #tpu.memory_space<vmem>> -> memref<1x128x192xf32, #tpu.memory_space<vmem>>
    %dma_start3A_676 = tpu.memref_squeeze %dma_start3A_675 : memref<1x128x192xf32, #tpu.memory_space<vmem>> -> memref<128x192xf32, #tpu.memory_space<vmem>>
    %dma_start3A_677 = arith.constant 0 : i32
    %dma_start3A_678 = tpu.memref_slice %arg13[%dma_start3A_671, %dma_start3A_677] : memref<2x128xi32, #tpu.memory_space<vmem>> -> memref<1x128xi32, #tpu.memory_space<vmem>>
    %dma_start3A_679 = tpu.memref_squeeze %dma_start3A_678 : memref<1x128xi32, #tpu.memory_space<vmem>> -> memref<128xi32, #tpu.memory_space<vmem>>
    %dma_start3A_680 = arith.constant 0 : i32
    %dma_start3A_681 = arith.constant 0 : i32
    %dma_start3A_682 = tpu.memref_slice %arg11[%dma_start3A_680, %dma_start3A_681] : memref<1664x192xf32, #tpu.memory_space<vmem_shared>> -> memref<1664x192xf32, #tpu.memory_space<vmem_shared>>
    tpu.enqueue_indirect_dma source(%dma_start3A_682 : memref<1664x192xf32, #tpu.memory_space<vmem_shared>>) target(%dma_start3A_676 : memref<128x192xf32, #tpu.memory_space<vmem>>) offsets(%dma_start3A_679 : memref<128xi32, #tpu.memory_space<vmem>>) semaphore(%arg15 : memref<!tpu.dma_semaphore, #tpu.memory_space<semaphore_mem>>)
    %scan3A_683 = arith.constant 0 : i32
    %scan3A_684 = arith.constant 0 : i32
    %scan3A_685 = arith.constant 32 : i32
    %scan3A_686 = arith.addi %scan3A_684, %scan3A_685 : i32
    %scan3A_687 = arith.constant 1 : i32
    scf.for %scan3A_929 = %scan3A_684 to %scan3A_686 step %scan3A_687  : i32 {
      %mul3A_930 = arith.constant 2 : i32
      %mul3A_931 = arith.muli %scan3A_929, %mul3A_930 : i32
      %add3A_932 = arith.constant 0 : i32
      %add3A_933 = arith.addi %mul3A_931, %add3A_932 : i32
      %add3A_934 = arith.constant 128 : i32
      %add3A_935 = arith.addi %add3A_934, %add3A_933 : i32
      %add3A_936 = arith.constant 1 : i32
      %add3A_937 = arith.addi %add3A_933, %add3A_936 : i32
      %lt3A = arith.constant 64 : i32
      %lt3A_938 = arith.cmpi slt, %add3A_937, %lt3A : i32
      %convert_element_type3A = arith.extui %lt3A_938 : i1 to i32
      %cond3A = arith.constant 0 : i32
      %cond3A_939 = arith.cmpi ne, %convert_element_type3A, %cond3A : i32
      scf.if %cond3A_939 {
        %add3A_1009 = arith.constant 1 : i32
        %add3A_1010 = arith.addi %add3A_933, %add3A_1009 : i32
        %mul3A_1011 = arith.constant 2 : i32
        %mul3A_1012 = arith.muli %add3A_1010, %mul3A_1011 : i32
        %add3A_1013 = arith.constant 0 : i32
        %add3A_1014 = arith.addi %mul3A_1012, %add3A_1013 : i32
        %get3A_1015 = arith.constant 0 : i32
        %get3A_1016 = arith.index_cast %get3A_1015 : i32 to index
        %get3A_1017 = arith.index_cast %add3A_1014 : i32 to index
        %get3A_1018 = arith.constant 0 : index
        %get3A_1019 = tpu.vector_load %arg12[%get3A_1016, %get3A_1017, %get3A_1018] {strides = array<i32>} : memref<2x128x64xi32, #tpu.memory_space<vmem>>, vector<1x1x16xi32>,
        %get3A_1020 = vector.shape_cast %get3A_1019 : vector<1x1x16xi32> to vector<16xi32>
        %mul3A_1021 = arith.constant 64 : i32
        %mul3A_1022 = vector.broadcast %mul3A_1021 : i32 to vector<16xi32>
        %mul3A_1023 = arith.muli %get3A_1020, %mul3A_1022 : vector<16xi32>
        %add3A_1024 = arith.constant 0 : i32
        %add3A_1025 = vector.broadcast %add3A_1024 : i32 to vector<16xi32>
        %add3A_1026 = arith.addi %iota3A, %add3A_1025 : vector<16xi32>
        %add3A_1027 = arith.addi %mul3A_1023, %add3A_1026 : vector<16xi32>
        %swap3A_1028 = arith.constant 1 : i32
        %swap3A_1029 = arith.index_cast %swap3A_1028 : i32 to index
        %swap3A_1030 = arith.constant 0 : index
        %swap3A_1031 = tpu.vector_load %arg13[%swap3A_1029, %swap3A_1030] {strides = array<i32>} : memref<2x128xi32, #tpu.memory_space<vmem>>, vector<1x16xi32>,
        %swap3A_1032 = vector.shape_cast %swap3A_1031 : vector<1x16xi32> to vector<16xi32>
        %swap3A_1033 = vector.shape_cast %add3A_1027 : vector<16xi32> to vector<1x16xi32>
        tpu.vector_store %arg13[%swap3A_1029, %swap3A_1030], %swap3A_1033 {strides = array<i32>} : memref<2x128xi32, #tpu.memory_space<vmem>>, vector<1x16xi32>,
        %get3A_1034 = arith.constant 0 : i32
        %get3A_1035 = arith.index_cast %get3A_1034 : i32 to index
        %get3A_1036 = arith.index_cast %add3A_1014 : i32 to index
        %get3A_1037 = arith.constant 16 : index
        %get3A_1038 = tpu.vector_load %arg12[%get3A_1035, %get3A_1036, %get3A_1037] {strides = array<i32>} : memref<2x128x64xi32, #tpu.memory_space<vmem>>, vector<1x1x16xi32>,
        %get3A_1039 = vector.shape_cast %get3A_1038 : vector<1x1x16xi32> to vector<16xi32>
        %mul3A_1040 = arith.constant 64 : i32
        %mul3A_1041 = vector.broadcast %mul3A_1040 : i32 to vector<16xi32>
        %mul3A_1042 = arith.muli %get3A_1039, %mul3A_1041 : vector<16xi32>
        %add3A_1043 = arith.constant 16 : i32
        %add3A_1044 = vector.broadcast %add3A_1043 : i32 to vector<16xi32>
        %add3A_1045 = arith.addi %iota3A, %add3A_1044 : vector<16xi32>
        %add3A_1046 = arith.addi %mul3A_1042, %add3A_1045 : vector<16xi32>
        %swap3A_1047 = arith.constant 1 : i32
        %swap3A_1048 = arith.index_cast %swap3A_1047 : i32 to index
        %swap3A_1049 = arith.constant 16 : index
        %swap3A_1050 = tpu.vector_load %arg13[%swap3A_1048, %swap3A_1049] {strides = array<i32>} : memref<2x128xi32, #tpu.memory_space<vmem>>, vector<1x16xi32>,
        %swap3A_1051 = vector.shape_cast %swap3A_1050 : vector<1x16xi32> to vector<16xi32>
        %swap3A_1052 = vector.shape_cast %add3A_1046 : vector<16xi32> to vector<1x16xi32>
        tpu.vector_store %arg13[%swap3A_1048, %swap3A_1049], %swap3A_1052 {strides = array<i32>} : memref<2x128xi32, #tpu.memory_space<vmem>>, vector<1x16xi32>,
        %get3A_1053 = arith.constant 0 : i32
        %get3A_1054 = arith.index_cast %get3A_1053 : i32 to index
        %get3A_1055 = arith.index_cast %add3A_1014 : i32 to index
        %get3A_1056 = arith.constant 32 : index
        %get3A_1057 = tpu.vector_load %arg12[%get3A_1054, %get3A_1055, %get3A_1056] {strides = array<i32>} : memref<2x128x64xi32, #tpu.memory_space<vmem>>, vector<1x1x16xi32>,
        %get3A_1058 = vector.shape_cast %get3A_1057 : vector<1x1x16xi32> to vector<16xi32>
        %mul3A_1059 = arith.constant 64 : i32
        %mul3A_1060 = vector.broadcast %mul3A_1059 : i32 to vector<16xi32>
        %mul3A_1061 = arith.muli %get3A_1058, %mul3A_1060 : vector<16xi32>
        %add3A_1062 = arith.constant 32 : i32
        %add3A_1063 = vector.broadcast %add3A_1062 : i32 to vector<16xi32>
        %add3A_1064 = arith.addi %iota3A, %add3A_1063 : vector<16xi32>
        %add3A_1065 = arith.addi %mul3A_1061, %add3A_1064 : vector<16xi32>
        %swap3A_1066 = arith.constant 1 : i32
        %swap3A_1067 = arith.index_cast %swap3A_1066 : i32 to index
        %swap3A_1068 = arith.constant 32 : index
        %swap3A_1069 = tpu.vector_load %arg13[%swap3A_1067, %swap3A_1068] {strides = array<i32>} : memref<2x128xi32, #tpu.memory_space<vmem>>, vector<1x16xi32>,
        %swap3A_1070 = vector.shape_cast %swap3A_1069 : vector<1x16xi32> to vector<16xi32>
        %swap3A_1071 = vector.shape_cast %add3A_1065 : vector<16xi32> to vector<1x16xi32>
        tpu.vector_store %arg13[%swap3A_1067, %swap3A_1068], %swap3A_1071 {strides = array<i32>} : memref<2x128xi32, #tpu.memory_space<vmem>>, vector<1x16xi32>,
        %get3A_1072 = arith.constant 0 : i32
        %get3A_1073 = arith.index_cast %get3A_1072 : i32 to index
        %get3A_1074 = arith.index_cast %add3A_1014 : i32 to index
        %get3A_1075 = arith.constant 48 : index
        %get3A_1076 = tpu.vector_load %arg12[%get3A_1073, %get3A_1074, %get3A_1075] {strides = array<i32>} : memref<2x128x64xi32, #tpu.memory_space<vmem>>, vector<1x1x16xi32>,
        %get3A_1077 = vector.shape_cast %get3A_1076 : vector<1x1x16xi32> to vector<16xi32>
        %mul3A_1078 = arith.constant 64 : i32
        %mul3A_1079 = vector.broadcast %mul3A_1078 : i32 to vector<16xi32>
        %mul3A_1080 = arith.muli %get3A_1077, %mul3A_1079 : vector<16xi32>
        %add3A_1081 = arith.constant 48 : i32
        %add3A_1082 = vector.broadcast %add3A_1081 : i32 to vector<16xi32>
        %add3A_1083 = arith.addi %iota3A, %add3A_1082 : vector<16xi32>
        %add3A_1084 = arith.addi %mul3A_1080, %add3A_1083 : vector<16xi32>
        %swap3A_1085 = arith.constant 1 : i32
        %swap3A_1086 = arith.index_cast %swap3A_1085 : i32 to index
        %swap3A_1087 = arith.constant 48 : index
        %swap3A_1088 = tpu.vector_load %arg13[%swap3A_1086, %swap3A_1087] {strides = array<i32>} : memref<2x128xi32, #tpu.memory_space<vmem>>, vector<1x16xi32>,
        %swap3A_1089 = vector.shape_cast %swap3A_1088 : vector<1x16xi32> to vector<16xi32>
        %swap3A_1090 = vector.shape_cast %add3A_1084 : vector<16xi32> to vector<1x16xi32>
        tpu.vector_store %arg13[%swap3A_1086, %swap3A_1087], %swap3A_1090 {strides = array<i32>} : memref<2x128xi32, #tpu.memory_space<vmem>>, vector<1x16xi32>,
        %mul3A_1091 = arith.constant 2 : i32
        %mul3A_1092 = arith.muli %add3A_1010, %mul3A_1091 : i32
        %add3A_1093 = arith.constant 1 : i32
        %add3A_1094 = arith.addi %mul3A_1092, %add3A_1093 : i32
        %get3A_1095 = arith.constant 0 : i32
        %get3A_1096 = arith.index_cast %get3A_1095 : i32 to index
        %get3A_1097 = arith.index_cast %add3A_1094 : i32 to index
        %get3A_1098 = arith.constant 0 : index
        %get3A_1099 = tpu.vector_load %arg12[%get3A_1096, %get3A_1097, %get3A_1098] {strides = array<i32>} : memref<2x128x64xi32, #tpu.memory_space<vmem>>, vector<1x1x16xi32>,
        %get3A_1100 = vector.shape_cast %get3A_1099 : vector<1x1x16xi32> to vector<16xi32>
        %mul3A_1101 = arith.constant 64 : i32
        %mul3A_1102 = vector.broadcast %mul3A_1101 : i32 to vector<16xi32>
        %mul3A_1103 = arith.muli %get3A_1100, %mul3A_1102 : vector<16xi32>
        %add3A_1104 = arith.constant 0 : i32
        %add3A_1105 = vector.broadcast %add3A_1104 : i32 to vector<16xi32>
        %add3A_1106 = arith.addi %iota3A, %add3A_1105 : vector<16xi32>
        %add3A_1107 = arith.addi %mul3A_1103, %add3A_1106 : vector<16xi32>
        %swap3A_1108 = arith.constant 1 : i32
        %swap3A_1109 = arith.index_cast %swap3A_1108 : i32 to index
        %swap3A_1110 = arith.constant 64 : index
        %swap3A_1111 = tpu.vector_load %arg13[%swap3A_1109, %swap3A_1110] {strides = array<i32>} : memref<2x128xi32, #tpu.memory_space<vmem>>, vector<1x16xi32>,
        %swap3A_1112 = vector.shape_cast %swap3A_1111 : vector<1x16xi32> to vector<16xi32>
        %swap3A_1113 = vector.shape_cast %add3A_1107 : vector<16xi32> to vector<1x16xi32>
        tpu.vector_store %arg13[%swap3A_1109, %swap3A_1110], %swap3A_1113 {strides = array<i32>} : memref<2x128xi32, #tpu.memory_space<vmem>>, vector<1x16xi32>,
        %get3A_1114 = arith.constant 0 : i32
        %get3A_1115 = arith.index_cast %get3A_1114 : i32 to index
        %get3A_1116 = arith.index_cast %add3A_1094 : i32 to index
        %get3A_1117 = arith.constant 16 : index
        %get3A_1118 = tpu.vector_load %arg12[%get3A_1115, %get3A_1116, %get3A_1117] {strides = array<i32>} : memref<2x128x64xi32, #tpu.memory_space<vmem>>, vector<1x1x16xi32>,
        %get3A_1119 = vector.shape_cast %get3A_1118 : vector<1x1x16xi32> to vector<16xi32>
        %mul3A_1120 = arith.constant 64 : i32
        %mul3A_1121 = vector.broadcast %mul3A_1120 : i32 to vector<16xi32>
        %mul3A_1122 = arith.muli %get3A_1119, %mul3A_1121 : vector<16xi32>
        %add3A_1123 = arith.constant 16 : i32
        %add3A_1124 = vector.broadcast %add3A_1123 : i32 to vector<16xi32>
        %add3A_1125 = arith.addi %iota3A, %add3A_1124 : vector<16xi32>
        %add3A_1126 = arith.addi %mul3A_1122, %add3A_1125 : vector<16xi32>
        %swap3A_1127 = arith.constant 1 : i32
        %swap3A_1128 = arith.index_cast %swap3A_1127 : i32 to index
        %swap3A_1129 = arith.constant 80 : index
        %swap3A_1130 = tpu.vector_load %arg13[%swap3A_1128, %swap3A_1129] {strides = array<i32>} : memref<2x128xi32, #tpu.memory_space<vmem>>, vector<1x16xi32>,
        %swap3A_1131 = vector.shape_cast %swap3A_1130 : vector<1x16xi32> to vector<16xi32>
        %swap3A_1132 = vector.shape_cast %add3A_1126 : vector<16xi32> to vector<1x16xi32>
        tpu.vector_store %arg13[%swap3A_1128, %swap3A_1129], %swap3A_1132 {strides = array<i32>} : memref<2x128xi32, #tpu.memory_space<vmem>>, vector<1x16xi32>,
        %get3A_1133 = arith.constant 0 : i32
        %get3A_1134 = arith.index_cast %get3A_1133 : i32 to index
        %get3A_1135 = arith.index_cast %add3A_1094 : i32 to index
        %get3A_1136 = arith.constant 32 : index
        %get3A_1137 = tpu.vector_load %arg12[%get3A_1134, %get3A_1135, %get3A_1136] {strides = array<i32>} : memref<2x128x64xi32, #tpu.memory_space<vmem>>, vector<1x1x16xi32>,
        %get3A_1138 = vector.shape_cast %get3A_1137 : vector<1x1x16xi32> to vector<16xi32>
        %mul3A_1139 = arith.constant 64 : i32
        %mul3A_1140 = vector.broadcast %mul3A_1139 : i32 to vector<16xi32>
        %mul3A_1141 = arith.muli %get3A_1138, %mul3A_1140 : vector<16xi32>
        %add3A_1142 = arith.constant 32 : i32
        %add3A_1143 = vector.broadcast %add3A_1142 : i32 to vector<16xi32>
        %add3A_1144 = arith.addi %iota3A, %add3A_1143 : vector<16xi32>
        %add3A_1145 = arith.addi %mul3A_1141, %add3A_1144 : vector<16xi32>
        %swap3A_1146 = arith.constant 1 : i32
        %swap3A_1147 = arith.index_cast %swap3A_1146 : i32 to index
        %swap3A_1148 = arith.constant 96 : index
        %swap3A_1149 = tpu.vector_load %arg13[%swap3A_1147, %swap3A_1148] {strides = array<i32>} : memref<2x128xi32, #tpu.memory_space<vmem>>, vector<1x16xi32>,
        %swap3A_1150 = vector.shape_cast %swap3A_1149 : vector<1x16xi32> to vector<16xi32>
        %swap3A_1151 = vector.shape_cast %add3A_1145 : vector<16xi32> to vector<1x16xi32>
        tpu.vector_store %arg13[%swap3A_1147, %swap3A_1148], %swap3A_1151 {strides = array<i32>} : memref<2x128xi32, #tpu.memory_space<vmem>>, vector<1x16xi32>,
        %get3A_1152 = arith.constant 0 : i32
        %get3A_1153 = arith.index_cast %get3A_1152 : i32 to index
        %get3A_1154 = arith.index_cast %add3A_1094 : i32 to index
        %get3A_1155 = arith.constant 48 : index
        %get3A_1156 = tpu.vector_load %arg12[%get3A_1153, %get3A_1154, %get3A_1155] {strides = array<i32>} : memref<2x128x64xi32, #tpu.memory_space<vmem>>, vector<1x1x16xi32>,
        %get3A_1157 = vector.shape_cast %get3A_1156 : vector<1x1x16xi32> to vector<16xi32>
        %mul3A_1158 = arith.constant 64 : i32
        %mul3A_1159 = vector.broadcast %mul3A_1158 : i32 to vector<16xi32>
        %mul3A_1160 = arith.muli %get3A_1157, %mul3A_1159 : vector<16xi32>
        %add3A_1161 = arith.constant 48 : i32
        %add3A_1162 = vector.broadcast %add3A_1161 : i32 to vector<16xi32>
        %add3A_1163 = arith.addi %iota3A, %add3A_1162 : vector<16xi32>
        %add3A_1164 = arith.addi %mul3A_1160, %add3A_1163 : vector<16xi32>
        %swap3A_1165 = arith.constant 1 : i32
        %swap3A_1166 = arith.index_cast %swap3A_1165 : i32 to index
        %swap3A_1167 = arith.constant 112 : index
        %swap3A_1168 = tpu.vector_load %arg13[%swap3A_1166, %swap3A_1167] {strides = array<i32>} : memref<2x128xi32, #tpu.memory_space<vmem>>, vector<1x16xi32>,
        %swap3A_1169 = vector.shape_cast %swap3A_1168 : vector<1x16xi32> to vector<16xi32>
        %swap3A_1170 = vector.shape_cast %add3A_1164 : vector<16xi32> to vector<1x16xi32>
        tpu.vector_store %arg13[%swap3A_1166, %swap3A_1167], %swap3A_1170 {strides = array<i32>} : memref<2x128xi32, #tpu.memory_space<vmem>>, vector<1x16xi32>,
        %ge3A = arith.constant 1 : i32
        %ge3A_1171 = arith.cmpi sge, %add3A_935, %ge3A : i32
        %convert_element_type3A_1172 = arith.extui %ge3A_1171 : i1 to i32
        %cond3A_1173 = arith.constant 0 : i32
        %cond3A_1174 = arith.cmpi ne, %convert_element_type3A_1172, %cond3A_1173 : i32
        scf.if %cond3A_1174 {
          %sub3A = arith.constant 1 : i32
          %sub3A_1187 = arith.subi %add3A_935, %sub3A : i32
          %mul3A_1188 = arith.constant 128 : i32
          %mul3A_1189 = arith.muli %sub3A_1187, %mul3A_1188 : i32
          %add3A_1190 = arith.addi %mul3A_9, %mul3A_1189 : i32
          %dma_wait3A_1191 = arith.constant 1 : i32
          %dma_wait3A_1192 = arith.constant 0 : i32
          %dma_wait3A_1193 = arith.constant 0 : i32
          %dma_wait3A_1194 = tpu.memref_slice %arg14[%dma_wait3A_1191, %dma_wait3A_1192, %dma_wait3A_1193] : memref<2x128x192xf32, #tpu.memory_space<vmem>> -> memref<1x128x192xf32, #tpu.memory_space<vmem>>
          %dma_wait3A_1195 = tpu.memref_squeeze %dma_wait3A_1194 : memref<1x128x192xf32, #tpu.memory_space<vmem>> -> memref<128x192xf32, #tpu.memory_space<vmem>>
          %dma_wait3A_1196 = arith.constant 0 : i32
          %dma_wait3A_1197 = tpu.memref_slice %arg6[%add3A_1190, %dma_wait3A_1196] : memref<1048576x192xf32, #tpu.memory_space<hbm>> -> memref<128x192xf32, #tpu.memory_space<hbm>>
          %dma_wait3A_1198 = arith.constant 0 : i32
          %dma_wait3A_1199 = tpu.memref_slice %arg6[%add3A_1190, %dma_wait3A_1198] : memref<1048576x192xf32, #tpu.memory_space<hbm>> -> memref<128x192xf32, #tpu.memory_space<hbm>>
          %dma_wait3A_1200 = arith.constant 0 : i32
          %dma_wait3A_1201 = arith.constant 0 : i32
          %dma_wait3A_1202 = tpu.memref_slice %arg14[%dma_wait3A_1191, %dma_wait3A_1200, %dma_wait3A_1201] : memref<2x128x192xf32, #tpu.memory_space<vmem>> -> memref<1x128x192xf32, #tpu.memory_space<vmem>>
          %dma_wait3A_1203 = tpu.memref_squeeze %dma_wait3A_1202 : memref<1x128x192xf32, #tpu.memory_space<vmem>> -> memref<128x192xf32, #tpu.memory_space<vmem>>
          tpu.wait_dma2 semaphore(%arg18 : memref<!tpu.dma_semaphore, #tpu.memory_space<semaphore_mem>>) src(%dma_wait3A_1203 : memref<128x192xf32, #tpu.memory_space<vmem>>) dst(%dma_wait3A_1199 : memref<128x192xf32, #tpu.memory_space<hbm>>)
        } else {
        }
        %dma_start3A_1175 = arith.constant 1 : i32
        %dma_start3A_1176 = arith.constant 1 : i32
        %dma_start3A_1177 = arith.constant 0 : i32
        %dma_start3A_1178 = arith.constant 0 : i32
        %dma_start3A_1179 = tpu.memref_slice %arg14[%dma_start3A_1176, %dma_start3A_1177, %dma_start3A_1178] : memref<2x128x192xf32, #tpu.memory_space<vmem>> -> memref<1x128x192xf32, #tpu.memory_space<vmem>>
        %dma_start3A_1180 = tpu.memref_squeeze %dma_start3A_1179 : memref<1x128x192xf32, #tpu.memory_space<vmem>> -> memref<128x192xf32, #tpu.memory_space<vmem>>
        %dma_start3A_1181 = arith.constant 0 : i32
        %dma_start3A_1182 = tpu.memref_slice %arg13[%dma_start3A_1175, %dma_start3A_1181] : memref<2x128xi32, #tpu.memory_space<vmem>> -> memref<1x128xi32, #tpu.memory_space<vmem>>
        %dma_start3A_1183 = tpu.memref_squeeze %dma_start3A_1182 : memref<1x128xi32, #tpu.memory_space<vmem>> -> memref<128xi32, #tpu.memory_space<vmem>>
        %dma_start3A_1184 = arith.constant 0 : i32
        %dma_start3A_1185 = arith.constant 0 : i32
        %dma_start3A_1186 = tpu.memref_slice %arg11[%dma_start3A_1184, %dma_start3A_1185] : memref<1664x192xf32, #tpu.memory_space<vmem_shared>> -> memref<1664x192xf32, #tpu.memory_space<vmem_shared>>
        tpu.enqueue_indirect_dma source(%dma_start3A_1186 : memref<1664x192xf32, #tpu.memory_space<vmem_shared>>) target(%dma_start3A_1180 : memref<128x192xf32, #tpu.memory_space<vmem>>) offsets(%dma_start3A_1183 : memref<128xi32, #tpu.memory_space<vmem>>) semaphore(%arg16 : memref<!tpu.dma_semaphore, #tpu.memory_space<semaphore_mem>>)
      } else {
      }
      %dma_wait3A_940 = arith.constant 0 : i32
      %dma_wait3A_941 = arith.constant 0 : i32
      %dma_wait3A_942 = arith.constant 0 : i32
      %dma_wait3A_943 = arith.constant 0 : i32
      %dma_wait3A_944 = tpu.memref_slice %arg14[%dma_wait3A_941, %dma_wait3A_942, %dma_wait3A_943] : memref<2x128x192xf32, #tpu.memory_space<vmem>> -> memref<1x128x192xf32, #tpu.memory_space<vmem>>
      %dma_wait3A_945 = tpu.memref_squeeze %dma_wait3A_944 : memref<1x128x192xf32, #tpu.memory_space<vmem>> -> memref<128x192xf32, #tpu.memory_space<vmem>>
      %dma_wait3A_946 = arith.constant 0 : i32
      %dma_wait3A_947 = tpu.memref_slice %arg13[%dma_wait3A_940, %dma_wait3A_946] : memref<2x128xi32, #tpu.memory_space<vmem>> -> memref<1x128xi32, #tpu.memory_space<vmem>>
      %dma_wait3A_948 = tpu.memref_squeeze %dma_wait3A_947 : memref<1x128xi32, #tpu.memory_space<vmem>> -> memref<128xi32, #tpu.memory_space<vmem>>
      %dma_wait3A_949 = arith.constant 0 : i32
      %dma_wait3A_950 = arith.constant 0 : i32
      %dma_wait3A_951 = tpu.memref_slice %arg11[%dma_wait3A_949, %dma_wait3A_950] : memref<1664x192xf32, #tpu.memory_space<vmem_shared>> -> memref<1664x192xf32, #tpu.memory_space<vmem_shared>>
      tpu.wait_indirect_dma semaphore(%arg15 : memref<!tpu.dma_semaphore, #tpu.memory_space<semaphore_mem>>) src(%dma_wait3A_951 : memref<1664x192xf32, #tpu.memory_space<vmem_shared>>) dst(%dma_wait3A_945 : memref<128x192xf32, #tpu.memory_space<vmem>>)
      %mul3A_952 = arith.constant 128 : i32
      %mul3A_953 = arith.muli %add3A_935, %mul3A_952 : i32
      %add3A_954 = arith.addi %mul3A_9, %mul3A_953 : i32
      %dma_start3A_955 = arith.constant 0 : i32
      %dma_start3A_956 = arith.constant 0 : i32
      %dma_start3A_957 = arith.constant 0 : i32
      %dma_start3A_958 = tpu.memref_slice %arg14[%dma_start3A_955, %dma_start3A_956, %dma_start3A_957] : memref<2x128x192xf32, #tpu.memory_space<vmem>> -> memref<1x128x192xf32, #tpu.memory_space<vmem>>
      %dma_start3A_959 = tpu.memref_squeeze %dma_start3A_958 : memref<1x128x192xf32, #tpu.memory_space<vmem>> -> memref<128x192xf32, #tpu.memory_space<vmem>>
      %dma_start3A_960 = arith.constant 0 : i32
      %dma_start3A_961 = tpu.memref_slice %arg6[%add3A_954, %dma_start3A_960] : memref<1048576x192xf32, #tpu.memory_space<hbm>> -> memref<128x192xf32, #tpu.memory_space<hbm>>
      %dma_start3A_962 = arith.constant 0 : i32
      %dma_start3A_963 = tpu.memref_slice %arg6[%add3A_954, %dma_start3A_962] : memref<1048576x192xf32, #tpu.memory_space<hbm>> -> memref<128x192xf32, #tpu.memory_space<hbm>>
      %dma_start3A_964 = arith.constant 0 : i32
      %dma_start3A_965 = arith.constant 0 : i32
      %dma_start3A_966 = tpu.memref_slice %arg14[%dma_start3A_955, %dma_start3A_964, %dma_start3A_965] : memref<2x128x192xf32, #tpu.memory_space<vmem>> -> memref<1x128x192xf32, #tpu.memory_space<vmem>>
      %dma_start3A_967 = tpu.memref_squeeze %dma_start3A_966 : memref<1x128x192xf32, #tpu.memory_space<vmem>> -> memref<128x192xf32, #tpu.memory_space<vmem>>
      tpu.enqueue_dma source(%dma_start3A_967 : memref<128x192xf32, #tpu.memory_space<vmem>>) target(%dma_start3A_963 : memref<128x192xf32, #tpu.memory_space<hbm>>) target_semaphore(%arg17 : memref<!tpu.dma_semaphore, #tpu.memory_space<semaphore_mem>>)
      %mul3A_968 = arith.constant 2 : i32
      %mul3A_969 = arith.muli %scan3A_929, %mul3A_968 : i32
      %add3A_970 = arith.constant 1 : i32
      %add3A_971 = arith.addi %mul3A_969, %add3A_970 : i32
      %add3A_972 = arith.constant 128 : i32
      %add3A_973 = arith.addi %add3A_972, %add3A_971 : i32
      %add3A_974 = arith.constant 1 : i32
      %add3A_975 = arith.addi %add3A_971, %add3A_974 : i32
      %lt3A_976 = arith.constant 64 : i32
      %lt3A_977 = arith.cmpi slt, %add3A_975, %lt3A_976 : i32
      %convert_element_type3A_978 = arith.extui %lt3A_977 : i1 to i32
      %cond3A_979 = arith.constant 0 : i32
      %cond3A_980 = arith.cmpi ne, %convert_element_type3A_978, %cond3A_979 : i32
      scf.if %cond3A_980 {
        %add3A_1009 = arith.constant 1 : i32
        %add3A_1010 = arith.addi %add3A_971, %add3A_1009 : i32
        %mul3A_1011 = arith.constant 2 : i32
        %mul3A_1012 = arith.muli %add3A_1010, %mul3A_1011 : i32
        %add3A_1013 = arith.constant 0 : i32
        %add3A_1014 = arith.addi %mul3A_1012, %add3A_1013 : i32
        %get3A_1015 = arith.constant 0 : i32
        %get3A_1016 = arith.index_cast %get3A_1015 : i32 to index
        %get3A_1017 = arith.index_cast %add3A_1014 : i32 to index
        %get3A_1018 = arith.constant 0 : index
        %get3A_1019 = tpu.vector_load %arg12[%get3A_1016, %get3A_1017, %get3A_1018] {strides = array<i32>} : memref<2x128x64xi32, #tpu.memory_space<vmem>>, vector<1x1x16xi32>,
        %get3A_1020 = vector.shape_cast %get3A_1019 : vector<1x1x16xi32> to vector<16xi32>
        %mul3A_1021 = arith.constant 64 : i32
        %mul3A_1022 = vector.broadcast %mul3A_1021 : i32 to vector<16xi32>
        %mul3A_1023 = arith.muli %get3A_1020, %mul3A_1022 : vector<16xi32>
        %add3A_1024 = arith.constant 0 : i32
        %add3A_1025 = vector.broadcast %add3A_1024 : i32 to vector<16xi32>
        %add3A_1026 = arith.addi %iota3A, %add3A_1025 : vector<16xi32>
        %add3A_1027 = arith.addi %mul3A_1023, %add3A_1026 : vector<16xi32>
        %swap3A_1028 = arith.constant 0 : i32
        %swap3A_1029 = arith.index_cast %swap3A_1028 : i32 to index
        %swap3A_1030 = arith.constant 0 : index
        %swap3A_1031 = tpu.vector_load %arg13[%swap3A_1029, %swap3A_1030] {strides = array<i32>} : memref<2x128xi32, #tpu.memory_space<vmem>>, vector<1x16xi32>,
        %swap3A_1032 = vector.shape_cast %swap3A_1031 : vector<1x16xi32> to vector<16xi32>
        %swap3A_1033 = vector.shape_cast %add3A_1027 : vector<16xi32> to vector<1x16xi32>
        tpu.vector_store %arg13[%swap3A_1029, %swap3A_1030], %swap3A_1033 {strides = array<i32>} : memref<2x128xi32, #tpu.memory_space<vmem>>, vector<1x16xi32>,
        %get3A_1034 = arith.constant 0 : i32
        %get3A_1035 = arith.index_cast %get3A_1034 : i32 to index
        %get3A_1036 = arith.index_cast %add3A_1014 : i32 to index
        %get3A_1037 = arith.constant 16 : index
        %get3A_1038 = tpu.vector_load %arg12[%get3A_1035, %get3A_1036, %get3A_1037] {strides = array<i32>} : memref<2x128x64xi32, #tpu.memory_space<vmem>>, vector<1x1x16xi32>,
        %get3A_1039 = vector.shape_cast %get3A_1038 : vector<1x1x16xi32> to vector<16xi32>
        %mul3A_1040 = arith.constant 64 : i32
        %mul3A_1041 = vector.broadcast %mul3A_1040 : i32 to vector<16xi32>
        %mul3A_1042 = arith.muli %get3A_1039, %mul3A_1041 : vector<16xi32>
        %add3A_1043 = arith.constant 16 : i32
        %add3A_1044 = vector.broadcast %add3A_1043 : i32 to vector<16xi32>
        %add3A_1045 = arith.addi %iota3A, %add3A_1044 : vector<16xi32>
        %add3A_1046 = arith.addi %mul3A_1042, %add3A_1045 : vector<16xi32>
        %swap3A_1047 = arith.constant 0 : i32
        %swap3A_1048 = arith.index_cast %swap3A_1047 : i32 to index
        %swap3A_1049 = arith.constant 16 : index
        %swap3A_1050 = tpu.vector_load %arg13[%swap3A_1048, %swap3A_1049] {strides = array<i32>} : memref<2x128xi32, #tpu.memory_space<vmem>>, vector<1x16xi32>,
        %swap3A_1051 = vector.shape_cast %swap3A_1050 : vector<1x16xi32> to vector<16xi32>
        %swap3A_1052 = vector.shape_cast %add3A_1046 : vector<16xi32> to vector<1x16xi32>
        tpu.vector_store %arg13[%swap3A_1048, %swap3A_1049], %swap3A_1052 {strides = array<i32>} : memref<2x128xi32, #tpu.memory_space<vmem>>, vector<1x16xi32>,
        %get3A_1053 = arith.constant 0 : i32
        %get3A_1054 = arith.index_cast %get3A_1053 : i32 to index
        %get3A_1055 = arith.index_cast %add3A_1014 : i32 to index
        %get3A_1056 = arith.constant 32 : index
        %get3A_1057 = tpu.vector_load %arg12[%get3A_1054, %get3A_1055, %get3A_1056] {strides = array<i32>} : memref<2x128x64xi32, #tpu.memory_space<vmem>>, vector<1x1x16xi32>,
        %get3A_1058 = vector.shape_cast %get3A_1057 : vector<1x1x16xi32> to vector<16xi32>
        %mul3A_1059 = arith.constant 64 : i32
        %mul3A_1060 = vector.broadcast %mul3A_1059 : i32 to vector<16xi32>
        %mul3A_1061 = arith.muli %get3A_1058, %mul3A_1060 : vector<16xi32>
        %add3A_1062 = arith.constant 32 : i32
        %add3A_1063 = vector.broadcast %add3A_1062 : i32 to vector<16xi32>
        %add3A_1064 = arith.addi %iota3A, %add3A_1063 : vector<16xi32>
        %add3A_1065 = arith.addi %mul3A_1061, %add3A_1064 : vector<16xi32>
        %swap3A_1066 = arith.constant 0 : i32
        %swap3A_1067 = arith.index_cast %swap3A_1066 : i32 to index
        %swap3A_1068 = arith.constant 32 : index
        %swap3A_1069 = tpu.vector_load %arg13[%swap3A_1067, %swap3A_1068] {strides = array<i32>} : memref<2x128xi32, #tpu.memory_space<vmem>>, vector<1x16xi32>,
        %swap3A_1070 = vector.shape_cast %swap3A_1069 : vector<1x16xi32> to vector<16xi32>
        %swap3A_1071 = vector.shape_cast %add3A_1065 : vector<16xi32> to vector<1x16xi32>
        tpu.vector_store %arg13[%swap3A_1067, %swap3A_1068], %swap3A_1071 {strides = array<i32>} : memref<2x128xi32, #tpu.memory_space<vmem>>, vector<1x16xi32>,
        %get3A_1072 = arith.constant 0 : i32
        %get3A_1073 = arith.index_cast %get3A_1072 : i32 to index
        %get3A_1074 = arith.index_cast %add3A_1014 : i32 to index
        %get3A_1075 = arith.constant 48 : index
        %get3A_1076 = tpu.vector_load %arg12[%get3A_1073, %get3A_1074, %get3A_1075] {strides = array<i32>} : memref<2x128x64xi32, #tpu.memory_space<vmem>>, vector<1x1x16xi32>,
        %get3A_1077 = vector.shape_cast %get3A_1076 : vector<1x1x16xi32> to vector<16xi32>
        %mul3A_1078 = arith.constant 64 : i32
        %mul3A_1079 = vector.broadcast %mul3A_1078 : i32 to vector<16xi32>
        %mul3A_1080 = arith.muli %get3A_1077, %mul3A_1079 : vector<16xi32>
        %add3A_1081 = arith.constant 48 : i32
        %add3A_1082 = vector.broadcast %add3A_1081 : i32 to vector<16xi32>
        %add3A_1083 = arith.addi %iota3A, %add3A_1082 : vector<16xi32>
        %add3A_1084 = arith.addi %mul3A_1080, %add3A_1083 : vector<16xi32>
        %swap3A_1085 = arith.constant 0 : i32
        %swap3A_1086 = arith.index_cast %swap3A_1085 : i32 to index
        %swap3A_1087 = arith.constant 48 : index
        %swap3A_1088 = tpu.vector_load %arg13[%swap3A_1086, %swap3A_1087] {strides = array<i32>} : memref<2x128xi32, #tpu.memory_space<vmem>>, vector<1x16xi32>,
        %swap3A_1089 = vector.shape_cast %swap3A_1088 : vector<1x16xi32> to vector<16xi32>
        %swap3A_1090 = vector.shape_cast %add3A_1084 : vector<16xi32> to vector<1x16xi32>
        tpu.vector_store %arg13[%swap3A_1086, %swap3A_1087], %swap3A_1090 {strides = array<i32>} : memref<2x128xi32, #tpu.memory_space<vmem>>, vector<1x16xi32>,
        %mul3A_1091 = arith.constant 2 : i32
        %mul3A_1092 = arith.muli %add3A_1010, %mul3A_1091 : i32
        %add3A_1093 = arith.constant 1 : i32
        %add3A_1094 = arith.addi %mul3A_1092, %add3A_1093 : i32
        %get3A_1095 = arith.constant 0 : i32
        %get3A_1096 = arith.index_cast %get3A_1095 : i32 to index
        %get3A_1097 = arith.index_cast %add3A_1094 : i32 to index
        %get3A_1098 = arith.constant 0 : index
        %get3A_1099 = tpu.vector_load %arg12[%get3A_1096, %get3A_1097, %get3A_1098] {strides = array<i32>} : memref<2x128x64xi32, #tpu.memory_space<vmem>>, vector<1x1x16xi32>,
        %get3A_1100 = vector.shape_cast %get3A_1099 : vector<1x1x16xi32> to vector<16xi32>
        %mul3A_1101 = arith.constant 64 : i32
        %mul3A_1102 = vector.broadcast %mul3A_1101 : i32 to vector<16xi32>
        %mul3A_1103 = arith.muli %get3A_1100, %mul3A_1102 : vector<16xi32>
        %add3A_1104 = arith.constant 0 : i32
        %add3A_1105 = vector.broadcast %add3A_1104 : i32 to vector<16xi32>
        %add3A_1106 = arith.addi %iota3A, %add3A_1105 : vector<16xi32>
        %add3A_1107 = arith.addi %mul3A_1103, %add3A_1106 : vector<16xi32>
        %swap3A_1108 = arith.constant 0 : i32
        %swap3A_1109 = arith.index_cast %swap3A_1108 : i32 to index
        %swap3A_1110 = arith.constant 64 : index
        %swap3A_1111 = tpu.vector_load %arg13[%swap3A_1109, %swap3A_1110] {strides = array<i32>} : memref<2x128xi32, #tpu.memory_space<vmem>>, vector<1x16xi32>,
        %swap3A_1112 = vector.shape_cast %swap3A_1111 : vector<1x16xi32> to vector<16xi32>
        %swap3A_1113 = vector.shape_cast %add3A_1107 : vector<16xi32> to vector<1x16xi32>
        tpu.vector_store %arg13[%swap3A_1109, %swap3A_1110], %swap3A_1113 {strides = array<i32>} : memref<2x128xi32, #tpu.memory_space<vmem>>, vector<1x16xi32>,
        %get3A_1114 = arith.constant 0 : i32
        %get3A_1115 = arith.index_cast %get3A_1114 : i32 to index
        %get3A_1116 = arith.index_cast %add3A_1094 : i32 to index
        %get3A_1117 = arith.constant 16 : index
        %get3A_1118 = tpu.vector_load %arg12[%get3A_1115, %get3A_1116, %get3A_1117] {strides = array<i32>} : memref<2x128x64xi32, #tpu.memory_space<vmem>>, vector<1x1x16xi32>,
        %get3A_1119 = vector.shape_cast %get3A_1118 : vector<1x1x16xi32> to vector<16xi32>
        %mul3A_1120 = arith.constant 64 : i32
        %mul3A_1121 = vector.broadcast %mul3A_1120 : i32 to vector<16xi32>
        %mul3A_1122 = arith.muli %get3A_1119, %mul3A_1121 : vector<16xi32>
        %add3A_1123 = arith.constant 16 : i32
        %add3A_1124 = vector.broadcast %add3A_1123 : i32 to vector<16xi32>
        %add3A_1125 = arith.addi %iota3A, %add3A_1124 : vector<16xi32>
        %add3A_1126 = arith.addi %mul3A_1122, %add3A_1125 : vector<16xi32>
        %swap3A_1127 = arith.constant 0 : i32
        %swap3A_1128 = arith.index_cast %swap3A_1127 : i32 to index
        %swap3A_1129 = arith.constant 80 : index
        %swap3A_1130 = tpu.vector_load %arg13[%swap3A_1128, %swap3A_1129] {strides = array<i32>} : memref<2x128xi32, #tpu.memory_space<vmem>>, vector<1x16xi32>,
        %swap3A_1131 = vector.shape_cast %swap3A_1130 : vector<1x16xi32> to vector<16xi32>
        %swap3A_1132 = vector.shape_cast %add3A_1126 : vector<16xi32> to vector<1x16xi32>
        tpu.vector_store %arg13[%swap3A_1128, %swap3A_1129], %swap3A_1132 {strides = array<i32>} : memref<2x128xi32, #tpu.memory_space<vmem>>, vector<1x16xi32>,
        %get3A_1133 = arith.constant 0 : i32
        %get3A_1134 = arith.index_cast %get3A_1133 : i32 to index
        %get3A_1135 = arith.index_cast %add3A_1094 : i32 to index
        %get3A_1136 = arith.constant 32 : index
        %get3A_1137 = tpu.vector_load %arg12[%get3A_1134, %get3A_1135, %get3A_1136] {strides = array<i32>} : memref<2x128x64xi32, #tpu.memory_space<vmem>>, vector<1x1x16xi32>,
        %get3A_1138 = vector.shape_cast %get3A_1137 : vector<1x1x16xi32> to vector<16xi32>
        %mul3A_1139 = arith.constant 64 : i32
        %mul3A_1140 = vector.broadcast %mul3A_1139 : i32 to vector<16xi32>
        %mul3A_1141 = arith.muli %get3A_1138, %mul3A_1140 : vector<16xi32>
        %add3A_1142 = arith.constant 32 : i32
        %add3A_1143 = vector.broadcast %add3A_1142 : i32 to vector<16xi32>
        %add3A_1144 = arith.addi %iota3A, %add3A_1143 : vector<16xi32>
        %add3A_1145 = arith.addi %mul3A_1141, %add3A_1144 : vector<16xi32>
        %swap3A_1146 = arith.constant 0 : i32
        %swap3A_1147 = arith.index_cast %swap3A_1146 : i32 to index
        %swap3A_1148 = arith.constant 96 : index
        %swap3A_1149 = tpu.vector_load %arg13[%swap3A_1147, %swap3A_1148] {strides = array<i32>} : memref<2x128xi32, #tpu.memory_space<vmem>>, vector<1x16xi32>,
        %swap3A_1150 = vector.shape_cast %swap3A_1149 : vector<1x16xi32> to vector<16xi32>
        %swap3A_1151 = vector.shape_cast %add3A_1145 : vector<16xi32> to vector<1x16xi32>
        tpu.vector_store %arg13[%swap3A_1147, %swap3A_1148], %swap3A_1151 {strides = array<i32>} : memref<2x128xi32, #tpu.memory_space<vmem>>, vector<1x16xi32>,
        %get3A_1152 = arith.constant 0 : i32
        %get3A_1153 = arith.index_cast %get3A_1152 : i32 to index
        %get3A_1154 = arith.index_cast %add3A_1094 : i32 to index
        %get3A_1155 = arith.constant 48 : index
        %get3A_1156 = tpu.vector_load %arg12[%get3A_1153, %get3A_1154, %get3A_1155] {strides = array<i32>} : memref<2x128x64xi32, #tpu.memory_space<vmem>>, vector<1x1x16xi32>,
        %get3A_1157 = vector.shape_cast %get3A_1156 : vector<1x1x16xi32> to vector<16xi32>
        %mul3A_1158 = arith.constant 64 : i32
        %mul3A_1159 = vector.broadcast %mul3A_1158 : i32 to vector<16xi32>
        %mul3A_1160 = arith.muli %get3A_1157, %mul3A_1159 : vector<16xi32>
        %add3A_1161 = arith.constant 48 : i32
        %add3A_1162 = vector.broadcast %add3A_1161 : i32 to vector<16xi32>
        %add3A_1163 = arith.addi %iota3A, %add3A_1162 : vector<16xi32>
        %add3A_1164 = arith.addi %mul3A_1160, %add3A_1163 : vector<16xi32>
        %swap3A_1165 = arith.constant 0 : i32
        %swap3A_1166 = arith.index_cast %swap3A_1165 : i32 to index
        %swap3A_1167 = arith.constant 112 : index
        %swap3A_1168 = tpu.vector_load %arg13[%swap3A_1166, %swap3A_1167] {strides = array<i32>} : memref<2x128xi32, #tpu.memory_space<vmem>>, vector<1x16xi32>,
        %swap3A_1169 = vector.shape_cast %swap3A_1168 : vector<1x16xi32> to vector<16xi32>
        %swap3A_1170 = vector.shape_cast %add3A_1164 : vector<16xi32> to vector<1x16xi32>
        tpu.vector_store %arg13[%swap3A_1166, %swap3A_1167], %swap3A_1170 {strides = array<i32>} : memref<2x128xi32, #tpu.memory_space<vmem>>, vector<1x16xi32>,
        %ge3A = arith.constant 1 : i32
        %ge3A_1171 = arith.cmpi sge, %add3A_973, %ge3A : i32
        %convert_element_type3A_1172 = arith.extui %ge3A_1171 : i1 to i32
        %cond3A_1173 = arith.constant 0 : i32
        %cond3A_1174 = arith.cmpi ne, %convert_element_type3A_1172, %cond3A_1173 : i32
        scf.if %cond3A_1174 {
          %sub3A = arith.constant 1 : i32
          %sub3A_1187 = arith.subi %add3A_973, %sub3A : i32
          %mul3A_1188 = arith.constant 128 : i32
          %mul3A_1189 = arith.muli %sub3A_1187, %mul3A_1188 : i32
          %add3A_1190 = arith.addi %mul3A_9, %mul3A_1189 : i32
          %dma_wait3A_1191 = arith.constant 0 : i32
          %dma_wait3A_1192 = arith.constant 0 : i32
          %dma_wait3A_1193 = arith.constant 0 : i32
          %dma_wait3A_1194 = tpu.memref_slice %arg14[%dma_wait3A_1191, %dma_wait3A_1192, %dma_wait3A_1193] : memref<2x128x192xf32, #tpu.memory_space<vmem>> -> memref<1x128x192xf32, #tpu.memory_space<vmem>>
          %dma_wait3A_1195 = tpu.memref_squeeze %dma_wait3A_1194 : memref<1x128x192xf32, #tpu.memory_space<vmem>> -> memref<128x192xf32, #tpu.memory_space<vmem>>
          %dma_wait3A_1196 = arith.constant 0 : i32
          %dma_wait3A_1197 = tpu.memref_slice %arg6[%add3A_1190, %dma_wait3A_1196] : memref<1048576x192xf32, #tpu.memory_space<hbm>> -> memref<128x192xf32, #tpu.memory_space<hbm>>
          %dma_wait3A_1198 = arith.constant 0 : i32
          %dma_wait3A_1199 = tpu.memref_slice %arg6[%add3A_1190, %dma_wait3A_1198] : memref<1048576x192xf32, #tpu.memory_space<hbm>> -> memref<128x192xf32, #tpu.memory_space<hbm>>
          %dma_wait3A_1200 = arith.constant 0 : i32
          %dma_wait3A_1201 = arith.constant 0 : i32
          %dma_wait3A_1202 = tpu.memref_slice %arg14[%dma_wait3A_1191, %dma_wait3A_1200, %dma_wait3A_1201] : memref<2x128x192xf32, #tpu.memory_space<vmem>> -> memref<1x128x192xf32, #tpu.memory_space<vmem>>
          %dma_wait3A_1203 = tpu.memref_squeeze %dma_wait3A_1202 : memref<1x128x192xf32, #tpu.memory_space<vmem>> -> memref<128x192xf32, #tpu.memory_space<vmem>>
          tpu.wait_dma2 semaphore(%arg17 : memref<!tpu.dma_semaphore, #tpu.memory_space<semaphore_mem>>) src(%dma_wait3A_1203 : memref<128x192xf32, #tpu.memory_space<vmem>>) dst(%dma_wait3A_1199 : memref<128x192xf32, #tpu.memory_space<hbm>>)
        } else {
        }
        %dma_start3A_1175 = arith.constant 0 : i32
        %dma_start3A_1176 = arith.constant 0 : i32
        %dma_start3A_1177 = arith.constant 0 : i32
        %dma_start3A_1178 = arith.constant 0 : i32
        %dma_start3A_1179 = tpu.memref_slice %arg14[%dma_start3A_1176, %dma_start3A_1177, %dma_start3A_1178] : memref<2x128x192xf32, #tpu.memory_space<vmem>> -> memref<1x128x192xf32, #tpu.memory_space<vmem>>
        %dma_start3A_1180 = tpu.memref_squeeze %dma_start3A_1179 : memref<1x128x192xf32, #tpu.memory_space<vmem>> -> memref<128x192xf32, #tpu.memory_space<vmem>>
        %dma_start3A_1181 = arith.constant 0 : i32
        %dma_start3A_1182 = tpu.memref_slice %arg13[%dma_start3A_1175, %dma_start3A_1181] : memref<2x128xi32, #tpu.memory_space<vmem>> -> memref<1x128xi32, #tpu.memory_space<vmem>>
        %dma_start3A_1183 = tpu.memref_squeeze %dma_start3A_1182 : memref<1x128xi32, #tpu.memory_space<vmem>> -> memref<128xi32, #tpu.memory_space<vmem>>
        %dma_start3A_1184 = arith.constant 0 : i32
        %dma_start3A_1185 = arith.constant 0 : i32
        %dma_start3A_1186 = tpu.memref_slice %arg11[%dma_start3A_1184, %dma_start3A_1185] : memref<1664x192xf32, #tpu.memory_space<vmem_shared>> -> memref<1664x192xf32, #tpu.memory_space<vmem_shared>>
        tpu.enqueue_indirect_dma source(%dma_start3A_1186 : memref<1664x192xf32, #tpu.memory_space<vmem_shared>>) target(%dma_start3A_1180 : memref<128x192xf32, #tpu.memory_space<vmem>>) offsets(%dma_start3A_1183 : memref<128xi32, #tpu.memory_space<vmem>>) semaphore(%arg15 : memref<!tpu.dma_semaphore, #tpu.memory_space<semaphore_mem>>)
      } else {
      }
      %dma_wait3A_981 = arith.constant 1 : i32
      %dma_wait3A_982 = arith.constant 1 : i32
      %dma_wait3A_983 = arith.constant 0 : i32
      %dma_wait3A_984 = arith.constant 0 : i32
      %dma_wait3A_985 = tpu.memref_slice %arg14[%dma_wait3A_982, %dma_wait3A_983, %dma_wait3A_984] : memref<2x128x192xf32, #tpu.memory_space<vmem>> -> memref<1x128x192xf32, #tpu.memory_space<vmem>>
      %dma_wait3A_986 = tpu.memref_squeeze %dma_wait3A_985 : memref<1x128x192xf32, #tpu.memory_space<vmem>> -> memref<128x192xf32, #tpu.memory_space<vmem>>
      %dma_wait3A_987 = arith.constant 0 : i32
      %dma_wait3A_988 = tpu.memref_slice %arg13[%dma_wait3A_981, %dma_wait3A_987] : memref<2x128xi32, #tpu.memory_space<vmem>> -> memref<1x128xi32, #tpu.memory_space<vmem>>
      %dma_wait3A_989 = tpu.memref_squeeze %dma_wait3A_988 : memref<1x128xi32, #tpu.memory_space<vmem>> -> memref<128xi32, #tpu.memory_space<vmem>>
      %dma_wait3A_990 = arith.constant 0 : i32
      %dma_wait3A_991 = arith.constant 0 : i32
      %dma_wait3A_992 = tpu.memref_slice %arg11[%dma_wait3A_990, %dma_wait3A_991] : memref<1664x192xf32, #tpu.memory_space<vmem_shared>> -> memref<1664x192xf32, #tpu.memory_space<vmem_shared>>
      tpu.wait_indirect_dma semaphore(%arg16 : memref<!tpu.dma_semaphore, #tpu.memory_space<semaphore_mem>>) src(%dma_wait3A_992 : memref<1664x192xf32, #tpu.memory_space<vmem_shared>>) dst(%dma_wait3A_986 : memref<128x192xf32, #tpu.memory_space<vmem>>)
      %mul3A_993 = arith.constant 128 : i32
      %mul3A_994 = arith.muli %add3A_973, %mul3A_993 : i32
      %add3A_995 = arith.addi %mul3A_9, %mul3A_994 : i32
      %dma_start3A_996 = arith.constant 1 : i32
      %dma_start3A_997 = arith.constant 0 : i32
      %dma_start3A_998 = arith.constant 0 : i32
      %dma_start3A_999 = tpu.memref_slice %arg14[%dma_start3A_996, %dma_start3A_997, %dma_start3A_998] : memref<2x128x192xf32, #tpu.memory_space<vmem>> -> memref<1x128x192xf32, #tpu.memory_space<vmem>>
      %dma_start3A_1000 = tpu.memref_squeeze %dma_start3A_999 : memref<1x128x192xf32, #tpu.memory_space<vmem>> -> memref<128x192xf32, #tpu.memory_space<vmem>>
      %dma_start3A_1001 = arith.constant 0 : i32
      %dma_start3A_1002 = tpu.memref_slice %arg6[%add3A_995, %dma_start3A_1001] : memref<1048576x192xf32, #tpu.memory_space<hbm>> -> memref<128x192xf32, #tpu.memory_space<hbm>>
      %dma_start3A_1003 = arith.constant 0 : i32
      %dma_start3A_1004 = tpu.memref_slice %arg6[%add3A_995, %dma_start3A_1003] : memref<1048576x192xf32, #tpu.memory_space<hbm>> -> memref<128x192xf32, #tpu.memory_space<hbm>>
      %dma_start3A_1005 = arith.constant 0 : i32
      %dma_start3A_1006 = arith.constant 0 : i32
      %dma_start3A_1007 = tpu.memref_slice %arg14[%dma_start3A_996, %dma_start3A_1005, %dma_start3A_1006] : memref<2x128x192xf32, #tpu.memory_space<vmem>> -> memref<1x128x192xf32, #tpu.memory_space<vmem>>
      %dma_start3A_1008 = tpu.memref_squeeze %dma_start3A_1007 : memref<1x128x192xf32, #tpu.memory_space<vmem>> -> memref<128x192xf32, #tpu.memory_space<vmem>>
      tpu.enqueue_dma source(%dma_start3A_1008 : memref<128x192xf32, #tpu.memory_space<vmem>>) target(%dma_start3A_1004 : memref<128x192xf32, #tpu.memory_space<hbm>>) target_semaphore(%arg18 : memref<!tpu.dma_semaphore, #tpu.memory_space<semaphore_mem>>)
    }
    %scan3A_688 = arith.constant 32 : i32
    %mul3A_689 = arith.constant 512 : i32
    %mul3A_690 = arith.muli %add3A, %mul3A_689 : i32
    %add3A_691 = arith.constant 384 : i32
    %add3A_692 = arith.addi %mul3A_690, %add3A_691 : i32
    %dma_wait3A_693 = arith.constant 1 : i32
    %dma_wait3A_694 = arith.constant 0 : i32
    %dma_wait3A_695 = arith.constant 0 : i32
    %dma_wait3A_696 = tpu.memref_slice %arg12[%dma_wait3A_693, %dma_wait3A_694, %dma_wait3A_695] : memref<2x128x64xi32, #tpu.memory_space<vmem>> -> memref<1x128x64xi32, #tpu.memory_space<vmem>>
    %dma_wait3A_697 = tpu.memref_squeeze %dma_wait3A_696 : memref<1x128x64xi32, #tpu.memory_space<vmem>> -> memref<128x64xi32, #tpu.memory_space<vmem>>
    %dma_wait3A_698 = arith.constant 0 : i32
    %dma_wait3A_699 = tpu.memref_slice %arg2[%add3A_692, %dma_wait3A_698] : memref<16384x64xi32, #tpu.memory_space<hbm>> -> memref<128x64xi32, #tpu.memory_space<hbm>>
    %dma_wait3A_700 = arith.constant 0 : i32
    %dma_wait3A_701 = arith.constant 0 : i32
    %dma_wait3A_702 = tpu.memref_slice %arg12[%dma_wait3A_693, %dma_wait3A_700, %dma_wait3A_701] : memref<2x128x64xi32, #tpu.memory_space<vmem>> -> memref<1x128x64xi32, #tpu.memory_space<vmem>>
    %dma_wait3A_703 = tpu.memref_squeeze %dma_wait3A_702 : memref<1x128x64xi32, #tpu.memory_space<vmem>> -> memref<128x64xi32, #tpu.memory_space<vmem>>
    %dma_wait3A_704 = arith.constant 0 : i32
    %dma_wait3A_705 = tpu.memref_slice %arg2[%add3A_692, %dma_wait3A_704] : memref<16384x64xi32, #tpu.memory_space<hbm>> -> memref<128x64xi32, #tpu.memory_space<hbm>>
    tpu.wait_dma2 semaphore(%arg19 : memref<!tpu.dma_semaphore, #tpu.memory_space<semaphore_mem>>) src(%dma_wait3A_705 : memref<128x64xi32, #tpu.memory_space<hbm>>) dst(%dma_wait3A_703 : memref<128x64xi32, #tpu.memory_space<vmem>>)
    %get3A_706 = arith.constant 1 : i32
    %get3A_707 = arith.constant 0 : i32
    %get3A_708 = arith.index_cast %get3A_706 : i32 to index
    %get3A_709 = arith.index_cast %get3A_707 : i32 to index
    %get3A_710 = arith.constant 0 : index
    %get3A_711 = tpu.vector_load %arg12[%get3A_708, %get3A_709, %get3A_710] {strides = array<i32>} : memref<2x128x64xi32, #tpu.memory_space<vmem>>, vector<1x1x16xi32>,
    %get3A_712 = vector.shape_cast %get3A_711 : vector<1x1x16xi32> to vector<16xi32>
    %mul3A_713 = arith.constant 64 : i32
    %mul3A_714 = vector.broadcast %mul3A_713 : i32 to vector<16xi32>
    %mul3A_715 = arith.muli %get3A_712, %mul3A_714 : vector<16xi32>
    %add3A_716 = arith.constant 0 : i32
    %add3A_717 = vector.broadcast %add3A_716 : i32 to vector<16xi32>
    %add3A_718 = arith.addi %iota3A, %add3A_717 : vector<16xi32>
    %add3A_719 = arith.addi %mul3A_715, %add3A_718 : vector<16xi32>
    %swap3A_720 = arith.constant 0 : i32
    %swap3A_721 = arith.index_cast %swap3A_720 : i32 to index
    %swap3A_722 = arith.constant 0 : index
    %swap3A_723 = tpu.vector_load %arg13[%swap3A_721, %swap3A_722] {strides = array<i32>} : memref<2x128xi32, #tpu.memory_space<vmem>>, vector<1x16xi32>,
    %swap3A_724 = vector.shape_cast %swap3A_723 : vector<1x16xi32> to vector<16xi32>
    %swap3A_725 = vector.shape_cast %add3A_719 : vector<16xi32> to vector<1x16xi32>
    tpu.vector_store %arg13[%swap3A_721, %swap3A_722], %swap3A_725 {strides = array<i32>} : memref<2x128xi32, #tpu.memory_space<vmem>>, vector<1x16xi32>,
    %get3A_726 = arith.constant 1 : i32
    %get3A_727 = arith.constant 0 : i32
    %get3A_728 = arith.index_cast %get3A_726 : i32 to index
    %get3A_729 = arith.index_cast %get3A_727 : i32 to index
    %get3A_730 = arith.constant 16 : index
    %get3A_731 = tpu.vector_load %arg12[%get3A_728, %get3A_729, %get3A_730] {strides = array<i32>} : memref<2x128x64xi32, #tpu.memory_space<vmem>>, vector<1x1x16xi32>,
    %get3A_732 = vector.shape_cast %get3A_731 : vector<1x1x16xi32> to vector<16xi32>
    %mul3A_733 = arith.constant 64 : i32
    %mul3A_734 = vector.broadcast %mul3A_733 : i32 to vector<16xi32>
    %mul3A_735 = arith.muli %get3A_732, %mul3A_734 : vector<16xi32>
    %add3A_736 = arith.constant 16 : i32
    %add3A_737 = vector.broadcast %add3A_736 : i32 to vector<16xi32>
    %add3A_738 = arith.addi %iota3A, %add3A_737 : vector<16xi32>
    %add3A_739 = arith.addi %mul3A_735, %add3A_738 : vector<16xi32>
    %swap3A_740 = arith.constant 0 : i32
    %swap3A_741 = arith.index_cast %swap3A_740 : i32 to index
    %swap3A_742 = arith.constant 16 : index
    %swap3A_743 = tpu.vector_load %arg13[%swap3A_741, %swap3A_742] {strides = array<i32>} : memref<2x128xi32, #tpu.memory_space<vmem>>, vector<1x16xi32>,
    %swap3A_744 = vector.shape_cast %swap3A_743 : vector<1x16xi32> to vector<16xi32>
    %swap3A_745 = vector.shape_cast %add3A_739 : vector<16xi32> to vector<1x16xi32>
    tpu.vector_store %arg13[%swap3A_741, %swap3A_742], %swap3A_745 {strides = array<i32>} : memref<2x128xi32, #tpu.memory_space<vmem>>, vector<1x16xi32>,
    %get3A_746 = arith.constant 1 : i32
    %get3A_747 = arith.constant 0 : i32
    %get3A_748 = arith.index_cast %get3A_746 : i32 to index
    %get3A_749 = arith.index_cast %get3A_747 : i32 to index
    %get3A_750 = arith.constant 32 : index
    %get3A_751 = tpu.vector_load %arg12[%get3A_748, %get3A_749, %get3A_750] {strides = array<i32>} : memref<2x128x64xi32, #tpu.memory_space<vmem>>, vector<1x1x16xi32>,
    %get3A_752 = vector.shape_cast %get3A_751 : vector<1x1x16xi32> to vector<16xi32>
    %mul3A_753 = arith.constant 64 : i32
    %mul3A_754 = vector.broadcast %mul3A_753 : i32 to vector<16xi32>
    %mul3A_755 = arith.muli %get3A_752, %mul3A_754 : vector<16xi32>
    %add3A_756 = arith.constant 32 : i32
    %add3A_757 = vector.broadcast %add3A_756 : i32 to vector<16xi32>
    %add3A_758 = arith.addi %iota3A, %add3A_757 : vector<16xi32>
    %add3A_759 = arith.addi %mul3A_755, %add3A_758 : vector<16xi32>
    %swap3A_760 = arith.constant 0 : i32
    %swap3A_761 = arith.index_cast %swap3A_760 : i32 to index
    %swap3A_762 = arith.constant 32 : index
    %swap3A_763 = tpu.vector_load %arg13[%swap3A_761, %swap3A_762] {strides = array<i32>} : memref<2x128xi32, #tpu.memory_space<vmem>>, vector<1x16xi32>,
    %swap3A_764 = vector.shape_cast %swap3A_763 : vector<1x16xi32> to vector<16xi32>
    %swap3A_765 = vector.shape_cast %add3A_759 : vector<16xi32> to vector<1x16xi32>
    tpu.vector_store %arg13[%swap3A_761, %swap3A_762], %swap3A_765 {strides = array<i32>} : memref<2x128xi32, #tpu.memory_space<vmem>>, vector<1x16xi32>,
    %get3A_766 = arith.constant 1 : i32
    %get3A_767 = arith.constant 0 : i32
    %get3A_768 = arith.index_cast %get3A_766 : i32 to index
    %get3A_769 = arith.index_cast %get3A_767 : i32 to index
    %get3A_770 = arith.constant 48 : index
    %get3A_771 = tpu.vector_load %arg12[%get3A_768, %get3A_769, %get3A_770] {strides = array<i32>} : memref<2x128x64xi32, #tpu.memory_space<vmem>>, vector<1x1x16xi32>,
    %get3A_772 = vector.shape_cast %get3A_771 : vector<1x1x16xi32> to vector<16xi32>
    %mul3A_773 = arith.constant 64 : i32
    %mul3A_774 = vector.broadcast %mul3A_773 : i32 to vector<16xi32>
    %mul3A_775 = arith.muli %get3A_772, %mul3A_774 : vector<16xi32>
    %add3A_776 = arith.constant 48 : i32
    %add3A_777 = vector.broadcast %add3A_776 : i32 to vector<16xi32>
    %add3A_778 = arith.addi %iota3A, %add3A_777 : vector<16xi32>
    %add3A_779 = arith.addi %mul3A_775, %add3A_778 : vector<16xi32>
    %swap3A_780 = arith.constant 0 : i32
    %swap3A_781 = arith.index_cast %swap3A_780 : i32 to index
    %swap3A_782 = arith.constant 48 : index
    %swap3A_783 = tpu.vector_load %arg13[%swap3A_781, %swap3A_782] {strides = array<i32>} : memref<2x128xi32, #tpu.memory_space<vmem>>, vector<1x16xi32>,
    %swap3A_784 = vector.shape_cast %swap3A_783 : vector<1x16xi32> to vector<16xi32>
    %swap3A_785 = vector.shape_cast %add3A_779 : vector<16xi32> to vector<1x16xi32>
    tpu.vector_store %arg13[%swap3A_781, %swap3A_782], %swap3A_785 {strides = array<i32>} : memref<2x128xi32, #tpu.memory_space<vmem>>, vector<1x16xi32>,
    %get3A_786 = arith.constant 1 : i32
    %get3A_787 = arith.constant 1 : i32
    %get3A_788 = arith.index_cast %get3A_786 : i32 to index
    %get3A_789 = arith.index_cast %get3A_787 : i32 to index
    %get3A_790 = arith.constant 0 : index
    %get3A_791 = tpu.vector_load %arg12[%get3A_788, %get3A_789, %get3A_790] {strides = array<i32>} : memref<2x128x64xi32, #tpu.memory_space<vmem>>, vector<1x1x16xi32>,
    %get3A_792 = vector.shape_cast %get3A_791 : vector<1x1x16xi32> to vector<16xi32>
    %mul3A_793 = arith.constant 64 : i32
    %mul3A_794 = vector.broadcast %mul3A_793 : i32 to vector<16xi32>
    %mul3A_795 = arith.muli %get3A_792, %mul3A_794 : vector<16xi32>
    %add3A_796 = arith.constant 0 : i32
    %add3A_797 = vector.broadcast %add3A_796 : i32 to vector<16xi32>
    %add3A_798 = arith.addi %iota3A, %add3A_797 : vector<16xi32>
    %add3A_799 = arith.addi %mul3A_795, %add3A_798 : vector<16xi32>
    %swap3A_800 = arith.constant 0 : i32
    %swap3A_801 = arith.index_cast %swap3A_800 : i32 to index
    %swap3A_802 = arith.constant 64 : index
    %swap3A_803 = tpu.vector_load %arg13[%swap3A_801, %swap3A_802] {strides = array<i32>} : memref<2x128xi32, #tpu.memory_space<vmem>>, vector<1x16xi32>,
    %swap3A_804 = vector.shape_cast %swap3A_803 : vector<1x16xi32> to vector<16xi32>
    %swap3A_805 = vector.shape_cast %add3A_799 : vector<16xi32> to vector<1x16xi32>
    tpu.vector_store %arg13[%swap3A_801, %swap3A_802], %swap3A_805 {strides = array<i32>} : memref<2x128xi32, #tpu.memory_space<vmem>>, vector<1x16xi32>,
    %get3A_806 = arith.constant 1 : i32
    %get3A_807 = arith.constant 1 : i32
    %get3A_808 = arith.index_cast %get3A_806 : i32 to index
    %get3A_809 = arith.index_cast %get3A_807 : i32 to index
    %get3A_810 = arith.constant 16 : index
    %get3A_811 = tpu.vector_load %arg12[%get3A_808, %get3A_809, %get3A_810] {strides = array<i32>} : memref<2x128x64xi32, #tpu.memory_space<vmem>>, vector<1x1x16xi32>,
    %get3A_812 = vector.shape_cast %get3A_811 : vector<1x1x16xi32> to vector<16xi32>
    %mul3A_813 = arith.constant 64 : i32
    %mul3A_814 = vector.broadcast %mul3A_813 : i32 to vector<16xi32>
    %mul3A_815 = arith.muli %get3A_812, %mul3A_814 : vector<16xi32>
    %add3A_816 = arith.constant 16 : i32
    %add3A_817 = vector.broadcast %add3A_816 : i32 to vector<16xi32>
    %add3A_818 = arith.addi %iota3A, %add3A_817 : vector<16xi32>
    %add3A_819 = arith.addi %mul3A_815, %add3A_818 : vector<16xi32>
    %swap3A_820 = arith.constant 0 : i32
    %swap3A_821 = arith.index_cast %swap3A_820 : i32 to index
    %swap3A_822 = arith.constant 80 : index
    %swap3A_823 = tpu.vector_load %arg13[%swap3A_821, %swap3A_822] {strides = array<i32>} : memref<2x128xi32, #tpu.memory_space<vmem>>, vector<1x16xi32>,
    %swap3A_824 = vector.shape_cast %swap3A_823 : vector<1x16xi32> to vector<16xi32>
    %swap3A_825 = vector.shape_cast %add3A_819 : vector<16xi32> to vector<1x16xi32>
    tpu.vector_store %arg13[%swap3A_821, %swap3A_822], %swap3A_825 {strides = array<i32>} : memref<2x128xi32, #tpu.memory_space<vmem>>, vector<1x16xi32>,
    %get3A_826 = arith.constant 1 : i32
    %get3A_827 = arith.constant 1 : i32
    %get3A_828 = arith.index_cast %get3A_826 : i32 to index
    %get3A_829 = arith.index_cast %get3A_827 : i32 to index
    %get3A_830 = arith.constant 32 : index
    %get3A_831 = tpu.vector_load %arg12[%get3A_828, %get3A_829, %get3A_830] {strides = array<i32>} : memref<2x128x64xi32, #tpu.memory_space<vmem>>, vector<1x1x16xi32>,
    %get3A_832 = vector.shape_cast %get3A_831 : vector<1x1x16xi32> to vector<16xi32>
    %mul3A_833 = arith.constant 64 : i32
    %mul3A_834 = vector.broadcast %mul3A_833 : i32 to vector<16xi32>
    %mul3A_835 = arith.muli %get3A_832, %mul3A_834 : vector<16xi32>
    %add3A_836 = arith.constant 32 : i32
    %add3A_837 = vector.broadcast %add3A_836 : i32 to vector<16xi32>
    %add3A_838 = arith.addi %iota3A, %add3A_837 : vector<16xi32>
    %add3A_839 = arith.addi %mul3A_835, %add3A_838 : vector<16xi32>
    %swap3A_840 = arith.constant 0 : i32
    %swap3A_841 = arith.index_cast %swap3A_840 : i32 to index
    %swap3A_842 = arith.constant 96 : index
    %swap3A_843 = tpu.vector_load %arg13[%swap3A_841, %swap3A_842] {strides = array<i32>} : memref<2x128xi32, #tpu.memory_space<vmem>>, vector<1x16xi32>,
    %swap3A_844 = vector.shape_cast %swap3A_843 : vector<1x16xi32> to vector<16xi32>
    %swap3A_845 = vector.shape_cast %add3A_839 : vector<16xi32> to vector<1x16xi32>
    tpu.vector_store %arg13[%swap3A_841, %swap3A_842], %swap3A_845 {strides = array<i32>} : memref<2x128xi32, #tpu.memory_space<vmem>>, vector<1x16xi32>,
    %get3A_846 = arith.constant 1 : i32
    %get3A_847 = arith.constant 1 : i32
    %get3A_848 = arith.index_cast %get3A_846 : i32 to index
    %get3A_849 = arith.index_cast %get3A_847 : i32 to index
    %get3A_850 = arith.constant 48 : index
    %get3A_851 = tpu.vector_load %arg12[%get3A_848, %get3A_849, %get3A_850] {strides = array<i32>} : memref<2x128x64xi32, #tpu.memory_space<vmem>>, vector<1x1x16xi32>,
    %get3A_852 = vector.shape_cast %get3A_851 : vector<1x1x16xi32> to vector<16xi32>
    %mul3A_853 = arith.constant 64 : i32
    %mul3A_854 = vector.broadcast %mul3A_853 : i32 to vector<16xi32>
    %mul3A_855 = arith.muli %get3A_852, %mul3A_854 : vector<16xi32>
    %add3A_856 = arith.constant 48 : i32
    %add3A_857 = vector.broadcast %add3A_856 : i32 to vector<16xi32>
    %add3A_858 = arith.addi %iota3A, %add3A_857 : vector<16xi32>
    %add3A_859 = arith.addi %mul3A_855, %add3A_858 : vector<16xi32>
    %swap3A_860 = arith.constant 0 : i32
    %swap3A_861 = arith.index_cast %swap3A_860 : i32 to index
    %swap3A_862 = arith.constant 112 : index
    %swap3A_863 = tpu.vector_load %arg13[%swap3A_861, %swap3A_862] {strides = array<i32>} : memref<2x128xi32, #tpu.memory_space<vmem>>, vector<1x16xi32>,
    %swap3A_864 = vector.shape_cast %swap3A_863 : vector<1x16xi32> to vector<16xi32>
    %swap3A_865 = vector.shape_cast %add3A_859 : vector<16xi32> to vector<1x16xi32>
    tpu.vector_store %arg13[%swap3A_861, %swap3A_862], %swap3A_865 {strides = array<i32>} : memref<2x128xi32, #tpu.memory_space<vmem>>, vector<1x16xi32>,
    %add3A_866 = arith.constant 24320 : i32
    %add3A_867 = arith.addi %mul3A_9, %add3A_866 : i32
    %dma_wait3A_868 = arith.constant 0 : i32
    %dma_wait3A_869 = arith.constant 0 : i32
    %dma_wait3A_870 = arith.constant 0 : i32
    %dma_wait3A_871 = tpu.memref_slice %arg14[%dma_wait3A_868, %dma_wait3A_869, %dma_wait3A_870] : memref<2x128x192xf32, #tpu.memory_space<vmem>> -> memref<1x128x192xf32, #tpu.memory_space<vmem>>
    %dma_wait3A_872 = tpu.memref_squeeze %dma_wait3A_871 : memref<1x128x192xf32, #tpu.memory_space<vmem>> -> memref<128x192xf32, #tpu.memory_space<vmem>>
    %dma_wait3A_873 = arith.constant 0 : i32
    %dma_wait3A_874 = tpu.memref_slice %arg6[%add3A_867, %dma_wait3A_873] : memref<1048576x192xf32, #tpu.memory_space<hbm>> -> memref<128x192xf32, #tpu.memory_space<hbm>>
    %dma_wait3A_875 = arith.constant 0 : i32
    %dma_wait3A_876 = tpu.memref_slice %arg6[%add3A_867, %dma_wait3A_875] : memref<1048576x192xf32, #tpu.memory_space<hbm>> -> memref<128x192xf32, #tpu.memory_space<hbm>>
    %dma_wait3A_877 = arith.constant 0 : i32
    %dma_wait3A_878 = arith.constant 0 : i32
    %dma_wait3A_879 = tpu.memref_slice %arg14[%dma_wait3A_868, %dma_wait3A_877, %dma_wait3A_878] : memref<2x128x192xf32, #tpu.memory_space<vmem>> -> memref<1x128x192xf32, #tpu.memory_space<vmem>>
    %dma_wait3A_880 = tpu.memref_squeeze %dma_wait3A_879 : memref<1x128x192xf32, #tpu.memory_space<vmem>> -> memref<128x192xf32, #tpu.memory_space<vmem>>
    tpu.wait_dma2 semaphore(%arg17 : memref<!tpu.dma_semaphore, #tpu.memory_space<semaphore_mem>>) src(%dma_wait3A_880 : memref<128x192xf32, #tpu.memory_space<vmem>>) dst(%dma_wait3A_876 : memref<128x192xf32, #tpu.memory_space<hbm>>)
    %dma_start3A_881 = arith.constant 0 : i32
    %dma_start3A_882 = arith.constant 0 : i32
    %dma_start3A_883 = arith.constant 0 : i32
    %dma_start3A_884 = arith.constant 0 : i32
    %dma_start3A_885 = tpu.memref_slice %arg14[%dma_start3A_882, %dma_start3A_883, %dma_start3A_884] : memref<2x128x192xf32, #tpu.memory_space<vmem>> -> memref<1x128x192xf32, #tpu.memory_space<vmem>>
    %dma_start3A_886 = tpu.memref_squeeze %dma_start3A_885 : memref<1x128x192xf32, #tpu.memory_space<vmem>> -> memref<128x192xf32, #tpu.memory_space<vmem>>
    %dma_start3A_887 = arith.constant 0 : i32
    %dma_start3A_888 = tpu.memref_slice %arg13[%dma_start3A_881, %dma_start3A_887] : memref<2x128xi32, #tpu.memory_space<vmem>> -> memref<1x128xi32, #tpu.memory_space<vmem>>
    %dma_start3A_889 = tpu.memref_squeeze %dma_start3A_888 : memref<1x128xi32, #tpu.memory_space<vmem>> -> memref<128xi32, #tpu.memory_space<vmem>>
    %dma_start3A_890 = arith.constant 0 : i32
    %dma_start3A_891 = arith.constant 0 : i32
    %dma_start3A_892 = tpu.memref_slice %arg11[%dma_start3A_890, %dma_start3A_891] : memref<1664x192xf32, #tpu.memory_space<vmem_shared>> -> memref<1664x192xf32, #tpu.memory_space<vmem_shared>>
    tpu.enqueue_indirect_dma source(%dma_start3A_892 : memref<1664x192xf32, #tpu.memory_space<vmem_shared>>) target(%dma_start3A_886 : memref<128x192xf32, #tpu.memory_space<vmem>>) offsets(%dma_start3A_889 : memref<128xi32, #tpu.memory_space<vmem>>) semaphore(%arg15 : memref<!tpu.dma_semaphore, #tpu.memory_space<semaphore_mem>>)
    %scan3A_893 = arith.constant 0 : i32
    %scan3A_894 = arith.constant 0 : i32
    %scan3A_895 = arith.constant 32 : i32
    %scan3A_896 = arith.addi %scan3A_894, %scan3A_895 : i32
    %scan3A_897 = arith.constant 1 : i32
    scf.for %scan3A_929 = %scan3A_894 to %scan3A_896 step %scan3A_897  : i32 {
      %mul3A_930 = arith.constant 2 : i32
      %mul3A_931 = arith.muli %scan3A_929, %mul3A_930 : i32
      %add3A_932 = arith.constant 0 : i32
      %add3A_933 = arith.addi %mul3A_931, %add3A_932 : i32
      %add3A_934 = arith.constant 192 : i32
      %add3A_935 = arith.addi %add3A_934, %add3A_933 : i32
      %add3A_936 = arith.constant 1 : i32
      %add3A_937 = arith.addi %add3A_933, %add3A_936 : i32
      %lt3A = arith.constant 64 : i32
      %lt3A_938 = arith.cmpi slt, %add3A_937, %lt3A : i32
      %convert_element_type3A = arith.extui %lt3A_938 : i1 to i32
      %cond3A = arith.constant 0 : i32
      %cond3A_939 = arith.cmpi ne, %convert_element_type3A, %cond3A : i32
      scf.if %cond3A_939 {
        %add3A_1009 = arith.constant 1 : i32
        %add3A_1010 = arith.addi %add3A_933, %add3A_1009 : i32
        %mul3A_1011 = arith.constant 2 : i32
        %mul3A_1012 = arith.muli %add3A_1010, %mul3A_1011 : i32
        %add3A_1013 = arith.constant 0 : i32
        %add3A_1014 = arith.addi %mul3A_1012, %add3A_1013 : i32
        %get3A_1015 = arith.constant 1 : i32
        %get3A_1016 = arith.index_cast %get3A_1015 : i32 to index
        %get3A_1017 = arith.index_cast %add3A_1014 : i32 to index
        %get3A_1018 = arith.constant 0 : index
        %get3A_1019 = tpu.vector_load %arg12[%get3A_1016, %get3A_1017, %get3A_1018] {strides = array<i32>} : memref<2x128x64xi32, #tpu.memory_space<vmem>>, vector<1x1x16xi32>,
        %get3A_1020 = vector.shape_cast %get3A_1019 : vector<1x1x16xi32> to vector<16xi32>
        %mul3A_1021 = arith.constant 64 : i32
        %mul3A_1022 = vector.broadcast %mul3A_1021 : i32 to vector<16xi32>
        %mul3A_1023 = arith.muli %get3A_1020, %mul3A_1022 : vector<16xi32>
        %add3A_1024 = arith.constant 0 : i32
        %add3A_1025 = vector.broadcast %add3A_1024 : i32 to vector<16xi32>
        %add3A_1026 = arith.addi %iota3A, %add3A_1025 : vector<16xi32>
        %add3A_1027 = arith.addi %mul3A_1023, %add3A_1026 : vector<16xi32>
        %swap3A_1028 = arith.constant 1 : i32
        %swap3A_1029 = arith.index_cast %swap3A_1028 : i32 to index
        %swap3A_1030 = arith.constant 0 : index
        %swap3A_1031 = tpu.vector_load %arg13[%swap3A_1029, %swap3A_1030] {strides = array<i32>} : memref<2x128xi32, #tpu.memory_space<vmem>>, vector<1x16xi32>,
        %swap3A_1032 = vector.shape_cast %swap3A_1031 : vector<1x16xi32> to vector<16xi32>
        %swap3A_1033 = vector.shape_cast %add3A_1027 : vector<16xi32> to vector<1x16xi32>
        tpu.vector_store %arg13[%swap3A_1029, %swap3A_1030], %swap3A_1033 {strides = array<i32>} : memref<2x128xi32, #tpu.memory_space<vmem>>, vector<1x16xi32>,
        %get3A_1034 = arith.constant 1 : i32
        %get3A_1035 = arith.index_cast %get3A_1034 : i32 to index
        %get3A_1036 = arith.index_cast %add3A_1014 : i32 to index
        %get3A_1037 = arith.constant 16 : index
        %get3A_1038 = tpu.vector_load %arg12[%get3A_1035, %get3A_1036, %get3A_1037] {strides = array<i32>} : memref<2x128x64xi32, #tpu.memory_space<vmem>>, vector<1x1x16xi32>,
        %get3A_1039 = vector.shape_cast %get3A_1038 : vector<1x1x16xi32> to vector<16xi32>
        %mul3A_1040 = arith.constant 64 : i32
        %mul3A_1041 = vector.broadcast %mul3A_1040 : i32 to vector<16xi32>
        %mul3A_1042 = arith.muli %get3A_1039, %mul3A_1041 : vector<16xi32>
        %add3A_1043 = arith.constant 16 : i32
        %add3A_1044 = vector.broadcast %add3A_1043 : i32 to vector<16xi32>
        %add3A_1045 = arith.addi %iota3A, %add3A_1044 : vector<16xi32>
        %add3A_1046 = arith.addi %mul3A_1042, %add3A_1045 : vector<16xi32>
        %swap3A_1047 = arith.constant 1 : i32
        %swap3A_1048 = arith.index_cast %swap3A_1047 : i32 to index
        %swap3A_1049 = arith.constant 16 : index
        %swap3A_1050 = tpu.vector_load %arg13[%swap3A_1048, %swap3A_1049] {strides = array<i32>} : memref<2x128xi32, #tpu.memory_space<vmem>>, vector<1x16xi32>,
        %swap3A_1051 = vector.shape_cast %swap3A_1050 : vector<1x16xi32> to vector<16xi32>
        %swap3A_1052 = vector.shape_cast %add3A_1046 : vector<16xi32> to vector<1x16xi32>
        tpu.vector_store %arg13[%swap3A_1048, %swap3A_1049], %swap3A_1052 {strides = array<i32>} : memref<2x128xi32, #tpu.memory_space<vmem>>, vector<1x16xi32>,
        %get3A_1053 = arith.constant 1 : i32
        %get3A_1054 = arith.index_cast %get3A_1053 : i32 to index
        %get3A_1055 = arith.index_cast %add3A_1014 : i32 to index
        %get3A_1056 = arith.constant 32 : index
        %get3A_1057 = tpu.vector_load %arg12[%get3A_1054, %get3A_1055, %get3A_1056] {strides = array<i32>} : memref<2x128x64xi32, #tpu.memory_space<vmem>>, vector<1x1x16xi32>,
        %get3A_1058 = vector.shape_cast %get3A_1057 : vector<1x1x16xi32> to vector<16xi32>
        %mul3A_1059 = arith.constant 64 : i32
        %mul3A_1060 = vector.broadcast %mul3A_1059 : i32 to vector<16xi32>
        %mul3A_1061 = arith.muli %get3A_1058, %mul3A_1060 : vector<16xi32>
        %add3A_1062 = arith.constant 32 : i32
        %add3A_1063 = vector.broadcast %add3A_1062 : i32 to vector<16xi32>
        %add3A_1064 = arith.addi %iota3A, %add3A_1063 : vector<16xi32>
        %add3A_1065 = arith.addi %mul3A_1061, %add3A_1064 : vector<16xi32>
        %swap3A_1066 = arith.constant 1 : i32
        %swap3A_1067 = arith.index_cast %swap3A_1066 : i32 to index
        %swap3A_1068 = arith.constant 32 : index
        %swap3A_1069 = tpu.vector_load %arg13[%swap3A_1067, %swap3A_1068] {strides = array<i32>} : memref<2x128xi32, #tpu.memory_space<vmem>>, vector<1x16xi32>,
        %swap3A_1070 = vector.shape_cast %swap3A_1069 : vector<1x16xi32> to vector<16xi32>
        %swap3A_1071 = vector.shape_cast %add3A_1065 : vector<16xi32> to vector<1x16xi32>
        tpu.vector_store %arg13[%swap3A_1067, %swap3A_1068], %swap3A_1071 {strides = array<i32>} : memref<2x128xi32, #tpu.memory_space<vmem>>, vector<1x16xi32>,
        %get3A_1072 = arith.constant 1 : i32
        %get3A_1073 = arith.index_cast %get3A_1072 : i32 to index
        %get3A_1074 = arith.index_cast %add3A_1014 : i32 to index
        %get3A_1075 = arith.constant 48 : index
        %get3A_1076 = tpu.vector_load %arg12[%get3A_1073, %get3A_1074, %get3A_1075] {strides = array<i32>} : memref<2x128x64xi32, #tpu.memory_space<vmem>>, vector<1x1x16xi32>,
        %get3A_1077 = vector.shape_cast %get3A_1076 : vector<1x1x16xi32> to vector<16xi32>
        %mul3A_1078 = arith.constant 64 : i32
        %mul3A_1079 = vector.broadcast %mul3A_1078 : i32 to vector<16xi32>
        %mul3A_1080 = arith.muli %get3A_1077, %mul3A_1079 : vector<16xi32>
        %add3A_1081 = arith.constant 48 : i32
        %add3A_1082 = vector.broadcast %add3A_1081 : i32 to vector<16xi32>
        %add3A_1083 = arith.addi %iota3A, %add3A_1082 : vector<16xi32>
        %add3A_1084 = arith.addi %mul3A_1080, %add3A_1083 : vector<16xi32>
        %swap3A_1085 = arith.constant 1 : i32
        %swap3A_1086 = arith.index_cast %swap3A_1085 : i32 to index
        %swap3A_1087 = arith.constant 48 : index
        %swap3A_1088 = tpu.vector_load %arg13[%swap3A_1086, %swap3A_1087] {strides = array<i32>} : memref<2x128xi32, #tpu.memory_space<vmem>>, vector<1x16xi32>,
        %swap3A_1089 = vector.shape_cast %swap3A_1088 : vector<1x16xi32> to vector<16xi32>
        %swap3A_1090 = vector.shape_cast %add3A_1084 : vector<16xi32> to vector<1x16xi32>
        tpu.vector_store %arg13[%swap3A_1086, %swap3A_1087], %swap3A_1090 {strides = array<i32>} : memref<2x128xi32, #tpu.memory_space<vmem>>, vector<1x16xi32>,
        %mul3A_1091 = arith.constant 2 : i32
        %mul3A_1092 = arith.muli %add3A_1010, %mul3A_1091 : i32
        %add3A_1093 = arith.constant 1 : i32
        %add3A_1094 = arith.addi %mul3A_1092, %add3A_1093 : i32
        %get3A_1095 = arith.constant 1 : i32
        %get3A_1096 = arith.index_cast %get3A_1095 : i32 to index
        %get3A_1097 = arith.index_cast %add3A_1094 : i32 to index
        %get3A_1098 = arith.constant 0 : index
        %get3A_1099 = tpu.vector_load %arg12[%get3A_1096, %get3A_1097, %get3A_1098] {strides = array<i32>} : memref<2x128x64xi32, #tpu.memory_space<vmem>>, vector<1x1x16xi32>,
        %get3A_1100 = vector.shape_cast %get3A_1099 : vector<1x1x16xi32> to vector<16xi32>
        %mul3A_1101 = arith.constant 64 : i32
        %mul3A_1102 = vector.broadcast %mul3A_1101 : i32 to vector<16xi32>
        %mul3A_1103 = arith.muli %get3A_1100, %mul3A_1102 : vector<16xi32>
        %add3A_1104 = arith.constant 0 : i32
        %add3A_1105 = vector.broadcast %add3A_1104 : i32 to vector<16xi32>
        %add3A_1106 = arith.addi %iota3A, %add3A_1105 : vector<16xi32>
        %add3A_1107 = arith.addi %mul3A_1103, %add3A_1106 : vector<16xi32>
        %swap3A_1108 = arith.constant 1 : i32
        %swap3A_1109 = arith.index_cast %swap3A_1108 : i32 to index
        %swap3A_1110 = arith.constant 64 : index
        %swap3A_1111 = tpu.vector_load %arg13[%swap3A_1109, %swap3A_1110] {strides = array<i32>} : memref<2x128xi32, #tpu.memory_space<vmem>>, vector<1x16xi32>,
        %swap3A_1112 = vector.shape_cast %swap3A_1111 : vector<1x16xi32> to vector<16xi32>
        %swap3A_1113 = vector.shape_cast %add3A_1107 : vector<16xi32> to vector<1x16xi32>
        tpu.vector_store %arg13[%swap3A_1109, %swap3A_1110], %swap3A_1113 {strides = array<i32>} : memref<2x128xi32, #tpu.memory_space<vmem>>, vector<1x16xi32>,
        %get3A_1114 = arith.constant 1 : i32
        %get3A_1115 = arith.index_cast %get3A_1114 : i32 to index
        %get3A_1116 = arith.index_cast %add3A_1094 : i32 to index
        %get3A_1117 = arith.constant 16 : index
        %get3A_1118 = tpu.vector_load %arg12[%get3A_1115, %get3A_1116, %get3A_1117] {strides = array<i32>} : memref<2x128x64xi32, #tpu.memory_space<vmem>>, vector<1x1x16xi32>,
        %get3A_1119 = vector.shape_cast %get3A_1118 : vector<1x1x16xi32> to vector<16xi32>
        %mul3A_1120 = arith.constant 64 : i32
        %mul3A_1121 = vector.broadcast %mul3A_1120 : i32 to vector<16xi32>
        %mul3A_1122 = arith.muli %get3A_1119, %mul3A_1121 : vector<16xi32>
        %add3A_1123 = arith.constant 16 : i32
        %add3A_1124 = vector.broadcast %add3A_1123 : i32 to vector<16xi32>
        %add3A_1125 = arith.addi %iota3A, %add3A_1124 : vector<16xi32>
        %add3A_1126 = arith.addi %mul3A_1122, %add3A_1125 : vector<16xi32>
        %swap3A_1127 = arith.constant 1 : i32
        %swap3A_1128 = arith.index_cast %swap3A_1127 : i32 to index
        %swap3A_1129 = arith.constant 80 : index
        %swap3A_1130 = tpu.vector_load %arg13[%swap3A_1128, %swap3A_1129] {strides = array<i32>} : memref<2x128xi32, #tpu.memory_space<vmem>>, vector<1x16xi32>,
        %swap3A_1131 = vector.shape_cast %swap3A_1130 : vector<1x16xi32> to vector<16xi32>
        %swap3A_1132 = vector.shape_cast %add3A_1126 : vector<16xi32> to vector<1x16xi32>
        tpu.vector_store %arg13[%swap3A_1128, %swap3A_1129], %swap3A_1132 {strides = array<i32>} : memref<2x128xi32, #tpu.memory_space<vmem>>, vector<1x16xi32>,
        %get3A_1133 = arith.constant 1 : i32
        %get3A_1134 = arith.index_cast %get3A_1133 : i32 to index
        %get3A_1135 = arith.index_cast %add3A_1094 : i32 to index
        %get3A_1136 = arith.constant 32 : index
        %get3A_1137 = tpu.vector_load %arg12[%get3A_1134, %get3A_1135, %get3A_1136] {strides = array<i32>} : memref<2x128x64xi32, #tpu.memory_space<vmem>>, vector<1x1x16xi32>,
        %get3A_1138 = vector.shape_cast %get3A_1137 : vector<1x1x16xi32> to vector<16xi32>
        %mul3A_1139 = arith.constant 64 : i32
        %mul3A_1140 = vector.broadcast %mul3A_1139 : i32 to vector<16xi32>
        %mul3A_1141 = arith.muli %get3A_1138, %mul3A_1140 : vector<16xi32>
        %add3A_1142 = arith.constant 32 : i32
        %add3A_1143 = vector.broadcast %add3A_1142 : i32 to vector<16xi32>
        %add3A_1144 = arith.addi %iota3A, %add3A_1143 : vector<16xi32>
        %add3A_1145 = arith.addi %mul3A_1141, %add3A_1144 : vector<16xi32>
        %swap3A_1146 = arith.constant 1 : i32
        %swap3A_1147 = arith.index_cast %swap3A_1146 : i32 to index
        %swap3A_1148 = arith.constant 96 : index
        %swap3A_1149 = tpu.vector_load %arg13[%swap3A_1147, %swap3A_1148] {strides = array<i32>} : memref<2x128xi32, #tpu.memory_space<vmem>>, vector<1x16xi32>,
        %swap3A_1150 = vector.shape_cast %swap3A_1149 : vector<1x16xi32> to vector<16xi32>
        %swap3A_1151 = vector.shape_cast %add3A_1145 : vector<16xi32> to vector<1x16xi32>
        tpu.vector_store %arg13[%swap3A_1147, %swap3A_1148], %swap3A_1151 {strides = array<i32>} : memref<2x128xi32, #tpu.memory_space<vmem>>, vector<1x16xi32>,
        %get3A_1152 = arith.constant 1 : i32
        %get3A_1153 = arith.index_cast %get3A_1152 : i32 to index
        %get3A_1154 = arith.index_cast %add3A_1094 : i32 to index
        %get3A_1155 = arith.constant 48 : index
        %get3A_1156 = tpu.vector_load %arg12[%get3A_1153, %get3A_1154, %get3A_1155] {strides = array<i32>} : memref<2x128x64xi32, #tpu.memory_space<vmem>>, vector<1x1x16xi32>,
        %get3A_1157 = vector.shape_cast %get3A_1156 : vector<1x1x16xi32> to vector<16xi32>
        %mul3A_1158 = arith.constant 64 : i32
        %mul3A_1159 = vector.broadcast %mul3A_1158 : i32 to vector<16xi32>
        %mul3A_1160 = arith.muli %get3A_1157, %mul3A_1159 : vector<16xi32>
        %add3A_1161 = arith.constant 48 : i32
        %add3A_1162 = vector.broadcast %add3A_1161 : i32 to vector<16xi32>
        %add3A_1163 = arith.addi %iota3A, %add3A_1162 : vector<16xi32>
        %add3A_1164 = arith.addi %mul3A_1160, %add3A_1163 : vector<16xi32>
        %swap3A_1165 = arith.constant 1 : i32
        %swap3A_1166 = arith.index_cast %swap3A_1165 : i32 to index
        %swap3A_1167 = arith.constant 112 : index
        %swap3A_1168 = tpu.vector_load %arg13[%swap3A_1166, %swap3A_1167] {strides = array<i32>} : memref<2x128xi32, #tpu.memory_space<vmem>>, vector<1x16xi32>,
        %swap3A_1169 = vector.shape_cast %swap3A_1168 : vector<1x16xi32> to vector<16xi32>
        %swap3A_1170 = vector.shape_cast %add3A_1164 : vector<16xi32> to vector<1x16xi32>
        tpu.vector_store %arg13[%swap3A_1166, %swap3A_1167], %swap3A_1170 {strides = array<i32>} : memref<2x128xi32, #tpu.memory_space<vmem>>, vector<1x16xi32>,
        %ge3A = arith.constant 1 : i32
        %ge3A_1171 = arith.cmpi sge, %add3A_935, %ge3A : i32
        %convert_element_type3A_1172 = arith.extui %ge3A_1171 : i1 to i32
        %cond3A_1173 = arith.constant 0 : i32
        %cond3A_1174 = arith.cmpi ne, %convert_element_type3A_1172, %cond3A_1173 : i32
        scf.if %cond3A_1174 {
          %sub3A = arith.constant 1 : i32
          %sub3A_1187 = arith.subi %add3A_935, %sub3A : i32
          %mul3A_1188 = arith.constant 128 : i32
          %mul3A_1189 = arith.muli %sub3A_1187, %mul3A_1188 : i32
          %add3A_1190 = arith.addi %mul3A_9, %mul3A_1189 : i32
          %dma_wait3A_1191 = arith.constant 1 : i32
          %dma_wait3A_1192 = arith.constant 0 : i32
          %dma_wait3A_1193 = arith.constant 0 : i32
          %dma_wait3A_1194 = tpu.memref_slice %arg14[%dma_wait3A_1191, %dma_wait3A_1192, %dma_wait3A_1193] : memref<2x128x192xf32, #tpu.memory_space<vmem>> -> memref<1x128x192xf32, #tpu.memory_space<vmem>>
          %dma_wait3A_1195 = tpu.memref_squeeze %dma_wait3A_1194 : memref<1x128x192xf32, #tpu.memory_space<vmem>> -> memref<128x192xf32, #tpu.memory_space<vmem>>
          %dma_wait3A_1196 = arith.constant 0 : i32
          %dma_wait3A_1197 = tpu.memref_slice %arg6[%add3A_1190, %dma_wait3A_1196] : memref<1048576x192xf32, #tpu.memory_space<hbm>> -> memref<128x192xf32, #tpu.memory_space<hbm>>
          %dma_wait3A_1198 = arith.constant 0 : i32
          %dma_wait3A_1199 = tpu.memref_slice %arg6[%add3A_1190, %dma_wait3A_1198] : memref<1048576x192xf32, #tpu.memory_space<hbm>> -> memref<128x192xf32, #tpu.memory_space<hbm>>
          %dma_wait3A_1200 = arith.constant 0 : i32
          %dma_wait3A_1201 = arith.constant 0 : i32
          %dma_wait3A_1202 = tpu.memref_slice %arg14[%dma_wait3A_1191, %dma_wait3A_1200, %dma_wait3A_1201] : memref<2x128x192xf32, #tpu.memory_space<vmem>> -> memref<1x128x192xf32, #tpu.memory_space<vmem>>
          %dma_wait3A_1203 = tpu.memref_squeeze %dma_wait3A_1202 : memref<1x128x192xf32, #tpu.memory_space<vmem>> -> memref<128x192xf32, #tpu.memory_space<vmem>>
          tpu.wait_dma2 semaphore(%arg18 : memref<!tpu.dma_semaphore, #tpu.memory_space<semaphore_mem>>) src(%dma_wait3A_1203 : memref<128x192xf32, #tpu.memory_space<vmem>>) dst(%dma_wait3A_1199 : memref<128x192xf32, #tpu.memory_space<hbm>>)
        } else {
        }
        %dma_start3A_1175 = arith.constant 1 : i32
        %dma_start3A_1176 = arith.constant 1 : i32
        %dma_start3A_1177 = arith.constant 0 : i32
        %dma_start3A_1178 = arith.constant 0 : i32
        %dma_start3A_1179 = tpu.memref_slice %arg14[%dma_start3A_1176, %dma_start3A_1177, %dma_start3A_1178] : memref<2x128x192xf32, #tpu.memory_space<vmem>> -> memref<1x128x192xf32, #tpu.memory_space<vmem>>
        %dma_start3A_1180 = tpu.memref_squeeze %dma_start3A_1179 : memref<1x128x192xf32, #tpu.memory_space<vmem>> -> memref<128x192xf32, #tpu.memory_space<vmem>>
        %dma_start3A_1181 = arith.constant 0 : i32
        %dma_start3A_1182 = tpu.memref_slice %arg13[%dma_start3A_1175, %dma_start3A_1181] : memref<2x128xi32, #tpu.memory_space<vmem>> -> memref<1x128xi32, #tpu.memory_space<vmem>>
        %dma_start3A_1183 = tpu.memref_squeeze %dma_start3A_1182 : memref<1x128xi32, #tpu.memory_space<vmem>> -> memref<128xi32, #tpu.memory_space<vmem>>
        %dma_start3A_1184 = arith.constant 0 : i32
        %dma_start3A_1185 = arith.constant 0 : i32
        %dma_start3A_1186 = tpu.memref_slice %arg11[%dma_start3A_1184, %dma_start3A_1185] : memref<1664x192xf32, #tpu.memory_space<vmem_shared>> -> memref<1664x192xf32, #tpu.memory_space<vmem_shared>>
        tpu.enqueue_indirect_dma source(%dma_start3A_1186 : memref<1664x192xf32, #tpu.memory_space<vmem_shared>>) target(%dma_start3A_1180 : memref<128x192xf32, #tpu.memory_space<vmem>>) offsets(%dma_start3A_1183 : memref<128xi32, #tpu.memory_space<vmem>>) semaphore(%arg16 : memref<!tpu.dma_semaphore, #tpu.memory_space<semaphore_mem>>)
      } else {
      }
      %dma_wait3A_940 = arith.constant 0 : i32
      %dma_wait3A_941 = arith.constant 0 : i32
      %dma_wait3A_942 = arith.constant 0 : i32
      %dma_wait3A_943 = arith.constant 0 : i32
      %dma_wait3A_944 = tpu.memref_slice %arg14[%dma_wait3A_941, %dma_wait3A_942, %dma_wait3A_943] : memref<2x128x192xf32, #tpu.memory_space<vmem>> -> memref<1x128x192xf32, #tpu.memory_space<vmem>>
      %dma_wait3A_945 = tpu.memref_squeeze %dma_wait3A_944 : memref<1x128x192xf32, #tpu.memory_space<vmem>> -> memref<128x192xf32, #tpu.memory_space<vmem>>
      %dma_wait3A_946 = arith.constant 0 : i32
      %dma_wait3A_947 = tpu.memref_slice %arg13[%dma_wait3A_940, %dma_wait3A_946] : memref<2x128xi32, #tpu.memory_space<vmem>> -> memref<1x128xi32, #tpu.memory_space<vmem>>
      %dma_wait3A_948 = tpu.memref_squeeze %dma_wait3A_947 : memref<1x128xi32, #tpu.memory_space<vmem>> -> memref<128xi32, #tpu.memory_space<vmem>>
      %dma_wait3A_949 = arith.constant 0 : i32
      %dma_wait3A_950 = arith.constant 0 : i32
      %dma_wait3A_951 = tpu.memref_slice %arg11[%dma_wait3A_949, %dma_wait3A_950] : memref<1664x192xf32, #tpu.memory_space<vmem_shared>> -> memref<1664x192xf32, #tpu.memory_space<vmem_shared>>
      tpu.wait_indirect_dma semaphore(%arg15 : memref<!tpu.dma_semaphore, #tpu.memory_space<semaphore_mem>>) src(%dma_wait3A_951 : memref<1664x192xf32, #tpu.memory_space<vmem_shared>>) dst(%dma_wait3A_945 : memref<128x192xf32, #tpu.memory_space<vmem>>)
      %mul3A_952 = arith.constant 128 : i32
      %mul3A_953 = arith.muli %add3A_935, %mul3A_952 : i32
      %add3A_954 = arith.addi %mul3A_9, %mul3A_953 : i32
      %dma_start3A_955 = arith.constant 0 : i32
      %dma_start3A_956 = arith.constant 0 : i32
      %dma_start3A_957 = arith.constant 0 : i32
      %dma_start3A_958 = tpu.memref_slice %arg14[%dma_start3A_955, %dma_start3A_956, %dma_start3A_957] : memref<2x128x192xf32, #tpu.memory_space<vmem>> -> memref<1x128x192xf32, #tpu.memory_space<vmem>>
      %dma_start3A_959 = tpu.memref_squeeze %dma_start3A_958 : memref<1x128x192xf32, #tpu.memory_space<vmem>> -> memref<128x192xf32, #tpu.memory_space<vmem>>
      %dma_start3A_960 = arith.constant 0 : i32
      %dma_start3A_961 = tpu.memref_slice %arg6[%add3A_954, %dma_start3A_960] : memref<1048576x192xf32, #tpu.memory_space<hbm>> -> memref<128x192xf32, #tpu.memory_space<hbm>>
      %dma_start3A_962 = arith.constant 0 : i32
      %dma_start3A_963 = tpu.memref_slice %arg6[%add3A_954, %dma_start3A_962] : memref<1048576x192xf32, #tpu.memory_space<hbm>> -> memref<128x192xf32, #tpu.memory_space<hbm>>
      %dma_start3A_964 = arith.constant 0 : i32
      %dma_start3A_965 = arith.constant 0 : i32
      %dma_start3A_966 = tpu.memref_slice %arg14[%dma_start3A_955, %dma_start3A_964, %dma_start3A_965] : memref<2x128x192xf32, #tpu.memory_space<vmem>> -> memref<1x128x192xf32, #tpu.memory_space<vmem>>
      %dma_start3A_967 = tpu.memref_squeeze %dma_start3A_966 : memref<1x128x192xf32, #tpu.memory_space<vmem>> -> memref<128x192xf32, #tpu.memory_space<vmem>>
      tpu.enqueue_dma source(%dma_start3A_967 : memref<128x192xf32, #tpu.memory_space<vmem>>) target(%dma_start3A_963 : memref<128x192xf32, #tpu.memory_space<hbm>>) target_semaphore(%arg17 : memref<!tpu.dma_semaphore, #tpu.memory_space<semaphore_mem>>)
      %mul3A_968 = arith.constant 2 : i32
      %mul3A_969 = arith.muli %scan3A_929, %mul3A_968 : i32
      %add3A_970 = arith.constant 1 : i32
      %add3A_971 = arith.addi %mul3A_969, %add3A_970 : i32
      %add3A_972 = arith.constant 192 : i32
      %add3A_973 = arith.addi %add3A_972, %add3A_971 : i32
      %add3A_974 = arith.constant 1 : i32
      %add3A_975 = arith.addi %add3A_971, %add3A_974 : i32
      %lt3A_976 = arith.constant 64 : i32
      %lt3A_977 = arith.cmpi slt, %add3A_975, %lt3A_976 : i32
      %convert_element_type3A_978 = arith.extui %lt3A_977 : i1 to i32
      %cond3A_979 = arith.constant 0 : i32
      %cond3A_980 = arith.cmpi ne, %convert_element_type3A_978, %cond3A_979 : i32
      scf.if %cond3A_980 {
        %add3A_1009 = arith.constant 1 : i32
        %add3A_1010 = arith.addi %add3A_971, %add3A_1009 : i32
        %mul3A_1011 = arith.constant 2 : i32
        %mul3A_1012 = arith.muli %add3A_1010, %mul3A_1011 : i32
        %add3A_1013 = arith.constant 0 : i32
        %add3A_1014 = arith.addi %mul3A_1012, %add3A_1013 : i32
        %get3A_1015 = arith.constant 1 : i32
        %get3A_1016 = arith.index_cast %get3A_1015 : i32 to index
        %get3A_1017 = arith.index_cast %add3A_1014 : i32 to index
        %get3A_1018 = arith.constant 0 : index
        %get3A_1019 = tpu.vector_load %arg12[%get3A_1016, %get3A_1017, %get3A_1018] {strides = array<i32>} : memref<2x128x64xi32, #tpu.memory_space<vmem>>, vector<1x1x16xi32>,
        %get3A_1020 = vector.shape_cast %get3A_1019 : vector<1x1x16xi32> to vector<16xi32>
        %mul3A_1021 = arith.constant 64 : i32
        %mul3A_1022 = vector.broadcast %mul3A_1021 : i32 to vector<16xi32>
        %mul3A_1023 = arith.muli %get3A_1020, %mul3A_1022 : vector<16xi32>
        %add3A_1024 = arith.constant 0 : i32
        %add3A_1025 = vector.broadcast %add3A_1024 : i32 to vector<16xi32>
        %add3A_1026 = arith.addi %iota3A, %add3A_1025 : vector<16xi32>
        %add3A_1027 = arith.addi %mul3A_1023, %add3A_1026 : vector<16xi32>
        %swap3A_1028 = arith.constant 0 : i32
        %swap3A_1029 = arith.index_cast %swap3A_1028 : i32 to index
        %swap3A_1030 = arith.constant 0 : index
        %swap3A_1031 = tpu.vector_load %arg13[%swap3A_1029, %swap3A_1030] {strides = array<i32>} : memref<2x128xi32, #tpu.memory_space<vmem>>, vector<1x16xi32>,
        %swap3A_1032 = vector.shape_cast %swap3A_1031 : vector<1x16xi32> to vector<16xi32>
        %swap3A_1033 = vector.shape_cast %add3A_1027 : vector<16xi32> to vector<1x16xi32>
        tpu.vector_store %arg13[%swap3A_1029, %swap3A_1030], %swap3A_1033 {strides = array<i32>} : memref<2x128xi32, #tpu.memory_space<vmem>>, vector<1x16xi32>,
        %get3A_1034 = arith.constant 1 : i32
        %get3A_1035 = arith.index_cast %get3A_1034 : i32 to index
        %get3A_1036 = arith.index_cast %add3A_1014 : i32 to index
        %get3A_1037 = arith.constant 16 : index
        %get3A_1038 = tpu.vector_load %arg12[%get3A_1035, %get3A_1036, %get3A_1037] {strides = array<i32>} : memref<2x128x64xi32, #tpu.memory_space<vmem>>, vector<1x1x16xi32>,
        %get3A_1039 = vector.shape_cast %get3A_1038 : vector<1x1x16xi32> to vector<16xi32>
        %mul3A_1040 = arith.constant 64 : i32
        %mul3A_1041 = vector.broadcast %mul3A_1040 : i32 to vector<16xi32>
        %mul3A_1042 = arith.muli %get3A_1039, %mul3A_1041 : vector<16xi32>
        %add3A_1043 = arith.constant 16 : i32
        %add3A_1044 = vector.broadcast %add3A_1043 : i32 to vector<16xi32>
        %add3A_1045 = arith.addi %iota3A, %add3A_1044 : vector<16xi32>
        %add3A_1046 = arith.addi %mul3A_1042, %add3A_1045 : vector<16xi32>
        %swap3A_1047 = arith.constant 0 : i32
        %swap3A_1048 = arith.index_cast %swap3A_1047 : i32 to index
        %swap3A_1049 = arith.constant 16 : index
        %swap3A_1050 = tpu.vector_load %arg13[%swap3A_1048, %swap3A_1049] {strides = array<i32>} : memref<2x128xi32, #tpu.memory_space<vmem>>, vector<1x16xi32>,
        %swap3A_1051 = vector.shape_cast %swap3A_1050 : vector<1x16xi32> to vector<16xi32>
        %swap3A_1052 = vector.shape_cast %add3A_1046 : vector<16xi32> to vector<1x16xi32>
        tpu.vector_store %arg13[%swap3A_1048, %swap3A_1049], %swap3A_1052 {strides = array<i32>} : memref<2x128xi32, #tpu.memory_space<vmem>>, vector<1x16xi32>,
        %get3A_1053 = arith.constant 1 : i32
        %get3A_1054 = arith.index_cast %get3A_1053 : i32 to index
        %get3A_1055 = arith.index_cast %add3A_1014 : i32 to index
        %get3A_1056 = arith.constant 32 : index
        %get3A_1057 = tpu.vector_load %arg12[%get3A_1054, %get3A_1055, %get3A_1056] {strides = array<i32>} : memref<2x128x64xi32, #tpu.memory_space<vmem>>, vector<1x1x16xi32>,
        %get3A_1058 = vector.shape_cast %get3A_1057 : vector<1x1x16xi32> to vector<16xi32>
        %mul3A_1059 = arith.constant 64 : i32
        %mul3A_1060 = vector.broadcast %mul3A_1059 : i32 to vector<16xi32>
        %mul3A_1061 = arith.muli %get3A_1058, %mul3A_1060 : vector<16xi32>
        %add3A_1062 = arith.constant 32 : i32
        %add3A_1063 = vector.broadcast %add3A_1062 : i32 to vector<16xi32>
        %add3A_1064 = arith.addi %iota3A, %add3A_1063 : vector<16xi32>
        %add3A_1065 = arith.addi %mul3A_1061, %add3A_1064 : vector<16xi32>
        %swap3A_1066 = arith.constant 0 : i32
        %swap3A_1067 = arith.index_cast %swap3A_1066 : i32 to index
        %swap3A_1068 = arith.constant 32 : index
        %swap3A_1069 = tpu.vector_load %arg13[%swap3A_1067, %swap3A_1068] {strides = array<i32>} : memref<2x128xi32, #tpu.memory_space<vmem>>, vector<1x16xi32>,
        %swap3A_1070 = vector.shape_cast %swap3A_1069 : vector<1x16xi32> to vector<16xi32>
        %swap3A_1071 = vector.shape_cast %add3A_1065 : vector<16xi32> to vector<1x16xi32>
        tpu.vector_store %arg13[%swap3A_1067, %swap3A_1068], %swap3A_1071 {strides = array<i32>} : memref<2x128xi32, #tpu.memory_space<vmem>>, vector<1x16xi32>,
        %get3A_1072 = arith.constant 1 : i32
        %get3A_1073 = arith.index_cast %get3A_1072 : i32 to index
        %get3A_1074 = arith.index_cast %add3A_1014 : i32 to index
        %get3A_1075 = arith.constant 48 : index
        %get3A_1076 = tpu.vector_load %arg12[%get3A_1073, %get3A_1074, %get3A_1075] {strides = array<i32>} : memref<2x128x64xi32, #tpu.memory_space<vmem>>, vector<1x1x16xi32>,
        %get3A_1077 = vector.shape_cast %get3A_1076 : vector<1x1x16xi32> to vector<16xi32>
        %mul3A_1078 = arith.constant 64 : i32
        %mul3A_1079 = vector.broadcast %mul3A_1078 : i32 to vector<16xi32>
        %mul3A_1080 = arith.muli %get3A_1077, %mul3A_1079 : vector<16xi32>
        %add3A_1081 = arith.constant 48 : i32
        %add3A_1082 = vector.broadcast %add3A_1081 : i32 to vector<16xi32>
        %add3A_1083 = arith.addi %iota3A, %add3A_1082 : vector<16xi32>
        %add3A_1084 = arith.addi %mul3A_1080, %add3A_1083 : vector<16xi32>
        %swap3A_1085 = arith.constant 0 : i32
        %swap3A_1086 = arith.index_cast %swap3A_1085 : i32 to index
        %swap3A_1087 = arith.constant 48 : index
        %swap3A_1088 = tpu.vector_load %arg13[%swap3A_1086, %swap3A_1087] {strides = array<i32>} : memref<2x128xi32, #tpu.memory_space<vmem>>, vector<1x16xi32>,
        %swap3A_1089 = vector.shape_cast %swap3A_1088 : vector<1x16xi32> to vector<16xi32>
        %swap3A_1090 = vector.shape_cast %add3A_1084 : vector<16xi32> to vector<1x16xi32>
        tpu.vector_store %arg13[%swap3A_1086, %swap3A_1087], %swap3A_1090 {strides = array<i32>} : memref<2x128xi32, #tpu.memory_space<vmem>>, vector<1x16xi32>,
        %mul3A_1091 = arith.constant 2 : i32
        %mul3A_1092 = arith.muli %add3A_1010, %mul3A_1091 : i32
        %add3A_1093 = arith.constant 1 : i32
        %add3A_1094 = arith.addi %mul3A_1092, %add3A_1093 : i32
        %get3A_1095 = arith.constant 1 : i32
        %get3A_1096 = arith.index_cast %get3A_1095 : i32 to index
        %get3A_1097 = arith.index_cast %add3A_1094 : i32 to index
        %get3A_1098 = arith.constant 0 : index
        %get3A_1099 = tpu.vector_load %arg12[%get3A_1096, %get3A_1097, %get3A_1098] {strides = array<i32>} : memref<2x128x64xi32, #tpu.memory_space<vmem>>, vector<1x1x16xi32>,
        %get3A_1100 = vector.shape_cast %get3A_1099 : vector<1x1x16xi32> to vector<16xi32>
        %mul3A_1101 = arith.constant 64 : i32
        %mul3A_1102 = vector.broadcast %mul3A_1101 : i32 to vector<16xi32>
        %mul3A_1103 = arith.muli %get3A_1100, %mul3A_1102 : vector<16xi32>
        %add3A_1104 = arith.constant 0 : i32
        %add3A_1105 = vector.broadcast %add3A_1104 : i32 to vector<16xi32>
        %add3A_1106 = arith.addi %iota3A, %add3A_1105 : vector<16xi32>
        %add3A_1107 = arith.addi %mul3A_1103, %add3A_1106 : vector<16xi32>
        %swap3A_1108 = arith.constant 0 : i32
        %swap3A_1109 = arith.index_cast %swap3A_1108 : i32 to index
        %swap3A_1110 = arith.constant 64 : index
        %swap3A_1111 = tpu.vector_load %arg13[%swap3A_1109, %swap3A_1110] {strides = array<i32>} : memref<2x128xi32, #tpu.memory_space<vmem>>, vector<1x16xi32>,
        %swap3A_1112 = vector.shape_cast %swap3A_1111 : vector<1x16xi32> to vector<16xi32>
        %swap3A_1113 = vector.shape_cast %add3A_1107 : vector<16xi32> to vector<1x16xi32>
        tpu.vector_store %arg13[%swap3A_1109, %swap3A_1110], %swap3A_1113 {strides = array<i32>} : memref<2x128xi32, #tpu.memory_space<vmem>>, vector<1x16xi32>,
        %get3A_1114 = arith.constant 1 : i32
        %get3A_1115 = arith.index_cast %get3A_1114 : i32 to index
        %get3A_1116 = arith.index_cast %add3A_1094 : i32 to index
        %get3A_1117 = arith.constant 16 : index
        %get3A_1118 = tpu.vector_load %arg12[%get3A_1115, %get3A_1116, %get3A_1117] {strides = array<i32>} : memref<2x128x64xi32, #tpu.memory_space<vmem>>, vector<1x1x16xi32>,
        %get3A_1119 = vector.shape_cast %get3A_1118 : vector<1x1x16xi32> to vector<16xi32>
        %mul3A_1120 = arith.constant 64 : i32
        %mul3A_1121 = vector.broadcast %mul3A_1120 : i32 to vector<16xi32>
        %mul3A_1122 = arith.muli %get3A_1119, %mul3A_1121 : vector<16xi32>
        %add3A_1123 = arith.constant 16 : i32
        %add3A_1124 = vector.broadcast %add3A_1123 : i32 to vector<16xi32>
        %add3A_1125 = arith.addi %iota3A, %add3A_1124 : vector<16xi32>
        %add3A_1126 = arith.addi %mul3A_1122, %add3A_1125 : vector<16xi32>
        %swap3A_1127 = arith.constant 0 : i32
        %swap3A_1128 = arith.index_cast %swap3A_1127 : i32 to index
        %swap3A_1129 = arith.constant 80 : index
        %swap3A_1130 = tpu.vector_load %arg13[%swap3A_1128, %swap3A_1129] {strides = array<i32>} : memref<2x128xi32, #tpu.memory_space<vmem>>, vector<1x16xi32>,
        %swap3A_1131 = vector.shape_cast %swap3A_1130 : vector<1x16xi32> to vector<16xi32>
        %swap3A_1132 = vector.shape_cast %add3A_1126 : vector<16xi32> to vector<1x16xi32>
        tpu.vector_store %arg13[%swap3A_1128, %swap3A_1129], %swap3A_1132 {strides = array<i32>} : memref<2x128xi32, #tpu.memory_space<vmem>>, vector<1x16xi32>,
        %get3A_1133 = arith.constant 1 : i32
        %get3A_1134 = arith.index_cast %get3A_1133 : i32 to index
        %get3A_1135 = arith.index_cast %add3A_1094 : i32 to index
        %get3A_1136 = arith.constant 32 : index
        %get3A_1137 = tpu.vector_load %arg12[%get3A_1134, %get3A_1135, %get3A_1136] {strides = array<i32>} : memref<2x128x64xi32, #tpu.memory_space<vmem>>, vector<1x1x16xi32>,
        %get3A_1138 = vector.shape_cast %get3A_1137 : vector<1x1x16xi32> to vector<16xi32>
        %mul3A_1139 = arith.constant 64 : i32
        %mul3A_1140 = vector.broadcast %mul3A_1139 : i32 to vector<16xi32>
        %mul3A_1141 = arith.muli %get3A_1138, %mul3A_1140 : vector<16xi32>
        %add3A_1142 = arith.constant 32 : i32
        %add3A_1143 = vector.broadcast %add3A_1142 : i32 to vector<16xi32>
        %add3A_1144 = arith.addi %iota3A, %add3A_1143 : vector<16xi32>
        %add3A_1145 = arith.addi %mul3A_1141, %add3A_1144 : vector<16xi32>
        %swap3A_1146 = arith.constant 0 : i32
        %swap3A_1147 = arith.index_cast %swap3A_1146 : i32 to index
        %swap3A_1148 = arith.constant 96 : index
        %swap3A_1149 = tpu.vector_load %arg13[%swap3A_1147, %swap3A_1148] {strides = array<i32>} : memref<2x128xi32, #tpu.memory_space<vmem>>, vector<1x16xi32>,
        %swap3A_1150 = vector.shape_cast %swap3A_1149 : vector<1x16xi32> to vector<16xi32>
        %swap3A_1151 = vector.shape_cast %add3A_1145 : vector<16xi32> to vector<1x16xi32>
        tpu.vector_store %arg13[%swap3A_1147, %swap3A_1148], %swap3A_1151 {strides = array<i32>} : memref<2x128xi32, #tpu.memory_space<vmem>>, vector<1x16xi32>,
        %get3A_1152 = arith.constant 1 : i32
        %get3A_1153 = arith.index_cast %get3A_1152 : i32 to index
        %get3A_1154 = arith.index_cast %add3A_1094 : i32 to index
        %get3A_1155 = arith.constant 48 : index
        %get3A_1156 = tpu.vector_load %arg12[%get3A_1153, %get3A_1154, %get3A_1155] {strides = array<i32>} : memref<2x128x64xi32, #tpu.memory_space<vmem>>, vector<1x1x16xi32>,
        %get3A_1157 = vector.shape_cast %get3A_1156 : vector<1x1x16xi32> to vector<16xi32>
        %mul3A_1158 = arith.constant 64 : i32
        %mul3A_1159 = vector.broadcast %mul3A_1158 : i32 to vector<16xi32>
        %mul3A_1160 = arith.muli %get3A_1157, %mul3A_1159 : vector<16xi32>
        %add3A_1161 = arith.constant 48 : i32
        %add3A_1162 = vector.broadcast %add3A_1161 : i32 to vector<16xi32>
        %add3A_1163 = arith.addi %iota3A, %add3A_1162 : vector<16xi32>
        %add3A_1164 = arith.addi %mul3A_1160, %add3A_1163 : vector<16xi32>
        %swap3A_1165 = arith.constant 0 : i32
        %swap3A_1166 = arith.index_cast %swap3A_1165 : i32 to index
        %swap3A_1167 = arith.constant 112 : index
        %swap3A_1168 = tpu.vector_load %arg13[%swap3A_1166, %swap3A_1167] {strides = array<i32>} : memref<2x128xi32, #tpu.memory_space<vmem>>, vector<1x16xi32>,
        %swap3A_1169 = vector.shape_cast %swap3A_1168 : vector<1x16xi32> to vector<16xi32>
        %swap3A_1170 = vector.shape_cast %add3A_1164 : vector<16xi32> to vector<1x16xi32>
        tpu.vector_store %arg13[%swap3A_1166, %swap3A_1167], %swap3A_1170 {strides = array<i32>} : memref<2x128xi32, #tpu.memory_space<vmem>>, vector<1x16xi32>,
        %ge3A = arith.constant 1 : i32
        %ge3A_1171 = arith.cmpi sge, %add3A_973, %ge3A : i32
        %convert_element_type3A_1172 = arith.extui %ge3A_1171 : i1 to i32
        %cond3A_1173 = arith.constant 0 : i32
        %cond3A_1174 = arith.cmpi ne, %convert_element_type3A_1172, %cond3A_1173 : i32
        scf.if %cond3A_1174 {
          %sub3A = arith.constant 1 : i32
          %sub3A_1187 = arith.subi %add3A_973, %sub3A : i32
          %mul3A_1188 = arith.constant 128 : i32
          %mul3A_1189 = arith.muli %sub3A_1187, %mul3A_1188 : i32
          %add3A_1190 = arith.addi %mul3A_9, %mul3A_1189 : i32
          %dma_wait3A_1191 = arith.constant 0 : i32
          %dma_wait3A_1192 = arith.constant 0 : i32
          %dma_wait3A_1193 = arith.constant 0 : i32
          %dma_wait3A_1194 = tpu.memref_slice %arg14[%dma_wait3A_1191, %dma_wait3A_1192, %dma_wait3A_1193] : memref<2x128x192xf32, #tpu.memory_space<vmem>> -> memref<1x128x192xf32, #tpu.memory_space<vmem>>
          %dma_wait3A_1195 = tpu.memref_squeeze %dma_wait3A_1194 : memref<1x128x192xf32, #tpu.memory_space<vmem>> -> memref<128x192xf32, #tpu.memory_space<vmem>>
          %dma_wait3A_1196 = arith.constant 0 : i32
          %dma_wait3A_1197 = tpu.memref_slice %arg6[%add3A_1190, %dma_wait3A_1196] : memref<1048576x192xf32, #tpu.memory_space<hbm>> -> memref<128x192xf32, #tpu.memory_space<hbm>>
          %dma_wait3A_1198 = arith.constant 0 : i32
          %dma_wait3A_1199 = tpu.memref_slice %arg6[%add3A_1190, %dma_wait3A_1198] : memref<1048576x192xf32, #tpu.memory_space<hbm>> -> memref<128x192xf32, #tpu.memory_space<hbm>>
          %dma_wait3A_1200 = arith.constant 0 : i32
          %dma_wait3A_1201 = arith.constant 0 : i32
          %dma_wait3A_1202 = tpu.memref_slice %arg14[%dma_wait3A_1191, %dma_wait3A_1200, %dma_wait3A_1201] : memref<2x128x192xf32, #tpu.memory_space<vmem>> -> memref<1x128x192xf32, #tpu.memory_space<vmem>>
          %dma_wait3A_1203 = tpu.memref_squeeze %dma_wait3A_1202 : memref<1x128x192xf32, #tpu.memory_space<vmem>> -> memref<128x192xf32, #tpu.memory_space<vmem>>
          tpu.wait_dma2 semaphore(%arg17 : memref<!tpu.dma_semaphore, #tpu.memory_space<semaphore_mem>>) src(%dma_wait3A_1203 : memref<128x192xf32, #tpu.memory_space<vmem>>) dst(%dma_wait3A_1199 : memref<128x192xf32, #tpu.memory_space<hbm>>)
        } else {
        }
        %dma_start3A_1175 = arith.constant 0 : i32
        %dma_start3A_1176 = arith.constant 0 : i32
        %dma_start3A_1177 = arith.constant 0 : i32
        %dma_start3A_1178 = arith.constant 0 : i32
        %dma_start3A_1179 = tpu.memref_slice %arg14[%dma_start3A_1176, %dma_start3A_1177, %dma_start3A_1178] : memref<2x128x192xf32, #tpu.memory_space<vmem>> -> memref<1x128x192xf32, #tpu.memory_space<vmem>>
        %dma_start3A_1180 = tpu.memref_squeeze %dma_start3A_1179 : memref<1x128x192xf32, #tpu.memory_space<vmem>> -> memref<128x192xf32, #tpu.memory_space<vmem>>
        %dma_start3A_1181 = arith.constant 0 : i32
        %dma_start3A_1182 = tpu.memref_slice %arg13[%dma_start3A_1175, %dma_start3A_1181] : memref<2x128xi32, #tpu.memory_space<vmem>> -> memref<1x128xi32, #tpu.memory_space<vmem>>
        %dma_start3A_1183 = tpu.memref_squeeze %dma_start3A_1182 : memref<1x128xi32, #tpu.memory_space<vmem>> -> memref<128xi32, #tpu.memory_space<vmem>>
        %dma_start3A_1184 = arith.constant 0 : i32
        %dma_start3A_1185 = arith.constant 0 : i32
        %dma_start3A_1186 = tpu.memref_slice %arg11[%dma_start3A_1184, %dma_start3A_1185] : memref<1664x192xf32, #tpu.memory_space<vmem_shared>> -> memref<1664x192xf32, #tpu.memory_space<vmem_shared>>
        tpu.enqueue_indirect_dma source(%dma_start3A_1186 : memref<1664x192xf32, #tpu.memory_space<vmem_shared>>) target(%dma_start3A_1180 : memref<128x192xf32, #tpu.memory_space<vmem>>) offsets(%dma_start3A_1183 : memref<128xi32, #tpu.memory_space<vmem>>) semaphore(%arg15 : memref<!tpu.dma_semaphore, #tpu.memory_space<semaphore_mem>>)
      } else {
      }
      %dma_wait3A_981 = arith.constant 1 : i32
      %dma_wait3A_982 = arith.constant 1 : i32
      %dma_wait3A_983 = arith.constant 0 : i32
      %dma_wait3A_984 = arith.constant 0 : i32
      %dma_wait3A_985 = tpu.memref_slice %arg14[%dma_wait3A_982, %dma_wait3A_983, %dma_wait3A_984] : memref<2x128x192xf32, #tpu.memory_space<vmem>> -> memref<1x128x192xf32, #tpu.memory_space<vmem>>
      %dma_wait3A_986 = tpu.memref_squeeze %dma_wait3A_985 : memref<1x128x192xf32, #tpu.memory_space<vmem>> -> memref<128x192xf32, #tpu.memory_space<vmem>>
      %dma_wait3A_987 = arith.constant 0 : i32
      %dma_wait3A_988 = tpu.memref_slice %arg13[%dma_wait3A_981, %dma_wait3A_987] : memref<2x128xi32, #tpu.memory_space<vmem>> -> memref<1x128xi32, #tpu.memory_space<vmem>>
      %dma_wait3A_989 = tpu.memref_squeeze %dma_wait3A_988 : memref<1x128xi32, #tpu.memory_space<vmem>> -> memref<128xi32, #tpu.memory_space<vmem>>
      %dma_wait3A_990 = arith.constant 0 : i32
      %dma_wait3A_991 = arith.constant 0 : i32
      %dma_wait3A_992 = tpu.memref_slice %arg11[%dma_wait3A_990, %dma_wait3A_991] : memref<1664x192xf32, #tpu.memory_space<vmem_shared>> -> memref<1664x192xf32, #tpu.memory_space<vmem_shared>>
      tpu.wait_indirect_dma semaphore(%arg16 : memref<!tpu.dma_semaphore, #tpu.memory_space<semaphore_mem>>) src(%dma_wait3A_992 : memref<1664x192xf32, #tpu.memory_space<vmem_shared>>) dst(%dma_wait3A_986 : memref<128x192xf32, #tpu.memory_space<vmem>>)
      %mul3A_993 = arith.constant 128 : i32
      %mul3A_994 = arith.muli %add3A_973, %mul3A_993 : i32
      %add3A_995 = arith.addi %mul3A_9, %mul3A_994 : i32
      %dma_start3A_996 = arith.constant 1 : i32
      %dma_start3A_997 = arith.constant 0 : i32
      %dma_start3A_998 = arith.constant 0 : i32
      %dma_start3A_999 = tpu.memref_slice %arg14[%dma_start3A_996, %dma_start3A_997, %dma_start3A_998] : memref<2x128x192xf32, #tpu.memory_space<vmem>> -> memref<1x128x192xf32, #tpu.memory_space<vmem>>
      %dma_start3A_1000 = tpu.memref_squeeze %dma_start3A_999 : memref<1x128x192xf32, #tpu.memory_space<vmem>> -> memref<128x192xf32, #tpu.memory_space<vmem>>
      %dma_start3A_1001 = arith.constant 0 : i32
      %dma_start3A_1002 = tpu.memref_slice %arg6[%add3A_995, %dma_start3A_1001] : memref<1048576x192xf32, #tpu.memory_space<hbm>> -> memref<128x192xf32, #tpu.memory_space<hbm>>
      %dma_start3A_1003 = arith.constant 0 : i32
      %dma_start3A_1004 = tpu.memref_slice %arg6[%add3A_995, %dma_start3A_1003] : memref<1048576x192xf32, #tpu.memory_space<hbm>> -> memref<128x192xf32, #tpu.memory_space<hbm>>
      %dma_start3A_1005 = arith.constant 0 : i32
      %dma_start3A_1006 = arith.constant 0 : i32
      %dma_start3A_1007 = tpu.memref_slice %arg14[%dma_start3A_996, %dma_start3A_1005, %dma_start3A_1006] : memref<2x128x192xf32, #tpu.memory_space<vmem>> -> memref<1x128x192xf32, #tpu.memory_space<vmem>>
      %dma_start3A_1008 = tpu.memref_squeeze %dma_start3A_1007 : memref<1x128x192xf32, #tpu.memory_space<vmem>> -> memref<128x192xf32, #tpu.memory_space<vmem>>
      tpu.enqueue_dma source(%dma_start3A_1008 : memref<128x192xf32, #tpu.memory_space<vmem>>) target(%dma_start3A_1004 : memref<128x192xf32, #tpu.memory_space<hbm>>) target_semaphore(%arg18 : memref<!tpu.dma_semaphore, #tpu.memory_space<semaphore_mem>>)
    }
    %scan3A_898 = arith.constant 32 : i32
    %add3A_899 = arith.constant 32512 : i32
    %add3A_900 = arith.addi %mul3A_9, %add3A_899 : i32
    %dma_wait3A_901 = arith.constant 0 : i32
    %dma_wait3A_902 = arith.constant 0 : i32
    %dma_wait3A_903 = arith.constant 0 : i32
    %dma_wait3A_904 = tpu.memref_slice %arg14[%dma_wait3A_901, %dma_wait3A_902, %dma_wait3A_903] : memref<2x128x192xf32, #tpu.memory_space<vmem>> -> memref<1x128x192xf32, #tpu.memory_space<vmem>>
    %dma_wait3A_905 = tpu.memref_squeeze %dma_wait3A_904 : memref<1x128x192xf32, #tpu.memory_space<vmem>> -> memref<128x192xf32, #tpu.memory_space<vmem>>
    %dma_wait3A_906 = arith.constant 0 : i32
    %dma_wait3A_907 = tpu.memref_slice %arg6[%add3A_900, %dma_wait3A_906] : memref<1048576x192xf32, #tpu.memory_space<hbm>> -> memref<128x192xf32, #tpu.memory_space<hbm>>
    %dma_wait3A_908 = arith.constant 0 : i32
    %dma_wait3A_909 = tpu.memref_slice %arg6[%add3A_900, %dma_wait3A_908] : memref<1048576x192xf32, #tpu.memory_space<hbm>> -> memref<128x192xf32, #tpu.memory_space<hbm>>
    %dma_wait3A_910 = arith.constant 0 : i32
    %dma_wait3A_911 = arith.constant 0 : i32
    %dma_wait3A_912 = tpu.memref_slice %arg14[%dma_wait3A_901, %dma_wait3A_910, %dma_wait3A_911] : memref<2x128x192xf32, #tpu.memory_space<vmem>> -> memref<1x128x192xf32, #tpu.memory_space<vmem>>
    %dma_wait3A_913 = tpu.memref_squeeze %dma_wait3A_912 : memref<1x128x192xf32, #tpu.memory_space<vmem>> -> memref<128x192xf32, #tpu.memory_space<vmem>>
    tpu.wait_dma2 semaphore(%arg17 : memref<!tpu.dma_semaphore, #tpu.memory_space<semaphore_mem>>) src(%dma_wait3A_913 : memref<128x192xf32, #tpu.memory_space<vmem>>) dst(%dma_wait3A_909 : memref<128x192xf32, #tpu.memory_space<hbm>>)
    %add3A_914 = arith.constant 32640 : i32
    %add3A_915 = arith.addi %mul3A_9, %add3A_914 : i32
    %dma_wait3A_916 = arith.constant 1 : i32
    %dma_wait3A_917 = arith.constant 0 : i32
    %dma_wait3A_918 = arith.constant 0 : i32
    %dma_wait3A_919 = tpu.memref_slice %arg14[%dma_wait3A_916, %dma_wait3A_917, %dma_wait3A_918] : memref<2x128x192xf32, #tpu.memory_space<vmem>> -> memref<1x128x192xf32, #tpu.memory_space<vmem>>
    %dma_wait3A_920 = tpu.memref_squeeze %dma_wait3A_919 : memref<1x128x192xf32, #tpu.memory_space<vmem>> -> memref<128x192xf32, #tpu.memory_space<vmem>>
    %dma_wait3A_921 = arith.constant 0 : i32
    %dma_wait3A_922 = tpu.memref_slice %arg6[%add3A_915, %dma_wait3A_921] : memref<1048576x192xf32, #tpu.memory_space<hbm>> -> memref<128x192xf32, #tpu.memory_space<hbm>>
    %dma_wait3A_923 = arith.constant 0 : i32
    %dma_wait3A_924 = tpu.memref_slice %arg6[%add3A_915, %dma_wait3A_923] : memref<1048576x192xf32, #tpu.memory_space<hbm>> -> memref<128x192xf32, #tpu.memory_space<hbm>>
    %dma_wait3A_925 = arith.constant 0 : i32
    %dma_wait3A_926 = arith.constant 0 : i32
    %dma_wait3A_927 = tpu.memref_slice %arg14[%dma_wait3A_916, %dma_wait3A_925, %dma_wait3A_926] : memref<2x128x192xf32, #tpu.memory_space<vmem>> -> memref<1x128x192xf32, #tpu.memory_space<vmem>>
    %dma_wait3A_928 = tpu.memref_squeeze %dma_wait3A_927 : memref<1x128x192xf32, #tpu.memory_space<vmem>> -> memref<128x192xf32, #tpu.memory_space<vmem>>
    tpu.wait_dma2 semaphore(%arg18 : memref<!tpu.dma_semaphore, #tpu.memory_space<semaphore_mem>>) src(%dma_wait3A_928 : memref<128x192xf32, #tpu.memory_space<vmem>>) dst(%dma_wait3A_924 : memref<128x192xf32, #tpu.memory_space<hbm>>)
    return
  }
}

</mosaic_0001>

<sc_bundles>
// kernel: _sc_call.3.cloned.1.call-start
scs
__scs_entry_jumppad:
0x0: {  	(pc) =	sbr.rel $0x88, $3  }
0x1: {  	(tag) =	ssettag $0x0;
	lr =	simm.s32 $0x1  }
0x2: {  	[smem:$0x3F9D] =	sst lr;
	_ =	strace $0xD0000000  }
0x3: {  	_ = 	snop  }
0x4: {  	_ = 	snop  }
0x5: {  	_ = 	snop  }
0x6: {  	_ = 	snop  }
0x7: {  	_ = 	snop  }
__scs_overlays_trampoline_lowered:
0x8: {  	[smem:$0x3FAC] =	sst s0  }
0x9: {  	[smem:$0x3FAD] =	sst s1  }
0xa: {  	[smem:$0x3FAE] =	sst s2  }
0xb: {  	[smem:$0x3FAF] =	sst s3  }
0xc: {  	[smem:$0x3FB0] =	sst s4  }
0xd: {  	[smem:$0x3FB1] =	sst s5  }
0xe: {  	[smem:$0x3FB2] =	sst s6  }
0xf: {  	[smem:$0x3FB3] =	sst s7  }
0x10: {  	[smem:$0x3FB4] =	sst s8  }
0x11: {  	[smem:$0x3FB5] =	sst s9;
	s0 =	simm.s32 @!p0 $0x0  }
0x12: {  	s1 =	sld [smem:$0x3F9B];
	s0 =	simm.s32 @p0 $0x1  }
0x13: {  	[smem:$0x3FB6] =	sst s0;
	s0 =	simm.s32 @!p1 $0x0  }
0x14: {  	s2 =	sld [smem:$0x3F9A];
	s0 =	simm.s32 @p1 $0x1  }
0x15: {  	[smem:$0x3FB7] =	sst s0;
	s0 =	simm.s32 @!p2 $0x0  }
0x16: {  	s3 =	sld [smem:$0x3FDB];
	s0 =	simm.s32 @p2 $0x1  }
0x17: {  	s4 =	simm.s32 $0x1BF5;
	[smem:$0x3FB9] =	sst s0  }
0x18: {  	s0 =	sld [smem:$0x3F9C];
	_ =	swait.ge [sflag:s4], $0x0  }
0x19: {  	s7 =	sld [smem:$0x3F9D]  }
0x1a: {  	s8 =	sadd.s32 $0xFFFFE003, lr  }
0x1b: {  	s9 =	sadd.s32 $0xFFFFFEF7, lr;
	s5 =	simm.s32 $0xFFFFFFFF;
	p2 =	slt.u32 s8, $0xFFFFF086  }
0x1c: {  	p1 =	slt.u32 s9, $0xF7A;
	s5 =	simm.s32 @!p2 $0x0  }
0x1d: {  	s5 =	simm.s32 @p1 $0x1;
	p0 =	seq.s32 s7, s2  }
0x1e: {  	s7 =	smul.u32 @!p0 $0xF7A, s2;
	p2 =	seq.s32 @!p0 s5, $0x0  }
0x1f: {  	s9 =	smul.u32 $0xF7A, s1;
	s8 =	simm.s32 @!p0 $0x1BF5;
	p2 =	por !p2, p0  }
0x20: {  	[sflag:s8] =	ssyncset.s32 @!p0 $0xFFFFF086;
	s6 =	sadd.s32 @!p0 s3, s7;
	s7 =	simm.s32 @!p0 $0x108  }
0x21: {  	s3 =	sadd.s32 s3, s9;
	s6 =	sadd.s32 @!p0 $0x88, s6;
	s7 =	simm.s32 @p2 $0x1082  }
0x22: {  	[simem:s7], [sflag:s8] =	dma.local @!p0 [hbm:s6], $0xF7A  }
0x23: {  	s9 =	sor.u32 $0xD0000000, s2;
	s6 =	simm.s32 $0x108;
	_ =	swait.ge @!p0 [sflag:s8], $0x0  }
0x24: {  	s3 =	sadd.s32 $0x88, s3;
	s6 =	simm.s32 @!p1 $0x1082;
	[sflag:s4] =	ssyncset.s32 $0xFFFFF086  }
0x25: {  	[simem:s6], [sflag:s4] =	dma.local [hbm:s3], $0xF7A  }
0x26: {  	[smem:$0x3F9D] =	sst s1;
	(tag) =	ssettag s2;
	_ =	strace s9  }
0x27: {  	s1 =	sld [smem:$0x3FAD]  }
0x28: {  	s2 =	sld [smem:$0x3FAE]  }
0x29: {  	s4 =	sld [smem:$0x3FB0]  }
0x2a: {  	p0 =	seq.s32 s5, $0x0;
	s5 =	sld [smem:$0x3FB1]  }
0x2b: {  	s6 =	sld [smem:$0x3FB2]  }
0x2c: {  	s7 =	sld [smem:$0x3FB3]  }
0x2d: {  	s3 =	simm.s32 $0x108;
	s8 =	sld [smem:$0x3FB4]  }
0x2e: {  	s3 =	simm.s32 @!p0 $0x1082;
	s9 =	sld [smem:$0x3FB5]  }
0x2f: {  	lr =	sadd.s32 s0, s3;
	s0 =	sld [smem:$0x3FAC]  }
0x30: {  	s3 =	sld [smem:$0x3FAF]  }
0x31: {  	[smem:$0x3FB8] =	sst s10  }
0x32: {  	s10 =	sld [smem:$0x3FB6];
	_ =	sdelay $0x3  }
0x33: {  	p0 =	seq.s32 s10, $0x1;
	s10 =	sld [smem:$0x3FB8];
	_ =	sdelay $0x3  }
0x34: {  	[smem:$0x3FB8] =	sst s10  }
0x35: {  	s10 =	sld [smem:$0x3FB7];
	_ =	sdelay $0x3  }
0x36: {  	p1 =	seq.s32 s10, $0x1;
	s10 =	sld [smem:$0x3FB8];
	_ =	sdelay $0x3  }
0x37: {  	[smem:$0x3FB8] =	sst s10  }
0x38: {  	s10 =	sld [smem:$0x3FB9]  }
0x39: {  	_ = 	snop;
	(pc) =	sbr.ind lr, $3  }
0x3a: {  	_ = 	snop  }
0x3b: {  	_ = 	snop  }
0x3c: {  	p2 =	seq.s32 s10, $0x1;
	s10 =	sld [smem:$0x3FB8]  }
0x3d: {  	_ =	shalt  }
0x3e: {  	_ =	shalt  }
0x3f: {  	_ =	shalt  }
0x40: {  	_ =	shalt  }
0x41: {  	_ =	shalt  }
0x42: {  	_ =	shalt  }
0x43: {  	_ =	shalt  }
0x44: {  	_ =	shalt  }
0x45: {  	_ =	shalt  }
0x46: {  	_ =	shalt  }
0x47: {  	_ =	shalt  }
0x48: {  	_ =	shalt  }
0x49: {  	_ =	shalt  }
0x4a: {  	_ =	shalt  }
0x4b: {  	_ =	shalt  }
0x4c: {  	_ =	shalt  }
0x4d: {  	_ =	shalt  }
0x4e: {  	_ =	shalt  }
0x4f: {  	_ =	shalt  }
0x50: {  	_ =	shalt  }
0x51: {  	_ =	shalt  }
0x52: {  	_ =	shalt  }
0x53: {  	_ =	shalt  }
0x54: {  	_ =	shalt  }
0x55: {  	_ =	shalt  }
0x56: {  	_ =	shalt  }
0x57: {  	_ =	shalt  }
0x58: {  	_ =	shalt  }
0x59: {  	_ =	shalt  }
0x5a: {  	_ =	shalt  }
0x5b: {  	_ =	shalt  }
0x5c: {  	_ =	shalt  }
0x5d: {  	_ =	shalt  }
0x5e: {  	_ =	shalt  }
0x5f: {  	_ =	shalt  }
0x60: {  	_ =	shalt  }
0x61: {  	_ =	shalt  }
0x62: {  	_ =	shalt  }
0x63: {  	_ =	shalt  }
0x64: {  	_ =	shalt  }
0x65: {  	_ =	shalt  }
0x66: {  	_ =	shalt  }
0x67: {  	_ =	shalt  }
0x68: {  	_ =	shalt  }
0x69: {  	_ =	shalt  }
0x6a: {  	_ =	shalt  }
0x6b: {  	_ =	shalt  }
0x6c: {  	_ =	shalt  }
0x6d: {  	_ =	shalt  }
0x6e: {  	_ =	shalt  }
0x6f: {  	_ =	shalt  }
0x70: {  	_ =	shalt  }
0x71: {  	_ =	shalt  }
0x72: {  	_ =	shalt  }
0x73: {  	_ =	shalt  }
0x74: {  	_ =	shalt  }
0x75: {  	_ =	shalt  }
0x76: {  	_ =	shalt  }
0x77: {  	_ =	shalt  }
0x78: {  	_ =	shalt  }
0x79: {  	_ =	shalt  }
0x7a: {  	_ =	shalt  }
0x7b: {  	_ =	shalt  }
0x7c: {  	_ =	shalt  }
0x7d: {  	_ =	shalt  }
0x7e: {  	_ =	shalt  }
0x7f: {  	_ =	shalt  }
0x80: {  	_ =	shalt  }
0x81: {  	_ =	shalt  }
0x82: {  	_ =	shalt  }
0x83: {  	_ =	shalt  }
0x84: {  	_ =	shalt  }
0x85: {  	_ =	shalt  }
0x86: {  	_ =	shalt  }
0x87: {  	_ =	shalt  }
.Lfunc_end0:
.L_simem_size_0:
called_computation.1_lowered:
.L_overlay_start_0:
0x88: {  	s2 =	sld [smem:$0x3FD9]  }
0x89: {  	s3 =	sld [smem:$0x3FFE];
	_ =	sdelay $0x1  }
0x8a: {  	s1 =	srdreg.scid  }
0x8b: {  	s0 =	sand.u32 $0x1, s1  }
0x8c: {  	s17 =	sshll.u32 s0, $0xA;
	s2 =	sadd.s32 s3, s2  }
0x8d: {  	s2 =	sadd.s32 s2, s17  }
0x8e: {  	[smem:$0x3FC4] =	sst s2  }
0x8f: {  	_ = 	snop  }
0x90: {  	s2 =	sld [smem:$0x3FD0];
	(tm) =	ssettm $0x1  }
0x91: {  	s18 =	sld [smem:$0x3FFB];
	_ =	sdelay $0x3  }
0x92: {  	_ =	strace s18  }
0x93: {  	s3 =	sld [smem:$0x3FFC];
	_ =	sdelay $0x3  }
0x94: {  	_ =	strace s3  }
0x95: {  	s3 =	sld [smem:$0x3FFD];
	_ =	sdelay $0x3  }
0x96: {  	_ =	strace s3  }
0x97: {  	_ =	strace $0x8FFFFFFF  }
0x98: {  	s19 =	sld [smem:$0x3FDB];
	_ =	sdelay $0x1  }
0x99: {  	s4 =	simm.s32 $_scs_section_size  }
0x9a: {  	s5 =	simm.s32 $_size__tile_overlayer_lowered;
	s6 =	simm.s32 $_tile_overlayer_lowered  }
0x9b: {  	s22 =	simm.s32 $0x1BFF;
	s21 =	sshll.u32 s6, $0x1;
	s3 =	sadd.s32 s4, s19  }
0x9c: {  	s7 =	simm.s32 $0x0;
	s20 =	sshll.u32 s5, $0x1;
	s5 =	sadd.s32 s21, s3  }
0x9d: {  	[timem:s7], [sflag:s22] =	dma.local [hbm:s5], s20  }
0x9e: {  	_ =	swait.ge [sflag:s22], s20  }
0x9f: {  	s4 =	ssub.s32 $0x0, s20;
	[sflag:s22] =	ssyncset.done $0x0  }
0xa0: {  	[sflag:s22] =	ssyncadd.s32 s4;
	_ =	sdelay $0x1  }
0xa1: {  	s23 =	simm.s32 $0x1B8B  }
0xa2: {  	_ =	swait.ge [sflag:s23], $0x1  }
0xa3: {  	[sflag:s23] =	ssyncset.done $0x0  }
0xa4: {  	s25 =	simm.s32 $0x1B8E;
	s24 =	sld [smem:$0x3FFE];
	[sflag:s23] =	ssyncadd.s32 $0xFFFFFFFF  }
0xa5: {  	s26 =	simm.s32 $execute0_lowered;
	[smem:$0x3FD2] =	sst s25  }
0xa6: {  	s5 =	sshll.u32 s26, $0x1;
	_ =	strace $0x80000046;
	[dreg:$0x1] =	wrdreg $0xFFFFFFFF  }
0xa7: {  	s28 =	simm.s32 $_size_execute0_lowered;
	s3 =	sadd.s32 s3, s5;
	[dreg:$0x0] =	wrdreg $0x0  }
0xa8: {  	s5 =	sshll.u32 s28, $0x1;
	[dreg:$0x2] =	wrdreg s3  }
0xa9: {  	[dreg:$0x3] =	wrdreg s5  }
0xaa: {  	[dreg:$0x4] =	wrdreg $0xC0  }
0xab: {  	_ =	task [dreg:s7], $0x5FFFF  }
0xac: {  	[dreg:$0x1] =	wrdreg $0xFFFFFFFF  }
0xad: {  	[dreg:$0x0] =	wrdreg $0x60  }
0xae: {  	[dreg:$0x2] =	wrdreg s24  }
0xaf: {  	[dreg:$0x3] =	wrdreg s2  }
0xb0: {  	[dreg:$0x4] =	wrdreg $0x89400  }
0xb1: {  	[dreg:$0x5] =	wrdreg $0x9  }
0xb2: {  	_ =	task.clear_ibuf [dreg:s7], $0x6FFFF;
	_ =	strace $0x90000046  }
0xb3: {  	s29 =	simm.s32 $0x9;
	_ =	strace $0x80000048  }
0xb4: {  	_ =	swait.ge [sflag:s29], $0x1  }
0xb5: {  	[sflag:s29] =	ssyncadd.s32 $0xFFFFFFFF  }
0xb6: {  	_ =	strace $0x90000048  }
0xb7: {  	_ =	sfence  }
0xb8: {  	s30 =	sld [smem:$0x0];
	_ =	sdelay $0x2  }
0xb9: {  	s31 =	sshll.u32 s1, $0xD;
	s1 =	sshrl.u32 s1, $0x2  }
0xba: {  	s3 =	sand.u32 $0x4000, s31;
	s1 =	sadd.s32 s1, s30  }
0xbb: {  	s0 =	sor.u32 s3, s0;
	s1 =	sshll.u32 s1, $0x11  }
0xbc: {  	s0 =	sor.u32 s1, s0  }
0xbd: {  	s0 =	sadd.s32 $0x8F2B, s0  }
0xbe: {  	[sflag:s0] =	ssyncadd.remote.s32 $0x1  }
0xbf: {  	_ =	sfence.sel $0xFFFF  }
0xc0: {  	[dreg:$0x0] =	wrdreg $0xFFFFFFFF;
	(pc) =	sbr.abs _section_cstart, $3  }
0xc1: {  	[dreg:$0x1] =	wrdreg $0xFFFFFFFF  }
0xc2: {  	_ =	task.clear_ibuf [dreg:s7], $0x2FFFF;
	_ =	strace $0x9FFFFFFF  }
0xc3: {  	(tm) =	ssettm $0x7FFFFFFF  }
tec
execute0_lowered:
.L_overlay_start_1:
0x0: {  	(tag) =	ssettag $0x1  }
0x1: {  	s0 =	rddreg [dreg:$0x0]  }
0x2: {  	s1 =	rddreg [dreg:$0x1]  }
0x3: {  	s2 =	rddreg [dreg:$0x2];
	s3 =	srdreg.scid  }
0x4: {  	s10 =	stileid.u32;
	s20 =	simm.s32 $0x5;
	s22 =	simm.s32 $0x80  }
0x5: {  	s28 =	simm.s32 $0x1;
	s29 =	simm.s32 $0x2;
	s30 =	simm.s32 $0x3  }
0x6: {  	s31 =	simm.s32 $0x4;
	s12 =	sand.u32 $0x1, s3;
	s3 =	simm.s32 $0x0  }
0x7: {  	s4 =	sshll.u32 s10, $0xD;
	s23 =	sadd.s32 $0xA00, s0;
	s8 =	smul.u32 $0x13800, s10  }
0x8: {  	s24 =	sadd.s32 $0xC00, s0;
	s6 =	sadd.s32 $0x800, s0;
	s14 =	smul.u32 $0x180000, s10  }
0x9: {  	s5 =	sshll.u32 s12, $0xC;
	[smem:$0x7FF] =	sst s3;
	s7 =	ssub.s32 $0x2, s12  }
0xa: {  	s15 =	smul.u32 $0xC0000, s12;
	_ =	strace $0x80000047;
	[dreg:$0x4] =	wrdreg s23  }
0xb: {  	s4 =	sor.u32 s5, s4;
	[dreg:$0x5] =	wrdreg s24;
	s25 =	sshrl.u32 s7, $0x1  }
0xc: {  	s8 =	sshrl.u32 s8, $0x2;
	s26 =	sadd.s32 s14, s1;
	s23 =	simm.s32 $0x11740  }
0xd: {  	s24 =	simm.s32 $0x11840;
	s13 =	sadd.s32 s4, s0;
	s0 =	ssub.s32 s7, s25  }
0xe: {  	s7 =	smul.u32 $0x68, s10;
	s8 =	sadd.s32 s8, s2;
	s14 =	sadd.s32 s15, s26  }
0xf: {  	s15 =	simm.s32 $0x6;
	s25 =	simm.s32 $0x117C0;
	s26 =	simm.s32 $0x17840  }
0x10: {  	v0 =	vlaneseq.u32;
	s9 =	sadd.s32 $0x1200, s13;
	s10 =	sadd.s32 $0x1600, s13;
	s11 =	sadd.s32 $0x1A00, s13  }
0x11: {  	v1 =	vor.u32 $0x10, v0;
	v2 =	vor.u32 $0x20, v0;
	v3 =	vor.u32 $0x30, v0;
	s12 =	sadd.s32 $0x1E00, s13;
	s13 =	smax.u32 s0, $0x1;
	s0 =	simm.s32 $0x0  }
.LBB2_1:
0x12: {  	s1 =	rddreg [dreg:$0x4];
	s5 =	sadd.s32 $0x0, s7  }
0x13: {  	[tilespmem:s3], [sflag:$0x6] =	stream.linear.gather [hbm4b:s1+s3], $0x9C0, $0x38;
	[tilespmem:$0x1D840] =	vst v63  }
0x14: {  	s16 =	smulhi.u32 $0x4EC4EC4F, s5;
	_ =	swait.ge [sflag:s15], $0x9C0  }
0x15: {  	s4 =	simm.s32 $0x9C0;
	[sflag:s15] =	ssyncset.done $0x0  }
0x16: {  	s21 =	rddreg [dreg:$0x5];
	s16 =	sshrl.u32 s16, $0x8;
	[sflag:s15] =	ssyncadd.s32 $0xFFFFF640  }
0x17: {  	[tilespmem:s4], [sflag:$0x6] =	stream.linear.gather [hbm4b:s21+s3], $0x3000, $0x38;
	[tilespmem:$0x1D840] =	vst v63  }
0x18: {  	s17 =	smul.u32 $0xFFFFFFF3, s16;
	_ =	swait.ge [sflag:s15], $0x3000  }
0x19: {  	s18 =	sshrl.u32 s5, $0x6;
	[sflag:s15] =	ssyncset.done $0x0  }
0x1a: {  	s19 =	simm.s32 $0x39C0;
	s17 =	sadd.s32 s18, s17;
	[sflag:s15] =	ssyncadd.s32 $0xFFFFD000  }
0x1b: {  	[tilespmem:s19], [sflag:$0x6] =	stream.linear.gather [hbm4b:s6+s3], $0x180, $0x38;
	[tilespmem:$0x1D840] =	vst v63  }
0x1c: {  	s1 =	sand.u32 $0x3F, s5;
	s17 =	smul.u32 $0x300, s17;
	_ =	swait.ge [sflag:s15], $0x180  }
0x1d: {  	s1 =	smul.u32 $0x300, s1;
	[sflag:s15] =	ssyncset.done $0x0  }
0x1e: {  	s17 =	sshra.s32 s17, $0x2;
	[sflag:s15] =	ssyncadd.s32 $0xFFFFFE80  }
0x1f: {  	s21 =	smul.u32 $0x300, s16;
	s16 =	sshrl.u32 s1, $0x2;
	v4 =	vld [tilespmem:s17+$0x0]  }
0x20: {  	v5 =	vld [tilespmem:s16+$0x9C0]  }
0x21: {  	s18 =	sshra.s32 s21, $0x2  }
0x22: {  	v6 =	vld [tilespmem:s18+$0x39C0];
	_ =	sdelay $0x2  }
0x23: {  	v4 =	vadd.f32 v5, v4;
	_ =	sdelay $0x1  }
0x24: {  	v4 =	vadd.f32 v6, v4  }
0x25: {  	s1 =	simm.s32 $0x3BA0  }
0x26: {  	[tilespmem:s1+$0xFFFFFFA0] =	vst v4  }
0x27: {  	v4 =	vld [tilespmem:s17+$0x10]  }
0x28: {  	v5 =	vld [tilespmem:s16+$0x9D0];
	_ =	sdelay $0x1  }
0x29: {  	v6 =	vld [tilespmem:s18+$0x39D0];
	_ =	sdelay $0x2  }
0x2a: {  	v4 =	vadd.f32 v5, v4;
	_ =	sdelay $0x1  }
0x2b: {  	v4 =	vadd.f32 v6, v4;
	_ =	sdelay $0x1  }
0x2c: {  	[tilespmem:s1+$0xFFFFFFB0] =	vst v4  }
0x2d: {  	v4 =	vld [tilespmem:s17+$0x20]  }
0x2e: {  	v5 =	vld [tilespmem:s16+$0x9E0];
	_ =	sdelay $0x1  }
0x2f: {  	v6 =	vld [tilespmem:s18+$0x39E0];
	_ =	sdelay $0x2  }
0x30: {  	v4 =	vadd.f32 v5, v4;
	_ =	sdelay $0x1  }
0x31: {  	v4 =	vadd.f32 v6, v4;
	_ =	sdelay $0x1  }
0x32: {  	[tilespmem:s1+$0xFFFFFFC0] =	vst v4  }
0x33: {  	v4 =	vld [tilespmem:s17+$0x30]  }
0x34: {  	v5 =	vld [tilespmem:s16+$0x9F0];
	_ =	sdelay $0x1  }
0x35: {  	v6 =	vld [tilespmem:s18+$0x39F0];
	_ =	sdelay $0x2  }
0x36: {  	v4 =	vadd.f32 v5, v4;
	_ =	sdelay $0x1  }
0x37: {  	v4 =	vadd.f32 v6, v4;
	_ =	sdelay $0x1  }
0x38: {  	[tilespmem:s1+$0xFFFFFFD0] =	vst v4  }
0x39: {  	v4 =	vld [tilespmem:s17+$0x40]  }
0x3a: {  	v5 =	vld [tilespmem:s16+$0xA00];
	_ =	sdelay $0x1  }
0x3b: {  	v6 =	vld [tilespmem:s18+$0x3A00];
	_ =	sdelay $0x2  }
0x3c: {  	v4 =	vadd.f32 v5, v4;
	_ =	sdelay $0x1  }
0x3d: {  	v4 =	vadd.f32 v6, v4;
	_ =	sdelay $0x1  }
0x3e: {  	[tilespmem:s1+$0xFFFFFFE0] =	vst v4  }
0x3f: {  	v4 =	vld [tilespmem:s17+$0x50]  }
0x40: {  	v5 =	vld [tilespmem:s16+$0xA10];
	_ =	sdelay $0x1  }
0x41: {  	v6 =	vld [tilespmem:s18+$0x3A10];
	_ =	sdelay $0x2  }
0x42: {  	v4 =	vadd.f32 v5, v4;
	_ =	sdelay $0x1  }
0x43: {  	v4 =	vadd.f32 v6, v4;
	_ =	sdelay $0x1  }
0x44: {  	[tilespmem:s1+$0xFFFFFFF0] =	vst v4  }
0x45: {  	v4 =	vld [tilespmem:s17+$0x60]  }
0x46: {  	v5 =	vld [tilespmem:s16+$0xA20];
	_ =	sdelay $0x1  }
0x47: {  	v6 =	vld [tilespmem:s18+$0x3A20];
	_ =	sdelay $0x2  }
0x48: {  	v4 =	vadd.f32 v5, v4;
	_ =	sdelay $0x1  }
0x49: {  	v4 =	vadd.f32 v6, v4;
	_ =	sdelay $0x1  }
0x4a: {  	[tilespmem:s1+$0x0] =	vst v4  }
0x4b: {  	v4 =	vld [tilespmem:s17+$0x70]  }
0x4c: {  	v5 =	vld [tilespmem:s16+$0xA30];
	_ =	sdelay $0x1  }
0x4d: {  	v6 =	vld [tilespmem:s18+$0x3A30];
	_ =	sdelay $0x2  }
0x4e: {  	v4 =	vadd.f32 v5, v4;
	_ =	sdelay $0x1  }
0x4f: {  	v4 =	vadd.f32 v6, v4;
	_ =	sdelay $0x1  }
0x50: {  	[tilespmem:s1+$0x10] =	vst v4  }
0x51: {  	v4 =	vld [tilespmem:s17+$0x80]  }
0x52: {  	v5 =	vld [tilespmem:s16+$0xA40];
	_ =	sdelay $0x1  }
0x53: {  	v6 =	vld [tilespmem:s18+$0x3A40];
	_ =	sdelay $0x2  }
0x54: {  	v4 =	vadd.f32 v5, v4;
	_ =	sdelay $0x1  }
0x55: {  	v4 =	vadd.f32 v6, v4;
	_ =	sdelay $0x1  }
0x56: {  	[tilespmem:s1+$0x20] =	vst v4  }
0x57: {  	v4 =	vld [tilespmem:s17+$0x90]  }
0x58: {  	v5 =	vld [tilespmem:s16+$0xA50];
	_ =	sdelay $0x1  }
0x59: {  	v6 =	vld [tilespmem:s18+$0x3A50];
	_ =	sdelay $0x2  }
0x5a: {  	v4 =	vadd.f32 v5, v4;
	_ =	sdelay $0x1  }
0x5b: {  	v4 =	vadd.f32 v6, v4;
	_ =	sdelay $0x1  }
0x5c: {  	[tilespmem:s1+$0x30] =	vst v4  }
0x5d: {  	v4 =	vld [tilespmem:s17+$0xA0]  }
0x5e: {  	v5 =	vld [tilespmem:s16+$0xA60];
	_ =	sdelay $0x1  }
0x5f: {  	v6 =	vld [tilespmem:s18+$0x3A60];
	_ =	sdelay $0x2  }
0x60: {  	v4 =	vadd.f32 v5, v4;
	_ =	sdelay $0x1  }
0x61: {  	s21 =	simm.s32 $0x1;
	s19 =	simm.s32 $0x3BA0;
	v4 =	vadd.f32 v6, v4  }
.LBB2_2:
0x62: {  	p0 =	sne.s32 s21, $0x67  }
0x63: {  	s1 =	sadd.s32 $0xC0, s1;
	s4 =	smov.u32 s21;
	s21 =	sadd.s32 $0x1, s21  }
0x64: {  	[tilespmem:s19+$0x40] =	vst v4  }
0x65: {  	v4 =	vld [tilespmem:s17+$0xB0]  }
0x66: {  	s4 =	sadd.s32 s4, s7;
	v5 =	vld [tilespmem:s16+$0xA70]  }
0x67: {  	s17 =	smulhi.u32 $0x4EC4EC4F, s4;
	s16 =	sand.u32 $0x3F, s4;
	v6 =	vld [tilespmem:s18+$0x3A70]  }
0x68: {  	s16 =	smul.u32 $0x300, s16  }
0x69: {  	s17 =	sshrl.u32 s17, $0x8  }
0x6a: {  	s18 =	smul.u32 $0xFFFFFFF3, s17  }
0x6b: {  	s4 =	sshrl.u32 s4, $0x6;
	s5 =	smul.u32 $0x300, s17;
	v4 =	vadd.f32 v5, v4  }
0x6c: {  	s4 =	sadd.s32 s4, s18  }
0x6d: {  	s4 =	smul.u32 $0x300, s4;
	v4 =	vadd.f32 v6, v4  }
0x6e: {  	s16 =	sshrl.u32 s16, $0x2  }
0x6f: {  	s17 =	sshra.s32 s4, $0x2;
	[tilespmem:s19+$0x50] =	vst v4;
	s19 =	smov.u32 s1  }
0x70: {  	v4 =	vld [tilespmem:s17+$0x0]  }
0x71: {  	s18 =	sshra.s32 s5, $0x2;
	v5 =	vld [tilespmem:s16+$0x9C0]  }
0x72: {  	v6 =	vld [tilespmem:s18+$0x39C0];
	_ =	sdelay $0x3  }
0x73: {  	v4 =	vadd.f32 v5, v4;
	_ =	sdelay $0x1  }
0x74: {  	v4 =	vadd.f32 v6, v4;
	_ =	sdelay $0x1  }
0x75: {  	[tilespmem:s1+$0xFFFFFFA0] =	vst v4  }
0x76: {  	v4 =	vld [tilespmem:s17+$0x10]  }
0x77: {  	v5 =	vld [tilespmem:s16+$0x9D0];
	_ =	sdelay $0x1  }
0x78: {  	v6 =	vld [tilespmem:s18+$0x39D0];
	_ =	sdelay $0x2  }
0x79: {  	v4 =	vadd.f32 v5, v4;
	_ =	sdelay $0x1  }
0x7a: {  	v4 =	vadd.f32 v6, v4;
	_ =	sdelay $0x1  }
0x7b: {  	[tilespmem:s1+$0xFFFFFFB0] =	vst v4  }
0x7c: {  	v4 =	vld [tilespmem:s17+$0x20]  }
0x7d: {  	v5 =	vld [tilespmem:s16+$0x9E0];
	_ =	sdelay $0x1  }
0x7e: {  	v6 =	vld [tilespmem:s18+$0x39E0];
	_ =	sdelay $0x2  }
0x7f: {  	v4 =	vadd.f32 v5, v4;
	_ =	sdelay $0x1  }
0x80: {  	v4 =	vadd.f32 v6, v4;
	_ =	sdelay $0x1  }
0x81: {  	[tilespmem:s1+$0xFFFFFFC0] =	vst v4  }
0x82: {  	v4 =	vld [tilespmem:s17+$0x30]  }
0x83: {  	v5 =	vld [tilespmem:s16+$0x9F0];
	_ =	sdelay $0x1  }
0x84: {  	v6 =	vld [tilespmem:s18+$0x39F0];
	_ =	sdelay $0x2  }
0x85: {  	v4 =	vadd.f32 v5, v4;
	_ =	sdelay $0x1  }
0x86: {  	v4 =	vadd.f32 v6, v4;
	_ =	sdelay $0x1  }
0x87: {  	[tilespmem:s1+$0xFFFFFFD0] =	vst v4  }
0x88: {  	v4 =	vld [tilespmem:s17+$0x40]  }
0x89: {  	v5 =	vld [tilespmem:s16+$0xA00]  }
0x8a: {  	v6 =	vld [tilespmem:s18+$0x3A00];
	_ =	sdelay $0x3  }
0x8b: {  	v4 =	vadd.f32 v5, v4;
	_ =	sdelay $0x1  }
0x8c: {  	v4 =	vadd.f32 v6, v4;
	_ =	sdelay $0x1  }
0x8d: {  	[tilespmem:s1+$0xFFFFFFE0] =	vst v4  }
0x8e: {  	v4 =	vld [tilespmem:s17+$0x50]  }
0x8f: {  	v5 =	vld [tilespmem:s16+$0xA10]  }
0x90: {  	v6 =	vld [tilespmem:s18+$0x3A10];
	_ =	sdelay $0x3  }
0x91: {  	v4 =	vadd.f32 v5, v4;
	_ =	sdelay $0x1  }
0x92: {  	v4 =	vadd.f32 v6, v4;
	_ =	sdelay $0x1  }
0x93: {  	[tilespmem:s1+$0xFFFFFFF0] =	vst v4  }
0x94: {  	v4 =	vld [tilespmem:s17+$0x60]  }
0x95: {  	v5 =	vld [tilespmem:s16+$0xA20]  }
0x96: {  	v6 =	vld [tilespmem:s18+$0x3A20];
	_ =	sdelay $0x3  }
0x97: {  	v4 =	vadd.f32 v5, v4;
	_ =	sdelay $0x1  }
0x98: {  	v4 =	vadd.f32 v6, v4;
	_ =	sdelay $0x1  }
0x99: {  	[tilespmem:s1+$0x0] =	vst v4  }
0x9a: {  	v4 =	vld [tilespmem:s17+$0x70]  }
0x9b: {  	v5 =	vld [tilespmem:s16+$0xA30]  }
0x9c: {  	v6 =	vld [tilespmem:s18+$0x3A30];
	_ =	sdelay $0x3  }
0x9d: {  	v4 =	vadd.f32 v5, v4;
	_ =	sdelay $0x1  }
0x9e: {  	v4 =	vadd.f32 v6, v4;
	_ =	sdelay $0x1  }
0x9f: {  	[tilespmem:s1+$0x10] =	vst v4  }
0xa0: {  	v4 =	vld [tilespmem:s17+$0x80]  }
0xa1: {  	v5 =	vld [tilespmem:s16+$0xA40]  }
0xa2: {  	v6 =	vld [tilespmem:s18+$0x3A40];
	_ =	sdelay $0x3  }
0xa3: {  	v4 =	vadd.f32 v5, v4;
	_ =	sdelay $0x1  }
0xa4: {  	v4 =	vadd.f32 v6, v4;
	_ =	sdelay $0x1  }
0xa5: {  	[tilespmem:s1+$0x20] =	vst v4  }
0xa6: {  	v4 =	vld [tilespmem:s17+$0x90]  }
0xa7: {  	v5 =	vld [tilespmem:s16+$0xA50]  }
0xa8: {  	v6 =	vld [tilespmem:s18+$0x3A50];
	_ =	sdelay $0x3  }
0xa9: {  	v4 =	vadd.f32 v5, v4;
	_ =	sdelay $0x1  }
0xaa: {  	v4 =	vadd.f32 v6, v4;
	_ =	sdelay $0x1  }
0xab: {  	[tilespmem:s1+$0x30] =	vst v4  }
0xac: {  	v4 =	vld [tilespmem:s17+$0xA0]  }
0xad: {  	v5 =	vld [tilespmem:s16+$0xA60]  }
0xae: {  	v6 =	vld [tilespmem:s18+$0x3A60];
	_ =	sdelay $0x1  }
.Ltmp0:
0xaf: {  	(pc) =	sbr.rel @p0 .LBB2_2-.Ltmp0, $3  }
0xb0: {  	_ = 	snop  }
0xb1: {  	v4 =	vadd.f32 v5, v4;
	_ =	sdelay $0x1  }
0xb2: {  	v4 =	vadd.f32 v6, v4  }
0xb3: {  	_ = 	snop  }
0xb4: {  	[tilespmem:s19+$0x40] =	vst v4  }
0xb5: {  	v4 =	vld [tilespmem:s17+$0xB0]  }
0xb6: {  	v5 =	vld [tilespmem:s16+$0xA70];
	_ =	sdelay $0x1  }
0xb7: {  	v6 =	vld [tilespmem:s18+$0x3A70];
	_ =	sdelay $0x2  }
0xb8: {  	v4 =	vadd.f32 v5, v4;
	_ =	sdelay $0x1  }
0xb9: {  	v4 =	vadd.f32 v6, v4;
	_ =	sdelay $0x1  }
0xba: {  	s1 =	simm.s32 $0x3B40;
	[tilespmem:s19+$0x50] =	vst v4  }
0xbb: {  	[spmem:s8] =	stream.linear.scatter [tilespmem:s1], [sflag:$0x6], $0x4E00, $0x38;
	[tilespmem:$0x1D840] =	vst v63  }
0xbc: {  	_ =	swait.ge [sflag:s15], $0x4E00  }
0xbd: {  	[sflag:s15] =	ssyncset.done $0x0  }
0xbe: {  	[sflag:s15] =	ssyncadd.s32 $0xFFFFB200  }
0xbf: {  	s17 =	simm.s32 $0x0;
	s19 =	simm.s32 $0xD740;
	[bflag:$0x0] =	sbarrier.arrive $0xFFFF  }
0xc0: {  	[tilespmem:s19], [sflag:$0x5] =	stream.linear.gather [hbm4b:s9+s17], $0x2000, $0x38;
	[tilespmem:$0x1D840] =	vst v63  }
0xc1: {  	_ =	swait.ge [sflag:s20], $0x2000  }
0xc2: {  	[sflag:s20] =	ssyncset.done $0x0  }
0xc3: {  	s21 =	simm.s32 $0xF740;
	[sflag:s20] =	ssyncadd.s32 $0xFFFFE000  }
0xc4: {  	[tilespmem:s21], [sflag:$0x5] =	stream.linear.gather [hbm4b:s10+s17], $0x2000, $0x38;
	[tilespmem:$0x1D840] =	vst v63  }
0xc5: {  	v4 =	vld [tilespmem:$0xD740]  }
0xc6: {  	v5 =	vld [tilespmem:$0xD750]  }
0xc7: {  	v62 =	vld [tilespmem:$0xD760]  }
0xc8: {  	v7 =	vld [tilespmem:$0xD770]  }
0xc9: {  	v8 =	vld [tilespmem:$0xD780]  }
0xca: {  	v9 =	vld [tilespmem:$0xD790];
	v4 =	vshll.u32 v4, $0x6  }
0xcb: {  	v10 =	vld [tilespmem:$0xD7A0];
	v5 =	vshll.u32 v5, $0x6;
	v4 =	vor.u32 v0, v4  }
0xcc: {  	v63 =	vld [tilespmem:$0xD7B0];
	[tilespmem:$0x11740] =	vst v4;
	v4 =	vor.u32 v1, v5;
	v5 =	vshll.u32 v62, $0x6  }
0xcd: {  	[tilespmem:$0x11750] =	vst v4;
	v4 =	vor.u32 v2, v5;
	v5 =	vshll.u32 v7, $0x6  }
0xce: {  	[tilespmem:$0x11760] =	vst v4;
	v4 =	vor.u32 v3, v5;
	v5 =	vshll.u32 v8, $0x6  }
0xcf: {  	[tilespmem:$0x11770] =	vst v4;
	v4 =	vor.u32 v0, v5;
	v5 =	vshll.u32 v9, $0x6  }
0xd0: {  	[tilespmem:$0x11780] =	vst v4;
	v4 =	vor.u32 v1, v5;
	v5 =	vshll.u32 v10, $0x6  }
0xd1: {  	[tilespmem:$0x11790] =	vst v4;
	v4 =	vor.u32 v2, v5;
	v5 =	vshll.u32 v63, $0x6  }
0xd2: {  	[tilespmem:$0x117A0] =	vst v4;
	v4 =	vor.u32 v3, v5  }
0xd3: {  	s1 =	simm.s32 $0xD800;
	[tilespmem:$0x117B0] =	vst v4  }
0xd4: {  	[tilespmem:s24], [sflag:$0x1] =	stream.indirect.gather [spmem:s2], $0xC0, s23, s22, $0xb8;
	[tilespmem:$0x1D840] =	vst v63  }
0xd5: {  	v4 =	vld [tilespmem:s1+$0xFFFFFFC0];
	_ =	sdelay $0x4  }
0xd6: {  	v4 =	vshll.u32 v4, $0x6  }
0xd7: {  	v4 =	vor.u32 v0, v4  }
0xd8: {  	[tilespmem:$0x117C0] =	vst v4  }
0xd9: {  	v4 =	vld [tilespmem:s1+$0xFFFFFFD0];
	_ =	sdelay $0x4  }
0xda: {  	v4 =	vshll.u32 v4, $0x6  }
0xdb: {  	v4 =	vor.u32 v1, v4  }
0xdc: {  	[tilespmem:$0x117D0] =	vst v4  }
0xdd: {  	v4 =	vld [tilespmem:s1+$0xFFFFFFE0];
	_ =	sdelay $0x4  }
0xde: {  	v4 =	vshll.u32 v4, $0x6  }
0xdf: {  	v4 =	vor.u32 v2, v4  }
0xe0: {  	[tilespmem:$0x117E0] =	vst v4  }
0xe1: {  	v4 =	vld [tilespmem:s1+$0xFFFFFFF0];
	_ =	sdelay $0x4  }
0xe2: {  	v4 =	vshll.u32 v4, $0x6  }
0xe3: {  	v4 =	vor.u32 v3, v4  }
0xe4: {  	[tilespmem:$0x117F0] =	vst v4  }
0xe5: {  	v4 =	vld [tilespmem:s1+$0x0];
	_ =	sdelay $0x4  }
0xe6: {  	v4 =	vshll.u32 v4, $0x6  }
0xe7: {  	v4 =	vor.u32 v0, v4  }
0xe8: {  	[tilespmem:$0x11800] =	vst v4  }
0xe9: {  	v4 =	vld [tilespmem:s1+$0x10];
	_ =	sdelay $0x4  }
0xea: {  	v4 =	vshll.u32 v4, $0x6  }
0xeb: {  	v4 =	vor.u32 v1, v4  }
0xec: {  	[tilespmem:$0x11810] =	vst v4  }
0xed: {  	v4 =	vld [tilespmem:s1+$0x20];
	_ =	sdelay $0x4  }
0xee: {  	v4 =	vshll.u32 v4, $0x6  }
0xef: {  	v4 =	vor.u32 v2, v4  }
0xf0: {  	[tilespmem:$0x11820] =	vst v4  }
0xf1: {  	v4 =	vld [tilespmem:s1+$0x30];
	_ =	sdelay $0x4  }
0xf2: {  	v4 =	vshll.u32 v4, $0x6  }
0xf3: {  	p0 =	por $0x1, $0x1;
	v4 =	vor.u32 v3, v4  }
0xf4: {  	s4 =	simm.s32 @!p0 $0x4;
	[tilespmem:$0x11830] =	vst v4  }
0xf5: {  	_ =	swait.ge @!p0 [sflag:s4], $0x6000  }
0xf6: {  	[sflag:s4] =	ssyncset.done @!p0 $0x0  }
0xf7: {  	[sflag:s4] =	ssyncadd.s32 @!p0 $0xFFFFA000  }
0xf8: {  	[tilespmem:s26], [sflag:$0x2] =	stream.indirect.gather [spmem:s2], $0xC0, s25, s22, $0xb8;
	[tilespmem:$0x1D840] =	vst v63  }
0xf9: {  	_ =	swait.ge [sflag:s28], $0x6000  }
0xfa: {  	[sflag:s28] =	ssyncset.done $0x0  }
0xfb: {  	s18 =	sadd.s32 $0x0, s14;
	p0 =	por $0x0, $0x0;
	[sflag:s28] =	ssyncadd.s32 $0xFFFFA000  }
0xfc: {  	[hbm4b:s18+s3] =	stream.linear.scatter [tilespmem:s24], [sflag:$0x3], $0x6000, $0x38;
	[tilespmem:$0x1D840] =	vst v63  }
0xfd: {  	v4 =	vld @!p0 [tilespmem:s1+$0x40];
	_ =	sdelay $0x4  }
0xfe: {  	v5 =	vlaneseq.u32 @!p0;
	v4 =	vshll.u32 @!p0 v4, $0x6  }
0xff: {  	v4 =	vor.u32 @!p0 v5, v4  }
0x100: {  	[tilespmem:$0x11740] =	vst @!p0 v4  }
0x101: {  	v4 =	vld @!p0 [tilespmem:s1+$0x50];
	_ =	sdelay $0x4  }
0x102: {  	v6 =	vor.u32 @!p0 $0x10, v5;
	v4 =	vshll.u32 @!p0 v4, $0x6  }
0x103: {  	v4 =	vor.u32 @!p0 v6, v4  }
0x104: {  	[tilespmem:$0x11750] =	vst @!p0 v4  }
0x105: {  	v4 =	vld @!p0 [tilespmem:s1+$0x60];
	_ =	sdelay $0x4  }
0x106: {  	v7 =	vor.u32 @!p0 $0x20, v5;
	v4 =	vshll.u32 @!p0 v4, $0x6  }
0x107: {  	v4 =	vor.u32 @!p0 v7, v4  }
0x108: {  	[tilespmem:$0x11760] =	vst @!p0 v4  }
0x109: {  	v4 =	vld @!p0 [tilespmem:s1+$0x70];
	_ =	sdelay $0x4  }
0x10a: {  	v8 =	vor.u32 @!p0 $0x30, v5;
	v4 =	vshll.u32 @!p0 v4, $0x6  }
0x10b: {  	v4 =	vor.u32 @!p0 v8, v4  }
0x10c: {  	[tilespmem:$0x11770] =	vst @!p0 v4  }
0x10d: {  	v4 =	vld @!p0 [tilespmem:s1+$0x80];
	_ =	sdelay $0x4  }
0x10e: {  	v4 =	vshll.u32 @!p0 v4, $0x6  }
0x10f: {  	v4 =	vor.u32 @!p0 v5, v4  }
0x110: {  	[tilespmem:$0x11780] =	vst @!p0 v4  }
0x111: {  	v4 =	vld @!p0 [tilespmem:s1+$0x90];
	_ =	sdelay $0x4  }
0x112: {  	v4 =	vshll.u32 @!p0 v4, $0x6  }
0x113: {  	v4 =	vor.u32 @!p0 v6, v4  }
0x114: {  	[tilespmem:$0x11790] =	vst @!p0 v4  }
0x115: {  	v4 =	vld @!p0 [tilespmem:s1+$0xA0];
	_ =	sdelay $0x4  }
0x116: {  	v4 =	vshll.u32 @!p0 v4, $0x6  }
0x117: {  	v4 =	vor.u32 @!p0 v7, v4  }
0x118: {  	[tilespmem:$0x117A0] =	vst @!p0 v4  }
0x119: {  	v4 =	vld @!p0 [tilespmem:s1+$0xB0];
	_ =	sdelay $0x4  }
0x11a: {  	v4 =	vshll.u32 @!p0 v4, $0x6  }
0x11b: {  	v4 =	vor.u32 @!p0 v8, v4  }
0x11c: {  	s1 =	simm.s32 @!p0 $0x3;
	[tilespmem:$0x117B0] =	vst @!p0 v4  }
0x11d: {  	_ =	swait.ge @!p0 [sflag:s1], $0x6000  }
0x11e: {  	s5 =	simm.s32 @!p0 $0x80;
	[sflag:s1] =	ssyncset.done @!p0 $0x0  }
0x11f: {  	s16 =	simm.s32 @!p0 $0x11840;
	[sflag:s1] =	ssyncadd.s32 @!p0 $0xFFFFA000;
	s1 =	simm.s32 @!p0 $0x11740  }
0x120: {  	[tilespmem:s16], [sflag:$0x1] =	stream.indirect.gather @!p0 [spmem:s2], $0xC0, s1, s5, $0xb8;
	[tilespmem:$0x1D840] =	vst v63  }
0x121: {  	_ =	swait.ge [sflag:s29], $0x6000  }
0x122: {  	s17 =	sadd.s32 $0xC00, s18;
	[sflag:s29] =	ssyncset.done $0x0  }
0x123: {  	s1 =	simm.s32 $0x1800;
	s16 =	simm.s32 $0xD900;
	[sflag:s29] =	ssyncadd.s32 $0xFFFFA000  }
.LBB2_4:
0x124: {  	[hbm4b:s17+s3] =	stream.linear.scatter [tilespmem:s26], [sflag:$0x4], $0x6000, $0x38;
	[tilespmem:$0x1D840] =	vst v63  }
0x125: {  	s18 =	smov.u32 s1;
	s1 =	sadd.s32 $0x1800, s1;
	v4 =	vld [tilespmem:s16+$0xFFFFFFC0]  }
0x126: {  	p0 =	sne.s32 s1, $0x30000;
	_ =	sdelay $0x3  }
0x127: {  	v4 =	vshll.u32 v4, $0x6  }
0x128: {  	v4 =	vor.u32 v0, v4  }
0x129: {  	[tilespmem:$0x117C0] =	vst v4  }
0x12a: {  	v4 =	vld [tilespmem:s16+$0xFFFFFFD0];
	_ =	sdelay $0x4  }
0x12b: {  	v4 =	vshll.u32 v4, $0x6  }
0x12c: {  	v4 =	vor.u32 v1, v4  }
0x12d: {  	[tilespmem:$0x117D0] =	vst v4  }
0x12e: {  	v4 =	vld [tilespmem:s16+$0xFFFFFFE0];
	_ =	sdelay $0x4  }
0x12f: {  	v4 =	vshll.u32 v4, $0x6  }
0x130: {  	v4 =	vor.u32 v2, v4  }
0x131: {  	[tilespmem:$0x117E0] =	vst v4  }
0x132: {  	v4 =	vld [tilespmem:s16+$0xFFFFFFF0];
	_ =	sdelay $0x4  }
0x133: {  	v4 =	vshll.u32 v4, $0x6  }
0x134: {  	v4 =	vor.u32 v3, v4  }
0x135: {  	[tilespmem:$0x117F0] =	vst v4  }
0x136: {  	v4 =	vld [tilespmem:s16+$0x0];
	_ =	sdelay $0x4  }
0x137: {  	v4 =	vshll.u32 v4, $0x6  }
0x138: {  	v4 =	vor.u32 v0, v4  }
0x139: {  	[tilespmem:$0x11800] =	vst v4  }
0x13a: {  	v4 =	vld [tilespmem:s16+$0x10];
	_ =	sdelay $0x4  }
0x13b: {  	v4 =	vshll.u32 v4, $0x6  }
0x13c: {  	v4 =	vor.u32 v1, v4  }
0x13d: {  	[tilespmem:$0x11810] =	vst v4  }
0x13e: {  	v4 =	vld [tilespmem:s16+$0x20];
	_ =	sdelay $0x4  }
0x13f: {  	v4 =	vshll.u32 v4, $0x6  }
0x140: {  	v4 =	vor.u32 v2, v4  }
0x141: {  	[tilespmem:$0x11820] =	vst v4  }
0x142: {  	v4 =	vld [tilespmem:s16+$0x30];
	_ =	sdelay $0x4  }
0x143: {  	v4 =	vshll.u32 v4, $0x6  }
0x144: {  	p1 =	seq.s32 s18, $0x0;
	v4 =	vor.u32 v3, v4  }
0x145: {  	s4 =	simm.s32 @!p1 $0x4;
	[tilespmem:$0x11830] =	vst v4  }
0x146: {  	_ =	swait.ge @!p1 [sflag:s4], $0x6000  }
0x147: {  	[sflag:s4] =	ssyncset.done @!p1 $0x0  }
0x148: {  	[sflag:s4] =	ssyncadd.s32 @!p1 $0xFFFFA000  }
0x149: {  	[tilespmem:s26], [sflag:$0x2] =	stream.indirect.gather [spmem:s2], $0xC0, s25, s22, $0xb8;
	[tilespmem:$0x1D840] =	vst v63  }
0x14a: {  	_ =	swait.ge [sflag:s28], $0x6000  }
0x14b: {  	[sflag:s28] =	ssyncset.done $0x0  }
0x14c: {  	s17 =	sadd.s32 s18, s14;
	p1 =	seq.s32 s18, $0x2E800;
	[sflag:s28] =	ssyncadd.s32 $0xFFFFA000  }
0x14d: {  	[hbm4b:s17+s3] =	stream.linear.scatter [tilespmem:s24], [sflag:$0x3], $0x6000, $0x38;
	[tilespmem:$0x1D840] =	vst v63  }
0x14e: {  	v4 =	vld @!p1 [tilespmem:s16+$0x40];
	_ =	sdelay $0x4  }
0x14f: {  	v5 =	vlaneseq.u32 @!p1;
	v4 =	vshll.u32 @!p1 v4, $0x6  }
0x150: {  	v4 =	vor.u32 @!p1 v5, v4  }
0x151: {  	[tilespmem:$0x11740] =	vst @!p1 v4  }
0x152: {  	v4 =	vld @!p1 [tilespmem:s16+$0x50];
	_ =	sdelay $0x4  }
0x153: {  	v6 =	vor.u32 @!p1 $0x10, v5;
	v4 =	vshll.u32 @!p1 v4, $0x6  }
0x154: {  	v4 =	vor.u32 @!p1 v6, v4  }
0x155: {  	[tilespmem:$0x11750] =	vst @!p1 v4  }
0x156: {  	v4 =	vld @!p1 [tilespmem:s16+$0x60];
	_ =	sdelay $0x4  }
0x157: {  	v7 =	vor.u32 @!p1 $0x20, v5;
	v4 =	vshll.u32 @!p1 v4, $0x6  }
0x158: {  	v4 =	vor.u32 @!p1 v7, v4  }
0x159: {  	[tilespmem:$0x11760] =	vst @!p1 v4  }
0x15a: {  	v4 =	vld @!p1 [tilespmem:s16+$0x70];
	_ =	sdelay $0x4  }
0x15b: {  	v8 =	vor.u32 @!p1 $0x30, v5;
	v4 =	vshll.u32 @!p1 v4, $0x6  }
0x15c: {  	v4 =	vor.u32 @!p1 v8, v4  }
0x15d: {  	[tilespmem:$0x11770] =	vst @!p1 v4  }
0x15e: {  	v4 =	vld @!p1 [tilespmem:s16+$0x80];
	_ =	sdelay $0x4  }
0x15f: {  	v4 =	vshll.u32 @!p1 v4, $0x6  }
0x160: {  	v4 =	vor.u32 @!p1 v5, v4  }
0x161: {  	[tilespmem:$0x11780] =	vst @!p1 v4  }
0x162: {  	v4 =	vld @!p1 [tilespmem:s16+$0x90];
	_ =	sdelay $0x4  }
0x163: {  	v4 =	vshll.u32 @!p1 v4, $0x6  }
0x164: {  	v4 =	vor.u32 @!p1 v6, v4  }
0x165: {  	[tilespmem:$0x11790] =	vst @!p1 v4  }
0x166: {  	v4 =	vld @!p1 [tilespmem:s16+$0xA0];
	_ =	sdelay $0x4  }
0x167: {  	v4 =	vshll.u32 @!p1 v4, $0x6  }
0x168: {  	v4 =	vor.u32 @!p1 v7, v4  }
0x169: {  	[tilespmem:$0x117A0] =	vst @!p1 v4  }
0x16a: {  	v4 =	vld @!p1 [tilespmem:s16+$0xB0];
	_ =	sdelay $0x4  }
0x16b: {  	v4 =	vshll.u32 @!p1 v4, $0x6  }
0x16c: {  	v4 =	vor.u32 @!p1 v8, v4  }
0x16d: {  	s4 =	simm.s32 @!p1 $0x3;
	[tilespmem:$0x117B0] =	vst @!p1 v4  }
0x16e: {  	_ =	swait.ge @!p1 [sflag:s4], $0x6000  }
0x16f: {  	s5 =	simm.s32 @!p1 $0x80;
	s18 =	simm.s32 @!p1 $0x11840;
	[sflag:s4] =	ssyncset.done @!p1 $0x0  }
.Ltmp1:
0x170: {  	[sflag:s4] =	ssyncadd.s32 @!p1 $0xFFFFA000;
	s4 =	simm.s32 @!p1 $0x11740;
	(pc) =	sbr.rel @p0 .LBB2_4-.Ltmp1, $4  }
0x171: {  	[tilespmem:s18], [sflag:$0x1] =	stream.indirect.gather @!p1 [spmem:s2], $0xC0, s4, s5, $0xb8;
	[tilespmem:$0x1D840] =	vst v63  }
0x172: {  	_ =	swait.ge [sflag:s29], $0x6000  }
0x173: {  	[sflag:s29] =	ssyncset.done $0x0  }
0x174: {  	s17 =	sadd.s32 $0xC00, s17;
	s16 =	sadd.s32 $0x100, s16;
	[sflag:s29] =	ssyncadd.s32 $0xFFFFA000  }
0x175: {  	[hbm4b:s17+s3] =	stream.linear.scatter [tilespmem:s26], [sflag:$0x4], $0x6000, $0x38;
	[tilespmem:$0x1D840] =	vst v63  }
0x176: {  	_ =	swait.ge [sflag:s20], $0x2000  }
0x177: {  	[sflag:s20] =	ssyncset.done $0x0  }
0x178: {  	s1 =	simm.s32 $0x0;
	[sflag:s20] =	ssyncadd.s32 $0xFFFFE000  }
0x179: {  	[tilespmem:s19], [sflag:$0x5] =	stream.linear.gather [hbm4b:s11+s1], $0x2000, $0x38;
	[tilespmem:$0x1D840] =	vst v63  }
0x17a: {  	v4 =	vld [tilespmem:$0xF740]  }
0x17b: {  	v5 =	vld [tilespmem:$0xF750]  }
0x17c: {  	v6 =	vld [tilespmem:$0xF760]  }
0x17d: {  	v7 =	vld [tilespmem:$0xF770]  }
0x17e: {  	v8 =	vld [tilespmem:$0xF780]  }
0x17f: {  	v9 =	vld [tilespmem:$0xF790];
	v4 =	vshll.u32 v4, $0x6  }
0x180: {  	v10 =	vld [tilespmem:$0xF7A0];
	v5 =	vshll.u32 v5, $0x6;
	v4 =	vor.u32 v0, v4  }
0x181: {  	v63 =	vld [tilespmem:$0xF7B0];
	[tilespmem:$0x11740] =	vst v4;
	v4 =	vor.u32 v1, v5;
	v5 =	vshll.u32 v6, $0x6  }
0x182: {  	[tilespmem:$0x11750] =	vst v4;
	v4 =	vor.u32 v2, v5;
	v5 =	vshll.u32 v7, $0x6  }
0x183: {  	[tilespmem:$0x11760] =	vst v4;
	v4 =	vor.u32 v3, v5;
	v5 =	vshll.u32 v8, $0x6  }
0x184: {  	[tilespmem:$0x11770] =	vst v4;
	v4 =	vor.u32 v0, v5;
	v5 =	vshll.u32 v9, $0x6  }
0x185: {  	[tilespmem:$0x11780] =	vst v4;
	v4 =	vor.u32 v1, v5;
	v5 =	vshll.u32 v10, $0x6  }
0x186: {  	[tilespmem:$0x11790] =	vst v4;
	v4 =	vor.u32 v2, v5;
	v5 =	vshll.u32 v63, $0x6  }
0x187: {  	[tilespmem:$0x117A0] =	vst v4;
	v4 =	vor.u32 v3, v5  }
0x188: {  	[tilespmem:$0x117B0] =	vst v4  }
0x189: {  	_ =	swait.ge [sflag:s30], $0x6000  }
0x18a: {  	[sflag:s30] =	ssyncset.done $0x0  }
0x18b: {  	s1 =	simm.s32 $0xF8B0;
	[sflag:s30] =	ssyncadd.s32 $0xFFFFA000  }
0x18c: {  	[tilespmem:s24], [sflag:$0x1] =	stream.indirect.gather [spmem:s2], $0xC0, s23, s22, $0xb8;
	[tilespmem:$0x1D840] =	vst v63  }
0x18d: {  	v4 =	vld [tilespmem:s1+$0xFFFFFF10];
	_ =	sdelay $0x4  }
0x18e: {  	v4 =	vshll.u32 v4, $0x6  }
0x18f: {  	v4 =	vor.u32 v0, v4  }
0x190: {  	[tilespmem:$0x117C0] =	vst v4  }
0x191: {  	v4 =	vld [tilespmem:s1+$0xFFFFFF20];
	_ =	sdelay $0x4  }
0x192: {  	v4 =	vshll.u32 v4, $0x6  }
0x193: {  	v4 =	vor.u32 v1, v4  }
0x194: {  	[tilespmem:$0x117D0] =	vst v4  }
0x195: {  	v4 =	vld [tilespmem:s1+$0xFFFFFF30];
	_ =	sdelay $0x4  }
0x196: {  	v4 =	vshll.u32 v4, $0x6  }
0x197: {  	v4 =	vor.u32 v2, v4  }
0x198: {  	[tilespmem:$0x117E0] =	vst v4  }
0x199: {  	v4 =	vld [tilespmem:s1+$0xFFFFFF40];
	_ =	sdelay $0x4  }
0x19a: {  	v4 =	vshll.u32 v4, $0x6  }
0x19b: {  	v4 =	vor.u32 v3, v4  }
0x19c: {  	[tilespmem:$0x117F0] =	vst v4  }
0x19d: {  	v4 =	vld [tilespmem:s1+$0xFFFFFF50];
	_ =	sdelay $0x4  }
0x19e: {  	v4 =	vshll.u32 v4, $0x6  }
0x19f: {  	v4 =	vor.u32 v0, v4  }
0x1a0: {  	[tilespmem:$0x11800] =	vst v4  }
0x1a1: {  	v4 =	vld [tilespmem:s1+$0xFFFFFF60];
	_ =	sdelay $0x4  }
0x1a2: {  	v4 =	vshll.u32 v4, $0x6  }
0x1a3: {  	v4 =	vor.u32 v1, v4  }
0x1a4: {  	[tilespmem:$0x11810] =	vst v4  }
0x1a5: {  	v4 =	vld [tilespmem:s1+$0xFFFFFF70];
	_ =	sdelay $0x4  }
0x1a6: {  	v4 =	vshll.u32 v4, $0x6  }
0x1a7: {  	v4 =	vor.u32 v2, v4  }
0x1a8: {  	[tilespmem:$0x11820] =	vst v4  }
0x1a9: {  	v4 =	vld [tilespmem:s1+$0xFFFFFF80];
	_ =	sdelay $0x4  }
0x1aa: {  	v4 =	vshll.u32 v4, $0x6  }
0x1ab: {  	v4 =	vor.u32 v3, v4  }
0x1ac: {  	[tilespmem:$0x11830] =	vst v4  }
0x1ad: {  	_ =	swait.ge [sflag:s31], $0x6000  }
0x1ae: {  	[sflag:s31] =	ssyncset.done $0x0  }
0x1af: {  	[sflag:s31] =	ssyncadd.s32 $0xFFFFA000  }
0x1b0: {  	[tilespmem:s26], [sflag:$0x2] =	stream.indirect.gather [spmem:s2], $0xC0, s25, s22, $0xb8;
	[tilespmem:$0x1D840] =	vst v63  }
0x1b1: {  	_ =	swait.ge [sflag:s28], $0x6000  }
0x1b2: {  	s4 =	sadd.s32 $0x0, s14;
	[sflag:s28] =	ssyncset.done $0x0  }
0x1b3: {  	p0 =	por $0x0, $0x0;
	s5 =	sadd.s32 $0x30000, s4;
	[sflag:s28] =	ssyncadd.s32 $0xFFFFA000  }
0x1b4: {  	[hbm4b:s5+s3] =	stream.linear.scatter [tilespmem:s24], [sflag:$0x3], $0x6000, $0x38;
	[tilespmem:$0x1D840] =	vst v63  }
0x1b5: {  	v4 =	vld @!p0 [tilespmem:s1+$0xFFFFFF90];
	_ =	sdelay $0x4  }
0x1b6: {  	v5 =	vlaneseq.u32 @!p0;
	v4 =	vshll.u32 @!p0 v4, $0x6  }
0x1b7: {  	v4 =	vor.u32 @!p0 v5, v4  }
0x1b8: {  	[tilespmem:$0x11740] =	vst @!p0 v4  }
0x1b9: {  	v4 =	vld @!p0 [tilespmem:s1+$0xFFFFFFA0];
	_ =	sdelay $0x4  }
0x1ba: {  	v6 =	vor.u32 @!p0 $0x10, v5;
	v4 =	vshll.u32 @!p0 v4, $0x6  }
0x1bb: {  	v4 =	vor.u32 @!p0 v6, v4  }
0x1bc: {  	[tilespmem:$0x11750] =	vst @!p0 v4  }
0x1bd: {  	v4 =	vld @!p0 [tilespmem:s1+$0xFFFFFFB0];
	_ =	sdelay $0x4  }
0x1be: {  	v7 =	vor.u32 @!p0 $0x20, v5;
	v4 =	vshll.u32 @!p0 v4, $0x6  }
0x1bf: {  	v4 =	vor.u32 @!p0 v7, v4  }
0x1c0: {  	[tilespmem:$0x11760] =	vst @!p0 v4  }
0x1c1: {  	v4 =	vld @!p0 [tilespmem:s1+$0xFFFFFFC0];
	_ =	sdelay $0x4  }
0x1c2: {  	v8 =	vor.u32 @!p0 $0x30, v5;
	v4 =	vshll.u32 @!p0 v4, $0x6  }
0x1c3: {  	v4 =	vor.u32 @!p0 v8, v4  }
0x1c4: {  	[tilespmem:$0x11770] =	vst @!p0 v4  }
0x1c5: {  	v4 =	vld @!p0 [tilespmem:s1+$0xFFFFFFD0];
	_ =	sdelay $0x4  }
0x1c6: {  	v4 =	vshll.u32 @!p0 v4, $0x6  }
0x1c7: {  	v4 =	vor.u32 @!p0 v5, v4  }
0x1c8: {  	[tilespmem:$0x11780] =	vst @!p0 v4  }
0x1c9: {  	v4 =	vld @!p0 [tilespmem:s1+$0xFFFFFFE0];
	_ =	sdelay $0x4  }
0x1ca: {  	v4 =	vshll.u32 @!p0 v4, $0x6  }
0x1cb: {  	v4 =	vor.u32 @!p0 v6, v4  }
0x1cc: {  	[tilespmem:$0x11790] =	vst @!p0 v4  }
0x1cd: {  	v4 =	vld @!p0 [tilespmem:s1+$0xFFFFFFF0];
	_ =	sdelay $0x4  }
0x1ce: {  	v4 =	vshll.u32 @!p0 v4, $0x6  }
0x1cf: {  	v4 =	vor.u32 @!p0 v7, v4  }
0x1d0: {  	[tilespmem:$0x117A0] =	vst @!p0 v4  }
0x1d1: {  	v4 =	vld @!p0 [tilespmem:s1+$0x0];
	_ =	sdelay $0x4  }
0x1d2: {  	v4 =	vshll.u32 @!p0 v4, $0x6  }
0x1d3: {  	v4 =	vor.u32 @!p0 v8, v4  }
0x1d4: {  	s1 =	simm.s32 @!p0 $0x3;
	[tilespmem:$0x117B0] =	vst @!p0 v4  }
0x1d5: {  	_ =	swait.ge @!p0 [sflag:s1], $0x6000  }
0x1d6: {  	s16 =	simm.s32 @!p0 $0x11840;
	[sflag:s1] =	ssyncset.done @!p0 $0x0  }
0x1d7: {  	s5 =	simm.s32 @!p0 $0x11740;
	[sflag:s1] =	ssyncadd.s32 @!p0 $0xFFFFA000;
	s1 =	simm.s32 @!p0 $0x80  }
0x1d8: {  	[tilespmem:s16], [sflag:$0x1] =	stream.indirect.gather @!p0 [spmem:s2], $0xC0, s5, s1, $0xb8;
	[tilespmem:$0x1D840] =	vst v63  }
0x1d9: {  	_ =	swait.ge [sflag:s29], $0x6000  }
0x1da: {  	s17 =	sadd.s32 $0x30C00, s4;
	[sflag:s29] =	ssyncset.done $0x0  }
0x1db: {  	s1 =	simm.s32 $0x1800;
	s16 =	simm.s32 $0xF9B0;
	[sflag:s29] =	ssyncadd.s32 $0xFFFFA000  }
.LBB2_6:
0x1dc: {  	[hbm4b:s17+s3] =	stream.linear.scatter [tilespmem:s26], [sflag:$0x4], $0x6000, $0x38;
	[tilespmem:$0x1D840] =	vst v63  }
0x1dd: {  	s18 =	smov.u32 s1;
	s1 =	sadd.s32 $0x1800, s1;
	v4 =	vld [tilespmem:s16+$0xFFFFFF10]  }
0x1de: {  	p0 =	sne.s32 s1, $0x30000;
	_ =	sdelay $0x3  }
0x1df: {  	v4 =	vshll.u32 v4, $0x6  }
0x1e0: {  	v4 =	vor.u32 v0, v4  }
0x1e1: {  	[tilespmem:$0x117C0] =	vst v4  }
0x1e2: {  	v4 =	vld [tilespmem:s16+$0xFFFFFF20];
	_ =	sdelay $0x4  }
0x1e3: {  	v4 =	vshll.u32 v4, $0x6  }
0x1e4: {  	v4 =	vor.u32 v1, v4  }
0x1e5: {  	[tilespmem:$0x117D0] =	vst v4  }
0x1e6: {  	v4 =	vld [tilespmem:s16+$0xFFFFFF30];
	_ =	sdelay $0x4  }
0x1e7: {  	v4 =	vshll.u32 v4, $0x6  }
0x1e8: {  	v4 =	vor.u32 v2, v4  }
0x1e9: {  	[tilespmem:$0x117E0] =	vst v4  }
0x1ea: {  	v4 =	vld [tilespmem:s16+$0xFFFFFF40];
	_ =	sdelay $0x4  }
0x1eb: {  	v4 =	vshll.u32 v4, $0x6  }
0x1ec: {  	v4 =	vor.u32 v3, v4  }
0x1ed: {  	[tilespmem:$0x117F0] =	vst v4  }
0x1ee: {  	v4 =	vld [tilespmem:s16+$0xFFFFFF50];
	_ =	sdelay $0x4  }
0x1ef: {  	v4 =	vshll.u32 v4, $0x6  }
0x1f0: {  	v4 =	vor.u32 v0, v4  }
0x1f1: {  	[tilespmem:$0x11800] =	vst v4  }
0x1f2: {  	v4 =	vld [tilespmem:s16+$0xFFFFFF60];
	_ =	sdelay $0x4  }
0x1f3: {  	v4 =	vshll.u32 v4, $0x6  }
0x1f4: {  	v4 =	vor.u32 v1, v4  }
0x1f5: {  	[tilespmem:$0x11810] =	vst v4  }
0x1f6: {  	v4 =	vld [tilespmem:s16+$0xFFFFFF70];
	_ =	sdelay $0x4  }
0x1f7: {  	v4 =	vshll.u32 v4, $0x6  }
0x1f8: {  	v4 =	vor.u32 v2, v4  }
0x1f9: {  	[tilespmem:$0x11820] =	vst v4  }
0x1fa: {  	v4 =	vld [tilespmem:s16+$0xFFFFFF80];
	_ =	sdelay $0x4  }
0x1fb: {  	v4 =	vshll.u32 v4, $0x6  }
0x1fc: {  	v4 =	vor.u32 v3, v4  }
0x1fd: {  	[tilespmem:$0x11830] =	vst v4  }
0x1fe: {  	_ =	swait.ge [sflag:s31], $0x6000  }
0x1ff: {  	[sflag:s31] =	ssyncset.done $0x0  }
0x200: {  	[sflag:s31] =	ssyncadd.s32 $0xFFFFA000  }
0x201: {  	[tilespmem:s26], [sflag:$0x2] =	stream.indirect.gather [spmem:s2], $0xC0, s25, s22, $0xb8;
	[tilespmem:$0x1D840] =	vst v63  }
0x202: {  	_ =	swait.ge [sflag:s28], $0x6000  }
0x203: {  	s17 =	sadd.s32 s18, s14;
	[sflag:s28] =	ssyncset.done $0x0  }
0x204: {  	p1 =	seq.s32 s18, $0x2E800;
	s4 =	sadd.s32 $0x30000, s17;
	[sflag:s28] =	ssyncadd.s32 $0xFFFFA000  }
0x205: {  	[hbm4b:s4+s3] =	stream.linear.scatter [tilespmem:s24], [sflag:$0x3], $0x6000, $0x38;
	[tilespmem:$0x1D840] =	vst v63  }
0x206: {  	v4 =	vld @!p1 [tilespmem:s16+$0xFFFFFF90];
	_ =	sdelay $0x4  }
0x207: {  	v5 =	vlaneseq.u32 @!p1;
	v4 =	vshll.u32 @!p1 v4, $0x6  }
0x208: {  	v4 =	vor.u32 @!p1 v5, v4  }
0x209: {  	[tilespmem:$0x11740] =	vst @!p1 v4  }
0x20a: {  	v4 =	vld @!p1 [tilespmem:s16+$0xFFFFFFA0];
	_ =	sdelay $0x4  }
0x20b: {  	v6 =	vor.u32 @!p1 $0x10, v5;
	v4 =	vshll.u32 @!p1 v4, $0x6  }
0x20c: {  	v4 =	vor.u32 @!p1 v6, v4  }
0x20d: {  	[tilespmem:$0x11750] =	vst @!p1 v4  }
0x20e: {  	v4 =	vld @!p1 [tilespmem:s16+$0xFFFFFFB0];
	_ =	sdelay $0x4  }
0x20f: {  	v7 =	vor.u32 @!p1 $0x20, v5;
	v4 =	vshll.u32 @!p1 v4, $0x6  }
0x210: {  	v4 =	vor.u32 @!p1 v7, v4  }
0x211: {  	[tilespmem:$0x11760] =	vst @!p1 v4  }
0x212: {  	v4 =	vld @!p1 [tilespmem:s16+$0xFFFFFFC0];
	_ =	sdelay $0x4  }
0x213: {  	v8 =	vor.u32 @!p1 $0x30, v5;
	v4 =	vshll.u32 @!p1 v4, $0x6  }
0x214: {  	v4 =	vor.u32 @!p1 v8, v4  }
0x215: {  	[tilespmem:$0x11770] =	vst @!p1 v4  }
0x216: {  	v4 =	vld @!p1 [tilespmem:s16+$0xFFFFFFD0];
	_ =	sdelay $0x4  }
0x217: {  	v4 =	vshll.u32 @!p1 v4, $0x6  }
0x218: {  	v4 =	vor.u32 @!p1 v5, v4  }
0x219: {  	[tilespmem:$0x11780] =	vst @!p1 v4  }
0x21a: {  	v4 =	vld @!p1 [tilespmem:s16+$0xFFFFFFE0];
	_ =	sdelay $0x4  }
0x21b: {  	v4 =	vshll.u32 @!p1 v4, $0x6  }
0x21c: {  	v4 =	vor.u32 @!p1 v6, v4  }
0x21d: {  	[tilespmem:$0x11790] =	vst @!p1 v4  }
0x21e: {  	v4 =	vld @!p1 [tilespmem:s16+$0xFFFFFFF0];
	_ =	sdelay $0x4  }
0x21f: {  	v4 =	vshll.u32 @!p1 v4, $0x6  }
0x220: {  	v4 =	vor.u32 @!p1 v7, v4  }
0x221: {  	[tilespmem:$0x117A0] =	vst @!p1 v4  }
0x222: {  	v4 =	vld @!p1 [tilespmem:s16+$0x0];
	_ =	sdelay $0x4  }
0x223: {  	v4 =	vshll.u32 @!p1 v4, $0x6  }
0x224: {  	v4 =	vor.u32 @!p1 v8, v4  }
0x225: {  	s4 =	simm.s32 @!p1 $0x3;
	[tilespmem:$0x117B0] =	vst @!p1 v4  }
0x226: {  	_ =	swait.ge @!p1 [sflag:s4], $0x6000  }
0x227: {  	s5 =	simm.s32 @!p1 $0x11740;
	s18 =	simm.s32 @!p1 $0x11840;
	[sflag:s4] =	ssyncset.done @!p1 $0x0  }
.Ltmp2:
0x228: {  	[sflag:s4] =	ssyncadd.s32 @!p1 $0xFFFFA000;
	s4 =	simm.s32 @!p1 $0x80;
	(pc) =	sbr.rel @p0 .LBB2_6-.Ltmp2, $4  }
0x229: {  	[tilespmem:s18], [sflag:$0x1] =	stream.indirect.gather @!p1 [spmem:s2], $0xC0, s5, s4, $0xb8;
	[tilespmem:$0x1D840] =	vst v63  }
0x22a: {  	_ =	swait.ge [sflag:s29], $0x6000  }
0x22b: {  	[sflag:s29] =	ssyncset.done $0x0  }
0x22c: {  	s17 =	sadd.s32 $0x30C00, s17;
	s16 =	sadd.s32 $0x100, s16;
	[sflag:s29] =	ssyncadd.s32 $0xFFFFA000  }
0x22d: {  	[hbm4b:s17+s3] =	stream.linear.scatter [tilespmem:s26], [sflag:$0x4], $0x6000, $0x38;
	[tilespmem:$0x1D840] =	vst v63  }
0x22e: {  	_ =	swait.ge [sflag:s20], $0x2000  }
0x22f: {  	[sflag:s20] =	ssyncset.done $0x0  }
0x230: {  	s1 =	simm.s32 $0x0;
	[sflag:s20] =	ssyncadd.s32 $0xFFFFE000  }
0x231: {  	[tilespmem:s21], [sflag:$0x5] =	stream.linear.gather [hbm4b:s12+s1], $0x2000, $0x38;
	[tilespmem:$0x1D840] =	vst v63  }
0x232: {  	v4 =	vld [tilespmem:$0xD740]  }
0x233: {  	v5 =	vld [tilespmem:$0xD750]  }
0x234: {  	v6 =	vld [tilespmem:$0xD760]  }
0x235: {  	v7 =	vld [tilespmem:$0xD770]  }
0x236: {  	v8 =	vld [tilespmem:$0xD780]  }
0x237: {  	v9 =	vld [tilespmem:$0xD790];
	v4 =	vshll.u32 v4, $0x6  }
0x238: {  	v10 =	vld [tilespmem:$0xD7A0];
	v5 =	vshll.u32 v5, $0x6;
	v4 =	vor.u32 v0, v4  }
0x239: {  	v63 =	vld [tilespmem:$0xD7B0];
	[tilespmem:$0x11740] =	vst v4;
	v4 =	vor.u32 v1, v5;
	v5 =	vshll.u32 v6, $0x6  }
0x23a: {  	[tilespmem:$0x11750] =	vst v4;
	v4 =	vor.u32 v2, v5;
	v5 =	vshll.u32 v7, $0x6  }
0x23b: {  	[tilespmem:$0x11760] =	vst v4;
	v4 =	vor.u32 v3, v5;
	v5 =	vshll.u32 v8, $0x6  }
0x23c: {  	[tilespmem:$0x11770] =	vst v4;
	v4 =	vor.u32 v0, v5;
	v5 =	vshll.u32 v9, $0x6  }
0x23d: {  	[tilespmem:$0x11780] =	vst v4;
	v4 =	vor.u32 v1, v5;
	v5 =	vshll.u32 v10, $0x6  }
0x23e: {  	[tilespmem:$0x11790] =	vst v4;
	v4 =	vor.u32 v2, v5;
	v5 =	vshll.u32 v63, $0x6  }
0x23f: {  	[tilespmem:$0x117A0] =	vst v4;
	v4 =	vor.u32 v3, v5  }
0x240: {  	[tilespmem:$0x117B0] =	vst v4  }
0x241: {  	_ =	swait.ge [sflag:s30], $0x6000  }
0x242: {  	[sflag:s30] =	ssyncset.done $0x0  }
0x243: {  	s1 =	simm.s32 $0xD800;
	[sflag:s30] =	ssyncadd.s32 $0xFFFFA000  }
0x244: {  	[tilespmem:s24], [sflag:$0x1] =	stream.indirect.gather [spmem:s2], $0xC0, s23, s22, $0xb8;
	[tilespmem:$0x1D840] =	vst v63  }
0x245: {  	v4 =	vld [tilespmem:s1+$0xFFFFFFC0];
	_ =	sdelay $0x4  }
0x246: {  	v4 =	vshll.u32 v4, $0x6  }
0x247: {  	v4 =	vor.u32 v0, v4  }
0x248: {  	[tilespmem:$0x117C0] =	vst v4  }
0x249: {  	v4 =	vld [tilespmem:s1+$0xFFFFFFD0];
	_ =	sdelay $0x4  }
0x24a: {  	v4 =	vshll.u32 v4, $0x6  }
0x24b: {  	v4 =	vor.u32 v1, v4  }
0x24c: {  	[tilespmem:$0x117D0] =	vst v4  }
0x24d: {  	v4 =	vld [tilespmem:s1+$0xFFFFFFE0];
	_ =	sdelay $0x4  }
0x24e: {  	v4 =	vshll.u32 v4, $0x6  }
0x24f: {  	v4 =	vor.u32 v2, v4  }
0x250: {  	[tilespmem:$0x117E0] =	vst v4  }
0x251: {  	v4 =	vld [tilespmem:s1+$0xFFFFFFF0];
	_ =	sdelay $0x4  }
0x252: {  	v4 =	vshll.u32 v4, $0x6  }
0x253: {  	v4 =	vor.u32 v3, v4  }
0x254: {  	[tilespmem:$0x117F0] =	vst v4  }
0x255: {  	v4 =	vld [tilespmem:s1+$0x0];
	_ =	sdelay $0x4  }
0x256: {  	v4 =	vshll.u32 v4, $0x6  }
0x257: {  	v4 =	vor.u32 v0, v4  }
0x258: {  	[tilespmem:$0x11800] =	vst v4  }
0x259: {  	v4 =	vld [tilespmem:s1+$0x10];
	_ =	sdelay $0x4  }
0x25a: {  	v4 =	vshll.u32 v4, $0x6  }
0x25b: {  	v4 =	vor.u32 v1, v4  }
0x25c: {  	[tilespmem:$0x11810] =	vst v4  }
0x25d: {  	v4 =	vld [tilespmem:s1+$0x20];
	_ =	sdelay $0x4  }
0x25e: {  	v4 =	vshll.u32 v4, $0x6  }
0x25f: {  	v4 =	vor.u32 v2, v4  }
0x260: {  	[tilespmem:$0x11820] =	vst v4  }
0x261: {  	v4 =	vld [tilespmem:s1+$0x30];
	_ =	sdelay $0x4  }
0x262: {  	v4 =	vshll.u32 v4, $0x6  }
0x263: {  	v4 =	vor.u32 v3, v4  }
0x264: {  	[tilespmem:$0x11830] =	vst v4  }
0x265: {  	_ =	swait.ge [sflag:s31], $0x6000  }
0x266: {  	[sflag:s31] =	ssyncset.done $0x0  }
0x267: {  	[sflag:s31] =	ssyncadd.s32 $0xFFFFA000  }
0x268: {  	[tilespmem:s26], [sflag:$0x2] =	stream.indirect.gather [spmem:s2], $0xC0, s25, s22, $0xb8;
	[tilespmem:$0x1D840] =	vst v63  }
0x269: {  	_ =	swait.ge [sflag:s28], $0x6000  }
0x26a: {  	s4 =	sadd.s32 $0x0, s14;
	[sflag:s28] =	ssyncset.done $0x0  }
0x26b: {  	p0 =	por $0x0, $0x0;
	s5 =	sadd.s32 $0x60000, s4;
	[sflag:s28] =	ssyncadd.s32 $0xFFFFA000  }
0x26c: {  	[hbm4b:s5+s3] =	stream.linear.scatter [tilespmem:s24], [sflag:$0x3], $0x6000, $0x38;
	[tilespmem:$0x1D840] =	vst v63  }
0x26d: {  	v4 =	vld @!p0 [tilespmem:s1+$0x40];
	_ =	sdelay $0x4  }
0x26e: {  	v5 =	vlaneseq.u32 @!p0;
	v4 =	vshll.u32 @!p0 v4, $0x6  }
0x26f: {  	v4 =	vor.u32 @!p0 v5, v4  }
0x270: {  	[tilespmem:$0x11740] =	vst @!p0 v4  }
0x271: {  	v4 =	vld @!p0 [tilespmem:s1+$0x50];
	_ =	sdelay $0x4  }
0x272: {  	v6 =	vor.u32 @!p0 $0x10, v5;
	v4 =	vshll.u32 @!p0 v4, $0x6  }
0x273: {  	v4 =	vor.u32 @!p0 v6, v4  }
0x274: {  	[tilespmem:$0x11750] =	vst @!p0 v4  }
0x275: {  	v4 =	vld @!p0 [tilespmem:s1+$0x60];
	_ =	sdelay $0x4  }
0x276: {  	v7 =	vor.u32 @!p0 $0x20, v5;
	v4 =	vshll.u32 @!p0 v4, $0x6  }
0x277: {  	v4 =	vor.u32 @!p0 v7, v4  }
0x278: {  	[tilespmem:$0x11760] =	vst @!p0 v4  }
0x279: {  	v4 =	vld @!p0 [tilespmem:s1+$0x70];
	_ =	sdelay $0x4  }
0x27a: {  	v8 =	vor.u32 @!p0 $0x30, v5;
	v4 =	vshll.u32 @!p0 v4, $0x6  }
0x27b: {  	v4 =	vor.u32 @!p0 v8, v4  }
0x27c: {  	[tilespmem:$0x11770] =	vst @!p0 v4  }
0x27d: {  	v4 =	vld @!p0 [tilespmem:s1+$0x80];
	_ =	sdelay $0x4  }
0x27e: {  	v4 =	vshll.u32 @!p0 v4, $0x6  }
0x27f: {  	v4 =	vor.u32 @!p0 v5, v4  }
0x280: {  	[tilespmem:$0x11780] =	vst @!p0 v4  }
0x281: {  	v4 =	vld @!p0 [tilespmem:s1+$0x90];
	_ =	sdelay $0x4  }
0x282: {  	v4 =	vshll.u32 @!p0 v4, $0x6  }
0x283: {  	v4 =	vor.u32 @!p0 v6, v4  }
0x284: {  	[tilespmem:$0x11790] =	vst @!p0 v4  }
0x285: {  	v4 =	vld @!p0 [tilespmem:s1+$0xA0];
	_ =	sdelay $0x4  }
0x286: {  	v4 =	vshll.u32 @!p0 v4, $0x6  }
0x287: {  	v4 =	vor.u32 @!p0 v7, v4  }
0x288: {  	[tilespmem:$0x117A0] =	vst @!p0 v4  }
0x289: {  	v4 =	vld @!p0 [tilespmem:s1+$0xB0];
	_ =	sdelay $0x4  }
0x28a: {  	v4 =	vshll.u32 @!p0 v4, $0x6  }
0x28b: {  	v4 =	vor.u32 @!p0 v8, v4  }
0x28c: {  	s1 =	simm.s32 @!p0 $0x3;
	[tilespmem:$0x117B0] =	vst @!p0 v4  }
0x28d: {  	_ =	swait.ge @!p0 [sflag:s1], $0x6000  }
0x28e: {  	s16 =	simm.s32 @!p0 $0x11840;
	[sflag:s1] =	ssyncset.done @!p0 $0x0  }
0x28f: {  	s5 =	simm.s32 @!p0 $0x11740;
	[sflag:s1] =	ssyncadd.s32 @!p0 $0xFFFFA000;
	s1 =	simm.s32 @!p0 $0x80  }
0x290: {  	[tilespmem:s16], [sflag:$0x1] =	stream.indirect.gather @!p0 [spmem:s2], $0xC0, s5, s1, $0xb8;
	[tilespmem:$0x1D840] =	vst v63  }
0x291: {  	_ =	swait.ge [sflag:s29], $0x6000  }
0x292: {  	s17 =	sadd.s32 $0x60C00, s4;
	[sflag:s29] =	ssyncset.done $0x0  }
0x293: {  	s1 =	simm.s32 $0x1800;
	s16 =	simm.s32 $0xD900;
	[sflag:s29] =	ssyncadd.s32 $0xFFFFA000  }
.LBB2_8:
0x294: {  	[hbm4b:s17+s3] =	stream.linear.scatter [tilespmem:s26], [sflag:$0x4], $0x6000, $0x38;
	[tilespmem:$0x1D840] =	vst v63  }
0x295: {  	s18 =	smov.u32 s1;
	s1 =	sadd.s32 $0x1800, s1;
	v4 =	vld [tilespmem:s16+$0xFFFFFFC0]  }
0x296: {  	p0 =	sne.s32 s1, $0x30000;
	_ =	sdelay $0x3  }
0x297: {  	v4 =	vshll.u32 v4, $0x6  }
0x298: {  	v4 =	vor.u32 v0, v4  }
0x299: {  	[tilespmem:$0x117C0] =	vst v4  }
0x29a: {  	v4 =	vld [tilespmem:s16+$0xFFFFFFD0];
	_ =	sdelay $0x4  }
0x29b: {  	v4 =	vshll.u32 v4, $0x6  }
0x29c: {  	v4 =	vor.u32 v1, v4  }
0x29d: {  	[tilespmem:$0x117D0] =	vst v4  }
0x29e: {  	v4 =	vld [tilespmem:s16+$0xFFFFFFE0];
	_ =	sdelay $0x4  }
0x29f: {  	v4 =	vshll.u32 v4, $0x6  }
0x2a0: {  	v4 =	vor.u32 v2, v4  }
0x2a1: {  	[tilespmem:$0x117E0] =	vst v4  }
0x2a2: {  	v4 =	vld [tilespmem:s16+$0xFFFFFFF0];
	_ =	sdelay $0x4  }
0x2a3: {  	v4 =	vshll.u32 v4, $0x6  }
0x2a4: {  	v4 =	vor.u32 v3, v4  }
0x2a5: {  	[tilespmem:$0x117F0] =	vst v4  }
0x2a6: {  	v4 =	vld [tilespmem:s16+$0x0];
	_ =	sdelay $0x4  }
0x2a7: {  	v4 =	vshll.u32 v4, $0x6  }
0x2a8: {  	v4 =	vor.u32 v0, v4  }
0x2a9: {  	[tilespmem:$0x11800] =	vst v4  }
0x2aa: {  	v4 =	vld [tilespmem:s16+$0x10];
	_ =	sdelay $0x4  }
0x2ab: {  	v4 =	vshll.u32 v4, $0x6  }
0x2ac: {  	v4 =	vor.u32 v1, v4  }
0x2ad: {  	[tilespmem:$0x11810] =	vst v4  }
0x2ae: {  	v4 =	vld [tilespmem:s16+$0x20];
	_ =	sdelay $0x4  }
0x2af: {  	v4 =	vshll.u32 v4, $0x6  }
0x2b0: {  	v4 =	vor.u32 v2, v4  }
0x2b1: {  	[tilespmem:$0x11820] =	vst v4  }
0x2b2: {  	v4 =	vld [tilespmem:s16+$0x30];
	_ =	sdelay $0x4  }
0x2b3: {  	v4 =	vshll.u32 v4, $0x6  }
0x2b4: {  	v4 =	vor.u32 v3, v4  }
0x2b5: {  	[tilespmem:$0x11830] =	vst v4  }
0x2b6: {  	_ =	swait.ge [sflag:s31], $0x6000  }
0x2b7: {  	[sflag:s31] =	ssyncset.done $0x0  }
0x2b8: {  	[sflag:s31] =	ssyncadd.s32 $0xFFFFA000  }
0x2b9: {  	[tilespmem:s26], [sflag:$0x2] =	stream.indirect.gather [spmem:s2], $0xC0, s25, s22, $0xb8;
	[tilespmem:$0x1D840] =	vst v63  }
0x2ba: {  	_ =	swait.ge [sflag:s28], $0x6000  }
0x2bb: {  	s17 =	sadd.s32 s18, s14;
	[sflag:s28] =	ssyncset.done $0x0  }
0x2bc: {  	p1 =	seq.s32 s18, $0x2E800;
	s4 =	sadd.s32 $0x60000, s17;
	[sflag:s28] =	ssyncadd.s32 $0xFFFFA000  }
0x2bd: {  	[hbm4b:s4+s3] =	stream.linear.scatter [tilespmem:s24], [sflag:$0x3], $0x6000, $0x38;
	[tilespmem:$0x1D840] =	vst v63  }
0x2be: {  	v4 =	vld @!p1 [tilespmem:s16+$0x40];
	_ =	sdelay $0x4  }
0x2bf: {  	v5 =	vlaneseq.u32 @!p1;
	v4 =	vshll.u32 @!p1 v4, $0x6  }
0x2c0: {  	v4 =	vor.u32 @!p1 v5, v4  }
0x2c1: {  	[tilespmem:$0x11740] =	vst @!p1 v4  }
0x2c2: {  	v4 =	vld @!p1 [tilespmem:s16+$0x50];
	_ =	sdelay $0x4  }
0x2c3: {  	v6 =	vor.u32 @!p1 $0x10, v5;
	v4 =	vshll.u32 @!p1 v4, $0x6  }
0x2c4: {  	v4 =	vor.u32 @!p1 v6, v4  }
0x2c5: {  	[tilespmem:$0x11750] =	vst @!p1 v4  }
0x2c6: {  	v4 =	vld @!p1 [tilespmem:s16+$0x60];
	_ =	sdelay $0x4  }
0x2c7: {  	v7 =	vor.u32 @!p1 $0x20, v5;
	v4 =	vshll.u32 @!p1 v4, $0x6  }
0x2c8: {  	v4 =	vor.u32 @!p1 v7, v4  }
0x2c9: {  	[tilespmem:$0x11760] =	vst @!p1 v4  }
0x2ca: {  	v4 =	vld @!p1 [tilespmem:s16+$0x70];
	_ =	sdelay $0x4  }
0x2cb: {  	v8 =	vor.u32 @!p1 $0x30, v5;
	v4 =	vshll.u32 @!p1 v4, $0x6  }
0x2cc: {  	v4 =	vor.u32 @!p1 v8, v4  }
0x2cd: {  	[tilespmem:$0x11770] =	vst @!p1 v4  }
0x2ce: {  	v4 =	vld @!p1 [tilespmem:s16+$0x80];
	_ =	sdelay $0x4  }
0x2cf: {  	v4 =	vshll.u32 @!p1 v4, $0x6  }
0x2d0: {  	v4 =	vor.u32 @!p1 v5, v4  }
0x2d1: {  	[tilespmem:$0x11780] =	vst @!p1 v4  }
0x2d2: {  	v4 =	vld @!p1 [tilespmem:s16+$0x90];
	_ =	sdelay $0x4  }
0x2d3: {  	v4 =	vshll.u32 @!p1 v4, $0x6  }
0x2d4: {  	v4 =	vor.u32 @!p1 v6, v4  }
0x2d5: {  	[tilespmem:$0x11790] =	vst @!p1 v4  }
0x2d6: {  	v4 =	vld @!p1 [tilespmem:s16+$0xA0];
	_ =	sdelay $0x4  }
0x2d7: {  	v4 =	vshll.u32 @!p1 v4, $0x6  }
0x2d8: {  	v4 =	vor.u32 @!p1 v7, v4  }
0x2d9: {  	[tilespmem:$0x117A0] =	vst @!p1 v4  }
0x2da: {  	v4 =	vld @!p1 [tilespmem:s16+$0xB0];
	_ =	sdelay $0x4  }
0x2db: {  	v4 =	vshll.u32 @!p1 v4, $0x6  }
0x2dc: {  	v4 =	vor.u32 @!p1 v8, v4  }
0x2dd: {  	s4 =	simm.s32 @!p1 $0x3;
	[tilespmem:$0x117B0] =	vst @!p1 v4  }
0x2de: {  	_ =	swait.ge @!p1 [sflag:s4], $0x6000  }
0x2df: {  	s5 =	simm.s32 @!p1 $0x11740;
	s18 =	simm.s32 @!p1 $0x11840;
	[sflag:s4] =	ssyncset.done @!p1 $0x0  }
.Ltmp3:
0x2e0: {  	[sflag:s4] =	ssyncadd.s32 @!p1 $0xFFFFA000;
	s4 =	simm.s32 @!p1 $0x80;
	(pc) =	sbr.rel @p0 .LBB2_8-.Ltmp3, $4  }
0x2e1: {  	[tilespmem:s18], [sflag:$0x1] =	stream.indirect.gather @!p1 [spmem:s2], $0xC0, s5, s4, $0xb8;
	[tilespmem:$0x1D840] =	vst v63  }
0x2e2: {  	_ =	swait.ge [sflag:s29], $0x6000  }
0x2e3: {  	[sflag:s29] =	ssyncset.done $0x0  }
0x2e4: {  	s17 =	sadd.s32 $0x60C00, s17;
	s16 =	sadd.s32 $0x100, s16;
	[sflag:s29] =	ssyncadd.s32 $0xFFFFA000  }
0x2e5: {  	[hbm4b:s17+s3] =	stream.linear.scatter [tilespmem:s26], [sflag:$0x4], $0x6000, $0x38;
	[tilespmem:$0x1D840] =	vst v63  }
0x2e6: {  	_ =	swait.ge [sflag:s20], $0x2000  }
0x2e7: {  	[sflag:s20] =	ssyncset.done $0x0  }
0x2e8: {  	[sflag:s20] =	ssyncadd.s32 $0xFFFFE000  }
0x2e9: {  	v4 =	vld [tilespmem:$0xF740]  }
0x2ea: {  	v5 =	vld [tilespmem:$0xF750]  }
0x2eb: {  	v6 =	vld [tilespmem:$0xF760]  }
0x2ec: {  	v7 =	vld [tilespmem:$0xF770]  }
0x2ed: {  	v8 =	vld [tilespmem:$0xF780]  }
0x2ee: {  	v9 =	vld [tilespmem:$0xF790];
	v4 =	vshll.u32 v4, $0x6  }
0x2ef: {  	v10 =	vld [tilespmem:$0xF7A0];
	v5 =	vshll.u32 v5, $0x6;
	v4 =	vor.u32 v0, v4  }
0x2f0: {  	v63 =	vld [tilespmem:$0xF7B0];
	[tilespmem:$0x11740] =	vst v4;
	v4 =	vor.u32 v1, v5;
	v5 =	vshll.u32 v6, $0x6  }
0x2f1: {  	[tilespmem:$0x11750] =	vst v4;
	v4 =	vor.u32 v2, v5;
	v5 =	vshll.u32 v7, $0x6  }
0x2f2: {  	[tilespmem:$0x11760] =	vst v4;
	v4 =	vor.u32 v3, v5;
	v5 =	vshll.u32 v8, $0x6  }
0x2f3: {  	[tilespmem:$0x11770] =	vst v4;
	v4 =	vor.u32 v0, v5;
	v5 =	vshll.u32 v9, $0x6  }
0x2f4: {  	[tilespmem:$0x11780] =	vst v4;
	v4 =	vor.u32 v1, v5;
	v5 =	vshll.u32 v10, $0x6  }
0x2f5: {  	[tilespmem:$0x11790] =	vst v4;
	v4 =	vor.u32 v2, v5;
	v5 =	vshll.u32 v63, $0x6  }
0x2f6: {  	[tilespmem:$0x117A0] =	vst v4;
	v4 =	vor.u32 v3, v5  }
0x2f7: {  	[tilespmem:$0x117B0] =	vst v4  }
0x2f8: {  	_ =	swait.ge [sflag:s30], $0x6000  }
0x2f9: {  	[sflag:s30] =	ssyncset.done $0x0  }
0x2fa: {  	s1 =	simm.s32 $0xF8B0;
	[sflag:s30] =	ssyncadd.s32 $0xFFFFA000  }
0x2fb: {  	[tilespmem:s24], [sflag:$0x1] =	stream.indirect.gather [spmem:s2], $0xC0, s23, s22, $0xb8;
	[tilespmem:$0x1D840] =	vst v63  }
0x2fc: {  	v4 =	vld [tilespmem:s1+$0xFFFFFF10];
	_ =	sdelay $0x4  }
0x2fd: {  	v4 =	vshll.u32 v4, $0x6  }
0x2fe: {  	v4 =	vor.u32 v0, v4  }
0x2ff: {  	[tilespmem:$0x117C0] =	vst v4  }
0x300: {  	v4 =	vld [tilespmem:s1+$0xFFFFFF20];
	_ =	sdelay $0x4  }
0x301: {  	v4 =	vshll.u32 v4, $0x6  }
0x302: {  	v4 =	vor.u32 v1, v4  }
0x303: {  	[tilespmem:$0x117D0] =	vst v4  }
0x304: {  	v4 =	vld [tilespmem:s1+$0xFFFFFF30];
	_ =	sdelay $0x4  }
0x305: {  	v4 =	vshll.u32 v4, $0x6  }
0x306: {  	v4 =	vor.u32 v2, v4  }
0x307: {  	[tilespmem:$0x117E0] =	vst v4  }
0x308: {  	v4 =	vld [tilespmem:s1+$0xFFFFFF40];
	_ =	sdelay $0x4  }
0x309: {  	v4 =	vshll.u32 v4, $0x6  }
0x30a: {  	v4 =	vor.u32 v3, v4  }
0x30b: {  	[tilespmem:$0x117F0] =	vst v4  }
0x30c: {  	v4 =	vld [tilespmem:s1+$0xFFFFFF50];
	_ =	sdelay $0x4  }
0x30d: {  	v4 =	vshll.u32 v4, $0x6  }
0x30e: {  	v4 =	vor.u32 v0, v4  }
0x30f: {  	[tilespmem:$0x11800] =	vst v4  }
0x310: {  	v4 =	vld [tilespmem:s1+$0xFFFFFF60];
	_ =	sdelay $0x4  }
0x311: {  	v4 =	vshll.u32 v4, $0x6  }
0x312: {  	v4 =	vor.u32 v1, v4  }
0x313: {  	[tilespmem:$0x11810] =	vst v4  }
0x314: {  	v4 =	vld [tilespmem:s1+$0xFFFFFF70];
	_ =	sdelay $0x4  }
0x315: {  	v4 =	vshll.u32 v4, $0x6  }
0x316: {  	v4 =	vor.u32 v2, v4  }
0x317: {  	[tilespmem:$0x11820] =	vst v4  }
0x318: {  	v4 =	vld [tilespmem:s1+$0xFFFFFF80];
	_ =	sdelay $0x4  }
0x319: {  	v4 =	vshll.u32 v4, $0x6  }
0x31a: {  	v4 =	vor.u32 v3, v4  }
0x31b: {  	[tilespmem:$0x11830] =	vst v4  }
0x31c: {  	_ =	swait.ge [sflag:s31], $0x6000  }
0x31d: {  	[sflag:s31] =	ssyncset.done $0x0  }
0x31e: {  	[sflag:s31] =	ssyncadd.s32 $0xFFFFA000  }
0x31f: {  	[tilespmem:s26], [sflag:$0x2] =	stream.indirect.gather [spmem:s2], $0xC0, s25, s22, $0xb8;
	[tilespmem:$0x1D840] =	vst v63  }
0x320: {  	_ =	swait.ge [sflag:s28], $0x6000  }
0x321: {  	s4 =	sadd.s32 $0x0, s14;
	[sflag:s28] =	ssyncset.done $0x0  }
0x322: {  	p0 =	por $0x0, $0x0;
	s5 =	sadd.s32 $0x90000, s4;
	[sflag:s28] =	ssyncadd.s32 $0xFFFFA000  }
0x323: {  	[hbm4b:s5+s3] =	stream.linear.scatter [tilespmem:s24], [sflag:$0x3], $0x6000, $0x38;
	[tilespmem:$0x1D840] =	vst v63  }
0x324: {  	v4 =	vld @!p0 [tilespmem:s1+$0xFFFFFF90];
	_ =	sdelay $0x4  }
0x325: {  	v5 =	vlaneseq.u32 @!p0;
	v4 =	vshll.u32 @!p0 v4, $0x6  }
0x326: {  	v4 =	vor.u32 @!p0 v5, v4  }
0x327: {  	[tilespmem:$0x11740] =	vst @!p0 v4  }
0x328: {  	v4 =	vld @!p0 [tilespmem:s1+$0xFFFFFFA0];
	_ =	sdelay $0x4  }
0x329: {  	v6 =	vor.u32 @!p0 $0x10, v5;
	v4 =	vshll.u32 @!p0 v4, $0x6  }
0x32a: {  	v4 =	vor.u32 @!p0 v6, v4  }
0x32b: {  	[tilespmem:$0x11750] =	vst @!p0 v4  }
0x32c: {  	v4 =	vld @!p0 [tilespmem:s1+$0xFFFFFFB0];
	_ =	sdelay $0x4  }
0x32d: {  	v7 =	vor.u32 @!p0 $0x20, v5;
	v4 =	vshll.u32 @!p0 v4, $0x6  }
0x32e: {  	v4 =	vor.u32 @!p0 v7, v4  }
0x32f: {  	[tilespmem:$0x11760] =	vst @!p0 v4  }
0x330: {  	v4 =	vld @!p0 [tilespmem:s1+$0xFFFFFFC0];
	_ =	sdelay $0x4  }
0x331: {  	v8 =	vor.u32 @!p0 $0x30, v5;
	v4 =	vshll.u32 @!p0 v4, $0x6  }
0x332: {  	v4 =	vor.u32 @!p0 v8, v4  }
0x333: {  	[tilespmem:$0x11770] =	vst @!p0 v4  }
0x334: {  	v4 =	vld @!p0 [tilespmem:s1+$0xFFFFFFD0];
	_ =	sdelay $0x4  }
0x335: {  	v4 =	vshll.u32 @!p0 v4, $0x6  }
0x336: {  	v4 =	vor.u32 @!p0 v5, v4  }
0x337: {  	[tilespmem:$0x11780] =	vst @!p0 v4  }
0x338: {  	v4 =	vld @!p0 [tilespmem:s1+$0xFFFFFFE0];
	_ =	sdelay $0x4  }
0x339: {  	v4 =	vshll.u32 @!p0 v4, $0x6  }
0x33a: {  	v4 =	vor.u32 @!p0 v6, v4  }
0x33b: {  	[tilespmem:$0x11790] =	vst @!p0 v4  }
0x33c: {  	v4 =	vld @!p0 [tilespmem:s1+$0xFFFFFFF0];
	_ =	sdelay $0x4  }
0x33d: {  	v4 =	vshll.u32 @!p0 v4, $0x6  }
0x33e: {  	v4 =	vor.u32 @!p0 v7, v4  }
0x33f: {  	[tilespmem:$0x117A0] =	vst @!p0 v4  }
0x340: {  	v4 =	vld @!p0 [tilespmem:s1+$0x0];
	_ =	sdelay $0x4  }
0x341: {  	v4 =	vshll.u32 @!p0 v4, $0x6  }
0x342: {  	v4 =	vor.u32 @!p0 v8, v4  }
0x343: {  	s1 =	simm.s32 @!p0 $0x3;
	[tilespmem:$0x117B0] =	vst @!p0 v4  }
0x344: {  	_ =	swait.ge @!p0 [sflag:s1], $0x6000  }
0x345: {  	s16 =	simm.s32 @!p0 $0x11840;
	[sflag:s1] =	ssyncset.done @!p0 $0x0  }
0x346: {  	s5 =	simm.s32 @!p0 $0x11740;
	[sflag:s1] =	ssyncadd.s32 @!p0 $0xFFFFA000;
	s1 =	simm.s32 @!p0 $0x80  }
0x347: {  	[tilespmem:s16], [sflag:$0x1] =	stream.indirect.gather @!p0 [spmem:s2], $0xC0, s5, s1, $0xb8;
	[tilespmem:$0x1D840] =	vst v63  }
0x348: {  	_ =	swait.ge [sflag:s29], $0x6000  }
0x349: {  	s17 =	sadd.s32 $0x90C00, s4;
	[sflag:s29] =	ssyncset.done $0x0  }
0x34a: {  	s1 =	simm.s32 $0x1800;
	s16 =	simm.s32 $0xF9B0;
	[sflag:s29] =	ssyncadd.s32 $0xFFFFA000  }
.LBB2_10:
0x34b: {  	[hbm4b:s17+s3] =	stream.linear.scatter [tilespmem:s26], [sflag:$0x4], $0x6000, $0x38;
	[tilespmem:$0x1D840] =	vst v63  }
0x34c: {  	s18 =	smov.u32 s1;
	s1 =	sadd.s32 $0x1800, s1;
	v4 =	vld [tilespmem:s16+$0xFFFFFF10]  }
0x34d: {  	p0 =	sne.s32 s1, $0x30000;
	_ =	sdelay $0x3  }
0x34e: {  	v4 =	vshll.u32 v4, $0x6  }
0x34f: {  	v4 =	vor.u32 v0, v4  }
0x350: {  	[tilespmem:$0x117C0] =	vst v4  }
0x351: {  	v4 =	vld [tilespmem:s16+$0xFFFFFF20];
	_ =	sdelay $0x4  }
0x352: {  	v4 =	vshll.u32 v4, $0x6  }
0x353: {  	v4 =	vor.u32 v1, v4  }
0x354: {  	[tilespmem:$0x117D0] =	vst v4  }
0x355: {  	v4 =	vld [tilespmem:s16+$0xFFFFFF30];
	_ =	sdelay $0x4  }
0x356: {  	v4 =	vshll.u32 v4, $0x6  }
0x357: {  	v4 =	vor.u32 v2, v4  }
0x358: {  	[tilespmem:$0x117E0] =	vst v4  }
0x359: {  	v4 =	vld [tilespmem:s16+$0xFFFFFF40];
	_ =	sdelay $0x4  }
0x35a: {  	v4 =	vshll.u32 v4, $0x6  }
0x35b: {  	v4 =	vor.u32 v3, v4  }
0x35c: {  	[tilespmem:$0x117F0] =	vst v4  }
0x35d: {  	v4 =	vld [tilespmem:s16+$0xFFFFFF50];
	_ =	sdelay $0x4  }
0x35e: {  	v4 =	vshll.u32 v4, $0x6  }
0x35f: {  	v4 =	vor.u32 v0, v4  }
0x360: {  	[tilespmem:$0x11800] =	vst v4  }
0x361: {  	v4 =	vld [tilespmem:s16+$0xFFFFFF60];
	_ =	sdelay $0x4  }
0x362: {  	v4 =	vshll.u32 v4, $0x6  }
0x363: {  	v4 =	vor.u32 v1, v4  }
0x364: {  	[tilespmem:$0x11810] =	vst v4  }
0x365: {  	v4 =	vld [tilespmem:s16+$0xFFFFFF70];
	_ =	sdelay $0x4  }
0x366: {  	v4 =	vshll.u32 v4, $0x6  }
0x367: {  	v4 =	vor.u32 v2, v4  }
0x368: {  	[tilespmem:$0x11820] =	vst v4  }
0x369: {  	v4 =	vld [tilespmem:s16+$0xFFFFFF80];
	_ =	sdelay $0x4  }
0x36a: {  	v4 =	vshll.u32 v4, $0x6  }
0x36b: {  	v4 =	vor.u32 v3, v4  }
0x36c: {  	[tilespmem:$0x11830] =	vst v4  }
0x36d: {  	_ =	swait.ge [sflag:s31], $0x6000  }
0x36e: {  	[sflag:s31] =	ssyncset.done $0x0  }
0x36f: {  	[sflag:s31] =	ssyncadd.s32 $0xFFFFA000  }
0x370: {  	[tilespmem:s26], [sflag:$0x2] =	stream.indirect.gather [spmem:s2], $0xC0, s25, s22, $0xb8;
	[tilespmem:$0x1D840] =	vst v63  }
0x371: {  	_ =	swait.ge [sflag:s28], $0x6000  }
0x372: {  	s17 =	sadd.s32 s18, s14;
	[sflag:s28] =	ssyncset.done $0x0  }
0x373: {  	p1 =	seq.s32 s18, $0x2E800;
	s4 =	sadd.s32 $0x90000, s17;
	[sflag:s28] =	ssyncadd.s32 $0xFFFFA000  }
0x374: {  	[hbm4b:s4+s3] =	stream.linear.scatter [tilespmem:s24], [sflag:$0x3], $0x6000, $0x38;
	[tilespmem:$0x1D840] =	vst v63  }
0x375: {  	v4 =	vld @!p1 [tilespmem:s16+$0xFFFFFF90];
	_ =	sdelay $0x4  }
0x376: {  	v5 =	vlaneseq.u32 @!p1;
	v4 =	vshll.u32 @!p1 v4, $0x6  }
0x377: {  	v4 =	vor.u32 @!p1 v5, v4  }
0x378: {  	[tilespmem:$0x11740] =	vst @!p1 v4  }
0x379: {  	v4 =	vld @!p1 [tilespmem:s16+$0xFFFFFFA0];
	_ =	sdelay $0x4  }
0x37a: {  	v6 =	vor.u32 @!p1 $0x10, v5;
	v4 =	vshll.u32 @!p1 v4, $0x6  }
0x37b: {  	v4 =	vor.u32 @!p1 v6, v4  }
0x37c: {  	[tilespmem:$0x11750] =	vst @!p1 v4  }
0x37d: {  	v4 =	vld @!p1 [tilespmem:s16+$0xFFFFFFB0];
	_ =	sdelay $0x4  }
0x37e: {  	v7 =	vor.u32 @!p1 $0x20, v5;
	v4 =	vshll.u32 @!p1 v4, $0x6  }
0x37f: {  	v4 =	vor.u32 @!p1 v7, v4  }
0x380: {  	[tilespmem:$0x11760] =	vst @!p1 v4  }
0x381: {  	v4 =	vld @!p1 [tilespmem:s16+$0xFFFFFFC0];
	_ =	sdelay $0x4  }
0x382: {  	v8 =	vor.u32 @!p1 $0x30, v5;
	v4 =	vshll.u32 @!p1 v4, $0x6  }
0x383: {  	v4 =	vor.u32 @!p1 v8, v4  }
0x384: {  	[tilespmem:$0x11770] =	vst @!p1 v4  }
0x385: {  	v4 =	vld @!p1 [tilespmem:s16+$0xFFFFFFD0];
	_ =	sdelay $0x4  }
0x386: {  	v4 =	vshll.u32 @!p1 v4, $0x6  }
0x387: {  	v4 =	vor.u32 @!p1 v5, v4  }
0x388: {  	[tilespmem:$0x11780] =	vst @!p1 v4  }
0x389: {  	v4 =	vld @!p1 [tilespmem:s16+$0xFFFFFFE0];
	_ =	sdelay $0x4  }
0x38a: {  	v4 =	vshll.u32 @!p1 v4, $0x6  }
0x38b: {  	v4 =	vor.u32 @!p1 v6, v4  }
0x38c: {  	[tilespmem:$0x11790] =	vst @!p1 v4  }
0x38d: {  	v4 =	vld @!p1 [tilespmem:s16+$0xFFFFFFF0];
	_ =	sdelay $0x4  }
0x38e: {  	v4 =	vshll.u32 @!p1 v4, $0x6  }
0x38f: {  	v4 =	vor.u32 @!p1 v7, v4  }
0x390: {  	[tilespmem:$0x117A0] =	vst @!p1 v4  }
0x391: {  	v4 =	vld @!p1 [tilespmem:s16+$0x0];
	_ =	sdelay $0x4  }
0x392: {  	v4 =	vshll.u32 @!p1 v4, $0x6  }
0x393: {  	v4 =	vor.u32 @!p1 v8, v4  }
0x394: {  	s4 =	simm.s32 @!p1 $0x3;
	[tilespmem:$0x117B0] =	vst @!p1 v4  }
0x395: {  	_ =	swait.ge @!p1 [sflag:s4], $0x6000  }
0x396: {  	s5 =	simm.s32 @!p1 $0x11740;
	s18 =	simm.s32 @!p1 $0x11840;
	[sflag:s4] =	ssyncset.done @!p1 $0x0  }
.Ltmp4:
0x397: {  	[sflag:s4] =	ssyncadd.s32 @!p1 $0xFFFFA000;
	s4 =	simm.s32 @!p1 $0x80;
	(pc) =	sbr.rel @p0 .LBB2_10-.Ltmp4, $4  }
0x398: {  	[tilespmem:s18], [sflag:$0x1] =	stream.indirect.gather @!p1 [spmem:s2], $0xC0, s5, s4, $0xb8;
	[tilespmem:$0x1D840] =	vst v63  }
0x399: {  	_ =	swait.ge [sflag:s29], $0x6000  }
0x39a: {  	[sflag:s29] =	ssyncset.done $0x0  }
0x39b: {  	s17 =	sadd.s32 $0x90C00, s17;
	s16 =	sadd.s32 $0x100, s16;
	[sflag:s29] =	ssyncadd.s32 $0xFFFFA000  }
0x39c: {  	[hbm4b:s17+s3] =	stream.linear.scatter [tilespmem:s26], [sflag:$0x4], $0x6000, $0x38;
	[tilespmem:$0x1D840] =	vst v63  }
0x39d: {  	s0 =	sadd.s32 $0x1, s0  }
0x39e: {  	_ =	swait.ge [sflag:s30], $0x6000;
	p0 =	sne.s32 s0, s13  }
.Ltmp5:
0x39f: {  	[sflag:s30] =	ssyncset.done $0x0;
	(pc) =	sbr.rel @p0 .LBB2_1-.Ltmp5, $4  }
0x3a0: {  	[sflag:s30] =	ssyncadd.s32 $0xFFFFA000  }
0x3a1: {  	_ =	swait.ge [sflag:s31], $0x6000  }
0x3a2: {  	[sflag:s31] =	ssyncset.done $0x0  }
0x3a3: {  	[sflag:s31] =	ssyncadd.s32 $0xFFFFA000  }
0x3a4: {  	_ =	sfence.sel $0x180000  }
0x3a5: {  	[bflag:$0x0] =	sbarrier.arrive $0xFFFF  }
0x3a6: {  	_ =	strace $0x90000047  }
0x3a7: {  	s0 =	stileid.u32;
	[bflag:$0x2] =	sbarrier.arrive $0xFFFF  }
0x3a8: {  	p0 =	sne.s32 s0, $0x0;
	s0 =	rddreg [dreg:$0x3]  }
0x3a9: {  	s0 =	sadd.s32 @!p0 $0x100000, s0  }
0x3aa: {  	[sflag:s0] =	ssyncadd.tile.s32 @!p0 $0x1;
	_ =	shalt  }
.Lfunc_end2:
_tile_overlayer_lowered:
.L_overlay_start_2:
0x3ab: {  	(tag) =	ssettag $0x2  }
0x3ac: {  	s0 =	rddreg [dreg:$0x0];
	s2 =	stileid.u32  }
0x3ad: {  	s1 =	rddreg [dreg:$0x1];
	p0 =	sne.s32 s2, $0x0  }
0x3ae: {  	s3 =	rddreg [dreg:$0x2];
	[bflag:$0x3] =	sbarrier.arrive $0xFFFF;
	s2 =	simm.s32 @!p0 $0x1C06  }
0x3af: {  	[timem:s3], [sflag:s2] =	dma.local @!p0 [hbm:s0], s1  }
0x3b0: {  	s0 =	simm.s32 @!p0 $0x6  }
0x3b1: {  	_ =	swait.ge @!p0 [sflag:s0], s1  }
0x3b2: {  	s1 =	ssub.s32 @!p0 $0x0, s1;
	[sflag:s0] =	ssyncset.done @!p0 $0x0  }
0x3b3: {  	[sflag:s0] =	ssyncadd.s32 @!p0 s1  }
0x3b4: {  	[bflag:$0x3] =	sbarrier.arrive $0xFFFF  }
0x3b5: {  	_ =	shalt  }

// kernel: sparse-core-data-format-call.cloned.1.call-start
scs
called_computation_lowered:
.L_overlay_start_0:
0x0: {  	s2 =	sld [smem:$0x3FD9]  }
0x1: {  	s3 =	sld [smem:$0x3FFE];
	_ =	sdelay $0x1  }
0x2: {  	s1 =	srdreg.scid  }
0x3: {  	s0 =	sand.u32 $0x1, s1  }
0x4: {  	s18 =	sshll.u32 s0, $0xA;
	s2 =	sadd.s32 s3, s2  }
0x5: {  	s2 =	sadd.s32 s2, s18  }
0x6: {  	[smem:$0x3FC4] =	sst s2  }
0x7: {  	_ = 	snop  }
0x8: {  	s2 =	sld [smem:$0x3FD0];
	(tm) =	ssettm $0x1  }
0x9: {  	s19 =	sld [smem:$0x3FFB];
	_ =	sdelay $0x3  }
0xa: {  	_ =	strace s19  }
0xb: {  	s3 =	sld [smem:$0x3FFC];
	_ =	sdelay $0x3  }
0xc: {  	_ =	strace s3  }
0xd: {  	s3 =	sld [smem:$0x3FFD];
	_ =	sdelay $0x3  }
0xe: {  	_ =	strace s3  }
0xf: {  	_ =	strace $0x8FFFFFFF  }
0x10: {  	s20 =	sld [smem:$0x3FDB];
	_ =	sdelay $0x1  }
0x11: {  	s4 =	simm.s32 $_scs_section_size  }
0x12: {  	s5 =	simm.s32 $_size__tile_overlayer_lowered;
	s6 =	simm.s32 $_tile_overlayer_lowered  }
0x13: {  	s23 =	simm.s32 $0x1BFF;
	s22 =	sshll.u32 s6, $0x1;
	s3 =	sadd.s32 s4, s20  }
0x14: {  	s7 =	simm.s32 $0x0;
	s21 =	sshll.u32 s5, $0x1;
	s5 =	sadd.s32 s22, s3  }
0x15: {  	[timem:s7], [sflag:s23] =	dma.local [hbm:s5], s21  }
0x16: {  	_ =	swait.ge [sflag:s23], s21  }
0x17: {  	s4 =	ssub.s32 $0x0, s21;
	[sflag:s23] =	ssyncset.done $0x0  }
0x18: {  	[sflag:s23] =	ssyncadd.s32 s4;
	_ =	sdelay $0x1  }
0x19: {  	s24 =	simm.s32 $0x1B8B  }
0x1a: {  	_ =	swait.ge [sflag:s24], $0x1  }
0x1b: {  	[sflag:s24] =	ssyncset.done $0x0  }
0x1c: {  	s26 =	simm.s32 $0x1B8E;
	s25 =	sld [smem:$0x3FFE];
	[sflag:s24] =	ssyncadd.s32 $0xFFFFFFFF  }
0x1d: {  	s27 =	simm.s32 $execute0_lowered;
	[smem:$0x3FD2] =	sst s26  }
0x1e: {  	s5 =	sshll.u32 s27, $0x1;
	_ =	strace $0x80000049;
	[dreg:$0x1] =	wrdreg $0xFFFFFFFF  }
0x1f: {  	s28 =	simm.s32 $_size_execute0_lowered;
	s3 =	sadd.s32 s3, s5;
	[dreg:$0x0] =	wrdreg $0x0  }
0x20: {  	s5 =	sshll.u32 s28, $0x1;
	[dreg:$0x2] =	wrdreg s3  }
0x21: {  	[dreg:$0x3] =	wrdreg s5  }
0x22: {  	[dreg:$0x4] =	wrdreg $0xC0  }
0x23: {  	_ =	task [dreg:s7], $0x5FFFF  }
0x24: {  	[dreg:$0x1] =	wrdreg $0xFFFFFFFF  }
0x25: {  	[dreg:$0x0] =	wrdreg $0x60  }
0x26: {  	[dreg:$0x2] =	wrdreg s25  }
0x27: {  	[dreg:$0x3] =	wrdreg s2  }
0x28: {  	[dreg:$0x4] =	wrdreg $0x9  }
0x29: {  	_ =	task.clear_ibuf [dreg:s7], $0x5FFFF;
	_ =	strace $0x90000049  }
0x2a: {  	s29 =	simm.s32 $0x9;
	_ =	strace $0x8000004B  }
0x2b: {  	_ =	swait.ge [sflag:s29], $0x1  }
0x2c: {  	[sflag:s29] =	ssyncadd.s32 $0xFFFFFFFF  }
0x2d: {  	_ =	strace $0x9000004B  }
0x2e: {  	_ =	sfence  }
0x2f: {  	s30 =	sld [smem:$0x0];
	_ =	sdelay $0x2  }
0x30: {  	s31 =	sshll.u32 s1, $0xD;
	s1 =	sshrl.u32 s1, $0x2  }
0x31: {  	s3 =	sand.u32 $0x4000, s31;
	s1 =	sadd.s32 s1, s30  }
0x32: {  	s0 =	sor.u32 s3, s0;
	s1 =	sshll.u32 s1, $0x11  }
0x33: {  	s0 =	sor.u32 s1, s0  }
0x34: {  	s0 =	sadd.s32 $0x8F2B, s0  }
0x35: {  	[sflag:s0] =	ssyncadd.remote.s32 $0x1  }
0x36: {  	_ =	sfence.sel $0xFFFF  }
0x37: {  	[dreg:$0x0] =	wrdreg $0xFFFFFFFF;
	(pc) =	sbr.abs _section_cstart, $3  }
0x38: {  	[dreg:$0x1] =	wrdreg $0xFFFFFFFF  }
0x39: {  	_ =	task.clear_ibuf [dreg:s7], $0x2FFFF;
	_ =	strace $0x9FFFFFFF  }
0x3a: {  	(tm) =	ssettm $0x7FFFFFFF  }
0x3b: {  	_ =	shalt  }
tec
execute0_lowered:
.L_overlay_start_1:
0x0: {  	(tag) =	ssettag $0x1  }
0x1: {  	s5 =	rddreg [dreg:$0x0]  }
0x2: {  	s0 =	srdreg.scid;
	s3 =	rddreg [dreg:$0x1];
	s7 =	simm.s32 $0x1  }
0x3: {  	s8 =	simm.s32 $0x2;
	s15 =	simm.s32 $0x0;
	s1 =	sshll.u32 s0, $0x4  }
0x4: {  	s14 =	simm.s32 $0x0;
	s0 =	stileid.u32;
	s1 =	sand.u32 $0x10, s1  }
0x5: {  	s9 =	simm.s32 $0x0;
	s10 =	simm.s32 $0x0;
	s1 =	sor.u32 s0, s1  }
0x6: {  	s11 =	simm.s32 $0x0;
	s13 =	simm.s32 $0x0;
	s2 =	sshll.u32 s1, $0x7  }
0x7: {  	s5 =	sadd.s32 $0x800, s5;
	s1 =	rddreg [dreg:$0x2];
	s6 =	ssub.s32 $0x100000, s2  }
.Ltmp0:
0x8: {  	_ =	strace $0x8000004A;
	s4 =	sand.u32 $0xF80, s6;
	(pc) =	sbr.rel .LBB1_1-.Ltmp0, $4  }
0x9: {  	s12 =	smov.u32 s2;
	p0 =	sne.s32 s4, $0x0;
	s4 =	simm.s32 $0x1  }
0xa: {  	s6 =	sshrl.u32 s6, $0xC;
	s7 =	simm.s32 @!p0 $0x0;
	[sflag:s4] =	ssyncpa.u1 $0x0  }
0xb: {  	p0 =	por $0x0, $0x0;
	s7 =	sadd.s32 s7, s6;
	[sflag:s8] =	ssyncpa.u1 $0x0  }
0xc: {  	s8 =	simm.s32 $0x800000;
	s6 =	sshll.u32 s7, $0x1;
	s7 =	sshllo.u32 s7, $0x1  }
.LBB1_4:
0xd: {  	s20 =	sshra.s32 s20, $0x2;
	s27 =	sshll.u32 s9, $0x14  }
0xe: {  	s21 =	sand.u32 $0x78, s10;
	s22 =	sshll.u32 s10, $0x3;
	s24 =	sshll.u32 s9, $0x7  }
0xf: {  	p1 =	sgt.s32 s9, $0x40;
	s30 =	sshra.s32 s9, $0x1F;
	s25 =	sshra.s32 s10, $0x1F  }
0x10: {  	s19 =	sadd.s32 s20, s19;
	s20 =	sand.u32 $0xFF800000, s27;
	s23 =	sand.u32 $0xFFFFFC00, s22  }
0x11: {  	v5 =	vld [tilespmem:s17+$0xFFFFFFD0];
	[tilespmem:s18+$0x2040 ss:$0x81] =	vst.msk $0xffff, v4;
	s22 =	sand.u32 $0xFFC00, s22;
	s28 =	sand.u32 $0x380, s24;
	s31 =	sand.u32 s30, s9  }
0x12: {  	v58 =	vld [tilespmem:s17+$0xFFFFFFE0];
	[tilespmem:s18+$0x2850 ss:$0x81] =	vst.msk $0xffff, v3;
	s24 =	smov.u32 s10;
	s25 =	sand.u32 s25, s10;
	s21 =	sor.u32 s21, s22  }
0x13: {  	v59 =	vld [tilespmem:s17+$0xFFFFFFF0];
	[tilespmem:s18+$0x3060 ss:$0x81] =	vst.msk $0xffff, v2;
	s20 =	sadd.s32 s23, s20;
	s22 =	smov.u32 s9;
	s21 =	sor.u32 s28, s21  }
0x14: {  	v60 =	vld [tilespmem:s17+$0x0];
	[tilespmem:s18+$0x0 ss:$0x81] =	vst.msk $0xffff, v1;
	s20 =	sshrl.u32 s20, $0x14;
	s22 =	simm.s32 @!p1 $0x40;
	p1 =	sgt.s32 s10, $0xFFF80  }
0x15: {  	v61 =	vld [tilespmem:s17+$0x10];
	[tilespmem:s19+$0x3870 ss:$0x81] =	vst.msk $0xffff, v0;
	s29 =	smul.u32 $0xAAB, s20;
	s18 =	ssub.s32 s22, s31;
	s24 =	simm.s32 @!p1 $0xFFF80  }
0x16: {  	v62 =	vld [tilespmem:s17+$0x20];
	[tilespmem:s19+$0x810 ss:$0x81] =	vst.msk $0xffff, v5;
	s22 =	ssub.s32 s24, s25;
	s26 =	sadd.s32 $0xFFFFFFC0, s18;
	s18 =	ssub.s32 $0xC0, s18  }
0x17: {  	v63 =	vld [tilespmem:s17+$0xFFFFFFC0];
	[tilespmem:s19+$0x1020 ss:$0x81] =	vst.msk $0xffff, v58;
	s23 =	sshrl.u32 s29, $0x13;
	p1 =	sgt.s32 s26, $0x7F;
	s28 =	sadd.s32 $0xFFF00080, s22  }
0x18: {  	[tilespmem:s19+$0x1830 ss:$0x81] =	vst.msk $0xffff, v59;
	s22 =	ssub.s32 $0x100000, s22;
	s27 =	smul.u32 $0xC0, s23;
	p2 =	sgt.s32 s28, $0x7F  }
0x19: {  	s30 =	sand.u32 $0x7, s10;
	[tilespmem:s19+$0x2040 ss:$0x81] =	vst.msk $0xffff, v60;
	s18 =	simm.s32 @p1 $0x0;
	s22 =	simm.s32 @p2 $0x0  }
0x1a: {  	[tilespmem:s19+$0x2850 ss:$0x81] =	vst.msk $0xffff, v61;
	s29 =	sshrl.u32 s21, $0x3;
	s17 =	ssub.s32 s20, s27;
	s18 =	smul.u32 s22, s18  }
0x1b: {  	[tilespmem:s19+$0x3060 ss:$0x81] =	vst.msk $0xffff, v62;
	s21 =	sshll.u32 s30, $0x12;
	s20 =	sadd.s32 s3, s29;
	s17 =	sshll.u32 s17, $0x11  }
0x1c: {  	[tilespmem:s19+$0x0 ss:$0x81] =	vst.msk $0xffff, v63;
	s31 =	sor.u32 $0x400, s21;
	s18 =	sand.u32 $0x3FFFFFFF, s18;
	s17 =	sadd.s32 s17, s20  }
0x1d: {  	[hbm4b:s17+s31] =	stream.strided.scatter [tilespmem:s16], [sflag:$0x2], s18, s8, s31, $0x20;
	[tilespmem:$0x10100] =	vst v63  }
.LBB1_5:
0x1e: {  	p1 =	slt.u32 s13, $0x2  }
0x1f: {  	s17 =	smov.u32 s15;
	p2 =	sgt.s32 @!p1 s15, $0x40;
	s16 =	sshra.s32 @!p1 s15, $0x1F  }
0x20: {  	p3 =	sgt.s32 @!p1 s14, $0xFFF80;
	s18 =	sshra.s32 @!p1 s14, $0x1F;
	p2 =	por !p2, p1  }
0x21: {  	s15 =	sand.u32 @!p1 s16, s15;
	p3 =	por !p3, p1;
	s16 =	smov.u32 s14  }
0x22: {  	s14 =	sand.u32 @!p1 s18, s14;
	s17 =	simm.s32 @p2 $0x40;
	s16 =	simm.s32 @p3 $0xFFF80  }
0x23: {  	s15 =	ssub.s32 @!p1 s17, s15;
	s14 =	ssub.s32 @!p1 s16, s14  }
0x24: {  	s18 =	smov.u32 s12;
	s16 =	sadd.s32 @!p1 $0xFFFFFFC0, s15;
	s17 =	sadd.s32 @!p1 $0xFFF00080, s14  }
0x25: {  	s15 =	ssub.s32 @!p1 $0xC0, s15;
	p2 =	sgt.s32 @!p1 s16, $0x7F;
	p3 =	sgt.s32 @!p1 s17, $0x7F  }
0x26: {  	s14 =	ssub.s32 @!p1 $0x100000, s14;
	p2 =	por !p2, p1;
	p3 =	por !p3, p1  }
0x27: {  	s16 =	sadd.s32 $0x80, s11;
	s15 =	simm.s32 @!p2 $0x0;
	s14 =	simm.s32 @!p3 $0x0  }
0x28: {  	p2 =	sgt.s32 s16, $0xBF;
	s14 =	smul.u32 @!p1 s14, s15;
	s15 =	sadd.s32 $0x1000, s12  }
0x29: {  	s18 =	smov.u32 @p2 s15  }
0x2a: {  	s16 =	simm.s32 @p2 $0x0;
	p2 =	sgt.s32 s18, $0xFFFFF  }
0x2b: {  	s18 =	smov.u32 @p2 s2;
	p2 =	sne.s32 s13, s7  }
.Ltmp1:
0x2c: {  	p0 =	por !p0, !p0;
	s17 =	simm.s32 @!p1 $0x2;
	(pc) =	sbr.rel @!p2 .LBB1_6-.Ltmp1, $4  }
0x2d: {  	s15 =	smov.u32 s9;
	s9 =	smov.u32 s11;
	s14 =	sand.u32 @!p1 $0x3FFFFFFF, s14  }
0x2e: {  	s11 =	smov.u32 s16;
	_ =	swait.ge @!p1 [sflag:s17], s14;
	s19 =	ssub.s32 @!p1 $0x0, s14  }
0x2f: {  	s14 =	smov.u32 s10;
	s13 =	sadd.s32 $0x1, s13;
	[sflag:s17] =	ssyncset.done @!p1 $0x0  }
0x30: {  	s10 =	smov.u32 s12;
	s12 =	smov.u32 s18;
	[sflag:s17] =	ssyncadd.s32 @!p1 s19  }
.LBB1_1:
0x31: {  	p1 =	sge.u32 s13, s6  }
0x32: {  	s31 =	sadd.s32 $0xFFFFFFFF, s13;
	s16 =	sshll.u32 @!p1 s12, $0x8  }
0x33: {  	s17 =	sshll.u32 @!p1 s11, $0x3;
	s18 =	sshll.u32 @!p1 s12, $0x7;
	s16 =	sand.u32 @!p1 $0xFFFF800, s16  }
0x34: {  	s19 =	sand.u32 @!p1 $0x78, s11;
	s16 =	sadd.s32 @!p1 s16, s17;
	s17 =	sand.u32 @!p1 $0x380, s18  }
0x35: {  	s18 =	sxor.u32 @!p1 $0xFFFFFFFF, s13;
	s16 =	sand.u32 @!p1 $0xFFFFC00, s16;
	s17 =	sor.u32 @!p1 s17, s19  }
0x36: {  	s18 =	sshll.u32 @!p1 s18, $0xE;
	s16 =	sor.u32 @!p1 s16, s17;
	s17 =	sand.u32 @!p1 $0x7, s11  }
0x37: {  	s19 =	simm.s32 @!p1 $0x800;
	s16 =	sshrl.u32 @!p1 s16, $0x3;
	s17 =	sshll.u32 @!p1 s17, $0x12  }
0x38: {  	s18 =	sand.u32 @!p1 $0x4000, s18;
	s16 =	sadd.s32 @!p1 s5, s16;
	s17 =	sor.u32 @!p1 $0x400, s17  }
0x39: {  	[tilespmem:s18], [sflag:$0x1] =	stream.strided.gather @!p1 [hbm4b:s16+s17], $0x4000, s19, s17, $0x38;
	[tilespmem:$0x10100] =	vst v63  }
0x3a: {  	p1 =	sge.u32 s31, s6  }
.Ltmp2:
0x3b: {  	_ = 	snop;
	(pc) =	sbr.rel @p1 .LBB1_5-.Ltmp2, $1  }
0x3c: {  	_ =	sdelay $0x3  }
0x3d: {  	s16 =	simm.s32 $0x1  }
0x3e: {  	_ =	swait.ge [sflag:s4], $0x4000;
	s16 =	simm.s32 @!p0 $0x0  }
0x3f: {  	[sflag:s4] =	ssyncset.done $0x0;
	s17 =	sshll.u32 s16, $0xE  }
0x40: {  	[sflag:s4] =	ssyncadd.s32 $0xFFFFC000;
	s17 =	sor.u32 $0x40, s17  }
0x41: {  	s16 =	smul.u32 $0x10200, s16;
	v0 =	vld [tilespmem:s17+$0x30]  }
0x42: {  	v1 =	vld [tilespmem:s17+$0xFFFFFFD0]  }
0x43: {  	s16 =	sshrl.u32 s16, $0x2;
	v5 =	vld [tilespmem:s17+$0xFFFFFFE0]  }
0x44: {  	v6 =	vld [tilespmem:s17+$0xFFFFFFF0];
	s19 =	sor.u32 $0x8000, s16  }
0x45: {  	s31 =	sand.u32 $0x1, s13;
	v4 =	vld [tilespmem:s17+$0x0];
	s18 =	sadd.s32 $0x0, s19  }
0x46: {  	v3 =	vld [tilespmem:s17+$0x10];
	s16 =	smul.u32 $0x10200, s31;
	[tilespmem:s18+$0x3870 ss:$0x81] =	vst.msk $0xffff, v0  }
0x47: {  	v2 =	vld [tilespmem:s17+$0x20];
	[tilespmem:s18+$0x810 ss:$0x81] =	vst.msk $0xffff, v1  }
0x48: {  	s16 =	sshrl.u32 s16, $0x2;
	v1 =	vld [tilespmem:s17+$0xFFFFFFC0];
	[tilespmem:s18+$0x1020 ss:$0x81] =	vst.msk $0xffff, v5;
	s17 =	sadd.s32 $0x80, s17  }
0x49: {  	s20 =	simm.s32 $0x4;
	s21 =	simm.s32 $0x8;
	s16 =	sor.u32 $0x8000, s16;
	[tilespmem:s18+$0x1830 ss:$0x81] =	vst.msk $0xffff, v6;
	v0 =	vld [tilespmem:s17+$0x30]  }
.LBB1_3:
0x4a: {  	p1 =	sne.s32 s21, $0x1FC;
	v5 =	vld [tilespmem:s17+$0xFFFFFFD0];
	[tilespmem:s18+$0x2040 ss:$0x81] =	vst.msk $0xffff, v4  }
0x4b: {  	v6 =	vld [tilespmem:s17+$0xFFFFFFE0];
	[tilespmem:s18+$0x2850 ss:$0x81] =	vst.msk $0xffff, v3  }
0x4c: {  	s22 =	sshra.s32 s20, $0x2;
	s20 =	smov.u32 s21;
	v7 =	vld [tilespmem:s17+$0xFFFFFFF0];
	[tilespmem:s18+$0x3060 ss:$0x81] =	vst.msk $0xffff, v2  }
.Ltmp3:
0x4d: {  	v4 =	vld [tilespmem:s17+$0x0];
	[tilespmem:s18+$0x0 ss:$0x81] =	vst.msk $0xffff, v1;
	s18 =	sadd.s32 s22, s19;
	(pc) =	sbr.rel @p1 .LBB1_3-.Ltmp3, $4  }
0x4e: {  	v3 =	vld [tilespmem:s17+$0x10];
	[tilespmem:s18+$0x3870 ss:$0x81] =	vst.msk $0xffff, v0  }
0x4f: {  	[tilespmem:s18+$0x810 ss:$0x81] =	vst.msk $0xffff, v5;
	v2 =	vld [tilespmem:s17+$0x20]  }
0x50: {  	v1 =	vld [tilespmem:s17+$0xFFFFFFC0];
	[tilespmem:s18+$0x1020 ss:$0x81] =	vst.msk $0xffff, v6;
	s17 =	sadd.s32 $0x80, s17  }
0x51: {  	s21 =	sadd.s32 $0x4, s21;
	v0 =	vld [tilespmem:s17+$0x30];
	[tilespmem:s18+$0x1830 ss:$0x81] =	vst.msk $0xffff, v7  }
.Ltmp4:
0x52: {  	_ = 	snop;
	(pc) =	sbr.rel .LBB1_4-.Ltmp4, $1  }
0x53: {  	_ =	sdelay $0x3  }
.LBB1_6:
0x54: {  	_ =	sfence.sel $0x180000  }
0x55: {  	s2 =	simm.s32 $0x1;
	[bflag:$0x0] =	sbarrier.arrive $0xFFFF  }
0x56: {  	s31 =	simm.s32 $0x2;
	[sflag:s2] =	ssyncpa.u1 $0x1  }
0x57: {  	[sflag:s31] =	ssyncpa.u1 $0x1  }
0x58: {  	p0 =	sne.s32 s0, $0x0;
	_ =	strace $0x9000004A  }
0x59: {  	s0 =	sadd.s32 @!p0 $0x100000, s1;
	[bflag:$0x2] =	sbarrier.arrive $0xFFFF  }
0x5a: {  	[sflag:s0] =	ssyncadd.tile.s32 @!p0 $0x1;
	_ =	shalt  }
.Lfunc_end1:
_tile_overlayer_lowered:
.L_overlay_start_2:
0x5b: {  	(tag) =	ssettag $0x2  }
0x5c: {  	s0 =	rddreg [dreg:$0x0];
	s2 =	stileid.u32  }
0x5d: {  	s1 =	rddreg [dreg:$0x1];
	p0 =	sne.s32 s2, $0x0  }
0x5e: {  	s3 =	rddreg [dreg:$0x2];
	[bflag:$0x3] =	sbarrier.arrive $0xFFFF;
	s2 =	simm.s32 @!p0 $0x1C01  }
0x5f: {  	[timem:s3], [sflag:s2] =	dma.local @!p0 [hbm:s0], s1  }
0x60: {  	s0 =	simm.s32 @!p0 $0x1  }
0x61: {  	_ =	swait.ge @!p0 [sflag:s0], s1  }
0x62: {  	s1 =	ssub.s32 @!p0 $0x0, s1;
	[sflag:s0] =	ssyncset.done @!p0 $0x0  }
0x63: {  	[sflag:s0] =	ssyncadd.s32 @!p0 s1  }
0x64: {  	[bflag:$0x3] =	sbarrier.arrive $0xFFFF  }
0x65: {  	_ =	shalt  }

</sc_bundles>
